<compile_context>
chip_gen: v7x
topology: tpu7x:2x2x1
jax: 0.10.2.dev20260603
libtpu: 0.0.44.dev20260713+nightly
codegen_flags: <defaults>
</compile_context>

<pallas_src>
import jax
import jax.numpy as jnp
from jax import lax
from jax.experimental import pallas as pl
from jax.experimental.pallas import tpu as pltpu
from jax.experimental.pallas import tpu_sc as plsc

_NNODES = 50
_NODE = 16
_EATTR = 4
_HID = 32
_NFACT = 3
_B = 2000
_N = _B * _NNODES
_E = 1600000
_NGRP = _E // 128
_GPC = 20
_ECH = _GPC * 128
_NCH = _NGRP // _GPC
_NC = 2
_NS = 16
_HALF = _N // _NC
_ZR = 3128
_NDUM = 2048
_ACCR = _NS * _ZR + _NDUM
_DUMMY = _NS * _ZR

_MESH = dict(core_axis_name="c", subcore_axis_name="s")



def _sc_gather(x, src, dst):
    def body(x_hbm, src_hbm, dst_hbm, gs_hbm, gd_hbm,
             idx_s, idx_d, buf_s, buf_d, sem_s, sem_d):
        c = lax.axis_index("c")
        s = lax.axis_index("s")
        w = c * _NS + s
        nq = jnp.where(w < _NCH % 32, _NCH // 32 + 1, _NCH // 32)

        def chunk(k, carry):
            q = w + k * 32
            e0 = q * _ECH
            pltpu.sync_copy(src_hbm.at[pl.ds(e0, _ECH)], idx_s)
            pltpu.sync_copy(dst_hbm.at[pl.ds(e0, _ECH)], idx_d)
            cps = [pltpu.async_copy(x_hbm.at[idx_s.at[pl.ds(j * 128, 128)]],
                                    buf_s.at[pl.ds(j * 128, 128)], sem_s)
                   for j in range(_GPC)]
            cpd = [pltpu.async_copy(x_hbm.at[idx_d.at[pl.ds(j * 128, 128)]],
                                    buf_d.at[pl.ds(j * 128, 128)], sem_d)
                   for j in range(_GPC)]
            for cp in cps:
                cp.wait()
            for cp in cpd:
                cp.wait()
            pltpu.sync_copy(buf_s, gs_hbm.at[pl.ds(e0, _ECH)])
            pltpu.sync_copy(buf_d, gd_hbm.at[pl.ds(e0, _ECH)])
            return carry

        lax.fori_loop(0, nq, chunk, 0)

    f = pl.kernel(
        body,
        mesh=plsc.VectorSubcoreMesh(**_MESH),
        compiler_params=pltpu.CompilerParams(use_tc_tiling_on_sc=False),
        out_type=[jax.ShapeDtypeStruct((_E, _NODE), jnp.float32),
                  jax.ShapeDtypeStruct((_E, _NODE), jnp.float32)],
        scratch_types=[
            pltpu.VMEM((_ECH,), jnp.int32),
            pltpu.VMEM((_ECH,), jnp.int32),
            pltpu.VMEM((_ECH, _NODE), jnp.float32),
            pltpu.VMEM((_ECH, _NODE), jnp.float32),
            pltpu.SemaphoreType.DMA,
            pltpu.SemaphoreType.DMA,
        ],
    )
    return f(x, src, dst)



_EB = 12800


def _edge_mlp_body(gs8, gd8, ea32, w1a, w1b, w1c, b1, w2, b2, out):
    r8 = _EB // 8
    r32 = _EB // 32
    r4 = _EB // 4
    t1 = jnp.dot(gs8[...], w1a[...], preferred_element_type=jnp.float32)
    t1 = t1.reshape(r8, 2, 128).reshape(r4, 128)
    t2 = jnp.dot(gd8[...], w1b[...], preferred_element_type=jnp.float32)
    t2 = t2.reshape(r8, 2, 128).reshape(r4, 128)
    t3 = jnp.dot(ea32[...], w1c[...], preferred_element_type=jnp.float32)
    t3 = t3.reshape(r32, 8, 128).reshape(r4, 128)
    h = jnp.maximum(t1 + t2 + t3 + b1[...], 0.0)
    msg = jnp.dot(h, w2[...], preferred_element_type=jnp.float32) + b2[...]
    out[...] = msg.reshape(r4 * 128)


def _edge_mlp(gs8, gd8, ea32, w1a, w1b, w1c, b1, w2, b2):
    nsteps = _E // _EB
    full = lambda shape: pl.BlockSpec(shape, lambda i: (0, 0))
    return pl.pallas_call(
        _edge_mlp_body,
        grid=(nsteps,),
        in_specs=[
            pl.BlockSpec((_EB // 8, 128), lambda i: (i, 0)),
            pl.BlockSpec((_EB // 8, 128), lambda i: (i, 0)),
            pl.BlockSpec((_EB // 32, 128), lambda i: (i, 0)),
            full((128, 256)),
            full((128, 256)),
            full((128, 1024)),
            full((1, 128)),
            full((128, 128)),
            full((1, 128)),
        ],
        out_specs=pl.BlockSpec((_EB * _HID,), lambda i: (i,)),
        out_shape=jax.ShapeDtypeStruct((_E * _HID,), jnp.float32),
    )(gs8, gd8, ea32, w1a, w1b, w1c, b1, w2, b2)



_GPS = 2
_ECS = _GPS * 128
_NCS = _NGRP // _GPS
_NFULL = (_NCS // _NS) & ~1
_NTAIL = _NCS - _NFULL * _NS


def _sc_scatter(src, msg):
    def body(src_hbm, msg_hbm, xpp_hbm,
             src_v0, src_v1, idx_v0, idx_v1, msg_v0, msg_v1,
             acc, sem0, sem1):
        c = lax.axis_index("c")
        s = lax.axis_index("s")
        node_base = c * _HALF
        src_v = (src_v0, src_v1)
        idx_v = (idx_v0, idx_v1)
        msg_v = (msg_v0, msg_v1)
        sem = (sem0, sem1)

        def zrow(r, carry):
            z = jnp.zeros((16,), jnp.float32)
            msg_v0[r, pl.ds(0, 16)] = z
            msg_v0[r, pl.ds(16, 16)] = z
            return carry
        lax.fori_loop(0, _ECS, zrow, 0)
        a0 = s * _ZR
        nz = _ZR // _ECS
        for t in range(nz):
            pltpu.sync_copy(msg_v0, acc.at[pl.ds(a0 + t * _ECS, _ECS)])
        pltpu.sync_copy(msg_v0.at[pl.ds(0, _ZR - nz * _ECS)],
                        acc.at[pl.ds(a0 + nz * _ECS, _ZR - nz * _ECS)])
        plsc.subcore_barrier()

        def start_load(b, kk):
            q = s + jnp.minimum(kk, _NFULL - 1) * _NS
            e0 = q * _ECS
            pltpu.async_copy(src_hbm.at[pl.ds(e0, _ECS)], src_v[b], sem[b])
            pltpu.async_copy(msg_hbm.at[pl.ds(e0, _ECS)], msg_v[b], sem[b])

        def wait_load(b):
            pltpu.make_async_copy(src_hbm.at[pl.ds(0, _ECS)], src_v[b],
                                  sem[b]).wait()
            pltpu.make_async_copy(msg_hbm.at[pl.ds(0, _ECS)], msg_v[b],
                                  sem[b]).wait()

        def process(b):
            def cidx(i, carry2):
                j = i // 8
                o = (i % 8) * 16
                sv = src_v[b][pl.ds(i * 16, 16)]
                loc = sv - node_base
                ok = (loc >= 0) & (loc < _HALF)
                dummy = _DUMMY + (sv & (_NDUM - 1))
                idx_v[b][j, pl.ds(o, 16)] = jnp.where(ok, loc, dummy)
                return carry2
            lax.fori_loop(0, _GPS * 8, cidx, 0)
            for j in range(_GPS):
                pltpu.sync_copy(msg_v[b].at[pl.ds(j * 128, 128)],
                                acc.at[idx_v[b].at[j]], add=True)

        start_load(0, 0)
        start_load(1, 1)

        def pair(k, carry):
            for b in range(2):
                kk = 2 * k + b
                wait_load(b)
                process(b)
                start_load(b, kk + 2)
            return carry
        lax.fori_loop(0, _NFULL // 2, pair, 0)
        wait_load(0)
        wait_load(1)

        @pl.when(s < _NTAIL)
        def _():
            q = _NFULL * _NS + s
            e0 = q * _ECS
            pltpu.sync_copy(src_hbm.at[pl.ds(e0, _ECS)], src_v0)
            pltpu.sync_copy(msg_hbm.at[pl.ds(e0, _ECS)], msg_v0)
            process(0)

        plsc.subcore_barrier()

        last = _HALF - (_NS - 1) * _ZR

        @pl.when(s < _NS - 1)
        def _():
            pltpu.sync_copy(acc.at[pl.ds(a0, _ZR)],
                            xpp_hbm.at[pl.ds(node_base + a0, _ZR)])

        @pl.when(s == _NS - 1)
        def _():
            b = (_NS - 1) * _ZR
            pltpu.sync_copy(acc.at[pl.ds(b, last)],
                            xpp_hbm.at[pl.ds(node_base + b, last)])

    f = pl.kernel(
        body,
        mesh=plsc.VectorSubcoreMesh(**_MESH),
        compiler_params=pltpu.CompilerParams(use_tc_tiling_on_sc=False),
        out_type=jax.ShapeDtypeStruct((_N, _HID), jnp.float32),
        scratch_types=[
            pltpu.VMEM((_ECS,), jnp.int32),
            pltpu.VMEM((_ECS,), jnp.int32),
            pltpu.VMEM((_GPS, 128), jnp.int32),
            pltpu.VMEM((_GPS, 128), jnp.int32),
            pltpu.VMEM((_ECS, _HID), jnp.float32),
            pltpu.VMEM((_ECS, _HID), jnp.float32),
            pltpu.VMEM_SHARED((_ACCR, _HID), jnp.float32),
            pltpu.SemaphoreType.DMA,
            pltpu.SemaphoreType.DMA,
        ],
    )
    return f(src, msg)



_GB = 40
_RB = _GB * _NNODES


def _head_body(x, xpp, am, ax, wl1, bl1, wg, bgs, out):
    wa1 = wl1[0:16, :]
    wa2 = wl1[16:48, :]
    wb1 = wl1[48:64, :]
    wb2 = wl1[64:96, :]
    wact = wl1[96:97, :]
    u = (jnp.dot(x[...], wa1, preferred_element_type=jnp.float32)
         + jnp.dot(xpp[...], wa2, preferred_element_type=jnp.float32))
    v = (jnp.dot(x[...], wb1, preferred_element_type=jnp.float32)
         + jnp.dot(xpp[...], wb2, preferred_element_type=jnp.float32))
    kroll = lax.broadcasted_iota(jnp.int32, (_RB, 1), 0) % _NNODES
    vr = jnp.where(kroll == _NNODES - 1,
                   jnp.roll(v, _NNODES - 1, axis=0),
                   jnp.roll(v, -1, axis=0))
    h1 = jnp.maximum(u + vr + am[...] * wact + bl1[...], 0.0)
    q = jnp.dot(h1, wg[...], preferred_element_type=jnp.float32)
    kmod = lax.broadcasted_iota(jnp.int32, (_RB, 1), 0) % _NNODES
    h2 = jnp.maximum(u + v + ax[...] * wact + bl1[...], 0.0)
    q2 = jnp.dot(h2, wg[...], preferred_element_type=jnp.float32)
    q = q + jnp.where(kmod >= _NNODES - _NFACT, q2, 0.0)
    gsel = (lax.broadcasted_iota(jnp.int32, (_GB, _RB), 0)
            == lax.broadcasted_iota(jnp.int32, (_GB, _RB), 1) // _NNODES)
    out[...] = (jnp.dot(gsel.astype(jnp.float32), q,
                        preferred_element_type=jnp.float32)
                + (_NNODES + _NFACT) * bgs[...])


def _head(x, xpp, am, ax, wl1, bl1, wg, bgs):
    nsteps = _B // _GB
    full = lambda shape: pl.BlockSpec(shape, lambda i: (0, 0))
    return pl.pallas_call(
        _head_body,
        grid=(nsteps,),
        in_specs=[
            pl.BlockSpec((_RB, _NODE), lambda i: (i, 0)),
            pl.BlockSpec((_RB, _HID), lambda i: (i, 0)),
            pl.BlockSpec((_RB, 1), lambda i: (i, 0)),
            pl.BlockSpec((_RB, 1), lambda i: (i, 0)),
            full((2 * (_NODE + _HID) + 1, _HID)),
            full((1, _HID)),
            full((_HID, 1)),
            full((1, 1)),
        ],
        out_specs=pl.BlockSpec((_GB, 1), lambda i: (i, 0)),
        out_shape=jax.ShapeDtypeStruct((_B, 1), jnp.float32),
    )(x, xpp, am, ax, wl1, bl1, wg, bgs)



def kernel(x, edge_index, edge_attr, action, W1, b1, W2, b2, Wl1, bl1, Wg, bg):
    src = edge_index[0]
    dst = edge_index[1]

    gs, gd = _sc_gather(x, src, dst)
    w1ap = jnp.kron(jnp.eye(8, dtype=jnp.float32), W1[:_NODE])
    w1bp = jnp.kron(jnp.eye(8, dtype=jnp.float32), W1[_NODE:2 * _NODE])
    w1cp = jnp.kron(jnp.eye(32, dtype=jnp.float32), W1[2 * _NODE:])
    w2p = jnp.kron(jnp.eye(4, dtype=jnp.float32), W2)
    ea32 = (edge_attr.T.reshape(_EATTR, _E // 32, 32)
            .transpose(1, 2, 0).reshape(_E // 32, 128))
    msgf = _edge_mlp(gs.reshape(_E // 8, 128), gd.reshape(_E // 8, 128),
                     ea32,
                     w1ap, w1bp, w1cp,
                     jnp.tile(b1, 4).reshape(1, 128), w2p,
                     jnp.tile(b2, 4).reshape(1, 128))
    xpp = _sc_scatter(src, msgf.reshape(_E, _HID))

    am = action[:, :_NNODES].reshape(_N, 1)
    ax = jnp.concatenate(
        [jnp.zeros((_B, _NNODES - _NFACT), jnp.float32), action[:, _NNODES:]],
        axis=1).reshape(_N, 1)

    out = _head(x, xpp, am, ax,
                Wl1, bl1.reshape(1, _HID), Wg, bg.reshape(1, 1))
    return out.reshape(_B)

# --- scband reference (transcript-rebuilt; emitter-appended) ---
"""Pipeline reference for scband-critic-1752346657343 (READ-ONLY COPY).

The authoritative reference and input builder live on the scoring server;
editing this copy changes nothing except your own understanding.
"""

import jax, jax.numpy as jnp
import numpy as np

NNODES = 50
NODE_SIZE = 16
EDGE_SIZE = 4
HIDDEN = 32
NUM_FACT = 3
B = 2000
N = B * NNODES  # 100000
E = 1600000
N_STATIC_EDGES = 50
EDGES = np.stack([np.arange(NNODES), (np.arange(NNODES) + 1) % NNODES], axis=1).astype(np.int32)


def setup_inputs(seed: int = 0) -> dict:
    key = jax.random.key(seed)
    ks = jax.random.split(key, 12)
    x = jax.random.normal(ks[0], (N, NODE_SIZE), dtype=jnp.float32)
    edge_index = jax.random.randint(ks[1], (2, E), 0, N, dtype=jnp.int32)
    edge_attr = jax.random.normal(ks[2], (E, EDGE_SIZE), dtype=jnp.float32)
    action = jax.random.uniform(ks[3], (B, N_STATIC_EDGES + NUM_FACT), dtype=jnp.float32)
    W1 = jax.random.normal(ks[4], (2 * NODE_SIZE + EDGE_SIZE, HIDDEN), dtype=jnp.float32) * 0.1
    b1 = jnp.zeros((HIDDEN,), dtype=jnp.float32)
    W2 = jax.random.normal(ks[5], (HIDDEN, HIDDEN), dtype=jnp.float32) * 0.1
    b2 = jnp.zeros((HIDDEN,), dtype=jnp.float32)
    Wl1 = jax.random.normal(ks[6], ((NODE_SIZE + HIDDEN) * 2 + 1, HIDDEN), dtype=jnp.float32) * 0.1
    bl1 = jnp.zeros((HIDDEN,), dtype=jnp.float32)
    Wg = jax.random.normal(ks[7], (HIDDEN, 1), dtype=jnp.float32) * 0.1
    bg = jnp.zeros((1,), dtype=jnp.float32)
    return {"x": x, "edge_index": edge_index, "edge_attr": edge_attr, "action": action,
            "W1": W1, "b1": b1, "W2": W2, "b2": b2, "Wl1": Wl1, "bl1": bl1, "Wg": Wg, "bg": bg}


def reference(x, edge_index, edge_attr, action, W1, b1, W2, b2, Wl1, bl1, Wg, bg):
    # EdgeConv with flow='target_to_source', aggr='add':
    # x_i = x[edge_index[0]], x_j = x[edge_index[1]], aggregate at edge_index[0]
    src = edge_index[0]
    dst = edge_index[1]
    msg_in = jnp.concatenate([jnp.take(x, src, axis=0), jnp.take(x, dst, axis=0), edge_attr], axis=1)
    msg = jnp.maximum(msg_in @ W1 + b1, 0.0) @ W2 + b2
    x_pp = jax.ops.segment_sum(msg, src, num_segments=N)
    xc = jnp.concatenate([x, x_pp], axis=1)  # [N, NODE_SIZE+HIDDEN]
    xr = xc.reshape(-1, NNODES, NODE_SIZE + HIDDEN)  # [B, NNODES, 48]
    e = jnp.asarray(EDGES)
    ef_src = xr[:, e[:, 0], :]
    ef_dst = xr[:, e[:, 1], :]
    edge_features = jnp.concatenate([ef_src, ef_dst], axis=2)  # [B, 50, 96]
    pf = jnp.concatenate([xr[:, -NUM_FACT:], xr[:, -NUM_FACT:]], axis=-1)  # [B, 3, 96]
    pf = pf.reshape(pf.shape[0], NUM_FACT, pf.shape[-1])
    edge_features = jnp.concatenate([edge_features, pf], axis=1)  # [B, 53, 96]
    concat = jnp.concatenate([edge_features, action[..., None]], axis=-1)  # [B, 53, 97]
    h = jax.nn.relu(concat @ Wl1 + bl1)
    v = h @ Wg + bg  # [B, 53, 1]
    v = jnp.sum(v, axis=1)  # [B, 1]
    return v.squeeze(-1)  # [B]

if __name__ == "__main__":
    import jax
    _d = setup_inputs()
    print(jax.jit(kernel)(*tuple(_d.values())))

</pallas_src>

<mosaic_0001>
#map = affine_map<(d0, d1) -> (0, 0)>
#map1 = affine_map<(d0, d1) -> (0)>
module attributes {stable_mosaic.version = 14 : i64} {
  func.func @body(%arg0: i32, %arg1: i32, %arg2: memref<100000x16xf32, #tpu.memory_space<hbm>>, %arg3: memref<1600000xi32, #tpu.memory_space<hbm>>, %arg4: memref<1600000xi32, #tpu.memory_space<hbm>>, %arg5: memref<1600000x16xf32, #tpu.memory_space<hbm>>, %arg6: memref<1600000x16xf32, #tpu.memory_space<hbm>>, %arg7: memref<2560xi32, #tpu.memory_space<vmem>>, %arg8: memref<2560xi32, #tpu.memory_space<vmem>>, %arg9: memref<2560x16xf32, #tpu.memory_space<vmem>>, %arg10: memref<2560x16xf32, #tpu.memory_space<vmem>>, %arg11: memref<!tpu.dma_semaphore, #tpu.memory_space<semaphore_mem>>, %arg12: memref<!tpu.dma_semaphore, #tpu.memory_space<semaphore_mem>>) attributes {dimension_semantics = [#tpu.dimension_semantics<core_parallel>, #tpu.dimension_semantics<subcore_parallel>], iteration_bounds = array<i64: 2, 16>, scalar_prefetch = 0 : i64, scratch_operands = 6 : i64, tpu.core_type = #tpu.core_type<sc_vector_subcore>, window_params = [{transform_indices = #map}, {transform_indices = #map1}, {transform_indices = #map1}, {transform_indices = #map}, {transform_indices = #map}]} {
    %mul3A = arith.constant 16 : i32
    %mul3A_0 = arith.muli %arg0, %mul3A : i32
    %add3A = arith.addi %mul3A_0, %arg1 : i32
    %lt3A = arith.constant 17 : i32
    %lt3A_1 = arith.cmpi slt, %add3A, %lt3A : i32
    %jit3A = arith.constant 20 : i32
    %jit3A_2 = arith.constant 19 : i32
    %select_n3A = arith.select %lt3A_1, %jit3A, %jit3A_2 : i32
    %while3A = arith.constant 0 : i32
    %while3A_3 = arith.constant 0 : i32
    %while3A_4 = arith.subi %select_n3A, %while3A_3 : i32
    %while3A_5 = arith.addi %while3A_3, %while3A_4 : i32
    %while3A_6 = arith.constant 1 : i32
    %while3A_7 = arith.divsi %while3A_4, %while3A_6 : i32
    %while3A_8 = arith.muli %while3A_7, %while3A_6 : i32
    %while3A_9 = arith.addi %while3A_3, %while3A_8 : i32
    %while3A_10 = arith.constant 1 : i32
    scf.for %while3A_12 = %while3A_3 to %while3A_9 step %while3A_10  : i32 {
      %mul3A_13 = arith.constant 32 : i32
      %mul3A_14 = arith.muli %while3A_12, %mul3A_13 : i32
      %add3A_15 = arith.addi %add3A, %mul3A_14 : i32
      %mul3A_16 = arith.constant 2560 : i32
      %mul3A_17 = arith.muli %add3A_15, %mul3A_16 : i32
      "tpu.region"() ({
        %run_scoped3A = tpu.sem_alloc : memref<!tpu.dma_semaphore, #tpu.memory_space<semaphore_mem>>
        %dma_start3A_656 = tpu.memref_slice %arg3[%mul3A_17] : memref<1600000xi32, #tpu.memory_space<hbm>> -> memref<2560xi32, #tpu.memory_space<hbm>>
        %dma_start3A_657 = tpu.memref_slice %arg3[%mul3A_17] : memref<1600000xi32, #tpu.memory_space<hbm>> -> memref<2560xi32, #tpu.memory_space<hbm>>
        tpu.enqueue_dma source(%dma_start3A_657 : memref<2560xi32, #tpu.memory_space<hbm>>) target(%arg7 : memref<2560xi32, #tpu.memory_space<vmem>>) target_semaphore(%run_scoped3A : memref<!tpu.dma_semaphore, #tpu.memory_space<semaphore_mem>>)
        %dma_wait3A_658 = tpu.memref_slice %arg3[%mul3A_17] : memref<1600000xi32, #tpu.memory_space<hbm>> -> memref<2560xi32, #tpu.memory_space<hbm>>
        %dma_wait3A_659 = tpu.memref_slice %arg3[%mul3A_17] : memref<1600000xi32, #tpu.memory_space<hbm>> -> memref<2560xi32, #tpu.memory_space<hbm>>
        tpu.wait_dma2 semaphore(%run_scoped3A : memref<!tpu.dma_semaphore, #tpu.memory_space<semaphore_mem>>) src(%dma_wait3A_659 : memref<2560xi32, #tpu.memory_space<hbm>>) dst(%arg7 : memref<2560xi32, #tpu.memory_space<vmem>>)
        tpu.yield
      }) : () -> ()
      "tpu.region"() ({
        %run_scoped3A = tpu.sem_alloc : memref<!tpu.dma_semaphore, #tpu.memory_space<semaphore_mem>>
        %dma_start3A_656 = tpu.memref_slice %arg4[%mul3A_17] : memref<1600000xi32, #tpu.memory_space<hbm>> -> memref<2560xi32, #tpu.memory_space<hbm>>
        %dma_start3A_657 = tpu.memref_slice %arg4[%mul3A_17] : memref<1600000xi32, #tpu.memory_space<hbm>> -> memref<2560xi32, #tpu.memory_space<hbm>>
        tpu.enqueue_dma source(%dma_start3A_657 : memref<2560xi32, #tpu.memory_space<hbm>>) target(%arg8 : memref<2560xi32, #tpu.memory_space<vmem>>) target_semaphore(%run_scoped3A : memref<!tpu.dma_semaphore, #tpu.memory_space<semaphore_mem>>)
        %dma_wait3A_658 = tpu.memref_slice %arg4[%mul3A_17] : memref<1600000xi32, #tpu.memory_space<hbm>> -> memref<2560xi32, #tpu.memory_space<hbm>>
        %dma_wait3A_659 = tpu.memref_slice %arg4[%mul3A_17] : memref<1600000xi32, #tpu.memory_space<hbm>> -> memref<2560xi32, #tpu.memory_space<hbm>>
        tpu.wait_dma2 semaphore(%run_scoped3A : memref<!tpu.dma_semaphore, #tpu.memory_space<semaphore_mem>>) src(%dma_wait3A_659 : memref<2560xi32, #tpu.memory_space<hbm>>) dst(%arg8 : memref<2560xi32, #tpu.memory_space<vmem>>)
        tpu.yield
      }) : () -> ()
      %dma_start3A = arith.constant 0 : i32
      %dma_start3A_18 = arith.constant 0 : i32
      %dma_start3A_19 = tpu.memref_slice %arg9[%dma_start3A, %dma_start3A_18] : memref<2560x16xf32, #tpu.memory_space<vmem>> -> memref<128x16xf32, #tpu.memory_space<vmem>>
      %dma_start3A_20 = arith.constant 0 : i32
      %dma_start3A_21 = tpu.memref_slice %arg7[%dma_start3A_20] : memref<2560xi32, #tpu.memory_space<vmem>> -> memref<128xi32, #tpu.memory_space<vmem>>
      %dma_start3A_22 = arith.constant 0 : i32
      %dma_start3A_23 = arith.constant 0 : i32
      %dma_start3A_24 = tpu.memref_slice %arg2[%dma_start3A_22, %dma_start3A_23] : memref<100000x16xf32, #tpu.memory_space<hbm>> -> memref<100000x16xf32, #tpu.memory_space<hbm>>
      tpu.enqueue_indirect_dma source(%dma_start3A_24 : memref<100000x16xf32, #tpu.memory_space<hbm>>) target(%dma_start3A_19 : memref<128x16xf32, #tpu.memory_space<vmem>>) offsets(%dma_start3A_21 : memref<128xi32, #tpu.memory_space<vmem>>) semaphore(%arg11 : memref<!tpu.dma_semaphore, #tpu.memory_space<semaphore_mem>>)
      %dma_start3A_25 = arith.constant 128 : i32
      %dma_start3A_26 = arith.constant 0 : i32
      %dma_start3A_27 = tpu.memref_slice %arg9[%dma_start3A_25, %dma_start3A_26] : memref<2560x16xf32, #tpu.memory_space<vmem>> -> memref<128x16xf32, #tpu.memory_space<vmem>>
      %dma_start3A_28 = arith.constant 128 : i32
      %dma_start3A_29 = tpu.memref_slice %arg7[%dma_start3A_28] : memref<2560xi32, #tpu.memory_space<vmem>> -> memref<128xi32, #tpu.memory_space<vmem>>
      %dma_start3A_30 = arith.constant 0 : i32
      %dma_start3A_31 = arith.constant 0 : i32
      %dma_start3A_32 = tpu.memref_slice %arg2[%dma_start3A_30, %dma_start3A_31] : memref<100000x16xf32, #tpu.memory_space<hbm>> -> memref<100000x16xf32, #tpu.memory_space<hbm>>
      tpu.enqueue_indirect_dma source(%dma_start3A_32 : memref<100000x16xf32, #tpu.memory_space<hbm>>) target(%dma_start3A_27 : memref<128x16xf32, #tpu.memory_space<vmem>>) offsets(%dma_start3A_29 : memref<128xi32, #tpu.memory_space<vmem>>) semaphore(%arg11 : memref<!tpu.dma_semaphore, #tpu.memory_space<semaphore_mem>>)
      %dma_start3A_33 = arith.constant 256 : i32
      %dma_start3A_34 = arith.constant 0 : i32
      %dma_start3A_35 = tpu.memref_slice %arg9[%dma_start3A_33, %dma_start3A_34] : memref<2560x16xf32, #tpu.memory_space<vmem>> -> memref<128x16xf32, #tpu.memory_space<vmem>>
      %dma_start3A_36 = arith.constant 256 : i32
      %dma_start3A_37 = tpu.memref_slice %arg7[%dma_start3A_36] : memref<2560xi32, #tpu.memory_space<vmem>> -> memref<128xi32, #tpu.memory_space<vmem>>
      %dma_start3A_38 = arith.constant 0 : i32
      %dma_start3A_39 = arith.constant 0 : i32
      %dma_start3A_40 = tpu.memref_slice %arg2[%dma_start3A_38, %dma_start3A_39] : memref<100000x16xf32, #tpu.memory_space<hbm>> -> memref<100000x16xf32, #tpu.memory_space<hbm>>
      tpu.enqueue_indirect_dma source(%dma_start3A_40 : memref<100000x16xf32, #tpu.memory_space<hbm>>) target(%dma_start3A_35 : memref<128x16xf32, #tpu.memory_space<vmem>>) offsets(%dma_start3A_37 : memref<128xi32, #tpu.memory_space<vmem>>) semaphore(%arg11 : memref<!tpu.dma_semaphore, #tpu.memory_space<semaphore_mem>>)
      %dma_start3A_41 = arith.constant 384 : i32
      %dma_start3A_42 = arith.constant 0 : i32
      %dma_start3A_43 = tpu.memref_slice %arg9[%dma_start3A_41, %dma_start3A_42] : memref<2560x16xf32, #tpu.memory_space<vmem>> -> memref<128x16xf32, #tpu.memory_space<vmem>>
      %dma_start3A_44 = arith.constant 384 : i32
      %dma_start3A_45 = tpu.memref_slice %arg7[%dma_start3A_44] : memref<2560xi32, #tpu.memory_space<vmem>> -> memref<128xi32, #tpu.memory_space<vmem>>
      %dma_start3A_46 = arith.constant 0 : i32
      %dma_start3A_47 = arith.constant 0 : i32
      %dma_start3A_48 = tpu.memref_slice %arg2[%dma_start3A_46, %dma_start3A_47] : memref<100000x16xf32, #tpu.memory_space<hbm>> -> memref<100000x16xf32, #tpu.memory_space<hbm>>
      tpu.enqueue_indirect_dma source(%dma_start3A_48 : memref<100000x16xf32, #tpu.memory_space<hbm>>) target(%dma_start3A_43 : memref<128x16xf32, #tpu.memory_space<vmem>>) offsets(%dma_start3A_45 : memref<128xi32, #tpu.memory_space<vmem>>) semaphore(%arg11 : memref<!tpu.dma_semaphore, #tpu.memory_space<semaphore_mem>>)
      %dma_start3A_49 = arith.constant 512 : i32
      %dma_start3A_50 = arith.constant 0 : i32
      %dma_start3A_51 = tpu.memref_slice %arg9[%dma_start3A_49, %dma_start3A_50] : memref<2560x16xf32, #tpu.memory_space<vmem>> -> memref<128x16xf32, #tpu.memory_space<vmem>>
      %dma_start3A_52 = arith.constant 512 : i32
      %dma_start3A_53 = tpu.memref_slice %arg7[%dma_start3A_52] : memref<2560xi32, #tpu.memory_space<vmem>> -> memref<128xi32, #tpu.memory_space<vmem>>
      %dma_start3A_54 = arith.constant 0 : i32
      %dma_start3A_55 = arith.constant 0 : i32
      %dma_start3A_56 = tpu.memref_slice %arg2[%dma_start3A_54, %dma_start3A_55] : memref<100000x16xf32, #tpu.memory_space<hbm>> -> memref<100000x16xf32, #tpu.memory_space<hbm>>
      tpu.enqueue_indirect_dma source(%dma_start3A_56 : memref<100000x16xf32, #tpu.memory_space<hbm>>) target(%dma_start3A_51 : memref<128x16xf32, #tpu.memory_space<vmem>>) offsets(%dma_start3A_53 : memref<128xi32, #tpu.memory_space<vmem>>) semaphore(%arg11 : memref<!tpu.dma_semaphore, #tpu.memory_space<semaphore_mem>>)
      %dma_start3A_57 = arith.constant 640 : i32
      %dma_start3A_58 = arith.constant 0 : i32
      %dma_start3A_59 = tpu.memref_slice %arg9[%dma_start3A_57, %dma_start3A_58] : memref<2560x16xf32, #tpu.memory_space<vmem>> -> memref<128x16xf32, #tpu.memory_space<vmem>>
      %dma_start3A_60 = arith.constant 640 : i32
      %dma_start3A_61 = tpu.memref_slice %arg7[%dma_start3A_60] : memref<2560xi32, #tpu.memory_space<vmem>> -> memref<128xi32, #tpu.memory_space<vmem>>
      %dma_start3A_62 = arith.constant 0 : i32
      %dma_start3A_63 = arith.constant 0 : i32
      %dma_start3A_64 = tpu.memref_slice %arg2[%dma_start3A_62, %dma_start3A_63] : memref<100000x16xf32, #tpu.memory_space<hbm>> -> memref<100000x16xf32, #tpu.memory_space<hbm>>
      tpu.enqueue_indirect_dma source(%dma_start3A_64 : memref<100000x16xf32, #tpu.memory_space<hbm>>) target(%dma_start3A_59 : memref<128x16xf32, #tpu.memory_space<vmem>>) offsets(%dma_start3A_61 : memref<128xi32, #tpu.memory_space<vmem>>) semaphore(%arg11 : memref<!tpu.dma_semaphore, #tpu.memory_space<semaphore_mem>>)
      %dma_start3A_65 = arith.constant 768 : i32
      %dma_start3A_66 = arith.constant 0 : i32
      %dma_start3A_67 = tpu.memref_slice %arg9[%dma_start3A_65, %dma_start3A_66] : memref<2560x16xf32, #tpu.memory_space<vmem>> -> memref<128x16xf32, #tpu.memory_space<vmem>>
      %dma_start3A_68 = arith.constant 768 : i32
      %dma_start3A_69 = tpu.memref_slice %arg7[%dma_start3A_68] : memref<2560xi32, #tpu.memory_space<vmem>> -> memref<128xi32, #tpu.memory_space<vmem>>
      %dma_start3A_70 = arith.constant 0 : i32
      %dma_start3A_71 = arith.constant 0 : i32
      %dma_start3A_72 = tpu.memref_slice %arg2[%dma_start3A_70, %dma_start3A_71] : memref<100000x16xf32, #tpu.memory_space<hbm>> -> memref<100000x16xf32, #tpu.memory_space<hbm>>
      tpu.enqueue_indirect_dma source(%dma_start3A_72 : memref<100000x16xf32, #tpu.memory_space<hbm>>) target(%dma_start3A_67 : memref<128x16xf32, #tpu.memory_space<vmem>>) offsets(%dma_start3A_69 : memref<128xi32, #tpu.memory_space<vmem>>) semaphore(%arg11 : memref<!tpu.dma_semaphore, #tpu.memory_space<semaphore_mem>>)
      %dma_start3A_73 = arith.constant 896 : i32
      %dma_start3A_74 = arith.constant 0 : i32
      %dma_start3A_75 = tpu.memref_slice %arg9[%dma_start3A_73, %dma_start3A_74] : memref<2560x16xf32, #tpu.memory_space<vmem>> -> memref<128x16xf32, #tpu.memory_space<vmem>>
      %dma_start3A_76 = arith.constant 896 : i32
      %dma_start3A_77 = tpu.memref_slice %arg7[%dma_start3A_76] : memref<2560xi32, #tpu.memory_space<vmem>> -> memref<128xi32, #tpu.memory_space<vmem>>
      %dma_start3A_78 = arith.constant 0 : i32
      %dma_start3A_79 = arith.constant 0 : i32
      %dma_start3A_80 = tpu.memref_slice %arg2[%dma_start3A_78, %dma_start3A_79] : memref<100000x16xf32, #tpu.memory_space<hbm>> -> memref<100000x16xf32, #tpu.memory_space<hbm>>
      tpu.enqueue_indirect_dma source(%dma_start3A_80 : memref<100000x16xf32, #tpu.memory_space<hbm>>) target(%dma_start3A_75 : memref<128x16xf32, #tpu.memory_space<vmem>>) offsets(%dma_start3A_77 : memref<128xi32, #tpu.memory_space<vmem>>) semaphore(%arg11 : memref<!tpu.dma_semaphore, #tpu.memory_space<semaphore_mem>>)
      %dma_start3A_81 = arith.constant 1024 : i32
      %dma_start3A_82 = arith.constant 0 : i32
      %dma_start3A_83 = tpu.memref_slice %arg9[%dma_start3A_81, %dma_start3A_82] : memref<2560x16xf32, #tpu.memory_space<vmem>> -> memref<128x16xf32, #tpu.memory_space<vmem>>
      %dma_start3A_84 = arith.constant 1024 : i32
      %dma_start3A_85 = tpu.memref_slice %arg7[%dma_start3A_84] : memref<2560xi32, #tpu.memory_space<vmem>> -> memref<128xi32, #tpu.memory_space<vmem>>
      %dma_start3A_86 = arith.constant 0 : i32
      %dma_start3A_87 = arith.constant 0 : i32
      %dma_start3A_88 = tpu.memref_slice %arg2[%dma_start3A_86, %dma_start3A_87] : memref<100000x16xf32, #tpu.memory_space<hbm>> -> memref<100000x16xf32, #tpu.memory_space<hbm>>
      tpu.enqueue_indirect_dma source(%dma_start3A_88 : memref<100000x16xf32, #tpu.memory_space<hbm>>) target(%dma_start3A_83 : memref<128x16xf32, #tpu.memory_space<vmem>>) offsets(%dma_start3A_85 : memref<128xi32, #tpu.memory_space<vmem>>) semaphore(%arg11 : memref<!tpu.dma_semaphore, #tpu.memory_space<semaphore_mem>>)
      %dma_start3A_89 = arith.constant 1152 : i32
      %dma_start3A_90 = arith.constant 0 : i32
      %dma_start3A_91 = tpu.memref_slice %arg9[%dma_start3A_89, %dma_start3A_90] : memref<2560x16xf32, #tpu.memory_space<vmem>> -> memref<128x16xf32, #tpu.memory_space<vmem>>
      %dma_start3A_92 = arith.constant 1152 : i32
      %dma_start3A_93 = tpu.memref_slice %arg7[%dma_start3A_92] : memref<2560xi32, #tpu.memory_space<vmem>> -> memref<128xi32, #tpu.memory_space<vmem>>
      %dma_start3A_94 = arith.constant 0 : i32
      %dma_start3A_95 = arith.constant 0 : i32
      %dma_start3A_96 = tpu.memref_slice %arg2[%dma_start3A_94, %dma_start3A_95] : memref<100000x16xf32, #tpu.memory_space<hbm>> -> memref<100000x16xf32, #tpu.memory_space<hbm>>
      tpu.enqueue_indirect_dma source(%dma_start3A_96 : memref<100000x16xf32, #tpu.memory_space<hbm>>) target(%dma_start3A_91 : memref<128x16xf32, #tpu.memory_space<vmem>>) offsets(%dma_start3A_93 : memref<128xi32, #tpu.memory_space<vmem>>) semaphore(%arg11 : memref<!tpu.dma_semaphore, #tpu.memory_space<semaphore_mem>>)
      %dma_start3A_97 = arith.constant 1280 : i32
      %dma_start3A_98 = arith.constant 0 : i32
      %dma_start3A_99 = tpu.memref_slice %arg9[%dma_start3A_97, %dma_start3A_98] : memref<2560x16xf32, #tpu.memory_space<vmem>> -> memref<128x16xf32, #tpu.memory_space<vmem>>
      %dma_start3A_100 = arith.constant 1280 : i32
      %dma_start3A_101 = tpu.memref_slice %arg7[%dma_start3A_100] : memref<2560xi32, #tpu.memory_space<vmem>> -> memref<128xi32, #tpu.memory_space<vmem>>
      %dma_start3A_102 = arith.constant 0 : i32
      %dma_start3A_103 = arith.constant 0 : i32
      %dma_start3A_104 = tpu.memref_slice %arg2[%dma_start3A_102, %dma_start3A_103] : memref<100000x16xf32, #tpu.memory_space<hbm>> -> memref<100000x16xf32, #tpu.memory_space<hbm>>
      tpu.enqueue_indirect_dma source(%dma_start3A_104 : memref<100000x16xf32, #tpu.memory_space<hbm>>) target(%dma_start3A_99 : memref<128x16xf32, #tpu.memory_space<vmem>>) offsets(%dma_start3A_101 : memref<128xi32, #tpu.memory_space<vmem>>) semaphore(%arg11 : memref<!tpu.dma_semaphore, #tpu.memory_space<semaphore_mem>>)
      %dma_start3A_105 = arith.constant 1408 : i32
      %dma_start3A_106 = arith.constant 0 : i32
      %dma_start3A_107 = tpu.memref_slice %arg9[%dma_start3A_105, %dma_start3A_106] : memref<2560x16xf32, #tpu.memory_space<vmem>> -> memref<128x16xf32, #tpu.memory_space<vmem>>
      %dma_start3A_108 = arith.constant 1408 : i32
      %dma_start3A_109 = tpu.memref_slice %arg7[%dma_start3A_108] : memref<2560xi32, #tpu.memory_space<vmem>> -> memref<128xi32, #tpu.memory_space<vmem>>
      %dma_start3A_110 = arith.constant 0 : i32
      %dma_start3A_111 = arith.constant 0 : i32
      %dma_start3A_112 = tpu.memref_slice %arg2[%dma_start3A_110, %dma_start3A_111] : memref<100000x16xf32, #tpu.memory_space<hbm>> -> memref<100000x16xf32, #tpu.memory_space<hbm>>
      tpu.enqueue_indirect_dma source(%dma_start3A_112 : memref<100000x16xf32, #tpu.memory_space<hbm>>) target(%dma_start3A_107 : memref<128x16xf32, #tpu.memory_space<vmem>>) offsets(%dma_start3A_109 : memref<128xi32, #tpu.memory_space<vmem>>) semaphore(%arg11 : memref<!tpu.dma_semaphore, #tpu.memory_space<semaphore_mem>>)
      %dma_start3A_113 = arith.constant 1536 : i32
      %dma_start3A_114 = arith.constant 0 : i32
      %dma_start3A_115 = tpu.memref_slice %arg9[%dma_start3A_113, %dma_start3A_114] : memref<2560x16xf32, #tpu.memory_space<vmem>> -> memref<128x16xf32, #tpu.memory_space<vmem>>
      %dma_start3A_116 = arith.constant 1536 : i32
      %dma_start3A_117 = tpu.memref_slice %arg7[%dma_start3A_116] : memref<2560xi32, #tpu.memory_space<vmem>> -> memref<128xi32, #tpu.memory_space<vmem>>
      %dma_start3A_118 = arith.constant 0 : i32
      %dma_start3A_119 = arith.constant 0 : i32
      %dma_start3A_120 = tpu.memref_slice %arg2[%dma_start3A_118, %dma_start3A_119] : memref<100000x16xf32, #tpu.memory_space<hbm>> -> memref<100000x16xf32, #tpu.memory_space<hbm>>
      tpu.enqueue_indirect_dma source(%dma_start3A_120 : memref<100000x16xf32, #tpu.memory_space<hbm>>) target(%dma_start3A_115 : memref<128x16xf32, #tpu.memory_space<vmem>>) offsets(%dma_start3A_117 : memref<128xi32, #tpu.memory_space<vmem>>) semaphore(%arg11 : memref<!tpu.dma_semaphore, #tpu.memory_space<semaphore_mem>>)
      %dma_start3A_121 = arith.constant 1664 : i32
      %dma_start3A_122 = arith.constant 0 : i32
      %dma_start3A_123 = tpu.memref_slice %arg9[%dma_start3A_121, %dma_start3A_122] : memref<2560x16xf32, #tpu.memory_space<vmem>> -> memref<128x16xf32, #tpu.memory_space<vmem>>
      %dma_start3A_124 = arith.constant 1664 : i32
      %dma_start3A_125 = tpu.memref_slice %arg7[%dma_start3A_124] : memref<2560xi32, #tpu.memory_space<vmem>> -> memref<128xi32, #tpu.memory_space<vmem>>
      %dma_start3A_126 = arith.constant 0 : i32
      %dma_start3A_127 = arith.constant 0 : i32
      %dma_start3A_128 = tpu.memref_slice %arg2[%dma_start3A_126, %dma_start3A_127] : memref<100000x16xf32, #tpu.memory_space<hbm>> -> memref<100000x16xf32, #tpu.memory_space<hbm>>
      tpu.enqueue_indirect_dma source(%dma_start3A_128 : memref<100000x16xf32, #tpu.memory_space<hbm>>) target(%dma_start3A_123 : memref<128x16xf32, #tpu.memory_space<vmem>>) offsets(%dma_start3A_125 : memref<128xi32, #tpu.memory_space<vmem>>) semaphore(%arg11 : memref<!tpu.dma_semaphore, #tpu.memory_space<semaphore_mem>>)
      %dma_start3A_129 = arith.constant 1792 : i32
      %dma_start3A_130 = arith.constant 0 : i32
      %dma_start3A_131 = tpu.memref_slice %arg9[%dma_start3A_129, %dma_start3A_130] : memref<2560x16xf32, #tpu.memory_space<vmem>> -> memref<128x16xf32, #tpu.memory_space<vmem>>
      %dma_start3A_132 = arith.constant 1792 : i32
      %dma_start3A_133 = tpu.memref_slice %arg7[%dma_start3A_132] : memref<2560xi32, #tpu.memory_space<vmem>> -> memref<128xi32, #tpu.memory_space<vmem>>
      %dma_start3A_134 = arith.constant 0 : i32
      %dma_start3A_135 = arith.constant 0 : i32
      %dma_start3A_136 = tpu.memref_slice %arg2[%dma_start3A_134, %dma_start3A_135] : memref<100000x16xf32, #tpu.memory_space<hbm>> -> memref<100000x16xf32, #tpu.memory_space<hbm>>
      tpu.enqueue_indirect_dma source(%dma_start3A_136 : memref<100000x16xf32, #tpu.memory_space<hbm>>) target(%dma_start3A_131 : memref<128x16xf32, #tpu.memory_space<vmem>>) offsets(%dma_start3A_133 : memref<128xi32, #tpu.memory_space<vmem>>) semaphore(%arg11 : memref<!tpu.dma_semaphore, #tpu.memory_space<semaphore_mem>>)
      %dma_start3A_137 = arith.constant 1920 : i32
      %dma_start3A_138 = arith.constant 0 : i32
      %dma_start3A_139 = tpu.memref_slice %arg9[%dma_start3A_137, %dma_start3A_138] : memref<2560x16xf32, #tpu.memory_space<vmem>> -> memref<128x16xf32, #tpu.memory_space<vmem>>
      %dma_start3A_140 = arith.constant 1920 : i32
      %dma_start3A_141 = tpu.memref_slice %arg7[%dma_start3A_140] : memref<2560xi32, #tpu.memory_space<vmem>> -> memref<128xi32, #tpu.memory_space<vmem>>
      %dma_start3A_142 = arith.constant 0 : i32
      %dma_start3A_143 = arith.constant 0 : i32
      %dma_start3A_144 = tpu.memref_slice %arg2[%dma_start3A_142, %dma_start3A_143] : memref<100000x16xf32, #tpu.memory_space<hbm>> -> memref<100000x16xf32, #tpu.memory_space<hbm>>
      tpu.enqueue_indirect_dma source(%dma_start3A_144 : memref<100000x16xf32, #tpu.memory_space<hbm>>) target(%dma_start3A_139 : memref<128x16xf32, #tpu.memory_space<vmem>>) offsets(%dma_start3A_141 : memref<128xi32, #tpu.memory_space<vmem>>) semaphore(%arg11 : memref<!tpu.dma_semaphore, #tpu.memory_space<semaphore_mem>>)
      %dma_start3A_145 = arith.constant 2048 : i32
      %dma_start3A_146 = arith.constant 0 : i32
      %dma_start3A_147 = tpu.memref_slice %arg9[%dma_start3A_145, %dma_start3A_146] : memref<2560x16xf32, #tpu.memory_space<vmem>> -> memref<128x16xf32, #tpu.memory_space<vmem>>
      %dma_start3A_148 = arith.constant 2048 : i32
      %dma_start3A_149 = tpu.memref_slice %arg7[%dma_start3A_148] : memref<2560xi32, #tpu.memory_space<vmem>> -> memref<128xi32, #tpu.memory_space<vmem>>
      %dma_start3A_150 = arith.constant 0 : i32
      %dma_start3A_151 = arith.constant 0 : i32
      %dma_start3A_152 = tpu.memref_slice %arg2[%dma_start3A_150, %dma_start3A_151] : memref<100000x16xf32, #tpu.memory_space<hbm>> -> memref<100000x16xf32, #tpu.memory_space<hbm>>
      tpu.enqueue_indirect_dma source(%dma_start3A_152 : memref<100000x16xf32, #tpu.memory_space<hbm>>) target(%dma_start3A_147 : memref<128x16xf32, #tpu.memory_space<vmem>>) offsets(%dma_start3A_149 : memref<128xi32, #tpu.memory_space<vmem>>) semaphore(%arg11 : memref<!tpu.dma_semaphore, #tpu.memory_space<semaphore_mem>>)
      %dma_start3A_153 = arith.constant 2176 : i32
      %dma_start3A_154 = arith.constant 0 : i32
      %dma_start3A_155 = tpu.memref_slice %arg9[%dma_start3A_153, %dma_start3A_154] : memref<2560x16xf32, #tpu.memory_space<vmem>> -> memref<128x16xf32, #tpu.memory_space<vmem>>
      %dma_start3A_156 = arith.constant 2176 : i32
      %dma_start3A_157 = tpu.memref_slice %arg7[%dma_start3A_156] : memref<2560xi32, #tpu.memory_space<vmem>> -> memref<128xi32, #tpu.memory_space<vmem>>
      %dma_start3A_158 = arith.constant 0 : i32
      %dma_start3A_159 = arith.constant 0 : i32
      %dma_start3A_160 = tpu.memref_slice %arg2[%dma_start3A_158, %dma_start3A_159] : memref<100000x16xf32, #tpu.memory_space<hbm>> -> memref<100000x16xf32, #tpu.memory_space<hbm>>
      tpu.enqueue_indirect_dma source(%dma_start3A_160 : memref<100000x16xf32, #tpu.memory_space<hbm>>) target(%dma_start3A_155 : memref<128x16xf32, #tpu.memory_space<vmem>>) offsets(%dma_start3A_157 : memref<128xi32, #tpu.memory_space<vmem>>) semaphore(%arg11 : memref<!tpu.dma_semaphore, #tpu.memory_space<semaphore_mem>>)
      %dma_start3A_161 = arith.constant 2304 : i32
      %dma_start3A_162 = arith.constant 0 : i32
      %dma_start3A_163 = tpu.memref_slice %arg9[%dma_start3A_161, %dma_start3A_162] : memref<2560x16xf32, #tpu.memory_space<vmem>> -> memref<128x16xf32, #tpu.memory_space<vmem>>
      %dma_start3A_164 = arith.constant 2304 : i32
      %dma_start3A_165 = tpu.memref_slice %arg7[%dma_start3A_164] : memref<2560xi32, #tpu.memory_space<vmem>> -> memref<128xi32, #tpu.memory_space<vmem>>
      %dma_start3A_166 = arith.constant 0 : i32
      %dma_start3A_167 = arith.constant 0 : i32
      %dma_start3A_168 = tpu.memref_slice %arg2[%dma_start3A_166, %dma_start3A_167] : memref<100000x16xf32, #tpu.memory_space<hbm>> -> memref<100000x16xf32, #tpu.memory_space<hbm>>
      tpu.enqueue_indirect_dma source(%dma_start3A_168 : memref<100000x16xf32, #tpu.memory_space<hbm>>) target(%dma_start3A_163 : memref<128x16xf32, #tpu.memory_space<vmem>>) offsets(%dma_start3A_165 : memref<128xi32, #tpu.memory_space<vmem>>) semaphore(%arg11 : memref<!tpu.dma_semaphore, #tpu.memory_space<semaphore_mem>>)
      %dma_start3A_169 = arith.constant 2432 : i32
      %dma_start3A_170 = arith.constant 0 : i32
      %dma_start3A_171 = tpu.memref_slice %arg9[%dma_start3A_169, %dma_start3A_170] : memref<2560x16xf32, #tpu.memory_space<vmem>> -> memref<128x16xf32, #tpu.memory_space<vmem>>
      %dma_start3A_172 = arith.constant 2432 : i32
      %dma_start3A_173 = tpu.memref_slice %arg7[%dma_start3A_172] : memref<2560xi32, #tpu.memory_space<vmem>> -> memref<128xi32, #tpu.memory_space<vmem>>
      %dma_start3A_174 = arith.constant 0 : i32
      %dma_start3A_175 = arith.constant 0 : i32
      %dma_start3A_176 = tpu.memref_slice %arg2[%dma_start3A_174, %dma_start3A_175] : memref<100000x16xf32, #tpu.memory_space<hbm>> -> memref<100000x16xf32, #tpu.memory_space<hbm>>
      tpu.enqueue_indirect_dma source(%dma_start3A_176 : memref<100000x16xf32, #tpu.memory_space<hbm>>) target(%dma_start3A_171 : memref<128x16xf32, #tpu.memory_space<vmem>>) offsets(%dma_start3A_173 : memref<128xi32, #tpu.memory_space<vmem>>) semaphore(%arg11 : memref<!tpu.dma_semaphore, #tpu.memory_space<semaphore_mem>>)
      %dma_start3A_177 = arith.constant 0 : i32
      %dma_start3A_178 = arith.constant 0 : i32
      %dma_start3A_179 = tpu.memref_slice %arg10[%dma_start3A_177, %dma_start3A_178] : memref<2560x16xf32, #tpu.memory_space<vmem>> -> memref<128x16xf32, #tpu.memory_space<vmem>>
      %dma_start3A_180 = arith.constant 0 : i32
      %dma_start3A_181 = tpu.memref_slice %arg8[%dma_start3A_180] : memref<2560xi32, #tpu.memory_space<vmem>> -> memref<128xi32, #tpu.memory_space<vmem>>
      %dma_start3A_182 = arith.constant 0 : i32
      %dma_start3A_183 = arith.constant 0 : i32
      %dma_start3A_184 = tpu.memref_slice %arg2[%dma_start3A_182, %dma_start3A_183] : memref<100000x16xf32, #tpu.memory_space<hbm>> -> memref<100000x16xf32, #tpu.memory_space<hbm>>
      tpu.enqueue_indirect_dma source(%dma_start3A_184 : memref<100000x16xf32, #tpu.memory_space<hbm>>) target(%dma_start3A_179 : memref<128x16xf32, #tpu.memory_space<vmem>>) offsets(%dma_start3A_181 : memref<128xi32, #tpu.memory_space<vmem>>) semaphore(%arg12 : memref<!tpu.dma_semaphore, #tpu.memory_space<semaphore_mem>>)
      %dma_start3A_185 = arith.constant 128 : i32
      %dma_start3A_186 = arith.constant 0 : i32
      %dma_start3A_187 = tpu.memref_slice %arg10[%dma_start3A_185, %dma_start3A_186] : memref<2560x16xf32, #tpu.memory_space<vmem>> -> memref<128x16xf32, #tpu.memory_space<vmem>>
      %dma_start3A_188 = arith.constant 128 : i32
      %dma_start3A_189 = tpu.memref_slice %arg8[%dma_start3A_188] : memref<2560xi32, #tpu.memory_space<vmem>> -> memref<128xi32, #tpu.memory_space<vmem>>
      %dma_start3A_190 = arith.constant 0 : i32
      %dma_start3A_191 = arith.constant 0 : i32
      %dma_start3A_192 = tpu.memref_slice %arg2[%dma_start3A_190, %dma_start3A_191] : memref<100000x16xf32, #tpu.memory_space<hbm>> -> memref<100000x16xf32, #tpu.memory_space<hbm>>
      tpu.enqueue_indirect_dma source(%dma_start3A_192 : memref<100000x16xf32, #tpu.memory_space<hbm>>) target(%dma_start3A_187 : memref<128x16xf32, #tpu.memory_space<vmem>>) offsets(%dma_start3A_189 : memref<128xi32, #tpu.memory_space<vmem>>) semaphore(%arg12 : memref<!tpu.dma_semaphore, #tpu.memory_space<semaphore_mem>>)
      %dma_start3A_193 = arith.constant 256 : i32
      %dma_start3A_194 = arith.constant 0 : i32
      %dma_start3A_195 = tpu.memref_slice %arg10[%dma_start3A_193, %dma_start3A_194] : memref<2560x16xf32, #tpu.memory_space<vmem>> -> memref<128x16xf32, #tpu.memory_space<vmem>>
      %dma_start3A_196 = arith.constant 256 : i32
      %dma_start3A_197 = tpu.memref_slice %arg8[%dma_start3A_196] : memref<2560xi32, #tpu.memory_space<vmem>> -> memref<128xi32, #tpu.memory_space<vmem>>
      %dma_start3A_198 = arith.constant 0 : i32
      %dma_start3A_199 = arith.constant 0 : i32
      %dma_start3A_200 = tpu.memref_slice %arg2[%dma_start3A_198, %dma_start3A_199] : memref<100000x16xf32, #tpu.memory_space<hbm>> -> memref<100000x16xf32, #tpu.memory_space<hbm>>
      tpu.enqueue_indirect_dma source(%dma_start3A_200 : memref<100000x16xf32, #tpu.memory_space<hbm>>) target(%dma_start3A_195 : memref<128x16xf32, #tpu.memory_space<vmem>>) offsets(%dma_start3A_197 : memref<128xi32, #tpu.memory_space<vmem>>) semaphore(%arg12 : memref<!tpu.dma_semaphore, #tpu.memory_space<semaphore_mem>>)
      %dma_start3A_201 = arith.constant 384 : i32
      %dma_start3A_202 = arith.constant 0 : i32
      %dma_start3A_203 = tpu.memref_slice %arg10[%dma_start3A_201, %dma_start3A_202] : memref<2560x16xf32, #tpu.memory_space<vmem>> -> memref<128x16xf32, #tpu.memory_space<vmem>>
      %dma_start3A_204 = arith.constant 384 : i32
      %dma_start3A_205 = tpu.memref_slice %arg8[%dma_start3A_204] : memref<2560xi32, #tpu.memory_space<vmem>> -> memref<128xi32, #tpu.memory_space<vmem>>
      %dma_start3A_206 = arith.constant 0 : i32
      %dma_start3A_207 = arith.constant 0 : i32
      %dma_start3A_208 = tpu.memref_slice %arg2[%dma_start3A_206, %dma_start3A_207] : memref<100000x16xf32, #tpu.memory_space<hbm>> -> memref<100000x16xf32, #tpu.memory_space<hbm>>
      tpu.enqueue_indirect_dma source(%dma_start3A_208 : memref<100000x16xf32, #tpu.memory_space<hbm>>) target(%dma_start3A_203 : memref<128x16xf32, #tpu.memory_space<vmem>>) offsets(%dma_start3A_205 : memref<128xi32, #tpu.memory_space<vmem>>) semaphore(%arg12 : memref<!tpu.dma_semaphore, #tpu.memory_space<semaphore_mem>>)
      %dma_start3A_209 = arith.constant 512 : i32
      %dma_start3A_210 = arith.constant 0 : i32
      %dma_start3A_211 = tpu.memref_slice %arg10[%dma_start3A_209, %dma_start3A_210] : memref<2560x16xf32, #tpu.memory_space<vmem>> -> memref<128x16xf32, #tpu.memory_space<vmem>>
      %dma_start3A_212 = arith.constant 512 : i32
      %dma_start3A_213 = tpu.memref_slice %arg8[%dma_start3A_212] : memref<2560xi32, #tpu.memory_space<vmem>> -> memref<128xi32, #tpu.memory_space<vmem>>
      %dma_start3A_214 = arith.constant 0 : i32
      %dma_start3A_215 = arith.constant 0 : i32
      %dma_start3A_216 = tpu.memref_slice %arg2[%dma_start3A_214, %dma_start3A_215] : memref<100000x16xf32, #tpu.memory_space<hbm>> -> memref<100000x16xf32, #tpu.memory_space<hbm>>
      tpu.enqueue_indirect_dma source(%dma_start3A_216 : memref<100000x16xf32, #tpu.memory_space<hbm>>) target(%dma_start3A_211 : memref<128x16xf32, #tpu.memory_space<vmem>>) offsets(%dma_start3A_213 : memref<128xi32, #tpu.memory_space<vmem>>) semaphore(%arg12 : memref<!tpu.dma_semaphore, #tpu.memory_space<semaphore_mem>>)
      %dma_start3A_217 = arith.constant 640 : i32
      %dma_start3A_218 = arith.constant 0 : i32
      %dma_start3A_219 = tpu.memref_slice %arg10[%dma_start3A_217, %dma_start3A_218] : memref<2560x16xf32, #tpu.memory_space<vmem>> -> memref<128x16xf32, #tpu.memory_space<vmem>>
      %dma_start3A_220 = arith.constant 640 : i32
      %dma_start3A_221 = tpu.memref_slice %arg8[%dma_start3A_220] : memref<2560xi32, #tpu.memory_space<vmem>> -> memref<128xi32, #tpu.memory_space<vmem>>
      %dma_start3A_222 = arith.constant 0 : i32
      %dma_start3A_223 = arith.constant 0 : i32
      %dma_start3A_224 = tpu.memref_slice %arg2[%dma_start3A_222, %dma_start3A_223] : memref<100000x16xf32, #tpu.memory_space<hbm>> -> memref<100000x16xf32, #tpu.memory_space<hbm>>
      tpu.enqueue_indirect_dma source(%dma_start3A_224 : memref<100000x16xf32, #tpu.memory_space<hbm>>) target(%dma_start3A_219 : memref<128x16xf32, #tpu.memory_space<vmem>>) offsets(%dma_start3A_221 : memref<128xi32, #tpu.memory_space<vmem>>) semaphore(%arg12 : memref<!tpu.dma_semaphore, #tpu.memory_space<semaphore_mem>>)
      %dma_start3A_225 = arith.constant 768 : i32
      %dma_start3A_226 = arith.constant 0 : i32
      %dma_start3A_227 = tpu.memref_slice %arg10[%dma_start3A_225, %dma_start3A_226] : memref<2560x16xf32, #tpu.memory_space<vmem>> -> memref<128x16xf32, #tpu.memory_space<vmem>>
      %dma_start3A_228 = arith.constant 768 : i32
      %dma_start3A_229 = tpu.memref_slice %arg8[%dma_start3A_228] : memref<2560xi32, #tpu.memory_space<vmem>> -> memref<128xi32, #tpu.memory_space<vmem>>
      %dma_start3A_230 = arith.constant 0 : i32
      %dma_start3A_231 = arith.constant 0 : i32
      %dma_start3A_232 = tpu.memref_slice %arg2[%dma_start3A_230, %dma_start3A_231] : memref<100000x16xf32, #tpu.memory_space<hbm>> -> memref<100000x16xf32, #tpu.memory_space<hbm>>
      tpu.enqueue_indirect_dma source(%dma_start3A_232 : memref<100000x16xf32, #tpu.memory_space<hbm>>) target(%dma_start3A_227 : memref<128x16xf32, #tpu.memory_space<vmem>>) offsets(%dma_start3A_229 : memref<128xi32, #tpu.memory_space<vmem>>) semaphore(%arg12 : memref<!tpu.dma_semaphore, #tpu.memory_space<semaphore_mem>>)
      %dma_start3A_233 = arith.constant 896 : i32
      %dma_start3A_234 = arith.constant 0 : i32
      %dma_start3A_235 = tpu.memref_slice %arg10[%dma_start3A_233, %dma_start3A_234] : memref<2560x16xf32, #tpu.memory_space<vmem>> -> memref<128x16xf32, #tpu.memory_space<vmem>>
      %dma_start3A_236 = arith.constant 896 : i32
      %dma_start3A_237 = tpu.memref_slice %arg8[%dma_start3A_236] : memref<2560xi32, #tpu.memory_space<vmem>> -> memref<128xi32, #tpu.memory_space<vmem>>
      %dma_start3A_238 = arith.constant 0 : i32
      %dma_start3A_239 = arith.constant 0 : i32
      %dma_start3A_240 = tpu.memref_slice %arg2[%dma_start3A_238, %dma_start3A_239] : memref<100000x16xf32, #tpu.memory_space<hbm>> -> memref<100000x16xf32, #tpu.memory_space<hbm>>
      tpu.enqueue_indirect_dma source(%dma_start3A_240 : memref<100000x16xf32, #tpu.memory_space<hbm>>) target(%dma_start3A_235 : memref<128x16xf32, #tpu.memory_space<vmem>>) offsets(%dma_start3A_237 : memref<128xi32, #tpu.memory_space<vmem>>) semaphore(%arg12 : memref<!tpu.dma_semaphore, #tpu.memory_space<semaphore_mem>>)
      %dma_start3A_241 = arith.constant 1024 : i32
      %dma_start3A_242 = arith.constant 0 : i32
      %dma_start3A_243 = tpu.memref_slice %arg10[%dma_start3A_241, %dma_start3A_242] : memref<2560x16xf32, #tpu.memory_space<vmem>> -> memref<128x16xf32, #tpu.memory_space<vmem>>
      %dma_start3A_244 = arith.constant 1024 : i32
      %dma_start3A_245 = tpu.memref_slice %arg8[%dma_start3A_244] : memref<2560xi32, #tpu.memory_space<vmem>> -> memref<128xi32, #tpu.memory_space<vmem>>
      %dma_start3A_246 = arith.constant 0 : i32
      %dma_start3A_247 = arith.constant 0 : i32
      %dma_start3A_248 = tpu.memref_slice %arg2[%dma_start3A_246, %dma_start3A_247] : memref<100000x16xf32, #tpu.memory_space<hbm>> -> memref<100000x16xf32, #tpu.memory_space<hbm>>
      tpu.enqueue_indirect_dma source(%dma_start3A_248 : memref<100000x16xf32, #tpu.memory_space<hbm>>) target(%dma_start3A_243 : memref<128x16xf32, #tpu.memory_space<vmem>>) offsets(%dma_start3A_245 : memref<128xi32, #tpu.memory_space<vmem>>) semaphore(%arg12 : memref<!tpu.dma_semaphore, #tpu.memory_space<semaphore_mem>>)
      %dma_start3A_249 = arith.constant 1152 : i32
      %dma_start3A_250 = arith.constant 0 : i32
      %dma_start3A_251 = tpu.memref_slice %arg10[%dma_start3A_249, %dma_start3A_250] : memref<2560x16xf32, #tpu.memory_space<vmem>> -> memref<128x16xf32, #tpu.memory_space<vmem>>
      %dma_start3A_252 = arith.constant 1152 : i32
      %dma_start3A_253 = tpu.memref_slice %arg8[%dma_start3A_252] : memref<2560xi32, #tpu.memory_space<vmem>> -> memref<128xi32, #tpu.memory_space<vmem>>
      %dma_start3A_254 = arith.constant 0 : i32
      %dma_start3A_255 = arith.constant 0 : i32
      %dma_start3A_256 = tpu.memref_slice %arg2[%dma_start3A_254, %dma_start3A_255] : memref<100000x16xf32, #tpu.memory_space<hbm>> -> memref<100000x16xf32, #tpu.memory_space<hbm>>
      tpu.enqueue_indirect_dma source(%dma_start3A_256 : memref<100000x16xf32, #tpu.memory_space<hbm>>) target(%dma_start3A_251 : memref<128x16xf32, #tpu.memory_space<vmem>>) offsets(%dma_start3A_253 : memref<128xi32, #tpu.memory_space<vmem>>) semaphore(%arg12 : memref<!tpu.dma_semaphore, #tpu.memory_space<semaphore_mem>>)
      %dma_start3A_257 = arith.constant 1280 : i32
      %dma_start3A_258 = arith.constant 0 : i32
      %dma_start3A_259 = tpu.memref_slice %arg10[%dma_start3A_257, %dma_start3A_258] : memref<2560x16xf32, #tpu.memory_space<vmem>> -> memref<128x16xf32, #tpu.memory_space<vmem>>
      %dma_start3A_260 = arith.constant 1280 : i32
      %dma_start3A_261 = tpu.memref_slice %arg8[%dma_start3A_260] : memref<2560xi32, #tpu.memory_space<vmem>> -> memref<128xi32, #tpu.memory_space<vmem>>
      %dma_start3A_262 = arith.constant 0 : i32
      %dma_start3A_263 = arith.constant 0 : i32
      %dma_start3A_264 = tpu.memref_slice %arg2[%dma_start3A_262, %dma_start3A_263] : memref<100000x16xf32, #tpu.memory_space<hbm>> -> memref<100000x16xf32, #tpu.memory_space<hbm>>
      tpu.enqueue_indirect_dma source(%dma_start3A_264 : memref<100000x16xf32, #tpu.memory_space<hbm>>) target(%dma_start3A_259 : memref<128x16xf32, #tpu.memory_space<vmem>>) offsets(%dma_start3A_261 : memref<128xi32, #tpu.memory_space<vmem>>) semaphore(%arg12 : memref<!tpu.dma_semaphore, #tpu.memory_space<semaphore_mem>>)
      %dma_start3A_265 = arith.constant 1408 : i32
      %dma_start3A_266 = arith.constant 0 : i32
      %dma_start3A_267 = tpu.memref_slice %arg10[%dma_start3A_265, %dma_start3A_266] : memref<2560x16xf32, #tpu.memory_space<vmem>> -> memref<128x16xf32, #tpu.memory_space<vmem>>
      %dma_start3A_268 = arith.constant 1408 : i32
      %dma_start3A_269 = tpu.memref_slice %arg8[%dma_start3A_268] : memref<2560xi32, #tpu.memory_space<vmem>> -> memref<128xi32, #tpu.memory_space<vmem>>
      %dma_start3A_270 = arith.constant 0 : i32
      %dma_start3A_271 = arith.constant 0 : i32
      %dma_start3A_272 = tpu.memref_slice %arg2[%dma_start3A_270, %dma_start3A_271] : memref<100000x16xf32, #tpu.memory_space<hbm>> -> memref<100000x16xf32, #tpu.memory_space<hbm>>
      tpu.enqueue_indirect_dma source(%dma_start3A_272 : memref<100000x16xf32, #tpu.memory_space<hbm>>) target(%dma_start3A_267 : memref<128x16xf32, #tpu.memory_space<vmem>>) offsets(%dma_start3A_269 : memref<128xi32, #tpu.memory_space<vmem>>) semaphore(%arg12 : memref<!tpu.dma_semaphore, #tpu.memory_space<semaphore_mem>>)
      %dma_start3A_273 = arith.constant 1536 : i32
      %dma_start3A_274 = arith.constant 0 : i32
      %dma_start3A_275 = tpu.memref_slice %arg10[%dma_start3A_273, %dma_start3A_274] : memref<2560x16xf32, #tpu.memory_space<vmem>> -> memref<128x16xf32, #tpu.memory_space<vmem>>
      %dma_start3A_276 = arith.constant 1536 : i32
      %dma_start3A_277 = tpu.memref_slice %arg8[%dma_start3A_276] : memref<2560xi32, #tpu.memory_space<vmem>> -> memref<128xi32, #tpu.memory_space<vmem>>
      %dma_start3A_278 = arith.constant 0 : i32
      %dma_start3A_279 = arith.constant 0 : i32
      %dma_start3A_280 = tpu.memref_slice %arg2[%dma_start3A_278, %dma_start3A_279] : memref<100000x16xf32, #tpu.memory_space<hbm>> -> memref<100000x16xf32, #tpu.memory_space<hbm>>
      tpu.enqueue_indirect_dma source(%dma_start3A_280 : memref<100000x16xf32, #tpu.memory_space<hbm>>) target(%dma_start3A_275 : memref<128x16xf32, #tpu.memory_space<vmem>>) offsets(%dma_start3A_277 : memref<128xi32, #tpu.memory_space<vmem>>) semaphore(%arg12 : memref<!tpu.dma_semaphore, #tpu.memory_space<semaphore_mem>>)
      %dma_start3A_281 = arith.constant 1664 : i32
      %dma_start3A_282 = arith.constant 0 : i32
      %dma_start3A_283 = tpu.memref_slice %arg10[%dma_start3A_281, %dma_start3A_282] : memref<2560x16xf32, #tpu.memory_space<vmem>> -> memref<128x16xf32, #tpu.memory_space<vmem>>
      %dma_start3A_284 = arith.constant 1664 : i32
      %dma_start3A_285 = tpu.memref_slice %arg8[%dma_start3A_284] : memref<2560xi32, #tpu.memory_space<vmem>> -> memref<128xi32, #tpu.memory_space<vmem>>
      %dma_start3A_286 = arith.constant 0 : i32
      %dma_start3A_287 = arith.constant 0 : i32
      %dma_start3A_288 = tpu.memref_slice %arg2[%dma_start3A_286, %dma_start3A_287] : memref<100000x16xf32, #tpu.memory_space<hbm>> -> memref<100000x16xf32, #tpu.memory_space<hbm>>
      tpu.enqueue_indirect_dma source(%dma_start3A_288 : memref<100000x16xf32, #tpu.memory_space<hbm>>) target(%dma_start3A_283 : memref<128x16xf32, #tpu.memory_space<vmem>>) offsets(%dma_start3A_285 : memref<128xi32, #tpu.memory_space<vmem>>) semaphore(%arg12 : memref<!tpu.dma_semaphore, #tpu.memory_space<semaphore_mem>>)
      %dma_start3A_289 = arith.constant 1792 : i32
      %dma_start3A_290 = arith.constant 0 : i32
      %dma_start3A_291 = tpu.memref_slice %arg10[%dma_start3A_289, %dma_start3A_290] : memref<2560x16xf32, #tpu.memory_space<vmem>> -> memref<128x16xf32, #tpu.memory_space<vmem>>
      %dma_start3A_292 = arith.constant 1792 : i32
      %dma_start3A_293 = tpu.memref_slice %arg8[%dma_start3A_292] : memref<2560xi32, #tpu.memory_space<vmem>> -> memref<128xi32, #tpu.memory_space<vmem>>
      %dma_start3A_294 = arith.constant 0 : i32
      %dma_start3A_295 = arith.constant 0 : i32
      %dma_start3A_296 = tpu.memref_slice %arg2[%dma_start3A_294, %dma_start3A_295] : memref<100000x16xf32, #tpu.memory_space<hbm>> -> memref<100000x16xf32, #tpu.memory_space<hbm>>
      tpu.enqueue_indirect_dma source(%dma_start3A_296 : memref<100000x16xf32, #tpu.memory_space<hbm>>) target(%dma_start3A_291 : memref<128x16xf32, #tpu.memory_space<vmem>>) offsets(%dma_start3A_293 : memref<128xi32, #tpu.memory_space<vmem>>) semaphore(%arg12 : memref<!tpu.dma_semaphore, #tpu.memory_space<semaphore_mem>>)
      %dma_start3A_297 = arith.constant 1920 : i32
      %dma_start3A_298 = arith.constant 0 : i32
      %dma_start3A_299 = tpu.memref_slice %arg10[%dma_start3A_297, %dma_start3A_298] : memref<2560x16xf32, #tpu.memory_space<vmem>> -> memref<128x16xf32, #tpu.memory_space<vmem>>
      %dma_start3A_300 = arith.constant 1920 : i32
      %dma_start3A_301 = tpu.memref_slice %arg8[%dma_start3A_300] : memref<2560xi32, #tpu.memory_space<vmem>> -> memref<128xi32, #tpu.memory_space<vmem>>
      %dma_start3A_302 = arith.constant 0 : i32
      %dma_start3A_303 = arith.constant 0 : i32
      %dma_start3A_304 = tpu.memref_slice %arg2[%dma_start3A_302, %dma_start3A_303] : memref<100000x16xf32, #tpu.memory_space<hbm>> -> memref<100000x16xf32, #tpu.memory_space<hbm>>
      tpu.enqueue_indirect_dma source(%dma_start3A_304 : memref<100000x16xf32, #tpu.memory_space<hbm>>) target(%dma_start3A_299 : memref<128x16xf32, #tpu.memory_space<vmem>>) offsets(%dma_start3A_301 : memref<128xi32, #tpu.memory_space<vmem>>) semaphore(%arg12 : memref<!tpu.dma_semaphore, #tpu.memory_space<semaphore_mem>>)
      %dma_start3A_305 = arith.constant 2048 : i32
      %dma_start3A_306 = arith.constant 0 : i32
      %dma_start3A_307 = tpu.memref_slice %arg10[%dma_start3A_305, %dma_start3A_306] : memref<2560x16xf32, #tpu.memory_space<vmem>> -> memref<128x16xf32, #tpu.memory_space<vmem>>
      %dma_start3A_308 = arith.constant 2048 : i32
      %dma_start3A_309 = tpu.memref_slice %arg8[%dma_start3A_308] : memref<2560xi32, #tpu.memory_space<vmem>> -> memref<128xi32, #tpu.memory_space<vmem>>
      %dma_start3A_310 = arith.constant 0 : i32
      %dma_start3A_311 = arith.constant 0 : i32
      %dma_start3A_312 = tpu.memref_slice %arg2[%dma_start3A_310, %dma_start3A_311] : memref<100000x16xf32, #tpu.memory_space<hbm>> -> memref<100000x16xf32, #tpu.memory_space<hbm>>
      tpu.enqueue_indirect_dma source(%dma_start3A_312 : memref<100000x16xf32, #tpu.memory_space<hbm>>) target(%dma_start3A_307 : memref<128x16xf32, #tpu.memory_space<vmem>>) offsets(%dma_start3A_309 : memref<128xi32, #tpu.memory_space<vmem>>) semaphore(%arg12 : memref<!tpu.dma_semaphore, #tpu.memory_space<semaphore_mem>>)
      %dma_start3A_313 = arith.constant 2176 : i32
      %dma_start3A_314 = arith.constant 0 : i32
      %dma_start3A_315 = tpu.memref_slice %arg10[%dma_start3A_313, %dma_start3A_314] : memref<2560x16xf32, #tpu.memory_space<vmem>> -> memref<128x16xf32, #tpu.memory_space<vmem>>
      %dma_start3A_316 = arith.constant 2176 : i32
      %dma_start3A_317 = tpu.memref_slice %arg8[%dma_start3A_316] : memref<2560xi32, #tpu.memory_space<vmem>> -> memref<128xi32, #tpu.memory_space<vmem>>
      %dma_start3A_318 = arith.constant 0 : i32
      %dma_start3A_319 = arith.constant 0 : i32
      %dma_start3A_320 = tpu.memref_slice %arg2[%dma_start3A_318, %dma_start3A_319] : memref<100000x16xf32, #tpu.memory_space<hbm>> -> memref<100000x16xf32, #tpu.memory_space<hbm>>
      tpu.enqueue_indirect_dma source(%dma_start3A_320 : memref<100000x16xf32, #tpu.memory_space<hbm>>) target(%dma_start3A_315 : memref<128x16xf32, #tpu.memory_space<vmem>>) offsets(%dma_start3A_317 : memref<128xi32, #tpu.memory_space<vmem>>) semaphore(%arg12 : memref<!tpu.dma_semaphore, #tpu.memory_space<semaphore_mem>>)
      %dma_start3A_321 = arith.constant 2304 : i32
      %dma_start3A_322 = arith.constant 0 : i32
      %dma_start3A_323 = tpu.memref_slice %arg10[%dma_start3A_321, %dma_start3A_322] : memref<2560x16xf32, #tpu.memory_space<vmem>> -> memref<128x16xf32, #tpu.memory_space<vmem>>
      %dma_start3A_324 = arith.constant 2304 : i32
      %dma_start3A_325 = tpu.memref_slice %arg8[%dma_start3A_324] : memref<2560xi32, #tpu.memory_space<vmem>> -> memref<128xi32, #tpu.memory_space<vmem>>
      %dma_start3A_326 = arith.constant 0 : i32
      %dma_start3A_327 = arith.constant 0 : i32
      %dma_start3A_328 = tpu.memref_slice %arg2[%dma_start3A_326, %dma_start3A_327] : memref<100000x16xf32, #tpu.memory_space<hbm>> -> memref<100000x16xf32, #tpu.memory_space<hbm>>
      tpu.enqueue_indirect_dma source(%dma_start3A_328 : memref<100000x16xf32, #tpu.memory_space<hbm>>) target(%dma_start3A_323 : memref<128x16xf32, #tpu.memory_space<vmem>>) offsets(%dma_start3A_325 : memref<128xi32, #tpu.memory_space<vmem>>) semaphore(%arg12 : memref<!tpu.dma_semaphore, #tpu.memory_space<semaphore_mem>>)
      %dma_start3A_329 = arith.constant 2432 : i32
      %dma_start3A_330 = arith.constant 0 : i32
      %dma_start3A_331 = tpu.memref_slice %arg10[%dma_start3A_329, %dma_start3A_330] : memref<2560x16xf32, #tpu.memory_space<vmem>> -> memref<128x16xf32, #tpu.memory_space<vmem>>
      %dma_start3A_332 = arith.constant 2432 : i32
      %dma_start3A_333 = tpu.memref_slice %arg8[%dma_start3A_332] : memref<2560xi32, #tpu.memory_space<vmem>> -> memref<128xi32, #tpu.memory_space<vmem>>
      %dma_start3A_334 = arith.constant 0 : i32
      %dma_start3A_335 = arith.constant 0 : i32
      %dma_start3A_336 = tpu.memref_slice %arg2[%dma_start3A_334, %dma_start3A_335] : memref<100000x16xf32, #tpu.memory_space<hbm>> -> memref<100000x16xf32, #tpu.memory_space<hbm>>
      tpu.enqueue_indirect_dma source(%dma_start3A_336 : memref<100000x16xf32, #tpu.memory_space<hbm>>) target(%dma_start3A_331 : memref<128x16xf32, #tpu.memory_space<vmem>>) offsets(%dma_start3A_333 : memref<128xi32, #tpu.memory_space<vmem>>) semaphore(%arg12 : memref<!tpu.dma_semaphore, #tpu.memory_space<semaphore_mem>>)
      %dma_wait3A = arith.constant 0 : i32
      %dma_wait3A_337 = arith.constant 0 : i32
      %dma_wait3A_338 = tpu.memref_slice %arg9[%dma_wait3A, %dma_wait3A_337] : memref<2560x16xf32, #tpu.memory_space<vmem>> -> memref<128x16xf32, #tpu.memory_space<vmem>>
      %dma_wait3A_339 = arith.constant 0 : i32
      %dma_wait3A_340 = tpu.memref_slice %arg7[%dma_wait3A_339] : memref<2560xi32, #tpu.memory_space<vmem>> -> memref<128xi32, #tpu.memory_space<vmem>>
      %dma_wait3A_341 = arith.constant 0 : i32
      %dma_wait3A_342 = arith.constant 0 : i32
      %dma_wait3A_343 = tpu.memref_slice %arg2[%dma_wait3A_341, %dma_wait3A_342] : memref<100000x16xf32, #tpu.memory_space<hbm>> -> memref<100000x16xf32, #tpu.memory_space<hbm>>
      tpu.wait_indirect_dma semaphore(%arg11 : memref<!tpu.dma_semaphore, #tpu.memory_space<semaphore_mem>>) src(%dma_wait3A_343 : memref<100000x16xf32, #tpu.memory_space<hbm>>) dst(%dma_wait3A_338 : memref<128x16xf32, #tpu.memory_space<vmem>>)
      %dma_wait3A_344 = arith.constant 128 : i32
      %dma_wait3A_345 = arith.constant 0 : i32
      %dma_wait3A_346 = tpu.memref_slice %arg9[%dma_wait3A_344, %dma_wait3A_345] : memref<2560x16xf32, #tpu.memory_space<vmem>> -> memref<128x16xf32, #tpu.memory_space<vmem>>
      %dma_wait3A_347 = arith.constant 128 : i32
      %dma_wait3A_348 = tpu.memref_slice %arg7[%dma_wait3A_347] : memref<2560xi32, #tpu.memory_space<vmem>> -> memref<128xi32, #tpu.memory_space<vmem>>
      %dma_wait3A_349 = arith.constant 0 : i32
      %dma_wait3A_350 = arith.constant 0 : i32
      %dma_wait3A_351 = tpu.memref_slice %arg2[%dma_wait3A_349, %dma_wait3A_350] : memref<100000x16xf32, #tpu.memory_space<hbm>> -> memref<100000x16xf32, #tpu.memory_space<hbm>>
      tpu.wait_indirect_dma semaphore(%arg11 : memref<!tpu.dma_semaphore, #tpu.memory_space<semaphore_mem>>) src(%dma_wait3A_351 : memref<100000x16xf32, #tpu.memory_space<hbm>>) dst(%dma_wait3A_346 : memref<128x16xf32, #tpu.memory_space<vmem>>)
      %dma_wait3A_352 = arith.constant 256 : i32
      %dma_wait3A_353 = arith.constant 0 : i32
      %dma_wait3A_354 = tpu.memref_slice %arg9[%dma_wait3A_352, %dma_wait3A_353] : memref<2560x16xf32, #tpu.memory_space<vmem>> -> memref<128x16xf32, #tpu.memory_space<vmem>>
      %dma_wait3A_355 = arith.constant 256 : i32
      %dma_wait3A_356 = tpu.memref_slice %arg7[%dma_wait3A_355] : memref<2560xi32, #tpu.memory_space<vmem>> -> memref<128xi32, #tpu.memory_space<vmem>>
      %dma_wait3A_357 = arith.constant 0 : i32
      %dma_wait3A_358 = arith.constant 0 : i32
      %dma_wait3A_359 = tpu.memref_slice %arg2[%dma_wait3A_357, %dma_wait3A_358] : memref<100000x16xf32, #tpu.memory_space<hbm>> -> memref<100000x16xf32, #tpu.memory_space<hbm>>
      tpu.wait_indirect_dma semaphore(%arg11 : memref<!tpu.dma_semaphore, #tpu.memory_space<semaphore_mem>>) src(%dma_wait3A_359 : memref<100000x16xf32, #tpu.memory_space<hbm>>) dst(%dma_wait3A_354 : memref<128x16xf32, #tpu.memory_space<vmem>>)
      %dma_wait3A_360 = arith.constant 384 : i32
      %dma_wait3A_361 = arith.constant 0 : i32
      %dma_wait3A_362 = tpu.memref_slice %arg9[%dma_wait3A_360, %dma_wait3A_361] : memref<2560x16xf32, #tpu.memory_space<vmem>> -> memref<128x16xf32, #tpu.memory_space<vmem>>
      %dma_wait3A_363 = arith.constant 384 : i32
      %dma_wait3A_364 = tpu.memref_slice %arg7[%dma_wait3A_363] : memref<2560xi32, #tpu.memory_space<vmem>> -> memref<128xi32, #tpu.memory_space<vmem>>
      %dma_wait3A_365 = arith.constant 0 : i32
      %dma_wait3A_366 = arith.constant 0 : i32
      %dma_wait3A_367 = tpu.memref_slice %arg2[%dma_wait3A_365, %dma_wait3A_366] : memref<100000x16xf32, #tpu.memory_space<hbm>> -> memref<100000x16xf32, #tpu.memory_space<hbm>>
      tpu.wait_indirect_dma semaphore(%arg11 : memref<!tpu.dma_semaphore, #tpu.memory_space<semaphore_mem>>) src(%dma_wait3A_367 : memref<100000x16xf32, #tpu.memory_space<hbm>>) dst(%dma_wait3A_362 : memref<128x16xf32, #tpu.memory_space<vmem>>)
      %dma_wait3A_368 = arith.constant 512 : i32
      %dma_wait3A_369 = arith.constant 0 : i32
      %dma_wait3A_370 = tpu.memref_slice %arg9[%dma_wait3A_368, %dma_wait3A_369] : memref<2560x16xf32, #tpu.memory_space<vmem>> -> memref<128x16xf32, #tpu.memory_space<vmem>>
      %dma_wait3A_371 = arith.constant 512 : i32
      %dma_wait3A_372 = tpu.memref_slice %arg7[%dma_wait3A_371] : memref<2560xi32, #tpu.memory_space<vmem>> -> memref<128xi32, #tpu.memory_space<vmem>>
      %dma_wait3A_373 = arith.constant 0 : i32
      %dma_wait3A_374 = arith.constant 0 : i32
      %dma_wait3A_375 = tpu.memref_slice %arg2[%dma_wait3A_373, %dma_wait3A_374] : memref<100000x16xf32, #tpu.memory_space<hbm>> -> memref<100000x16xf32, #tpu.memory_space<hbm>>
      tpu.wait_indirect_dma semaphore(%arg11 : memref<!tpu.dma_semaphore, #tpu.memory_space<semaphore_mem>>) src(%dma_wait3A_375 : memref<100000x16xf32, #tpu.memory_space<hbm>>) dst(%dma_wait3A_370 : memref<128x16xf32, #tpu.memory_space<vmem>>)
      %dma_wait3A_376 = arith.constant 640 : i32
      %dma_wait3A_377 = arith.constant 0 : i32
      %dma_wait3A_378 = tpu.memref_slice %arg9[%dma_wait3A_376, %dma_wait3A_377] : memref<2560x16xf32, #tpu.memory_space<vmem>> -> memref<128x16xf32, #tpu.memory_space<vmem>>
      %dma_wait3A_379 = arith.constant 640 : i32
      %dma_wait3A_380 = tpu.memref_slice %arg7[%dma_wait3A_379] : memref<2560xi32, #tpu.memory_space<vmem>> -> memref<128xi32, #tpu.memory_space<vmem>>
      %dma_wait3A_381 = arith.constant 0 : i32
      %dma_wait3A_382 = arith.constant 0 : i32
      %dma_wait3A_383 = tpu.memref_slice %arg2[%dma_wait3A_381, %dma_wait3A_382] : memref<100000x16xf32, #tpu.memory_space<hbm>> -> memref<100000x16xf32, #tpu.memory_space<hbm>>
      tpu.wait_indirect_dma semaphore(%arg11 : memref<!tpu.dma_semaphore, #tpu.memory_space<semaphore_mem>>) src(%dma_wait3A_383 : memref<100000x16xf32, #tpu.memory_space<hbm>>) dst(%dma_wait3A_378 : memref<128x16xf32, #tpu.memory_space<vmem>>)
      %dma_wait3A_384 = arith.constant 768 : i32
      %dma_wait3A_385 = arith.constant 0 : i32
      %dma_wait3A_386 = tpu.memref_slice %arg9[%dma_wait3A_384, %dma_wait3A_385] : memref<2560x16xf32, #tpu.memory_space<vmem>> -> memref<128x16xf32, #tpu.memory_space<vmem>>
      %dma_wait3A_387 = arith.constant 768 : i32
      %dma_wait3A_388 = tpu.memref_slice %arg7[%dma_wait3A_387] : memref<2560xi32, #tpu.memory_space<vmem>> -> memref<128xi32, #tpu.memory_space<vmem>>
      %dma_wait3A_389 = arith.constant 0 : i32
      %dma_wait3A_390 = arith.constant 0 : i32
      %dma_wait3A_391 = tpu.memref_slice %arg2[%dma_wait3A_389, %dma_wait3A_390] : memref<100000x16xf32, #tpu.memory_space<hbm>> -> memref<100000x16xf32, #tpu.memory_space<hbm>>
      tpu.wait_indirect_dma semaphore(%arg11 : memref<!tpu.dma_semaphore, #tpu.memory_space<semaphore_mem>>) src(%dma_wait3A_391 : memref<100000x16xf32, #tpu.memory_space<hbm>>) dst(%dma_wait3A_386 : memref<128x16xf32, #tpu.memory_space<vmem>>)
      %dma_wait3A_392 = arith.constant 896 : i32
      %dma_wait3A_393 = arith.constant 0 : i32
      %dma_wait3A_394 = tpu.memref_slice %arg9[%dma_wait3A_392, %dma_wait3A_393] : memref<2560x16xf32, #tpu.memory_space<vmem>> -> memref<128x16xf32, #tpu.memory_space<vmem>>
      %dma_wait3A_395 = arith.constant 896 : i32
      %dma_wait3A_396 = tpu.memref_slice %arg7[%dma_wait3A_395] : memref<2560xi32, #tpu.memory_space<vmem>> -> memref<128xi32, #tpu.memory_space<vmem>>
      %dma_wait3A_397 = arith.constant 0 : i32
      %dma_wait3A_398 = arith.constant 0 : i32
      %dma_wait3A_399 = tpu.memref_slice %arg2[%dma_wait3A_397, %dma_wait3A_398] : memref<100000x16xf32, #tpu.memory_space<hbm>> -> memref<100000x16xf32, #tpu.memory_space<hbm>>
      tpu.wait_indirect_dma semaphore(%arg11 : memref<!tpu.dma_semaphore, #tpu.memory_space<semaphore_mem>>) src(%dma_wait3A_399 : memref<100000x16xf32, #tpu.memory_space<hbm>>) dst(%dma_wait3A_394 : memref<128x16xf32, #tpu.memory_space<vmem>>)
      %dma_wait3A_400 = arith.constant 1024 : i32
      %dma_wait3A_401 = arith.constant 0 : i32
      %dma_wait3A_402 = tpu.memref_slice %arg9[%dma_wait3A_400, %dma_wait3A_401] : memref<2560x16xf32, #tpu.memory_space<vmem>> -> memref<128x16xf32, #tpu.memory_space<vmem>>
      %dma_wait3A_403 = arith.constant 1024 : i32
      %dma_wait3A_404 = tpu.memref_slice %arg7[%dma_wait3A_403] : memref<2560xi32, #tpu.memory_space<vmem>> -> memref<128xi32, #tpu.memory_space<vmem>>
      %dma_wait3A_405 = arith.constant 0 : i32
      %dma_wait3A_406 = arith.constant 0 : i32
      %dma_wait3A_407 = tpu.memref_slice %arg2[%dma_wait3A_405, %dma_wait3A_406] : memref<100000x16xf32, #tpu.memory_space<hbm>> -> memref<100000x16xf32, #tpu.memory_space<hbm>>
      tpu.wait_indirect_dma semaphore(%arg11 : memref<!tpu.dma_semaphore, #tpu.memory_space<semaphore_mem>>) src(%dma_wait3A_407 : memref<100000x16xf32, #tpu.memory_space<hbm>>) dst(%dma_wait3A_402 : memref<128x16xf32, #tpu.memory_space<vmem>>)
      %dma_wait3A_408 = arith.constant 1152 : i32
      %dma_wait3A_409 = arith.constant 0 : i32
      %dma_wait3A_410 = tpu.memref_slice %arg9[%dma_wait3A_408, %dma_wait3A_409] : memref<2560x16xf32, #tpu.memory_space<vmem>> -> memref<128x16xf32, #tpu.memory_space<vmem>>
      %dma_wait3A_411 = arith.constant 1152 : i32
      %dma_wait3A_412 = tpu.memref_slice %arg7[%dma_wait3A_411] : memref<2560xi32, #tpu.memory_space<vmem>> -> memref<128xi32, #tpu.memory_space<vmem>>
      %dma_wait3A_413 = arith.constant 0 : i32
      %dma_wait3A_414 = arith.constant 0 : i32
      %dma_wait3A_415 = tpu.memref_slice %arg2[%dma_wait3A_413, %dma_wait3A_414] : memref<100000x16xf32, #tpu.memory_space<hbm>> -> memref<100000x16xf32, #tpu.memory_space<hbm>>
      tpu.wait_indirect_dma semaphore(%arg11 : memref<!tpu.dma_semaphore, #tpu.memory_space<semaphore_mem>>) src(%dma_wait3A_415 : memref<100000x16xf32, #tpu.memory_space<hbm>>) dst(%dma_wait3A_410 : memref<128x16xf32, #tpu.memory_space<vmem>>)
      %dma_wait3A_416 = arith.constant 1280 : i32
      %dma_wait3A_417 = arith.constant 0 : i32
      %dma_wait3A_418 = tpu.memref_slice %arg9[%dma_wait3A_416, %dma_wait3A_417] : memref<2560x16xf32, #tpu.memory_space<vmem>> -> memref<128x16xf32, #tpu.memory_space<vmem>>
      %dma_wait3A_419 = arith.constant 1280 : i32
      %dma_wait3A_420 = tpu.memref_slice %arg7[%dma_wait3A_419] : memref<2560xi32, #tpu.memory_space<vmem>> -> memref<128xi32, #tpu.memory_space<vmem>>
      %dma_wait3A_421 = arith.constant 0 : i32
      %dma_wait3A_422 = arith.constant 0 : i32
      %dma_wait3A_423 = tpu.memref_slice %arg2[%dma_wait3A_421, %dma_wait3A_422] : memref<100000x16xf32, #tpu.memory_space<hbm>> -> memref<100000x16xf32, #tpu.memory_space<hbm>>
      tpu.wait_indirect_dma semaphore(%arg11 : memref<!tpu.dma_semaphore, #tpu.memory_space<semaphore_mem>>) src(%dma_wait3A_423 : memref<100000x16xf32, #tpu.memory_space<hbm>>) dst(%dma_wait3A_418 : memref<128x16xf32, #tpu.memory_space<vmem>>)
      %dma_wait3A_424 = arith.constant 1408 : i32
      %dma_wait3A_425 = arith.constant 0 : i32
      %dma_wait3A_426 = tpu.memref_slice %arg9[%dma_wait3A_424, %dma_wait3A_425] : memref<2560x16xf32, #tpu.memory_space<vmem>> -> memref<128x16xf32, #tpu.memory_space<vmem>>
      %dma_wait3A_427 = arith.constant 1408 : i32
      %dma_wait3A_428 = tpu.memref_slice %arg7[%dma_wait3A_427] : memref<2560xi32, #tpu.memory_space<vmem>> -> memref<128xi32, #tpu.memory_space<vmem>>
      %dma_wait3A_429 = arith.constant 0 : i32
      %dma_wait3A_430 = arith.constant 0 : i32
      %dma_wait3A_431 = tpu.memref_slice %arg2[%dma_wait3A_429, %dma_wait3A_430] : memref<100000x16xf32, #tpu.memory_space<hbm>> -> memref<100000x16xf32, #tpu.memory_space<hbm>>
      tpu.wait_indirect_dma semaphore(%arg11 : memref<!tpu.dma_semaphore, #tpu.memory_space<semaphore_mem>>) src(%dma_wait3A_431 : memref<100000x16xf32, #tpu.memory_space<hbm>>) dst(%dma_wait3A_426 : memref<128x16xf32, #tpu.memory_space<vmem>>)
      %dma_wait3A_432 = arith.constant 1536 : i32
      %dma_wait3A_433 = arith.constant 0 : i32
      %dma_wait3A_434 = tpu.memref_slice %arg9[%dma_wait3A_432, %dma_wait3A_433] : memref<2560x16xf32, #tpu.memory_space<vmem>> -> memref<128x16xf32, #tpu.memory_space<vmem>>
      %dma_wait3A_435 = arith.constant 1536 : i32
      %dma_wait3A_436 = tpu.memref_slice %arg7[%dma_wait3A_435] : memref<2560xi32, #tpu.memory_space<vmem>> -> memref<128xi32, #tpu.memory_space<vmem>>
      %dma_wait3A_437 = arith.constant 0 : i32
      %dma_wait3A_438 = arith.constant 0 : i32
      %dma_wait3A_439 = tpu.memref_slice %arg2[%dma_wait3A_437, %dma_wait3A_438] : memref<100000x16xf32, #tpu.memory_space<hbm>> -> memref<100000x16xf32, #tpu.memory_space<hbm>>
      tpu.wait_indirect_dma semaphore(%arg11 : memref<!tpu.dma_semaphore, #tpu.memory_space<semaphore_mem>>) src(%dma_wait3A_439 : memref<100000x16xf32, #tpu.memory_space<hbm>>) dst(%dma_wait3A_434 : memref<128x16xf32, #tpu.memory_space<vmem>>)
      %dma_wait3A_440 = arith.constant 1664 : i32
      %dma_wait3A_441 = arith.constant 0 : i32
      %dma_wait3A_442 = tpu.memref_slice %arg9[%dma_wait3A_440, %dma_wait3A_441] : memref<2560x16xf32, #tpu.memory_space<vmem>> -> memref<128x16xf32, #tpu.memory_space<vmem>>
      %dma_wait3A_443 = arith.constant 1664 : i32
      %dma_wait3A_444 = tpu.memref_slice %arg7[%dma_wait3A_443] : memref<2560xi32, #tpu.memory_space<vmem>> -> memref<128xi32, #tpu.memory_space<vmem>>
      %dma_wait3A_445 = arith.constant 0 : i32
      %dma_wait3A_446 = arith.constant 0 : i32
      %dma_wait3A_447 = tpu.memref_slice %arg2[%dma_wait3A_445, %dma_wait3A_446] : memref<100000x16xf32, #tpu.memory_space<hbm>> -> memref<100000x16xf32, #tpu.memory_space<hbm>>
      tpu.wait_indirect_dma semaphore(%arg11 : memref<!tpu.dma_semaphore, #tpu.memory_space<semaphore_mem>>) src(%dma_wait3A_447 : memref<100000x16xf32, #tpu.memory_space<hbm>>) dst(%dma_wait3A_442 : memref<128x16xf32, #tpu.memory_space<vmem>>)
      %dma_wait3A_448 = arith.constant 1792 : i32
      %dma_wait3A_449 = arith.constant 0 : i32
      %dma_wait3A_450 = tpu.memref_slice %arg9[%dma_wait3A_448, %dma_wait3A_449] : memref<2560x16xf32, #tpu.memory_space<vmem>> -> memref<128x16xf32, #tpu.memory_space<vmem>>
      %dma_wait3A_451 = arith.constant 1792 : i32
      %dma_wait3A_452 = tpu.memref_slice %arg7[%dma_wait3A_451] : memref<2560xi32, #tpu.memory_space<vmem>> -> memref<128xi32, #tpu.memory_space<vmem>>
      %dma_wait3A_453 = arith.constant 0 : i32
      %dma_wait3A_454 = arith.constant 0 : i32
      %dma_wait3A_455 = tpu.memref_slice %arg2[%dma_wait3A_453, %dma_wait3A_454] : memref<100000x16xf32, #tpu.memory_space<hbm>> -> memref<100000x16xf32, #tpu.memory_space<hbm>>
      tpu.wait_indirect_dma semaphore(%arg11 : memref<!tpu.dma_semaphore, #tpu.memory_space<semaphore_mem>>) src(%dma_wait3A_455 : memref<100000x16xf32, #tpu.memory_space<hbm>>) dst(%dma_wait3A_450 : memref<128x16xf32, #tpu.memory_space<vmem>>)
      %dma_wait3A_456 = arith.constant 1920 : i32
      %dma_wait3A_457 = arith.constant 0 : i32
      %dma_wait3A_458 = tpu.memref_slice %arg9[%dma_wait3A_456, %dma_wait3A_457] : memref<2560x16xf32, #tpu.memory_space<vmem>> -> memref<128x16xf32, #tpu.memory_space<vmem>>
      %dma_wait3A_459 = arith.constant 1920 : i32
      %dma_wait3A_460 = tpu.memref_slice %arg7[%dma_wait3A_459] : memref<2560xi32, #tpu.memory_space<vmem>> -> memref<128xi32, #tpu.memory_space<vmem>>
      %dma_wait3A_461 = arith.constant 0 : i32
      %dma_wait3A_462 = arith.constant 0 : i32
      %dma_wait3A_463 = tpu.memref_slice %arg2[%dma_wait3A_461, %dma_wait3A_462] : memref<100000x16xf32, #tpu.memory_space<hbm>> -> memref<100000x16xf32, #tpu.memory_space<hbm>>
      tpu.wait_indirect_dma semaphore(%arg11 : memref<!tpu.dma_semaphore, #tpu.memory_space<semaphore_mem>>) src(%dma_wait3A_463 : memref<100000x16xf32, #tpu.memory_space<hbm>>) dst(%dma_wait3A_458 : memref<128x16xf32, #tpu.memory_space<vmem>>)
      %dma_wait3A_464 = arith.constant 2048 : i32
      %dma_wait3A_465 = arith.constant 0 : i32
      %dma_wait3A_466 = tpu.memref_slice %arg9[%dma_wait3A_464, %dma_wait3A_465] : memref<2560x16xf32, #tpu.memory_space<vmem>> -> memref<128x16xf32, #tpu.memory_space<vmem>>
      %dma_wait3A_467 = arith.constant 2048 : i32
      %dma_wait3A_468 = tpu.memref_slice %arg7[%dma_wait3A_467] : memref<2560xi32, #tpu.memory_space<vmem>> -> memref<128xi32, #tpu.memory_space<vmem>>
      %dma_wait3A_469 = arith.constant 0 : i32
      %dma_wait3A_470 = arith.constant 0 : i32
      %dma_wait3A_471 = tpu.memref_slice %arg2[%dma_wait3A_469, %dma_wait3A_470] : memref<100000x16xf32, #tpu.memory_space<hbm>> -> memref<100000x16xf32, #tpu.memory_space<hbm>>
      tpu.wait_indirect_dma semaphore(%arg11 : memref<!tpu.dma_semaphore, #tpu.memory_space<semaphore_mem>>) src(%dma_wait3A_471 : memref<100000x16xf32, #tpu.memory_space<hbm>>) dst(%dma_wait3A_466 : memref<128x16xf32, #tpu.memory_space<vmem>>)
      %dma_wait3A_472 = arith.constant 2176 : i32
      %dma_wait3A_473 = arith.constant 0 : i32
      %dma_wait3A_474 = tpu.memref_slice %arg9[%dma_wait3A_472, %dma_wait3A_473] : memref<2560x16xf32, #tpu.memory_space<vmem>> -> memref<128x16xf32, #tpu.memory_space<vmem>>
      %dma_wait3A_475 = arith.constant 2176 : i32
      %dma_wait3A_476 = tpu.memref_slice %arg7[%dma_wait3A_475] : memref<2560xi32, #tpu.memory_space<vmem>> -> memref<128xi32, #tpu.memory_space<vmem>>
      %dma_wait3A_477 = arith.constant 0 : i32
      %dma_wait3A_478 = arith.constant 0 : i32
      %dma_wait3A_479 = tpu.memref_slice %arg2[%dma_wait3A_477, %dma_wait3A_478] : memref<100000x16xf32, #tpu.memory_space<hbm>> -> memref<100000x16xf32, #tpu.memory_space<hbm>>
      tpu.wait_indirect_dma semaphore(%arg11 : memref<!tpu.dma_semaphore, #tpu.memory_space<semaphore_mem>>) src(%dma_wait3A_479 : memref<100000x16xf32, #tpu.memory_space<hbm>>) dst(%dma_wait3A_474 : memref<128x16xf32, #tpu.memory_space<vmem>>)
      %dma_wait3A_480 = arith.constant 2304 : i32
      %dma_wait3A_481 = arith.constant 0 : i32
      %dma_wait3A_482 = tpu.memref_slice %arg9[%dma_wait3A_480, %dma_wait3A_481] : memref<2560x16xf32, #tpu.memory_space<vmem>> -> memref<128x16xf32, #tpu.memory_space<vmem>>
      %dma_wait3A_483 = arith.constant 2304 : i32
      %dma_wait3A_484 = tpu.memref_slice %arg7[%dma_wait3A_483] : memref<2560xi32, #tpu.memory_space<vmem>> -> memref<128xi32, #tpu.memory_space<vmem>>
      %dma_wait3A_485 = arith.constant 0 : i32
      %dma_wait3A_486 = arith.constant 0 : i32
      %dma_wait3A_487 = tpu.memref_slice %arg2[%dma_wait3A_485, %dma_wait3A_486] : memref<100000x16xf32, #tpu.memory_space<hbm>> -> memref<100000x16xf32, #tpu.memory_space<hbm>>
      tpu.wait_indirect_dma semaphore(%arg11 : memref<!tpu.dma_semaphore, #tpu.memory_space<semaphore_mem>>) src(%dma_wait3A_487 : memref<100000x16xf32, #tpu.memory_space<hbm>>) dst(%dma_wait3A_482 : memref<128x16xf32, #tpu.memory_space<vmem>>)
      %dma_wait3A_488 = arith.constant 2432 : i32
      %dma_wait3A_489 = arith.constant 0 : i32
      %dma_wait3A_490 = tpu.memref_slice %arg9[%dma_wait3A_488, %dma_wait3A_489] : memref<2560x16xf32, #tpu.memory_space<vmem>> -> memref<128x16xf32, #tpu.memory_space<vmem>>
      %dma_wait3A_491 = arith.constant 2432 : i32
      %dma_wait3A_492 = tpu.memref_slice %arg7[%dma_wait3A_491] : memref<2560xi32, #tpu.memory_space<vmem>> -> memref<128xi32, #tpu.memory_space<vmem>>
      %dma_wait3A_493 = arith.constant 0 : i32
      %dma_wait3A_494 = arith.constant 0 : i32
      %dma_wait3A_495 = tpu.memref_slice %arg2[%dma_wait3A_493, %dma_wait3A_494] : memref<100000x16xf32, #tpu.memory_space<hbm>> -> memref<100000x16xf32, #tpu.memory_space<hbm>>
      tpu.wait_indirect_dma semaphore(%arg11 : memref<!tpu.dma_semaphore, #tpu.memory_space<semaphore_mem>>) src(%dma_wait3A_495 : memref<100000x16xf32, #tpu.memory_space<hbm>>) dst(%dma_wait3A_490 : memref<128x16xf32, #tpu.memory_space<vmem>>)
      %dma_wait3A_496 = arith.constant 0 : i32
      %dma_wait3A_497 = arith.constant 0 : i32
      %dma_wait3A_498 = tpu.memref_slice %arg10[%dma_wait3A_496, %dma_wait3A_497] : memref<2560x16xf32, #tpu.memory_space<vmem>> -> memref<128x16xf32, #tpu.memory_space<vmem>>
      %dma_wait3A_499 = arith.constant 0 : i32
      %dma_wait3A_500 = tpu.memref_slice %arg8[%dma_wait3A_499] : memref<2560xi32, #tpu.memory_space<vmem>> -> memref<128xi32, #tpu.memory_space<vmem>>
      %dma_wait3A_501 = arith.constant 0 : i32
      %dma_wait3A_502 = arith.constant 0 : i32
      %dma_wait3A_503 = tpu.memref_slice %arg2[%dma_wait3A_501, %dma_wait3A_502] : memref<100000x16xf32, #tpu.memory_space<hbm>> -> memref<100000x16xf32, #tpu.memory_space<hbm>>
      tpu.wait_indirect_dma semaphore(%arg12 : memref<!tpu.dma_semaphore, #tpu.memory_space<semaphore_mem>>) src(%dma_wait3A_503 : memref<100000x16xf32, #tpu.memory_space<hbm>>) dst(%dma_wait3A_498 : memref<128x16xf32, #tpu.memory_space<vmem>>)
      %dma_wait3A_504 = arith.constant 128 : i32
      %dma_wait3A_505 = arith.constant 0 : i32
      %dma_wait3A_506 = tpu.memref_slice %arg10[%dma_wait3A_504, %dma_wait3A_505] : memref<2560x16xf32, #tpu.memory_space<vmem>> -> memref<128x16xf32, #tpu.memory_space<vmem>>
      %dma_wait3A_507 = arith.constant 128 : i32
      %dma_wait3A_508 = tpu.memref_slice %arg8[%dma_wait3A_507] : memref<2560xi32, #tpu.memory_space<vmem>> -> memref<128xi32, #tpu.memory_space<vmem>>
      %dma_wait3A_509 = arith.constant 0 : i32
      %dma_wait3A_510 = arith.constant 0 : i32
      %dma_wait3A_511 = tpu.memref_slice %arg2[%dma_wait3A_509, %dma_wait3A_510] : memref<100000x16xf32, #tpu.memory_space<hbm>> -> memref<100000x16xf32, #tpu.memory_space<hbm>>
      tpu.wait_indirect_dma semaphore(%arg12 : memref<!tpu.dma_semaphore, #tpu.memory_space<semaphore_mem>>) src(%dma_wait3A_511 : memref<100000x16xf32, #tpu.memory_space<hbm>>) dst(%dma_wait3A_506 : memref<128x16xf32, #tpu.memory_space<vmem>>)
      %dma_wait3A_512 = arith.constant 256 : i32
      %dma_wait3A_513 = arith.constant 0 : i32
      %dma_wait3A_514 = tpu.memref_slice %arg10[%dma_wait3A_512, %dma_wait3A_513] : memref<2560x16xf32, #tpu.memory_space<vmem>> -> memref<128x16xf32, #tpu.memory_space<vmem>>
      %dma_wait3A_515 = arith.constant 256 : i32
      %dma_wait3A_516 = tpu.memref_slice %arg8[%dma_wait3A_515] : memref<2560xi32, #tpu.memory_space<vmem>> -> memref<128xi32, #tpu.memory_space<vmem>>
      %dma_wait3A_517 = arith.constant 0 : i32
      %dma_wait3A_518 = arith.constant 0 : i32
      %dma_wait3A_519 = tpu.memref_slice %arg2[%dma_wait3A_517, %dma_wait3A_518] : memref<100000x16xf32, #tpu.memory_space<hbm>> -> memref<100000x16xf32, #tpu.memory_space<hbm>>
      tpu.wait_indirect_dma semaphore(%arg12 : memref<!tpu.dma_semaphore, #tpu.memory_space<semaphore_mem>>) src(%dma_wait3A_519 : memref<100000x16xf32, #tpu.memory_space<hbm>>) dst(%dma_wait3A_514 : memref<128x16xf32, #tpu.memory_space<vmem>>)
      %dma_wait3A_520 = arith.constant 384 : i32
      %dma_wait3A_521 = arith.constant 0 : i32
      %dma_wait3A_522 = tpu.memref_slice %arg10[%dma_wait3A_520, %dma_wait3A_521] : memref<2560x16xf32, #tpu.memory_space<vmem>> -> memref<128x16xf32, #tpu.memory_space<vmem>>
      %dma_wait3A_523 = arith.constant 384 : i32
      %dma_wait3A_524 = tpu.memref_slice %arg8[%dma_wait3A_523] : memref<2560xi32, #tpu.memory_space<vmem>> -> memref<128xi32, #tpu.memory_space<vmem>>
      %dma_wait3A_525 = arith.constant 0 : i32
      %dma_wait3A_526 = arith.constant 0 : i32
      %dma_wait3A_527 = tpu.memref_slice %arg2[%dma_wait3A_525, %dma_wait3A_526] : memref<100000x16xf32, #tpu.memory_space<hbm>> -> memref<100000x16xf32, #tpu.memory_space<hbm>>
      tpu.wait_indirect_dma semaphore(%arg12 : memref<!tpu.dma_semaphore, #tpu.memory_space<semaphore_mem>>) src(%dma_wait3A_527 : memref<100000x16xf32, #tpu.memory_space<hbm>>) dst(%dma_wait3A_522 : memref<128x16xf32, #tpu.memory_space<vmem>>)
      %dma_wait3A_528 = arith.constant 512 : i32
      %dma_wait3A_529 = arith.constant 0 : i32
      %dma_wait3A_530 = tpu.memref_slice %arg10[%dma_wait3A_528, %dma_wait3A_529] : memref<2560x16xf32, #tpu.memory_space<vmem>> -> memref<128x16xf32, #tpu.memory_space<vmem>>
      %dma_wait3A_531 = arith.constant 512 : i32
      %dma_wait3A_532 = tpu.memref_slice %arg8[%dma_wait3A_531] : memref<2560xi32, #tpu.memory_space<vmem>> -> memref<128xi32, #tpu.memory_space<vmem>>
      %dma_wait3A_533 = arith.constant 0 : i32
      %dma_wait3A_534 = arith.constant 0 : i32
      %dma_wait3A_535 = tpu.memref_slice %arg2[%dma_wait3A_533, %dma_wait3A_534] : memref<100000x16xf32, #tpu.memory_space<hbm>> -> memref<100000x16xf32, #tpu.memory_space<hbm>>
      tpu.wait_indirect_dma semaphore(%arg12 : memref<!tpu.dma_semaphore, #tpu.memory_space<semaphore_mem>>) src(%dma_wait3A_535 : memref<100000x16xf32, #tpu.memory_space<hbm>>) dst(%dma_wait3A_530 : memref<128x16xf32, #tpu.memory_space<vmem>>)
      %dma_wait3A_536 = arith.constant 640 : i32
      %dma_wait3A_537 = arith.constant 0 : i32
      %dma_wait3A_538 = tpu.memref_slice %arg10[%dma_wait3A_536, %dma_wait3A_537] : memref<2560x16xf32, #tpu.memory_space<vmem>> -> memref<128x16xf32, #tpu.memory_space<vmem>>
      %dma_wait3A_539 = arith.constant 640 : i32
      %dma_wait3A_540 = tpu.memref_slice %arg8[%dma_wait3A_539] : memref<2560xi32, #tpu.memory_space<vmem>> -> memref<128xi32, #tpu.memory_space<vmem>>
      %dma_wait3A_541 = arith.constant 0 : i32
      %dma_wait3A_542 = arith.constant 0 : i32
      %dma_wait3A_543 = tpu.memref_slice %arg2[%dma_wait3A_541, %dma_wait3A_542] : memref<100000x16xf32, #tpu.memory_space<hbm>> -> memref<100000x16xf32, #tpu.memory_space<hbm>>
      tpu.wait_indirect_dma semaphore(%arg12 : memref<!tpu.dma_semaphore, #tpu.memory_space<semaphore_mem>>) src(%dma_wait3A_543 : memref<100000x16xf32, #tpu.memory_space<hbm>>) dst(%dma_wait3A_538 : memref<128x16xf32, #tpu.memory_space<vmem>>)
      %dma_wait3A_544 = arith.constant 768 : i32
      %dma_wait3A_545 = arith.constant 0 : i32
      %dma_wait3A_546 = tpu.memref_slice %arg10[%dma_wait3A_544, %dma_wait3A_545] : memref<2560x16xf32, #tpu.memory_space<vmem>> -> memref<128x16xf32, #tpu.memory_space<vmem>>
      %dma_wait3A_547 = arith.constant 768 : i32
      %dma_wait3A_548 = tpu.memref_slice %arg8[%dma_wait3A_547] : memref<2560xi32, #tpu.memory_space<vmem>> -> memref<128xi32, #tpu.memory_space<vmem>>
      %dma_wait3A_549 = arith.constant 0 : i32
      %dma_wait3A_550 = arith.constant 0 : i32
      %dma_wait3A_551 = tpu.memref_slice %arg2[%dma_wait3A_549, %dma_wait3A_550] : memref<100000x16xf32, #tpu.memory_space<hbm>> -> memref<100000x16xf32, #tpu.memory_space<hbm>>
      tpu.wait_indirect_dma semaphore(%arg12 : memref<!tpu.dma_semaphore, #tpu.memory_space<semaphore_mem>>) src(%dma_wait3A_551 : memref<100000x16xf32, #tpu.memory_space<hbm>>) dst(%dma_wait3A_546 : memref<128x16xf32, #tpu.memory_space<vmem>>)
      %dma_wait3A_552 = arith.constant 896 : i32
      %dma_wait3A_553 = arith.constant 0 : i32
      %dma_wait3A_554 = tpu.memref_slice %arg10[%dma_wait3A_552, %dma_wait3A_553] : memref<2560x16xf32, #tpu.memory_space<vmem>> -> memref<128x16xf32, #tpu.memory_space<vmem>>
      %dma_wait3A_555 = arith.constant 896 : i32
      %dma_wait3A_556 = tpu.memref_slice %arg8[%dma_wait3A_555] : memref<2560xi32, #tpu.memory_space<vmem>> -> memref<128xi32, #tpu.memory_space<vmem>>
      %dma_wait3A_557 = arith.constant 0 : i32
      %dma_wait3A_558 = arith.constant 0 : i32
      %dma_wait3A_559 = tpu.memref_slice %arg2[%dma_wait3A_557, %dma_wait3A_558] : memref<100000x16xf32, #tpu.memory_space<hbm>> -> memref<100000x16xf32, #tpu.memory_space<hbm>>
      tpu.wait_indirect_dma semaphore(%arg12 : memref<!tpu.dma_semaphore, #tpu.memory_space<semaphore_mem>>) src(%dma_wait3A_559 : memref<100000x16xf32, #tpu.memory_space<hbm>>) dst(%dma_wait3A_554 : memref<128x16xf32, #tpu.memory_space<vmem>>)
      %dma_wait3A_560 = arith.constant 1024 : i32
      %dma_wait3A_561 = arith.constant 0 : i32
      %dma_wait3A_562 = tpu.memref_slice %arg10[%dma_wait3A_560, %dma_wait3A_561] : memref<2560x16xf32, #tpu.memory_space<vmem>> -> memref<128x16xf32, #tpu.memory_space<vmem>>
      %dma_wait3A_563 = arith.constant 1024 : i32
      %dma_wait3A_564 = tpu.memref_slice %arg8[%dma_wait3A_563] : memref<2560xi32, #tpu.memory_space<vmem>> -> memref<128xi32, #tpu.memory_space<vmem>>
      %dma_wait3A_565 = arith.constant 0 : i32
      %dma_wait3A_566 = arith.constant 0 : i32
      %dma_wait3A_567 = tpu.memref_slice %arg2[%dma_wait3A_565, %dma_wait3A_566] : memref<100000x16xf32, #tpu.memory_space<hbm>> -> memref<100000x16xf32, #tpu.memory_space<hbm>>
      tpu.wait_indirect_dma semaphore(%arg12 : memref<!tpu.dma_semaphore, #tpu.memory_space<semaphore_mem>>) src(%dma_wait3A_567 : memref<100000x16xf32, #tpu.memory_space<hbm>>) dst(%dma_wait3A_562 : memref<128x16xf32, #tpu.memory_space<vmem>>)
      %dma_wait3A_568 = arith.constant 1152 : i32
      %dma_wait3A_569 = arith.constant 0 : i32
      %dma_wait3A_570 = tpu.memref_slice %arg10[%dma_wait3A_568, %dma_wait3A_569] : memref<2560x16xf32, #tpu.memory_space<vmem>> -> memref<128x16xf32, #tpu.memory_space<vmem>>
      %dma_wait3A_571 = arith.constant 1152 : i32
      %dma_wait3A_572 = tpu.memref_slice %arg8[%dma_wait3A_571] : memref<2560xi32, #tpu.memory_space<vmem>> -> memref<128xi32, #tpu.memory_space<vmem>>
      %dma_wait3A_573 = arith.constant 0 : i32
      %dma_wait3A_574 = arith.constant 0 : i32
      %dma_wait3A_575 = tpu.memref_slice %arg2[%dma_wait3A_573, %dma_wait3A_574] : memref<100000x16xf32, #tpu.memory_space<hbm>> -> memref<100000x16xf32, #tpu.memory_space<hbm>>
      tpu.wait_indirect_dma semaphore(%arg12 : memref<!tpu.dma_semaphore, #tpu.memory_space<semaphore_mem>>) src(%dma_wait3A_575 : memref<100000x16xf32, #tpu.memory_space<hbm>>) dst(%dma_wait3A_570 : memref<128x16xf32, #tpu.memory_space<vmem>>)
      %dma_wait3A_576 = arith.constant 1280 : i32
      %dma_wait3A_577 = arith.constant 0 : i32
      %dma_wait3A_578 = tpu.memref_slice %arg10[%dma_wait3A_576, %dma_wait3A_577] : memref<2560x16xf32, #tpu.memory_space<vmem>> -> memref<128x16xf32, #tpu.memory_space<vmem>>
      %dma_wait3A_579 = arith.constant 1280 : i32
      %dma_wait3A_580 = tpu.memref_slice %arg8[%dma_wait3A_579] : memref<2560xi32, #tpu.memory_space<vmem>> -> memref<128xi32, #tpu.memory_space<vmem>>
      %dma_wait3A_581 = arith.constant 0 : i32
      %dma_wait3A_582 = arith.constant 0 : i32
      %dma_wait3A_583 = tpu.memref_slice %arg2[%dma_wait3A_581, %dma_wait3A_582] : memref<100000x16xf32, #tpu.memory_space<hbm>> -> memref<100000x16xf32, #tpu.memory_space<hbm>>
      tpu.wait_indirect_dma semaphore(%arg12 : memref<!tpu.dma_semaphore, #tpu.memory_space<semaphore_mem>>) src(%dma_wait3A_583 : memref<100000x16xf32, #tpu.memory_space<hbm>>) dst(%dma_wait3A_578 : memref<128x16xf32, #tpu.memory_space<vmem>>)
      %dma_wait3A_584 = arith.constant 1408 : i32
      %dma_wait3A_585 = arith.constant 0 : i32
      %dma_wait3A_586 = tpu.memref_slice %arg10[%dma_wait3A_584, %dma_wait3A_585] : memref<2560x16xf32, #tpu.memory_space<vmem>> -> memref<128x16xf32, #tpu.memory_space<vmem>>
      %dma_wait3A_587 = arith.constant 1408 : i32
      %dma_wait3A_588 = tpu.memref_slice %arg8[%dma_wait3A_587] : memref<2560xi32, #tpu.memory_space<vmem>> -> memref<128xi32, #tpu.memory_space<vmem>>
      %dma_wait3A_589 = arith.constant 0 : i32
      %dma_wait3A_590 = arith.constant 0 : i32
      %dma_wait3A_591 = tpu.memref_slice %arg2[%dma_wait3A_589, %dma_wait3A_590] : memref<100000x16xf32, #tpu.memory_space<hbm>> -> memref<100000x16xf32, #tpu.memory_space<hbm>>
      tpu.wait_indirect_dma semaphore(%arg12 : memref<!tpu.dma_semaphore, #tpu.memory_space<semaphore_mem>>) src(%dma_wait3A_591 : memref<100000x16xf32, #tpu.memory_space<hbm>>) dst(%dma_wait3A_586 : memref<128x16xf32, #tpu.memory_space<vmem>>)
      %dma_wait3A_592 = arith.constant 1536 : i32
      %dma_wait3A_593 = arith.constant 0 : i32
      %dma_wait3A_594 = tpu.memref_slice %arg10[%dma_wait3A_592, %dma_wait3A_593] : memref<2560x16xf32, #tpu.memory_space<vmem>> -> memref<128x16xf32, #tpu.memory_space<vmem>>
      %dma_wait3A_595 = arith.constant 1536 : i32
      %dma_wait3A_596 = tpu.memref_slice %arg8[%dma_wait3A_595] : memref<2560xi32, #tpu.memory_space<vmem>> -> memref<128xi32, #tpu.memory_space<vmem>>
      %dma_wait3A_597 = arith.constant 0 : i32
      %dma_wait3A_598 = arith.constant 0 : i32
      %dma_wait3A_599 = tpu.memref_slice %arg2[%dma_wait3A_597, %dma_wait3A_598] : memref<100000x16xf32, #tpu.memory_space<hbm>> -> memref<100000x16xf32, #tpu.memory_space<hbm>>
      tpu.wait_indirect_dma semaphore(%arg12 : memref<!tpu.dma_semaphore, #tpu.memory_space<semaphore_mem>>) src(%dma_wait3A_599 : memref<100000x16xf32, #tpu.memory_space<hbm>>) dst(%dma_wait3A_594 : memref<128x16xf32, #tpu.memory_space<vmem>>)
      %dma_wait3A_600 = arith.constant 1664 : i32
      %dma_wait3A_601 = arith.constant 0 : i32
      %dma_wait3A_602 = tpu.memref_slice %arg10[%dma_wait3A_600, %dma_wait3A_601] : memref<2560x16xf32, #tpu.memory_space<vmem>> -> memref<128x16xf32, #tpu.memory_space<vmem>>
      %dma_wait3A_603 = arith.constant 1664 : i32
      %dma_wait3A_604 = tpu.memref_slice %arg8[%dma_wait3A_603] : memref<2560xi32, #tpu.memory_space<vmem>> -> memref<128xi32, #tpu.memory_space<vmem>>
      %dma_wait3A_605 = arith.constant 0 : i32
      %dma_wait3A_606 = arith.constant 0 : i32
      %dma_wait3A_607 = tpu.memref_slice %arg2[%dma_wait3A_605, %dma_wait3A_606] : memref<100000x16xf32, #tpu.memory_space<hbm>> -> memref<100000x16xf32, #tpu.memory_space<hbm>>
      tpu.wait_indirect_dma semaphore(%arg12 : memref<!tpu.dma_semaphore, #tpu.memory_space<semaphore_mem>>) src(%dma_wait3A_607 : memref<100000x16xf32, #tpu.memory_space<hbm>>) dst(%dma_wait3A_602 : memref<128x16xf32, #tpu.memory_space<vmem>>)
      %dma_wait3A_608 = arith.constant 1792 : i32
      %dma_wait3A_609 = arith.constant 0 : i32
      %dma_wait3A_610 = tpu.memref_slice %arg10[%dma_wait3A_608, %dma_wait3A_609] : memref<2560x16xf32, #tpu.memory_space<vmem>> -> memref<128x16xf32, #tpu.memory_space<vmem>>
      %dma_wait3A_611 = arith.constant 1792 : i32
      %dma_wait3A_612 = tpu.memref_slice %arg8[%dma_wait3A_611] : memref<2560xi32, #tpu.memory_space<vmem>> -> memref<128xi32, #tpu.memory_space<vmem>>
      %dma_wait3A_613 = arith.constant 0 : i32
      %dma_wait3A_614 = arith.constant 0 : i32
      %dma_wait3A_615 = tpu.memref_slice %arg2[%dma_wait3A_613, %dma_wait3A_614] : memref<100000x16xf32, #tpu.memory_space<hbm>> -> memref<100000x16xf32, #tpu.memory_space<hbm>>
      tpu.wait_indirect_dma semaphore(%arg12 : memref<!tpu.dma_semaphore, #tpu.memory_space<semaphore_mem>>) src(%dma_wait3A_615 : memref<100000x16xf32, #tpu.memory_space<hbm>>) dst(%dma_wait3A_610 : memref<128x16xf32, #tpu.memory_space<vmem>>)
      %dma_wait3A_616 = arith.constant 1920 : i32
      %dma_wait3A_617 = arith.constant 0 : i32
      %dma_wait3A_618 = tpu.memref_slice %arg10[%dma_wait3A_616, %dma_wait3A_617] : memref<2560x16xf32, #tpu.memory_space<vmem>> -> memref<128x16xf32, #tpu.memory_space<vmem>>
      %dma_wait3A_619 = arith.constant 1920 : i32
      %dma_wait3A_620 = tpu.memref_slice %arg8[%dma_wait3A_619] : memref<2560xi32, #tpu.memory_space<vmem>> -> memref<128xi32, #tpu.memory_space<vmem>>
      %dma_wait3A_621 = arith.constant 0 : i32
      %dma_wait3A_622 = arith.constant 0 : i32
      %dma_wait3A_623 = tpu.memref_slice %arg2[%dma_wait3A_621, %dma_wait3A_622] : memref<100000x16xf32, #tpu.memory_space<hbm>> -> memref<100000x16xf32, #tpu.memory_space<hbm>>
      tpu.wait_indirect_dma semaphore(%arg12 : memref<!tpu.dma_semaphore, #tpu.memory_space<semaphore_mem>>) src(%dma_wait3A_623 : memref<100000x16xf32, #tpu.memory_space<hbm>>) dst(%dma_wait3A_618 : memref<128x16xf32, #tpu.memory_space<vmem>>)
      %dma_wait3A_624 = arith.constant 2048 : i32
      %dma_wait3A_625 = arith.constant 0 : i32
      %dma_wait3A_626 = tpu.memref_slice %arg10[%dma_wait3A_624, %dma_wait3A_625] : memref<2560x16xf32, #tpu.memory_space<vmem>> -> memref<128x16xf32, #tpu.memory_space<vmem>>
      %dma_wait3A_627 = arith.constant 2048 : i32
      %dma_wait3A_628 = tpu.memref_slice %arg8[%dma_wait3A_627] : memref<2560xi32, #tpu.memory_space<vmem>> -> memref<128xi32, #tpu.memory_space<vmem>>
      %dma_wait3A_629 = arith.constant 0 : i32
      %dma_wait3A_630 = arith.constant 0 : i32
      %dma_wait3A_631 = tpu.memref_slice %arg2[%dma_wait3A_629, %dma_wait3A_630] : memref<100000x16xf32, #tpu.memory_space<hbm>> -> memref<100000x16xf32, #tpu.memory_space<hbm>>
      tpu.wait_indirect_dma semaphore(%arg12 : memref<!tpu.dma_semaphore, #tpu.memory_space<semaphore_mem>>) src(%dma_wait3A_631 : memref<100000x16xf32, #tpu.memory_space<hbm>>) dst(%dma_wait3A_626 : memref<128x16xf32, #tpu.memory_space<vmem>>)
      %dma_wait3A_632 = arith.constant 2176 : i32
      %dma_wait3A_633 = arith.constant 0 : i32
      %dma_wait3A_634 = tpu.memref_slice %arg10[%dma_wait3A_632, %dma_wait3A_633] : memref<2560x16xf32, #tpu.memory_space<vmem>> -> memref<128x16xf32, #tpu.memory_space<vmem>>
      %dma_wait3A_635 = arith.constant 2176 : i32
      %dma_wait3A_636 = tpu.memref_slice %arg8[%dma_wait3A_635] : memref<2560xi32, #tpu.memory_space<vmem>> -> memref<128xi32, #tpu.memory_space<vmem>>
      %dma_wait3A_637 = arith.constant 0 : i32
      %dma_wait3A_638 = arith.constant 0 : i32
      %dma_wait3A_639 = tpu.memref_slice %arg2[%dma_wait3A_637, %dma_wait3A_638] : memref<100000x16xf32, #tpu.memory_space<hbm>> -> memref<100000x16xf32, #tpu.memory_space<hbm>>
      tpu.wait_indirect_dma semaphore(%arg12 : memref<!tpu.dma_semaphore, #tpu.memory_space<semaphore_mem>>) src(%dma_wait3A_639 : memref<100000x16xf32, #tpu.memory_space<hbm>>) dst(%dma_wait3A_634 : memref<128x16xf32, #tpu.memory_space<vmem>>)
      %dma_wait3A_640 = arith.constant 2304 : i32
      %dma_wait3A_641 = arith.constant 0 : i32
      %dma_wait3A_642 = tpu.memref_slice %arg10[%dma_wait3A_640, %dma_wait3A_641] : memref<2560x16xf32, #tpu.memory_space<vmem>> -> memref<128x16xf32, #tpu.memory_space<vmem>>
      %dma_wait3A_643 = arith.constant 2304 : i32
      %dma_wait3A_644 = tpu.memref_slice %arg8[%dma_wait3A_643] : memref<2560xi32, #tpu.memory_space<vmem>> -> memref<128xi32, #tpu.memory_space<vmem>>
      %dma_wait3A_645 = arith.constant 0 : i32
      %dma_wait3A_646 = arith.constant 0 : i32
      %dma_wait3A_647 = tpu.memref_slice %arg2[%dma_wait3A_645, %dma_wait3A_646] : memref<100000x16xf32, #tpu.memory_space<hbm>> -> memref<100000x16xf32, #tpu.memory_space<hbm>>
      tpu.wait_indirect_dma semaphore(%arg12 : memref<!tpu.dma_semaphore, #tpu.memory_space<semaphore_mem>>) src(%dma_wait3A_647 : memref<100000x16xf32, #tpu.memory_space<hbm>>) dst(%dma_wait3A_642 : memref<128x16xf32, #tpu.memory_space<vmem>>)
      %dma_wait3A_648 = arith.constant 2432 : i32
      %dma_wait3A_649 = arith.constant 0 : i32
      %dma_wait3A_650 = tpu.memref_slice %arg10[%dma_wait3A_648, %dma_wait3A_649] : memref<2560x16xf32, #tpu.memory_space<vmem>> -> memref<128x16xf32, #tpu.memory_space<vmem>>
      %dma_wait3A_651 = arith.constant 2432 : i32
      %dma_wait3A_652 = tpu.memref_slice %arg8[%dma_wait3A_651] : memref<2560xi32, #tpu.memory_space<vmem>> -> memref<128xi32, #tpu.memory_space<vmem>>
      %dma_wait3A_653 = arith.constant 0 : i32
      %dma_wait3A_654 = arith.constant 0 : i32
      %dma_wait3A_655 = tpu.memref_slice %arg2[%dma_wait3A_653, %dma_wait3A_654] : memref<100000x16xf32, #tpu.memory_space<hbm>> -> memref<100000x16xf32, #tpu.memory_space<hbm>>
      tpu.wait_indirect_dma semaphore(%arg12 : memref<!tpu.dma_semaphore, #tpu.memory_space<semaphore_mem>>) src(%dma_wait3A_655 : memref<100000x16xf32, #tpu.memory_space<hbm>>) dst(%dma_wait3A_650 : memref<128x16xf32, #tpu.memory_space<vmem>>)
      "tpu.region"() ({
        %run_scoped3A = tpu.sem_alloc : memref<!tpu.dma_semaphore, #tpu.memory_space<semaphore_mem>>
        %dma_start3A_656 = arith.constant 0 : i32
        %dma_start3A_657 = tpu.memref_slice %arg5[%mul3A_17, %dma_start3A_656] : memref<1600000x16xf32, #tpu.memory_space<hbm>> -> memref<2560x16xf32, #tpu.memory_space<hbm>>
        %dma_start3A_658 = arith.constant 0 : i32
        %dma_start3A_659 = tpu.memref_slice %arg5[%mul3A_17, %dma_start3A_658] : memref<1600000x16xf32, #tpu.memory_space<hbm>> -> memref<2560x16xf32, #tpu.memory_space<hbm>>
        tpu.enqueue_dma source(%arg9 : memref<2560x16xf32, #tpu.memory_space<vmem>>) target(%dma_start3A_659 : memref<2560x16xf32, #tpu.memory_space<hbm>>) target_semaphore(%run_scoped3A : memref<!tpu.dma_semaphore, #tpu.memory_space<semaphore_mem>>)
        %dma_wait3A_660 = arith.constant 0 : i32
        %dma_wait3A_661 = tpu.memref_slice %arg5[%mul3A_17, %dma_wait3A_660] : memref<1600000x16xf32, #tpu.memory_space<hbm>> -> memref<2560x16xf32, #tpu.memory_space<hbm>>
        %dma_wait3A_662 = arith.constant 0 : i32
        %dma_wait3A_663 = tpu.memref_slice %arg5[%mul3A_17, %dma_wait3A_662] : memref<1600000x16xf32, #tpu.memory_space<hbm>> -> memref<2560x16xf32, #tpu.memory_space<hbm>>
        tpu.wait_dma2 semaphore(%run_scoped3A : memref<!tpu.dma_semaphore, #tpu.memory_space<semaphore_mem>>) src(%arg9 : memref<2560x16xf32, #tpu.memory_space<vmem>>) dst(%dma_wait3A_663 : memref<2560x16xf32, #tpu.memory_space<hbm>>)
        tpu.yield
      }) : () -> ()
      "tpu.region"() ({
        %run_scoped3A = tpu.sem_alloc : memref<!tpu.dma_semaphore, #tpu.memory_space<semaphore_mem>>
        %dma_start3A_656 = arith.constant 0 : i32
        %dma_start3A_657 = tpu.memref_slice %arg6[%mul3A_17, %dma_start3A_656] : memref<1600000x16xf32, #tpu.memory_space<hbm>> -> memref<2560x16xf32, #tpu.memory_space<hbm>>
        %dma_start3A_658 = arith.constant 0 : i32
        %dma_start3A_659 = tpu.memref_slice %arg6[%mul3A_17, %dma_start3A_658] : memref<1600000x16xf32, #tpu.memory_space<hbm>> -> memref<2560x16xf32, #tpu.memory_space<hbm>>
        tpu.enqueue_dma source(%arg10 : memref<2560x16xf32, #tpu.memory_space<vmem>>) target(%dma_start3A_659 : memref<2560x16xf32, #tpu.memory_space<hbm>>) target_semaphore(%run_scoped3A : memref<!tpu.dma_semaphore, #tpu.memory_space<semaphore_mem>>)
        %dma_wait3A_660 = arith.constant 0 : i32
        %dma_wait3A_661 = tpu.memref_slice %arg6[%mul3A_17, %dma_wait3A_660] : memref<1600000x16xf32, #tpu.memory_space<hbm>> -> memref<2560x16xf32, #tpu.memory_space<hbm>>
        %dma_wait3A_662 = arith.constant 0 : i32
        %dma_wait3A_663 = tpu.memref_slice %arg6[%mul3A_17, %dma_wait3A_662] : memref<1600000x16xf32, #tpu.memory_space<hbm>> -> memref<2560x16xf32, #tpu.memory_space<hbm>>
        tpu.wait_dma2 semaphore(%run_scoped3A : memref<!tpu.dma_semaphore, #tpu.memory_space<semaphore_mem>>) src(%arg10 : memref<2560x16xf32, #tpu.memory_space<vmem>>) dst(%dma_wait3A_663 : memref<2560x16xf32, #tpu.memory_space<hbm>>)
        tpu.yield
      }) : () -> ()
    }
    %while3A_11 = arith.constant 1 : i32
    scf.for %while3A_12 = %while3A_9 to %while3A_5 step %while3A_11  : i32 {
      %mul3A_13 = arith.constant 32 : i32
      %mul3A_14 = arith.muli %while3A_12, %mul3A_13 : i32
      %add3A_15 = arith.addi %add3A, %mul3A_14 : i32
      %mul3A_16 = arith.constant 2560 : i32
      %mul3A_17 = arith.muli %add3A_15, %mul3A_16 : i32
      "tpu.region"() ({
        %run_scoped3A = tpu.sem_alloc : memref<!tpu.dma_semaphore, #tpu.memory_space<semaphore_mem>>
        %dma_start3A_656 = tpu.memref_slice %arg3[%mul3A_17] : memref<1600000xi32, #tpu.memory_space<hbm>> -> memref<2560xi32, #tpu.memory_space<hbm>>
        %dma_start3A_657 = tpu.memref_slice %arg3[%mul3A_17] : memref<1600000xi32, #tpu.memory_space<hbm>> -> memref<2560xi32, #tpu.memory_space<hbm>>
        tpu.enqueue_dma source(%dma_start3A_657 : memref<2560xi32, #tpu.memory_space<hbm>>) target(%arg7 : memref<2560xi32, #tpu.memory_space<vmem>>) target_semaphore(%run_scoped3A : memref<!tpu.dma_semaphore, #tpu.memory_space<semaphore_mem>>)
        %dma_wait3A_658 = tpu.memref_slice %arg3[%mul3A_17] : memref<1600000xi32, #tpu.memory_space<hbm>> -> memref<2560xi32, #tpu.memory_space<hbm>>
        %dma_wait3A_659 = tpu.memref_slice %arg3[%mul3A_17] : memref<1600000xi32, #tpu.memory_space<hbm>> -> memref<2560xi32, #tpu.memory_space<hbm>>
        tpu.wait_dma2 semaphore(%run_scoped3A : memref<!tpu.dma_semaphore, #tpu.memory_space<semaphore_mem>>) src(%dma_wait3A_659 : memref<2560xi32, #tpu.memory_space<hbm>>) dst(%arg7 : memref<2560xi32, #tpu.memory_space<vmem>>)
        tpu.yield
      }) : () -> ()
      "tpu.region"() ({
        %run_scoped3A = tpu.sem_alloc : memref<!tpu.dma_semaphore, #tpu.memory_space<semaphore_mem>>
        %dma_start3A_656 = tpu.memref_slice %arg4[%mul3A_17] : memref<1600000xi32, #tpu.memory_space<hbm>> -> memref<2560xi32, #tpu.memory_space<hbm>>
        %dma_start3A_657 = tpu.memref_slice %arg4[%mul3A_17] : memref<1600000xi32, #tpu.memory_space<hbm>> -> memref<2560xi32, #tpu.memory_space<hbm>>
        tpu.enqueue_dma source(%dma_start3A_657 : memref<2560xi32, #tpu.memory_space<hbm>>) target(%arg8 : memref<2560xi32, #tpu.memory_space<vmem>>) target_semaphore(%run_scoped3A : memref<!tpu.dma_semaphore, #tpu.memory_space<semaphore_mem>>)
        %dma_wait3A_658 = tpu.memref_slice %arg4[%mul3A_17] : memref<1600000xi32, #tpu.memory_space<hbm>> -> memref<2560xi32, #tpu.memory_space<hbm>>
        %dma_wait3A_659 = tpu.memref_slice %arg4[%mul3A_17] : memref<1600000xi32, #tpu.memory_space<hbm>> -> memref<2560xi32, #tpu.memory_space<hbm>>
        tpu.wait_dma2 semaphore(%run_scoped3A : memref<!tpu.dma_semaphore, #tpu.memory_space<semaphore_mem>>) src(%dma_wait3A_659 : memref<2560xi32, #tpu.memory_space<hbm>>) dst(%arg8 : memref<2560xi32, #tpu.memory_space<vmem>>)
        tpu.yield
      }) : () -> ()
      %dma_start3A = arith.constant 0 : i32
      %dma_start3A_18 = arith.constant 0 : i32
      %dma_start3A_19 = tpu.memref_slice %arg9[%dma_start3A, %dma_start3A_18] : memref<2560x16xf32, #tpu.memory_space<vmem>> -> memref<128x16xf32, #tpu.memory_space<vmem>>
      %dma_start3A_20 = arith.constant 0 : i32
      %dma_start3A_21 = tpu.memref_slice %arg7[%dma_start3A_20] : memref<2560xi32, #tpu.memory_space<vmem>> -> memref<128xi32, #tpu.memory_space<vmem>>
      %dma_start3A_22 = arith.constant 0 : i32
      %dma_start3A_23 = arith.constant 0 : i32
      %dma_start3A_24 = tpu.memref_slice %arg2[%dma_start3A_22, %dma_start3A_23] : memref<100000x16xf32, #tpu.memory_space<hbm>> -> memref<100000x16xf32, #tpu.memory_space<hbm>>
      tpu.enqueue_indirect_dma source(%dma_start3A_24 : memref<100000x16xf32, #tpu.memory_space<hbm>>) target(%dma_start3A_19 : memref<128x16xf32, #tpu.memory_space<vmem>>) offsets(%dma_start3A_21 : memref<128xi32, #tpu.memory_space<vmem>>) semaphore(%arg11 : memref<!tpu.dma_semaphore, #tpu.memory_space<semaphore_mem>>)
      %dma_start3A_25 = arith.constant 128 : i32
      %dma_start3A_26 = arith.constant 0 : i32
      %dma_start3A_27 = tpu.memref_slice %arg9[%dma_start3A_25, %dma_start3A_26] : memref<2560x16xf32, #tpu.memory_space<vmem>> -> memref<128x16xf32, #tpu.memory_space<vmem>>
      %dma_start3A_28 = arith.constant 128 : i32
      %dma_start3A_29 = tpu.memref_slice %arg7[%dma_start3A_28] : memref<2560xi32, #tpu.memory_space<vmem>> -> memref<128xi32, #tpu.memory_space<vmem>>
      %dma_start3A_30 = arith.constant 0 : i32
      %dma_start3A_31 = arith.constant 0 : i32
      %dma_start3A_32 = tpu.memref_slice %arg2[%dma_start3A_30, %dma_start3A_31] : memref<100000x16xf32, #tpu.memory_space<hbm>> -> memref<100000x16xf32, #tpu.memory_space<hbm>>
      tpu.enqueue_indirect_dma source(%dma_start3A_32 : memref<100000x16xf32, #tpu.memory_space<hbm>>) target(%dma_start3A_27 : memref<128x16xf32, #tpu.memory_space<vmem>>) offsets(%dma_start3A_29 : memref<128xi32, #tpu.memory_space<vmem>>) semaphore(%arg11 : memref<!tpu.dma_semaphore, #tpu.memory_space<semaphore_mem>>)
      %dma_start3A_33 = arith.constant 256 : i32
      %dma_start3A_34 = arith.constant 0 : i32
      %dma_start3A_35 = tpu.memref_slice %arg9[%dma_start3A_33, %dma_start3A_34] : memref<2560x16xf32, #tpu.memory_space<vmem>> -> memref<128x16xf32, #tpu.memory_space<vmem>>
      %dma_start3A_36 = arith.constant 256 : i32
      %dma_start3A_37 = tpu.memref_slice %arg7[%dma_start3A_36] : memref<2560xi32, #tpu.memory_space<vmem>> -> memref<128xi32, #tpu.memory_space<vmem>>
      %dma_start3A_38 = arith.constant 0 : i32
      %dma_start3A_39 = arith.constant 0 : i32
      %dma_start3A_40 = tpu.memref_slice %arg2[%dma_start3A_38, %dma_start3A_39] : memref<100000x16xf32, #tpu.memory_space<hbm>> -> memref<100000x16xf32, #tpu.memory_space<hbm>>
      tpu.enqueue_indirect_dma source(%dma_start3A_40 : memref<100000x16xf32, #tpu.memory_space<hbm>>) target(%dma_start3A_35 : memref<128x16xf32, #tpu.memory_space<vmem>>) offsets(%dma_start3A_37 : memref<128xi32, #tpu.memory_space<vmem>>) semaphore(%arg11 : memref<!tpu.dma_semaphore, #tpu.memory_space<semaphore_mem>>)
      %dma_start3A_41 = arith.constant 384 : i32
      %dma_start3A_42 = arith.constant 0 : i32
      %dma_start3A_43 = tpu.memref_slice %arg9[%dma_start3A_41, %dma_start3A_42] : memref<2560x16xf32, #tpu.memory_space<vmem>> -> memref<128x16xf32, #tpu.memory_space<vmem>>
      %dma_start3A_44 = arith.constant 384 : i32
      %dma_start3A_45 = tpu.memref_slice %arg7[%dma_start3A_44] : memref<2560xi32, #tpu.memory_space<vmem>> -> memref<128xi32, #tpu.memory_space<vmem>>
      %dma_start3A_46 = arith.constant 0 : i32
      %dma_start3A_47 = arith.constant 0 : i32
      %dma_start3A_48 = tpu.memref_slice %arg2[%dma_start3A_46, %dma_start3A_47] : memref<100000x16xf32, #tpu.memory_space<hbm>> -> memref<100000x16xf32, #tpu.memory_space<hbm>>
      tpu.enqueue_indirect_dma source(%dma_start3A_48 : memref<100000x16xf32, #tpu.memory_space<hbm>>) target(%dma_start3A_43 : memref<128x16xf32, #tpu.memory_space<vmem>>) offsets(%dma_start3A_45 : memref<128xi32, #tpu.memory_space<vmem>>) semaphore(%arg11 : memref<!tpu.dma_semaphore, #tpu.memory_space<semaphore_mem>>)
      %dma_start3A_49 = arith.constant 512 : i32
      %dma_start3A_50 = arith.constant 0 : i32
      %dma_start3A_51 = tpu.memref_slice %arg9[%dma_start3A_49, %dma_start3A_50] : memref<2560x16xf32, #tpu.memory_space<vmem>> -> memref<128x16xf32, #tpu.memory_space<vmem>>
      %dma_start3A_52 = arith.constant 512 : i32
      %dma_start3A_53 = tpu.memref_slice %arg7[%dma_start3A_52] : memref<2560xi32, #tpu.memory_space<vmem>> -> memref<128xi32, #tpu.memory_space<vmem>>
      %dma_start3A_54 = arith.constant 0 : i32
      %dma_start3A_55 = arith.constant 0 : i32
      %dma_start3A_56 = tpu.memref_slice %arg2[%dma_start3A_54, %dma_start3A_55] : memref<100000x16xf32, #tpu.memory_space<hbm>> -> memref<100000x16xf32, #tpu.memory_space<hbm>>
      tpu.enqueue_indirect_dma source(%dma_start3A_56 : memref<100000x16xf32, #tpu.memory_space<hbm>>) target(%dma_start3A_51 : memref<128x16xf32, #tpu.memory_space<vmem>>) offsets(%dma_start3A_53 : memref<128xi32, #tpu.memory_space<vmem>>) semaphore(%arg11 : memref<!tpu.dma_semaphore, #tpu.memory_space<semaphore_mem>>)
      %dma_start3A_57 = arith.constant 640 : i32
      %dma_start3A_58 = arith.constant 0 : i32
      %dma_start3A_59 = tpu.memref_slice %arg9[%dma_start3A_57, %dma_start3A_58] : memref<2560x16xf32, #tpu.memory_space<vmem>> -> memref<128x16xf32, #tpu.memory_space<vmem>>
      %dma_start3A_60 = arith.constant 640 : i32
      %dma_start3A_61 = tpu.memref_slice %arg7[%dma_start3A_60] : memref<2560xi32, #tpu.memory_space<vmem>> -> memref<128xi32, #tpu.memory_space<vmem>>
      %dma_start3A_62 = arith.constant 0 : i32
      %dma_start3A_63 = arith.constant 0 : i32
      %dma_start3A_64 = tpu.memref_slice %arg2[%dma_start3A_62, %dma_start3A_63] : memref<100000x16xf32, #tpu.memory_space<hbm>> -> memref<100000x16xf32, #tpu.memory_space<hbm>>
      tpu.enqueue_indirect_dma source(%dma_start3A_64 : memref<100000x16xf32, #tpu.memory_space<hbm>>) target(%dma_start3A_59 : memref<128x16xf32, #tpu.memory_space<vmem>>) offsets(%dma_start3A_61 : memref<128xi32, #tpu.memory_space<vmem>>) semaphore(%arg11 : memref<!tpu.dma_semaphore, #tpu.memory_space<semaphore_mem>>)
      %dma_start3A_65 = arith.constant 768 : i32
      %dma_start3A_66 = arith.constant 0 : i32
      %dma_start3A_67 = tpu.memref_slice %arg9[%dma_start3A_65, %dma_start3A_66] : memref<2560x16xf32, #tpu.memory_space<vmem>> -> memref<128x16xf32, #tpu.memory_space<vmem>>
      %dma_start3A_68 = arith.constant 768 : i32
      %dma_start3A_69 = tpu.memref_slice %arg7[%dma_start3A_68] : memref<2560xi32, #tpu.memory_space<vmem>> -> memref<128xi32, #tpu.memory_space<vmem>>
      %dma_start3A_70 = arith.constant 0 : i32
      %dma_start3A_71 = arith.constant 0 : i32
      %dma_start3A_72 = tpu.memref_slice %arg2[%dma_start3A_70, %dma_start3A_71] : memref<100000x16xf32, #tpu.memory_space<hbm>> -> memref<100000x16xf32, #tpu.memory_space<hbm>>
      tpu.enqueue_indirect_dma source(%dma_start3A_72 : memref<100000x16xf32, #tpu.memory_space<hbm>>) target(%dma_start3A_67 : memref<128x16xf32, #tpu.memory_space<vmem>>) offsets(%dma_start3A_69 : memref<128xi32, #tpu.memory_space<vmem>>) semaphore(%arg11 : memref<!tpu.dma_semaphore, #tpu.memory_space<semaphore_mem>>)
      %dma_start3A_73 = arith.constant 896 : i32
      %dma_start3A_74 = arith.constant 0 : i32
      %dma_start3A_75 = tpu.memref_slice %arg9[%dma_start3A_73, %dma_start3A_74] : memref<2560x16xf32, #tpu.memory_space<vmem>> -> memref<128x16xf32, #tpu.memory_space<vmem>>
      %dma_start3A_76 = arith.constant 896 : i32
      %dma_start3A_77 = tpu.memref_slice %arg7[%dma_start3A_76] : memref<2560xi32, #tpu.memory_space<vmem>> -> memref<128xi32, #tpu.memory_space<vmem>>
      %dma_start3A_78 = arith.constant 0 : i32
      %dma_start3A_79 = arith.constant 0 : i32
      %dma_start3A_80 = tpu.memref_slice %arg2[%dma_start3A_78, %dma_start3A_79] : memref<100000x16xf32, #tpu.memory_space<hbm>> -> memref<100000x16xf32, #tpu.memory_space<hbm>>
      tpu.enqueue_indirect_dma source(%dma_start3A_80 : memref<100000x16xf32, #tpu.memory_space<hbm>>) target(%dma_start3A_75 : memref<128x16xf32, #tpu.memory_space<vmem>>) offsets(%dma_start3A_77 : memref<128xi32, #tpu.memory_space<vmem>>) semaphore(%arg11 : memref<!tpu.dma_semaphore, #tpu.memory_space<semaphore_mem>>)
      %dma_start3A_81 = arith.constant 1024 : i32
      %dma_start3A_82 = arith.constant 0 : i32
      %dma_start3A_83 = tpu.memref_slice %arg9[%dma_start3A_81, %dma_start3A_82] : memref<2560x16xf32, #tpu.memory_space<vmem>> -> memref<128x16xf32, #tpu.memory_space<vmem>>
      %dma_start3A_84 = arith.constant 1024 : i32
      %dma_start3A_85 = tpu.memref_slice %arg7[%dma_start3A_84] : memref<2560xi32, #tpu.memory_space<vmem>> -> memref<128xi32, #tpu.memory_space<vmem>>
      %dma_start3A_86 = arith.constant 0 : i32
      %dma_start3A_87 = arith.constant 0 : i32
      %dma_start3A_88 = tpu.memref_slice %arg2[%dma_start3A_86, %dma_start3A_87] : memref<100000x16xf32, #tpu.memory_space<hbm>> -> memref<100000x16xf32, #tpu.memory_space<hbm>>
      tpu.enqueue_indirect_dma source(%dma_start3A_88 : memref<100000x16xf32, #tpu.memory_space<hbm>>) target(%dma_start3A_83 : memref<128x16xf32, #tpu.memory_space<vmem>>) offsets(%dma_start3A_85 : memref<128xi32, #tpu.memory_space<vmem>>) semaphore(%arg11 : memref<!tpu.dma_semaphore, #tpu.memory_space<semaphore_mem>>)
      %dma_start3A_89 = arith.constant 1152 : i32
      %dma_start3A_90 = arith.constant 0 : i32
      %dma_start3A_91 = tpu.memref_slice %arg9[%dma_start3A_89, %dma_start3A_90] : memref<2560x16xf32, #tpu.memory_space<vmem>> -> memref<128x16xf32, #tpu.memory_space<vmem>>
      %dma_start3A_92 = arith.constant 1152 : i32
      %dma_start3A_93 = tpu.memref_slice %arg7[%dma_start3A_92] : memref<2560xi32, #tpu.memory_space<vmem>> -> memref<128xi32, #tpu.memory_space<vmem>>
      %dma_start3A_94 = arith.constant 0 : i32
      %dma_start3A_95 = arith.constant 0 : i32
      %dma_start3A_96 = tpu.memref_slice %arg2[%dma_start3A_94, %dma_start3A_95] : memref<100000x16xf32, #tpu.memory_space<hbm>> -> memref<100000x16xf32, #tpu.memory_space<hbm>>
      tpu.enqueue_indirect_dma source(%dma_start3A_96 : memref<100000x16xf32, #tpu.memory_space<hbm>>) target(%dma_start3A_91 : memref<128x16xf32, #tpu.memory_space<vmem>>) offsets(%dma_start3A_93 : memref<128xi32, #tpu.memory_space<vmem>>) semaphore(%arg11 : memref<!tpu.dma_semaphore, #tpu.memory_space<semaphore_mem>>)
      %dma_start3A_97 = arith.constant 1280 : i32
      %dma_start3A_98 = arith.constant 0 : i32
      %dma_start3A_99 = tpu.memref_slice %arg9[%dma_start3A_97, %dma_start3A_98] : memref<2560x16xf32, #tpu.memory_space<vmem>> -> memref<128x16xf32, #tpu.memory_space<vmem>>
      %dma_start3A_100 = arith.constant 1280 : i32
      %dma_start3A_101 = tpu.memref_slice %arg7[%dma_start3A_100] : memref<2560xi32, #tpu.memory_space<vmem>> -> memref<128xi32, #tpu.memory_space<vmem>>
      %dma_start3A_102 = arith.constant 0 : i32
      %dma_start3A_103 = arith.constant 0 : i32
      %dma_start3A_104 = tpu.memref_slice %arg2[%dma_start3A_102, %dma_start3A_103] : memref<100000x16xf32, #tpu.memory_space<hbm>> -> memref<100000x16xf32, #tpu.memory_space<hbm>>
      tpu.enqueue_indirect_dma source(%dma_start3A_104 : memref<100000x16xf32, #tpu.memory_space<hbm>>) target(%dma_start3A_99 : memref<128x16xf32, #tpu.memory_space<vmem>>) offsets(%dma_start3A_101 : memref<128xi32, #tpu.memory_space<vmem>>) semaphore(%arg11 : memref<!tpu.dma_semaphore, #tpu.memory_space<semaphore_mem>>)
      %dma_start3A_105 = arith.constant 1408 : i32
      %dma_start3A_106 = arith.constant 0 : i32
      %dma_start3A_107 = tpu.memref_slice %arg9[%dma_start3A_105, %dma_start3A_106] : memref<2560x16xf32, #tpu.memory_space<vmem>> -> memref<128x16xf32, #tpu.memory_space<vmem>>
      %dma_start3A_108 = arith.constant 1408 : i32
      %dma_start3A_109 = tpu.memref_slice %arg7[%dma_start3A_108] : memref<2560xi32, #tpu.memory_space<vmem>> -> memref<128xi32, #tpu.memory_space<vmem>>
      %dma_start3A_110 = arith.constant 0 : i32
      %dma_start3A_111 = arith.constant 0 : i32
      %dma_start3A_112 = tpu.memref_slice %arg2[%dma_start3A_110, %dma_start3A_111] : memref<100000x16xf32, #tpu.memory_space<hbm>> -> memref<100000x16xf32, #tpu.memory_space<hbm>>
      tpu.enqueue_indirect_dma source(%dma_start3A_112 : memref<100000x16xf32, #tpu.memory_space<hbm>>) target(%dma_start3A_107 : memref<128x16xf32, #tpu.memory_space<vmem>>) offsets(%dma_start3A_109 : memref<128xi32, #tpu.memory_space<vmem>>) semaphore(%arg11 : memref<!tpu.dma_semaphore, #tpu.memory_space<semaphore_mem>>)
      %dma_start3A_113 = arith.constant 1536 : i32
      %dma_start3A_114 = arith.constant 0 : i32
      %dma_start3A_115 = tpu.memref_slice %arg9[%dma_start3A_113, %dma_start3A_114] : memref<2560x16xf32, #tpu.memory_space<vmem>> -> memref<128x16xf32, #tpu.memory_space<vmem>>
      %dma_start3A_116 = arith.constant 1536 : i32
      %dma_start3A_117 = tpu.memref_slice %arg7[%dma_start3A_116] : memref<2560xi32, #tpu.memory_space<vmem>> -> memref<128xi32, #tpu.memory_space<vmem>>
      %dma_start3A_118 = arith.constant 0 : i32
      %dma_start3A_119 = arith.constant 0 : i32
      %dma_start3A_120 = tpu.memref_slice %arg2[%dma_start3A_118, %dma_start3A_119] : memref<100000x16xf32, #tpu.memory_space<hbm>> -> memref<100000x16xf32, #tpu.memory_space<hbm>>
      tpu.enqueue_indirect_dma source(%dma_start3A_120 : memref<100000x16xf32, #tpu.memory_space<hbm>>) target(%dma_start3A_115 : memref<128x16xf32, #tpu.memory_space<vmem>>) offsets(%dma_start3A_117 : memref<128xi32, #tpu.memory_space<vmem>>) semaphore(%arg11 : memref<!tpu.dma_semaphore, #tpu.memory_space<semaphore_mem>>)
      %dma_start3A_121 = arith.constant 1664 : i32
      %dma_start3A_122 = arith.constant 0 : i32
      %dma_start3A_123 = tpu.memref_slice %arg9[%dma_start3A_121, %dma_start3A_122] : memref<2560x16xf32, #tpu.memory_space<vmem>> -> memref<128x16xf32, #tpu.memory_space<vmem>>
      %dma_start3A_124 = arith.constant 1664 : i32
      %dma_start3A_125 = tpu.memref_slice %arg7[%dma_start3A_124] : memref<2560xi32, #tpu.memory_space<vmem>> -> memref<128xi32, #tpu.memory_space<vmem>>
      %dma_start3A_126 = arith.constant 0 : i32
      %dma_start3A_127 = arith.constant 0 : i32
      %dma_start3A_128 = tpu.memref_slice %arg2[%dma_start3A_126, %dma_start3A_127] : memref<100000x16xf32, #tpu.memory_space<hbm>> -> memref<100000x16xf32, #tpu.memory_space<hbm>>
      tpu.enqueue_indirect_dma source(%dma_start3A_128 : memref<100000x16xf32, #tpu.memory_space<hbm>>) target(%dma_start3A_123 : memref<128x16xf32, #tpu.memory_space<vmem>>) offsets(%dma_start3A_125 : memref<128xi32, #tpu.memory_space<vmem>>) semaphore(%arg11 : memref<!tpu.dma_semaphore, #tpu.memory_space<semaphore_mem>>)
      %dma_start3A_129 = arith.constant 1792 : i32
      %dma_start3A_130 = arith.constant 0 : i32
      %dma_start3A_131 = tpu.memref_slice %arg9[%dma_start3A_129, %dma_start3A_130] : memref<2560x16xf32, #tpu.memory_space<vmem>> -> memref<128x16xf32, #tpu.memory_space<vmem>>
      %dma_start3A_132 = arith.constant 1792 : i32
      %dma_start3A_133 = tpu.memref_slice %arg7[%dma_start3A_132] : memref<2560xi32, #tpu.memory_space<vmem>> -> memref<128xi32, #tpu.memory_space<vmem>>
      %dma_start3A_134 = arith.constant 0 : i32
      %dma_start3A_135 = arith.constant 0 : i32
      %dma_start3A_136 = tpu.memref_slice %arg2[%dma_start3A_134, %dma_start3A_135] : memref<100000x16xf32, #tpu.memory_space<hbm>> -> memref<100000x16xf32, #tpu.memory_space<hbm>>
      tpu.enqueue_indirect_dma source(%dma_start3A_136 : memref<100000x16xf32, #tpu.memory_space<hbm>>) target(%dma_start3A_131 : memref<128x16xf32, #tpu.memory_space<vmem>>) offsets(%dma_start3A_133 : memref<128xi32, #tpu.memory_space<vmem>>) semaphore(%arg11 : memref<!tpu.dma_semaphore, #tpu.memory_space<semaphore_mem>>)
      %dma_start3A_137 = arith.constant 1920 : i32
      %dma_start3A_138 = arith.constant 0 : i32
      %dma_start3A_139 = tpu.memref_slice %arg9[%dma_start3A_137, %dma_start3A_138] : memref<2560x16xf32, #tpu.memory_space<vmem>> -> memref<128x16xf32, #tpu.memory_space<vmem>>
      %dma_start3A_140 = arith.constant 1920 : i32
      %dma_start3A_141 = tpu.memref_slice %arg7[%dma_start3A_140] : memref<2560xi32, #tpu.memory_space<vmem>> -> memref<128xi32, #tpu.memory_space<vmem>>
      %dma_start3A_142 = arith.constant 0 : i32
      %dma_start3A_143 = arith.constant 0 : i32
      %dma_start3A_144 = tpu.memref_slice %arg2[%dma_start3A_142, %dma_start3A_143] : memref<100000x16xf32, #tpu.memory_space<hbm>> -> memref<100000x16xf32, #tpu.memory_space<hbm>>
      tpu.enqueue_indirect_dma source(%dma_start3A_144 : memref<100000x16xf32, #tpu.memory_space<hbm>>) target(%dma_start3A_139 : memref<128x16xf32, #tpu.memory_space<vmem>>) offsets(%dma_start3A_141 : memref<128xi32, #tpu.memory_space<vmem>>) semaphore(%arg11 : memref<!tpu.dma_semaphore, #tpu.memory_space<semaphore_mem>>)
      %dma_start3A_145 = arith.constant 2048 : i32
      %dma_start3A_146 = arith.constant 0 : i32
      %dma_start3A_147 = tpu.memref_slice %arg9[%dma_start3A_145, %dma_start3A_146] : memref<2560x16xf32, #tpu.memory_space<vmem>> -> memref<128x16xf32, #tpu.memory_space<vmem>>
      %dma_start3A_148 = arith.constant 2048 : i32
      %dma_start3A_149 = tpu.memref_slice %arg7[%dma_start3A_148] : memref<2560xi32, #tpu.memory_space<vmem>> -> memref<128xi32, #tpu.memory_space<vmem>>
      %dma_start3A_150 = arith.constant 0 : i32
      %dma_start3A_151 = arith.constant 0 : i32
      %dma_start3A_152 = tpu.memref_slice %arg2[%dma_start3A_150, %dma_start3A_151] : memref<100000x16xf32, #tpu.memory_space<hbm>> -> memref<100000x16xf32, #tpu.memory_space<hbm>>
      tpu.enqueue_indirect_dma source(%dma_start3A_152 : memref<100000x16xf32, #tpu.memory_space<hbm>>) target(%dma_start3A_147 : memref<128x16xf32, #tpu.memory_space<vmem>>) offsets(%dma_start3A_149 : memref<128xi32, #tpu.memory_space<vmem>>) semaphore(%arg11 : memref<!tpu.dma_semaphore, #tpu.memory_space<semaphore_mem>>)
      %dma_start3A_153 = arith.constant 2176 : i32
      %dma_start3A_154 = arith.constant 0 : i32
      %dma_start3A_155 = tpu.memref_slice %arg9[%dma_start3A_153, %dma_start3A_154] : memref<2560x16xf32, #tpu.memory_space<vmem>> -> memref<128x16xf32, #tpu.memory_space<vmem>>
      %dma_start3A_156 = arith.constant 2176 : i32
      %dma_start3A_157 = tpu.memref_slice %arg7[%dma_start3A_156] : memref<2560xi32, #tpu.memory_space<vmem>> -> memref<128xi32, #tpu.memory_space<vmem>>
      %dma_start3A_158 = arith.constant 0 : i32
      %dma_start3A_159 = arith.constant 0 : i32
      %dma_start3A_160 = tpu.memref_slice %arg2[%dma_start3A_158, %dma_start3A_159] : memref<100000x16xf32, #tpu.memory_space<hbm>> -> memref<100000x16xf32, #tpu.memory_space<hbm>>
      tpu.enqueue_indirect_dma source(%dma_start3A_160 : memref<100000x16xf32, #tpu.memory_space<hbm>>) target(%dma_start3A_155 : memref<128x16xf32, #tpu.memory_space<vmem>>) offsets(%dma_start3A_157 : memref<128xi32, #tpu.memory_space<vmem>>) semaphore(%arg11 : memref<!tpu.dma_semaphore, #tpu.memory_space<semaphore_mem>>)
      %dma_start3A_161 = arith.constant 2304 : i32
      %dma_start3A_162 = arith.constant 0 : i32
      %dma_start3A_163 = tpu.memref_slice %arg9[%dma_start3A_161, %dma_start3A_162] : memref<2560x16xf32, #tpu.memory_space<vmem>> -> memref<128x16xf32, #tpu.memory_space<vmem>>
      %dma_start3A_164 = arith.constant 2304 : i32
      %dma_start3A_165 = tpu.memref_slice %arg7[%dma_start3A_164] : memref<2560xi32, #tpu.memory_space<vmem>> -> memref<128xi32, #tpu.memory_space<vmem>>
      %dma_start3A_166 = arith.constant 0 : i32
      %dma_start3A_167 = arith.constant 0 : i32
      %dma_start3A_168 = tpu.memref_slice %arg2[%dma_start3A_166, %dma_start3A_167] : memref<100000x16xf32, #tpu.memory_space<hbm>> -> memref<100000x16xf32, #tpu.memory_space<hbm>>
      tpu.enqueue_indirect_dma source(%dma_start3A_168 : memref<100000x16xf32, #tpu.memory_space<hbm>>) target(%dma_start3A_163 : memref<128x16xf32, #tpu.memory_space<vmem>>) offsets(%dma_start3A_165 : memref<128xi32, #tpu.memory_space<vmem>>) semaphore(%arg11 : memref<!tpu.dma_semaphore, #tpu.memory_space<semaphore_mem>>)
      %dma_start3A_169 = arith.constant 2432 : i32
      %dma_start3A_170 = arith.constant 0 : i32
      %dma_start3A_171 = tpu.memref_slice %arg9[%dma_start3A_169, %dma_start3A_170] : memref<2560x16xf32, #tpu.memory_space<vmem>> -> memref<128x16xf32, #tpu.memory_space<vmem>>
      %dma_start3A_172 = arith.constant 2432 : i32
      %dma_start3A_173 = tpu.memref_slice %arg7[%dma_start3A_172] : memref<2560xi32, #tpu.memory_space<vmem>> -> memref<128xi32, #tpu.memory_space<vmem>>
      %dma_start3A_174 = arith.constant 0 : i32
      %dma_start3A_175 = arith.constant 0 : i32
      %dma_start3A_176 = tpu.memref_slice %arg2[%dma_start3A_174, %dma_start3A_175] : memref<100000x16xf32, #tpu.memory_space<hbm>> -> memref<100000x16xf32, #tpu.memory_space<hbm>>
      tpu.enqueue_indirect_dma source(%dma_start3A_176 : memref<100000x16xf32, #tpu.memory_space<hbm>>) target(%dma_start3A_171 : memref<128x16xf32, #tpu.memory_space<vmem>>) offsets(%dma_start3A_173 : memref<128xi32, #tpu.memory_space<vmem>>) semaphore(%arg11 : memref<!tpu.dma_semaphore, #tpu.memory_space<semaphore_mem>>)
      %dma_start3A_177 = arith.constant 0 : i32
      %dma_start3A_178 = arith.constant 0 : i32
      %dma_start3A_179 = tpu.memref_slice %arg10[%dma_start3A_177, %dma_start3A_178] : memref<2560x16xf32, #tpu.memory_space<vmem>> -> memref<128x16xf32, #tpu.memory_space<vmem>>
      %dma_start3A_180 = arith.constant 0 : i32
      %dma_start3A_181 = tpu.memref_slice %arg8[%dma_start3A_180] : memref<2560xi32, #tpu.memory_space<vmem>> -> memref<128xi32, #tpu.memory_space<vmem>>
      %dma_start3A_182 = arith.constant 0 : i32
      %dma_start3A_183 = arith.constant 0 : i32
      %dma_start3A_184 = tpu.memref_slice %arg2[%dma_start3A_182, %dma_start3A_183] : memref<100000x16xf32, #tpu.memory_space<hbm>> -> memref<100000x16xf32, #tpu.memory_space<hbm>>
      tpu.enqueue_indirect_dma source(%dma_start3A_184 : memref<100000x16xf32, #tpu.memory_space<hbm>>) target(%dma_start3A_179 : memref<128x16xf32, #tpu.memory_space<vmem>>) offsets(%dma_start3A_181 : memref<128xi32, #tpu.memory_space<vmem>>) semaphore(%arg12 : memref<!tpu.dma_semaphore, #tpu.memory_space<semaphore_mem>>)
      %dma_start3A_185 = arith.constant 128 : i32
      %dma_start3A_186 = arith.constant 0 : i32
      %dma_start3A_187 = tpu.memref_slice %arg10[%dma_start3A_185, %dma_start3A_186] : memref<2560x16xf32, #tpu.memory_space<vmem>> -> memref<128x16xf32, #tpu.memory_space<vmem>>
      %dma_start3A_188 = arith.constant 128 : i32
      %dma_start3A_189 = tpu.memref_slice %arg8[%dma_start3A_188] : memref<2560xi32, #tpu.memory_space<vmem>> -> memref<128xi32, #tpu.memory_space<vmem>>
      %dma_start3A_190 = arith.constant 0 : i32
      %dma_start3A_191 = arith.constant 0 : i32
      %dma_start3A_192 = tpu.memref_slice %arg2[%dma_start3A_190, %dma_start3A_191] : memref<100000x16xf32, #tpu.memory_space<hbm>> -> memref<100000x16xf32, #tpu.memory_space<hbm>>
      tpu.enqueue_indirect_dma source(%dma_start3A_192 : memref<100000x16xf32, #tpu.memory_space<hbm>>) target(%dma_start3A_187 : memref<128x16xf32, #tpu.memory_space<vmem>>) offsets(%dma_start3A_189 : memref<128xi32, #tpu.memory_space<vmem>>) semaphore(%arg12 : memref<!tpu.dma_semaphore, #tpu.memory_space<semaphore_mem>>)
      %dma_start3A_193 = arith.constant 256 : i32
      %dma_start3A_194 = arith.constant 0 : i32
      %dma_start3A_195 = tpu.memref_slice %arg10[%dma_start3A_193, %dma_start3A_194] : memref<2560x16xf32, #tpu.memory_space<vmem>> -> memref<128x16xf32, #tpu.memory_space<vmem>>
      %dma_start3A_196 = arith.constant 256 : i32
      %dma_start3A_197 = tpu.memref_slice %arg8[%dma_start3A_196] : memref<2560xi32, #tpu.memory_space<vmem>> -> memref<128xi32, #tpu.memory_space<vmem>>
      %dma_start3A_198 = arith.constant 0 : i32
      %dma_start3A_199 = arith.constant 0 : i32
      %dma_start3A_200 = tpu.memref_slice %arg2[%dma_start3A_198, %dma_start3A_199] : memref<100000x16xf32, #tpu.memory_space<hbm>> -> memref<100000x16xf32, #tpu.memory_space<hbm>>
      tpu.enqueue_indirect_dma source(%dma_start3A_200 : memref<100000x16xf32, #tpu.memory_space<hbm>>) target(%dma_start3A_195 : memref<128x16xf32, #tpu.memory_space<vmem>>) offsets(%dma_start3A_197 : memref<128xi32, #tpu.memory_space<vmem>>) semaphore(%arg12 : memref<!tpu.dma_semaphore, #tpu.memory_space<semaphore_mem>>)
      %dma_start3A_201 = arith.constant 384 : i32
      %dma_start3A_202 = arith.constant 0 : i32
      %dma_start3A_203 = tpu.memref_slice %arg10[%dma_start3A_201, %dma_start3A_202] : memref<2560x16xf32, #tpu.memory_space<vmem>> -> memref<128x16xf32, #tpu.memory_space<vmem>>
      %dma_start3A_204 = arith.constant 384 : i32
      %dma_start3A_205 = tpu.memref_slice %arg8[%dma_start3A_204] : memref<2560xi32, #tpu.memory_space<vmem>> -> memref<128xi32, #tpu.memory_space<vmem>>
      %dma_start3A_206 = arith.constant 0 : i32
      %dma_start3A_207 = arith.constant 0 : i32
      %dma_start3A_208 = tpu.memref_slice %arg2[%dma_start3A_206, %dma_start3A_207] : memref<100000x16xf32, #tpu.memory_space<hbm>> -> memref<100000x16xf32, #tpu.memory_space<hbm>>
      tpu.enqueue_indirect_dma source(%dma_start3A_208 : memref<100000x16xf32, #tpu.memory_space<hbm>>) target(%dma_start3A_203 : memref<128x16xf32, #tpu.memory_space<vmem>>) offsets(%dma_start3A_205 : memref<128xi32, #tpu.memory_space<vmem>>) semaphore(%arg12 : memref<!tpu.dma_semaphore, #tpu.memory_space<semaphore_mem>>)
      %dma_start3A_209 = arith.constant 512 : i32
      %dma_start3A_210 = arith.constant 0 : i32
      %dma_start3A_211 = tpu.memref_slice %arg10[%dma_start3A_209, %dma_start3A_210] : memref<2560x16xf32, #tpu.memory_space<vmem>> -> memref<128x16xf32, #tpu.memory_space<vmem>>
      %dma_start3A_212 = arith.constant 512 : i32
      %dma_start3A_213 = tpu.memref_slice %arg8[%dma_start3A_212] : memref<2560xi32, #tpu.memory_space<vmem>> -> memref<128xi32, #tpu.memory_space<vmem>>
      %dma_start3A_214 = arith.constant 0 : i32
      %dma_start3A_215 = arith.constant 0 : i32
      %dma_start3A_216 = tpu.memref_slice %arg2[%dma_start3A_214, %dma_start3A_215] : memref<100000x16xf32, #tpu.memory_space<hbm>> -> memref<100000x16xf32, #tpu.memory_space<hbm>>
      tpu.enqueue_indirect_dma source(%dma_start3A_216 : memref<100000x16xf32, #tpu.memory_space<hbm>>) target(%dma_start3A_211 : memref<128x16xf32, #tpu.memory_space<vmem>>) offsets(%dma_start3A_213 : memref<128xi32, #tpu.memory_space<vmem>>) semaphore(%arg12 : memref<!tpu.dma_semaphore, #tpu.memory_space<semaphore_mem>>)
      %dma_start3A_217 = arith.constant 640 : i32
      %dma_start3A_218 = arith.constant 0 : i32
      %dma_start3A_219 = tpu.memref_slice %arg10[%dma_start3A_217, %dma_start3A_218] : memref<2560x16xf32, #tpu.memory_space<vmem>> -> memref<128x16xf32, #tpu.memory_space<vmem>>
      %dma_start3A_220 = arith.constant 640 : i32
      %dma_start3A_221 = tpu.memref_slice %arg8[%dma_start3A_220] : memref<2560xi32, #tpu.memory_space<vmem>> -> memref<128xi32, #tpu.memory_space<vmem>>
      %dma_start3A_222 = arith.constant 0 : i32
      %dma_start3A_223 = arith.constant 0 : i32
      %dma_start3A_224 = tpu.memref_slice %arg2[%dma_start3A_222, %dma_start3A_223] : memref<100000x16xf32, #tpu.memory_space<hbm>> -> memref<100000x16xf32, #tpu.memory_space<hbm>>
      tpu.enqueue_indirect_dma source(%dma_start3A_224 : memref<100000x16xf32, #tpu.memory_space<hbm>>) target(%dma_start3A_219 : memref<128x16xf32, #tpu.memory_space<vmem>>) offsets(%dma_start3A_221 : memref<128xi32, #tpu.memory_space<vmem>>) semaphore(%arg12 : memref<!tpu.dma_semaphore, #tpu.memory_space<semaphore_mem>>)
      %dma_start3A_225 = arith.constant 768 : i32
      %dma_start3A_226 = arith.constant 0 : i32
      %dma_start3A_227 = tpu.memref_slice %arg10[%dma_start3A_225, %dma_start3A_226] : memref<2560x16xf32, #tpu.memory_space<vmem>> -> memref<128x16xf32, #tpu.memory_space<vmem>>
      %dma_start3A_228 = arith.constant 768 : i32
      %dma_start3A_229 = tpu.memref_slice %arg8[%dma_start3A_228] : memref<2560xi32, #tpu.memory_space<vmem>> -> memref<128xi32, #tpu.memory_space<vmem>>
      %dma_start3A_230 = arith.constant 0 : i32
      %dma_start3A_231 = arith.constant 0 : i32
      %dma_start3A_232 = tpu.memref_slice %arg2[%dma_start3A_230, %dma_start3A_231] : memref<100000x16xf32, #tpu.memory_space<hbm>> -> memref<100000x16xf32, #tpu.memory_space<hbm>>
      tpu.enqueue_indirect_dma source(%dma_start3A_232 : memref<100000x16xf32, #tpu.memory_space<hbm>>) target(%dma_start3A_227 : memref<128x16xf32, #tpu.memory_space<vmem>>) offsets(%dma_start3A_229 : memref<128xi32, #tpu.memory_space<vmem>>) semaphore(%arg12 : memref<!tpu.dma_semaphore, #tpu.memory_space<semaphore_mem>>)
      %dma_start3A_233 = arith.constant 896 : i32
      %dma_start3A_234 = arith.constant 0 : i32
      %dma_start3A_235 = tpu.memref_slice %arg10[%dma_start3A_233, %dma_start3A_234] : memref<2560x16xf32, #tpu.memory_space<vmem>> -> memref<128x16xf32, #tpu.memory_space<vmem>>
      %dma_start3A_236 = arith.constant 896 : i32
      %dma_start3A_237 = tpu.memref_slice %arg8[%dma_start3A_236] : memref<2560xi32, #tpu.memory_space<vmem>> -> memref<128xi32, #tpu.memory_space<vmem>>
      %dma_start3A_238 = arith.constant 0 : i32
      %dma_start3A_239 = arith.constant 0 : i32
      %dma_start3A_240 = tpu.memref_slice %arg2[%dma_start3A_238, %dma_start3A_239] : memref<100000x16xf32, #tpu.memory_space<hbm>> -> memref<100000x16xf32, #tpu.memory_space<hbm>>
      tpu.enqueue_indirect_dma source(%dma_start3A_240 : memref<100000x16xf32, #tpu.memory_space<hbm>>) target(%dma_start3A_235 : memref<128x16xf32, #tpu.memory_space<vmem>>) offsets(%dma_start3A_237 : memref<128xi32, #tpu.memory_space<vmem>>) semaphore(%arg12 : memref<!tpu.dma_semaphore, #tpu.memory_space<semaphore_mem>>)
      %dma_start3A_241 = arith.constant 1024 : i32
      %dma_start3A_242 = arith.constant 0 : i32
      %dma_start3A_243 = tpu.memref_slice %arg10[%dma_start3A_241, %dma_start3A_242] : memref<2560x16xf32, #tpu.memory_space<vmem>> -> memref<128x16xf32, #tpu.memory_space<vmem>>
      %dma_start3A_244 = arith.constant 1024 : i32
      %dma_start3A_245 = tpu.memref_slice %arg8[%dma_start3A_244] : memref<2560xi32, #tpu.memory_space<vmem>> -> memref<128xi32, #tpu.memory_space<vmem>>
      %dma_start3A_246 = arith.constant 0 : i32
      %dma_start3A_247 = arith.constant 0 : i32
      %dma_start3A_248 = tpu.memref_slice %arg2[%dma_start3A_246, %dma_start3A_247] : memref<100000x16xf32, #tpu.memory_space<hbm>> -> memref<100000x16xf32, #tpu.memory_space<hbm>>
      tpu.enqueue_indirect_dma source(%dma_start3A_248 : memref<100000x16xf32, #tpu.memory_space<hbm>>) target(%dma_start3A_243 : memref<128x16xf32, #tpu.memory_space<vmem>>) offsets(%dma_start3A_245 : memref<128xi32, #tpu.memory_space<vmem>>) semaphore(%arg12 : memref<!tpu.dma_semaphore, #tpu.memory_space<semaphore_mem>>)
      %dma_start3A_249 = arith.constant 1152 : i32
      %dma_start3A_250 = arith.constant 0 : i32
      %dma_start3A_251 = tpu.memref_slice %arg10[%dma_start3A_249, %dma_start3A_250] : memref<2560x16xf32, #tpu.memory_space<vmem>> -> memref<128x16xf32, #tpu.memory_space<vmem>>
      %dma_start3A_252 = arith.constant 1152 : i32
      %dma_start3A_253 = tpu.memref_slice %arg8[%dma_start3A_252] : memref<2560xi32, #tpu.memory_space<vmem>> -> memref<128xi32, #tpu.memory_space<vmem>>
      %dma_start3A_254 = arith.constant 0 : i32
      %dma_start3A_255 = arith.constant 0 : i32
      %dma_start3A_256 = tpu.memref_slice %arg2[%dma_start3A_254, %dma_start3A_255] : memref<100000x16xf32, #tpu.memory_space<hbm>> -> memref<100000x16xf32, #tpu.memory_space<hbm>>
      tpu.enqueue_indirect_dma source(%dma_start3A_256 : memref<100000x16xf32, #tpu.memory_space<hbm>>) target(%dma_start3A_251 : memref<128x16xf32, #tpu.memory_space<vmem>>) offsets(%dma_start3A_253 : memref<128xi32, #tpu.memory_space<vmem>>) semaphore(%arg12 : memref<!tpu.dma_semaphore, #tpu.memory_space<semaphore_mem>>)
      %dma_start3A_257 = arith.constant 1280 : i32
      %dma_start3A_258 = arith.constant 0 : i32
      %dma_start3A_259 = tpu.memref_slice %arg10[%dma_start3A_257, %dma_start3A_258] : memref<2560x16xf32, #tpu.memory_space<vmem>> -> memref<128x16xf32, #tpu.memory_space<vmem>>
      %dma_start3A_260 = arith.constant 1280 : i32
      %dma_start3A_261 = tpu.memref_slice %arg8[%dma_start3A_260] : memref<2560xi32, #tpu.memory_space<vmem>> -> memref<128xi32, #tpu.memory_space<vmem>>
      %dma_start3A_262 = arith.constant 0 : i32
      %dma_start3A_263 = arith.constant 0 : i32
      %dma_start3A_264 = tpu.memref_slice %arg2[%dma_start3A_262, %dma_start3A_263] : memref<100000x16xf32, #tpu.memory_space<hbm>> -> memref<100000x16xf32, #tpu.memory_space<hbm>>
      tpu.enqueue_indirect_dma source(%dma_start3A_264 : memref<100000x16xf32, #tpu.memory_space<hbm>>) target(%dma_start3A_259 : memref<128x16xf32, #tpu.memory_space<vmem>>) offsets(%dma_start3A_261 : memref<128xi32, #tpu.memory_space<vmem>>) semaphore(%arg12 : memref<!tpu.dma_semaphore, #tpu.memory_space<semaphore_mem>>)
      %dma_start3A_265 = arith.constant 1408 : i32
      %dma_start3A_266 = arith.constant 0 : i32
      %dma_start3A_267 = tpu.memref_slice %arg10[%dma_start3A_265, %dma_start3A_266] : memref<2560x16xf32, #tpu.memory_space<vmem>> -> memref<128x16xf32, #tpu.memory_space<vmem>>
      %dma_start3A_268 = arith.constant 1408 : i32
      %dma_start3A_269 = tpu.memref_slice %arg8[%dma_start3A_268] : memref<2560xi32, #tpu.memory_space<vmem>> -> memref<128xi32, #tpu.memory_space<vmem>>
      %dma_start3A_270 = arith.constant 0 : i32
      %dma_start3A_271 = arith.constant 0 : i32
      %dma_start3A_272 = tpu.memref_slice %arg2[%dma_start3A_270, %dma_start3A_271] : memref<100000x16xf32, #tpu.memory_space<hbm>> -> memref<100000x16xf32, #tpu.memory_space<hbm>>
      tpu.enqueue_indirect_dma source(%dma_start3A_272 : memref<100000x16xf32, #tpu.memory_space<hbm>>) target(%dma_start3A_267 : memref<128x16xf32, #tpu.memory_space<vmem>>) offsets(%dma_start3A_269 : memref<128xi32, #tpu.memory_space<vmem>>) semaphore(%arg12 : memref<!tpu.dma_semaphore, #tpu.memory_space<semaphore_mem>>)
      %dma_start3A_273 = arith.constant 1536 : i32
      %dma_start3A_274 = arith.constant 0 : i32
      %dma_start3A_275 = tpu.memref_slice %arg10[%dma_start3A_273, %dma_start3A_274] : memref<2560x16xf32, #tpu.memory_space<vmem>> -> memref<128x16xf32, #tpu.memory_space<vmem>>
      %dma_start3A_276 = arith.constant 1536 : i32
      %dma_start3A_277 = tpu.memref_slice %arg8[%dma_start3A_276] : memref<2560xi32, #tpu.memory_space<vmem>> -> memref<128xi32, #tpu.memory_space<vmem>>
      %dma_start3A_278 = arith.constant 0 : i32
      %dma_start3A_279 = arith.constant 0 : i32
      %dma_start3A_280 = tpu.memref_slice %arg2[%dma_start3A_278, %dma_start3A_279] : memref<100000x16xf32, #tpu.memory_space<hbm>> -> memref<100000x16xf32, #tpu.memory_space<hbm>>
      tpu.enqueue_indirect_dma source(%dma_start3A_280 : memref<100000x16xf32, #tpu.memory_space<hbm>>) target(%dma_start3A_275 : memref<128x16xf32, #tpu.memory_space<vmem>>) offsets(%dma_start3A_277 : memref<128xi32, #tpu.memory_space<vmem>>) semaphore(%arg12 : memref<!tpu.dma_semaphore, #tpu.memory_space<semaphore_mem>>)
      %dma_start3A_281 = arith.constant 1664 : i32
      %dma_start3A_282 = arith.constant 0 : i32
      %dma_start3A_283 = tpu.memref_slice %arg10[%dma_start3A_281, %dma_start3A_282] : memref<2560x16xf32, #tpu.memory_space<vmem>> -> memref<128x16xf32, #tpu.memory_space<vmem>>
      %dma_start3A_284 = arith.constant 1664 : i32
      %dma_start3A_285 = tpu.memref_slice %arg8[%dma_start3A_284] : memref<2560xi32, #tpu.memory_space<vmem>> -> memref<128xi32, #tpu.memory_space<vmem>>
      %dma_start3A_286 = arith.constant 0 : i32
      %dma_start3A_287 = arith.constant 0 : i32
      %dma_start3A_288 = tpu.memref_slice %arg2[%dma_start3A_286, %dma_start3A_287] : memref<100000x16xf32, #tpu.memory_space<hbm>> -> memref<100000x16xf32, #tpu.memory_space<hbm>>
      tpu.enqueue_indirect_dma source(%dma_start3A_288 : memref<100000x16xf32, #tpu.memory_space<hbm>>) target(%dma_start3A_283 : memref<128x16xf32, #tpu.memory_space<vmem>>) offsets(%dma_start3A_285 : memref<128xi32, #tpu.memory_space<vmem>>) semaphore(%arg12 : memref<!tpu.dma_semaphore, #tpu.memory_space<semaphore_mem>>)
      %dma_start3A_289 = arith.constant 1792 : i32
      %dma_start3A_290 = arith.constant 0 : i32
      %dma_start3A_291 = tpu.memref_slice %arg10[%dma_start3A_289, %dma_start3A_290] : memref<2560x16xf32, #tpu.memory_space<vmem>> -> memref<128x16xf32, #tpu.memory_space<vmem>>
      %dma_start3A_292 = arith.constant 1792 : i32
      %dma_start3A_293 = tpu.memref_slice %arg8[%dma_start3A_292] : memref<2560xi32, #tpu.memory_space<vmem>> -> memref<128xi32, #tpu.memory_space<vmem>>
      %dma_start3A_294 = arith.constant 0 : i32
      %dma_start3A_295 = arith.constant 0 : i32
      %dma_start3A_296 = tpu.memref_slice %arg2[%dma_start3A_294, %dma_start3A_295] : memref<100000x16xf32, #tpu.memory_space<hbm>> -> memref<100000x16xf32, #tpu.memory_space<hbm>>
      tpu.enqueue_indirect_dma source(%dma_start3A_296 : memref<100000x16xf32, #tpu.memory_space<hbm>>) target(%dma_start3A_291 : memref<128x16xf32, #tpu.memory_space<vmem>>) offsets(%dma_start3A_293 : memref<128xi32, #tpu.memory_space<vmem>>) semaphore(%arg12 : memref<!tpu.dma_semaphore, #tpu.memory_space<semaphore_mem>>)
      %dma_start3A_297 = arith.constant 1920 : i32
      %dma_start3A_298 = arith.constant 0 : i32
      %dma_start3A_299 = tpu.memref_slice %arg10[%dma_start3A_297, %dma_start3A_298] : memref<2560x16xf32, #tpu.memory_space<vmem>> -> memref<128x16xf32, #tpu.memory_space<vmem>>
      %dma_start3A_300 = arith.constant 1920 : i32
      %dma_start3A_301 = tpu.memref_slice %arg8[%dma_start3A_300] : memref<2560xi32, #tpu.memory_space<vmem>> -> memref<128xi32, #tpu.memory_space<vmem>>
      %dma_start3A_302 = arith.constant 0 : i32
      %dma_start3A_303 = arith.constant 0 : i32
      %dma_start3A_304 = tpu.memref_slice %arg2[%dma_start3A_302, %dma_start3A_303] : memref<100000x16xf32, #tpu.memory_space<hbm>> -> memref<100000x16xf32, #tpu.memory_space<hbm>>
      tpu.enqueue_indirect_dma source(%dma_start3A_304 : memref<100000x16xf32, #tpu.memory_space<hbm>>) target(%dma_start3A_299 : memref<128x16xf32, #tpu.memory_space<vmem>>) offsets(%dma_start3A_301 : memref<128xi32, #tpu.memory_space<vmem>>) semaphore(%arg12 : memref<!tpu.dma_semaphore, #tpu.memory_space<semaphore_mem>>)
      %dma_start3A_305 = arith.constant 2048 : i32
      %dma_start3A_306 = arith.constant 0 : i32
      %dma_start3A_307 = tpu.memref_slice %arg10[%dma_start3A_305, %dma_start3A_306] : memref<2560x16xf32, #tpu.memory_space<vmem>> -> memref<128x16xf32, #tpu.memory_space<vmem>>
      %dma_start3A_308 = arith.constant 2048 : i32
      %dma_start3A_309 = tpu.memref_slice %arg8[%dma_start3A_308] : memref<2560xi32, #tpu.memory_space<vmem>> -> memref<128xi32, #tpu.memory_space<vmem>>
      %dma_start3A_310 = arith.constant 0 : i32
      %dma_start3A_311 = arith.constant 0 : i32
      %dma_start3A_312 = tpu.memref_slice %arg2[%dma_start3A_310, %dma_start3A_311] : memref<100000x16xf32, #tpu.memory_space<hbm>> -> memref<100000x16xf32, #tpu.memory_space<hbm>>
      tpu.enqueue_indirect_dma source(%dma_start3A_312 : memref<100000x16xf32, #tpu.memory_space<hbm>>) target(%dma_start3A_307 : memref<128x16xf32, #tpu.memory_space<vmem>>) offsets(%dma_start3A_309 : memref<128xi32, #tpu.memory_space<vmem>>) semaphore(%arg12 : memref<!tpu.dma_semaphore, #tpu.memory_space<semaphore_mem>>)
      %dma_start3A_313 = arith.constant 2176 : i32
      %dma_start3A_314 = arith.constant 0 : i32
      %dma_start3A_315 = tpu.memref_slice %arg10[%dma_start3A_313, %dma_start3A_314] : memref<2560x16xf32, #tpu.memory_space<vmem>> -> memref<128x16xf32, #tpu.memory_space<vmem>>
      %dma_start3A_316 = arith.constant 2176 : i32
      %dma_start3A_317 = tpu.memref_slice %arg8[%dma_start3A_316] : memref<2560xi32, #tpu.memory_space<vmem>> -> memref<128xi32, #tpu.memory_space<vmem>>
      %dma_start3A_318 = arith.constant 0 : i32
      %dma_start3A_319 = arith.constant 0 : i32
      %dma_start3A_320 = tpu.memref_slice %arg2[%dma_start3A_318, %dma_start3A_319] : memref<100000x16xf32, #tpu.memory_space<hbm>> -> memref<100000x16xf32, #tpu.memory_space<hbm>>
      tpu.enqueue_indirect_dma source(%dma_start3A_320 : memref<100000x16xf32, #tpu.memory_space<hbm>>) target(%dma_start3A_315 : memref<128x16xf32, #tpu.memory_space<vmem>>) offsets(%dma_start3A_317 : memref<128xi32, #tpu.memory_space<vmem>>) semaphore(%arg12 : memref<!tpu.dma_semaphore, #tpu.memory_space<semaphore_mem>>)
      %dma_start3A_321 = arith.constant 2304 : i32
      %dma_start3A_322 = arith.constant 0 : i32
      %dma_start3A_323 = tpu.memref_slice %arg10[%dma_start3A_321, %dma_start3A_322] : memref<2560x16xf32, #tpu.memory_space<vmem>> -> memref<128x16xf32, #tpu.memory_space<vmem>>
      %dma_start3A_324 = arith.constant 2304 : i32
      %dma_start3A_325 = tpu.memref_slice %arg8[%dma_start3A_324] : memref<2560xi32, #tpu.memory_space<vmem>> -> memref<128xi32, #tpu.memory_space<vmem>>
      %dma_start3A_326 = arith.constant 0 : i32
      %dma_start3A_327 = arith.constant 0 : i32
      %dma_start3A_328 = tpu.memref_slice %arg2[%dma_start3A_326, %dma_start3A_327] : memref<100000x16xf32, #tpu.memory_space<hbm>> -> memref<100000x16xf32, #tpu.memory_space<hbm>>
      tpu.enqueue_indirect_dma source(%dma_start3A_328 : memref<100000x16xf32, #tpu.memory_space<hbm>>) target(%dma_start3A_323 : memref<128x16xf32, #tpu.memory_space<vmem>>) offsets(%dma_start3A_325 : memref<128xi32, #tpu.memory_space<vmem>>) semaphore(%arg12 : memref<!tpu.dma_semaphore, #tpu.memory_space<semaphore_mem>>)
      %dma_start3A_329 = arith.constant 2432 : i32
      %dma_start3A_330 = arith.constant 0 : i32
      %dma_start3A_331 = tpu.memref_slice %arg10[%dma_start3A_329, %dma_start3A_330] : memref<2560x16xf32, #tpu.memory_space<vmem>> -> memref<128x16xf32, #tpu.memory_space<vmem>>
      %dma_start3A_332 = arith.constant 2432 : i32
      %dma_start3A_333 = tpu.memref_slice %arg8[%dma_start3A_332] : memref<2560xi32, #tpu.memory_space<vmem>> -> memref<128xi32, #tpu.memory_space<vmem>>
      %dma_start3A_334 = arith.constant 0 : i32
      %dma_start3A_335 = arith.constant 0 : i32
      %dma_start3A_336 = tpu.memref_slice %arg2[%dma_start3A_334, %dma_start3A_335] : memref<100000x16xf32, #tpu.memory_space<hbm>> -> memref<100000x16xf32, #tpu.memory_space<hbm>>
      tpu.enqueue_indirect_dma source(%dma_start3A_336 : memref<100000x16xf32, #tpu.memory_space<hbm>>) target(%dma_start3A_331 : memref<128x16xf32, #tpu.memory_space<vmem>>) offsets(%dma_start3A_333 : memref<128xi32, #tpu.memory_space<vmem>>) semaphore(%arg12 : memref<!tpu.dma_semaphore, #tpu.memory_space<semaphore_mem>>)
      %dma_wait3A = arith.constant 0 : i32
      %dma_wait3A_337 = arith.constant 0 : i32
      %dma_wait3A_338 = tpu.memref_slice %arg9[%dma_wait3A, %dma_wait3A_337] : memref<2560x16xf32, #tpu.memory_space<vmem>> -> memref<128x16xf32, #tpu.memory_space<vmem>>
      %dma_wait3A_339 = arith.constant 0 : i32
      %dma_wait3A_340 = tpu.memref_slice %arg7[%dma_wait3A_339] : memref<2560xi32, #tpu.memory_space<vmem>> -> memref<128xi32, #tpu.memory_space<vmem>>
      %dma_wait3A_341 = arith.constant 0 : i32
      %dma_wait3A_342 = arith.constant 0 : i32
      %dma_wait3A_343 = tpu.memref_slice %arg2[%dma_wait3A_341, %dma_wait3A_342] : memref<100000x16xf32, #tpu.memory_space<hbm>> -> memref<100000x16xf32, #tpu.memory_space<hbm>>
      tpu.wait_indirect_dma semaphore(%arg11 : memref<!tpu.dma_semaphore, #tpu.memory_space<semaphore_mem>>) src(%dma_wait3A_343 : memref<100000x16xf32, #tpu.memory_space<hbm>>) dst(%dma_wait3A_338 : memref<128x16xf32, #tpu.memory_space<vmem>>)
      %dma_wait3A_344 = arith.constant 128 : i32
      %dma_wait3A_345 = arith.constant 0 : i32
      %dma_wait3A_346 = tpu.memref_slice %arg9[%dma_wait3A_344, %dma_wait3A_345] : memref<2560x16xf32, #tpu.memory_space<vmem>> -> memref<128x16xf32, #tpu.memory_space<vmem>>
      %dma_wait3A_347 = arith.constant 128 : i32
      %dma_wait3A_348 = tpu.memref_slice %arg7[%dma_wait3A_347] : memref<2560xi32, #tpu.memory_space<vmem>> -> memref<128xi32, #tpu.memory_space<vmem>>
      %dma_wait3A_349 = arith.constant 0 : i32
      %dma_wait3A_350 = arith.constant 0 : i32
      %dma_wait3A_351 = tpu.memref_slice %arg2[%dma_wait3A_349, %dma_wait3A_350] : memref<100000x16xf32, #tpu.memory_space<hbm>> -> memref<100000x16xf32, #tpu.memory_space<hbm>>
      tpu.wait_indirect_dma semaphore(%arg11 : memref<!tpu.dma_semaphore, #tpu.memory_space<semaphore_mem>>) src(%dma_wait3A_351 : memref<100000x16xf32, #tpu.memory_space<hbm>>) dst(%dma_wait3A_346 : memref<128x16xf32, #tpu.memory_space<vmem>>)
      %dma_wait3A_352 = arith.constant 256 : i32
      %dma_wait3A_353 = arith.constant 0 : i32
      %dma_wait3A_354 = tpu.memref_slice %arg9[%dma_wait3A_352, %dma_wait3A_353] : memref<2560x16xf32, #tpu.memory_space<vmem>> -> memref<128x16xf32, #tpu.memory_space<vmem>>
      %dma_wait3A_355 = arith.constant 256 : i32
      %dma_wait3A_356 = tpu.memref_slice %arg7[%dma_wait3A_355] : memref<2560xi32, #tpu.memory_space<vmem>> -> memref<128xi32, #tpu.memory_space<vmem>>
      %dma_wait3A_357 = arith.constant 0 : i32
      %dma_wait3A_358 = arith.constant 0 : i32
      %dma_wait3A_359 = tpu.memref_slice %arg2[%dma_wait3A_357, %dma_wait3A_358] : memref<100000x16xf32, #tpu.memory_space<hbm>> -> memref<100000x16xf32, #tpu.memory_space<hbm>>
      tpu.wait_indirect_dma semaphore(%arg11 : memref<!tpu.dma_semaphore, #tpu.memory_space<semaphore_mem>>) src(%dma_wait3A_359 : memref<100000x16xf32, #tpu.memory_space<hbm>>) dst(%dma_wait3A_354 : memref<128x16xf32, #tpu.memory_space<vmem>>)
      %dma_wait3A_360 = arith.constant 384 : i32
      %dma_wait3A_361 = arith.constant 0 : i32
      %dma_wait3A_362 = tpu.memref_slice %arg9[%dma_wait3A_360, %dma_wait3A_361] : memref<2560x16xf32, #tpu.memory_space<vmem>> -> memref<128x16xf32, #tpu.memory_space<vmem>>
      %dma_wait3A_363 = arith.constant 384 : i32
      %dma_wait3A_364 = tpu.memref_slice %arg7[%dma_wait3A_363] : memref<2560xi32, #tpu.memory_space<vmem>> -> memref<128xi32, #tpu.memory_space<vmem>>
      %dma_wait3A_365 = arith.constant 0 : i32
      %dma_wait3A_366 = arith.constant 0 : i32
      %dma_wait3A_367 = tpu.memref_slice %arg2[%dma_wait3A_365, %dma_wait3A_366] : memref<100000x16xf32, #tpu.memory_space<hbm>> -> memref<100000x16xf32, #tpu.memory_space<hbm>>
      tpu.wait_indirect_dma semaphore(%arg11 : memref<!tpu.dma_semaphore, #tpu.memory_space<semaphore_mem>>) src(%dma_wait3A_367 : memref<100000x16xf32, #tpu.memory_space<hbm>>) dst(%dma_wait3A_362 : memref<128x16xf32, #tpu.memory_space<vmem>>)
      %dma_wait3A_368 = arith.constant 512 : i32
      %dma_wait3A_369 = arith.constant 0 : i32
      %dma_wait3A_370 = tpu.memref_slice %arg9[%dma_wait3A_368, %dma_wait3A_369] : memref<2560x16xf32, #tpu.memory_space<vmem>> -> memref<128x16xf32, #tpu.memory_space<vmem>>
      %dma_wait3A_371 = arith.constant 512 : i32
      %dma_wait3A_372 = tpu.memref_slice %arg7[%dma_wait3A_371] : memref<2560xi32, #tpu.memory_space<vmem>> -> memref<128xi32, #tpu.memory_space<vmem>>
      %dma_wait3A_373 = arith.constant 0 : i32
      %dma_wait3A_374 = arith.constant 0 : i32
      %dma_wait3A_375 = tpu.memref_slice %arg2[%dma_wait3A_373, %dma_wait3A_374] : memref<100000x16xf32, #tpu.memory_space<hbm>> -> memref<100000x16xf32, #tpu.memory_space<hbm>>
      tpu.wait_indirect_dma semaphore(%arg11 : memref<!tpu.dma_semaphore, #tpu.memory_space<semaphore_mem>>) src(%dma_wait3A_375 : memref<100000x16xf32, #tpu.memory_space<hbm>>) dst(%dma_wait3A_370 : memref<128x16xf32, #tpu.memory_space<vmem>>)
      %dma_wait3A_376 = arith.constant 640 : i32
      %dma_wait3A_377 = arith.constant 0 : i32
      %dma_wait3A_378 = tpu.memref_slice %arg9[%dma_wait3A_376, %dma_wait3A_377] : memref<2560x16xf32, #tpu.memory_space<vmem>> -> memref<128x16xf32, #tpu.memory_space<vmem>>
      %dma_wait3A_379 = arith.constant 640 : i32
      %dma_wait3A_380 = tpu.memref_slice %arg7[%dma_wait3A_379] : memref<2560xi32, #tpu.memory_space<vmem>> -> memref<128xi32, #tpu.memory_space<vmem>>
      %dma_wait3A_381 = arith.constant 0 : i32
      %dma_wait3A_382 = arith.constant 0 : i32
      %dma_wait3A_383 = tpu.memref_slice %arg2[%dma_wait3A_381, %dma_wait3A_382] : memref<100000x16xf32, #tpu.memory_space<hbm>> -> memref<100000x16xf32, #tpu.memory_space<hbm>>
      tpu.wait_indirect_dma semaphore(%arg11 : memref<!tpu.dma_semaphore, #tpu.memory_space<semaphore_mem>>) src(%dma_wait3A_383 : memref<100000x16xf32, #tpu.memory_space<hbm>>) dst(%dma_wait3A_378 : memref<128x16xf32, #tpu.memory_space<vmem>>)
      %dma_wait3A_384 = arith.constant 768 : i32
      %dma_wait3A_385 = arith.constant 0 : i32
      %dma_wait3A_386 = tpu.memref_slice %arg9[%dma_wait3A_384, %dma_wait3A_385] : memref<2560x16xf32, #tpu.memory_space<vmem>> -> memref<128x16xf32, #tpu.memory_space<vmem>>
      %dma_wait3A_387 = arith.constant 768 : i32
      %dma_wait3A_388 = tpu.memref_slice %arg7[%dma_wait3A_387] : memref<2560xi32, #tpu.memory_space<vmem>> -> memref<128xi32, #tpu.memory_space<vmem>>
      %dma_wait3A_389 = arith.constant 0 : i32
      %dma_wait3A_390 = arith.constant 0 : i32
      %dma_wait3A_391 = tpu.memref_slice %arg2[%dma_wait3A_389, %dma_wait3A_390] : memref<100000x16xf32, #tpu.memory_space<hbm>> -> memref<100000x16xf32, #tpu.memory_space<hbm>>
      tpu.wait_indirect_dma semaphore(%arg11 : memref<!tpu.dma_semaphore, #tpu.memory_space<semaphore_mem>>) src(%dma_wait3A_391 : memref<100000x16xf32, #tpu.memory_space<hbm>>) dst(%dma_wait3A_386 : memref<128x16xf32, #tpu.memory_space<vmem>>)
      %dma_wait3A_392 = arith.constant 896 : i32
      %dma_wait3A_393 = arith.constant 0 : i32
      %dma_wait3A_394 = tpu.memref_slice %arg9[%dma_wait3A_392, %dma_wait3A_393] : memref<2560x16xf32, #tpu.memory_space<vmem>> -> memref<128x16xf32, #tpu.memory_space<vmem>>
      %dma_wait3A_395 = arith.constant 896 : i32
      %dma_wait3A_396 = tpu.memref_slice %arg7[%dma_wait3A_395] : memref<2560xi32, #tpu.memory_space<vmem>> -> memref<128xi32, #tpu.memory_space<vmem>>
      %dma_wait3A_397 = arith.constant 0 : i32
      %dma_wait3A_398 = arith.constant 0 : i32
      %dma_wait3A_399 = tpu.memref_slice %arg2[%dma_wait3A_397, %dma_wait3A_398] : memref<100000x16xf32, #tpu.memory_space<hbm>> -> memref<100000x16xf32, #tpu.memory_space<hbm>>
      tpu.wait_indirect_dma semaphore(%arg11 : memref<!tpu.dma_semaphore, #tpu.memory_space<semaphore_mem>>) src(%dma_wait3A_399 : memref<100000x16xf32, #tpu.memory_space<hbm>>) dst(%dma_wait3A_394 : memref<128x16xf32, #tpu.memory_space<vmem>>)
      %dma_wait3A_400 = arith.constant 1024 : i32
      %dma_wait3A_401 = arith.constant 0 : i32
      %dma_wait3A_402 = tpu.memref_slice %arg9[%dma_wait3A_400, %dma_wait3A_401] : memref<2560x16xf32, #tpu.memory_space<vmem>> -> memref<128x16xf32, #tpu.memory_space<vmem>>
      %dma_wait3A_403 = arith.constant 1024 : i32
      %dma_wait3A_404 = tpu.memref_slice %arg7[%dma_wait3A_403] : memref<2560xi32, #tpu.memory_space<vmem>> -> memref<128xi32, #tpu.memory_space<vmem>>
      %dma_wait3A_405 = arith.constant 0 : i32
      %dma_wait3A_406 = arith.constant 0 : i32
      %dma_wait3A_407 = tpu.memref_slice %arg2[%dma_wait3A_405, %dma_wait3A_406] : memref<100000x16xf32, #tpu.memory_space<hbm>> -> memref<100000x16xf32, #tpu.memory_space<hbm>>
      tpu.wait_indirect_dma semaphore(%arg11 : memref<!tpu.dma_semaphore, #tpu.memory_space<semaphore_mem>>) src(%dma_wait3A_407 : memref<100000x16xf32, #tpu.memory_space<hbm>>) dst(%dma_wait3A_402 : memref<128x16xf32, #tpu.memory_space<vmem>>)
      %dma_wait3A_408 = arith.constant 1152 : i32
      %dma_wait3A_409 = arith.constant 0 : i32
      %dma_wait3A_410 = tpu.memref_slice %arg9[%dma_wait3A_408, %dma_wait3A_409] : memref<2560x16xf32, #tpu.memory_space<vmem>> -> memref<128x16xf32, #tpu.memory_space<vmem>>
      %dma_wait3A_411 = arith.constant 1152 : i32
      %dma_wait3A_412 = tpu.memref_slice %arg7[%dma_wait3A_411] : memref<2560xi32, #tpu.memory_space<vmem>> -> memref<128xi32, #tpu.memory_space<vmem>>
      %dma_wait3A_413 = arith.constant 0 : i32
      %dma_wait3A_414 = arith.constant 0 : i32
      %dma_wait3A_415 = tpu.memref_slice %arg2[%dma_wait3A_413, %dma_wait3A_414] : memref<100000x16xf32, #tpu.memory_space<hbm>> -> memref<100000x16xf32, #tpu.memory_space<hbm>>
      tpu.wait_indirect_dma semaphore(%arg11 : memref<!tpu.dma_semaphore, #tpu.memory_space<semaphore_mem>>) src(%dma_wait3A_415 : memref<100000x16xf32, #tpu.memory_space<hbm>>) dst(%dma_wait3A_410 : memref<128x16xf32, #tpu.memory_space<vmem>>)
      %dma_wait3A_416 = arith.constant 1280 : i32
      %dma_wait3A_417 = arith.constant 0 : i32
      %dma_wait3A_418 = tpu.memref_slice %arg9[%dma_wait3A_416, %dma_wait3A_417] : memref<2560x16xf32, #tpu.memory_space<vmem>> -> memref<128x16xf32, #tpu.memory_space<vmem>>
      %dma_wait3A_419 = arith.constant 1280 : i32
      %dma_wait3A_420 = tpu.memref_slice %arg7[%dma_wait3A_419] : memref<2560xi32, #tpu.memory_space<vmem>> -> memref<128xi32, #tpu.memory_space<vmem>>
      %dma_wait3A_421 = arith.constant 0 : i32
      %dma_wait3A_422 = arith.constant 0 : i32
      %dma_wait3A_423 = tpu.memref_slice %arg2[%dma_wait3A_421, %dma_wait3A_422] : memref<100000x16xf32, #tpu.memory_space<hbm>> -> memref<100000x16xf32, #tpu.memory_space<hbm>>
      tpu.wait_indirect_dma semaphore(%arg11 : memref<!tpu.dma_semaphore, #tpu.memory_space<semaphore_mem>>) src(%dma_wait3A_423 : memref<100000x16xf32, #tpu.memory_space<hbm>>) dst(%dma_wait3A_418 : memref<128x16xf32, #tpu.memory_space<vmem>>)
      %dma_wait3A_424 = arith.constant 1408 : i32
      %dma_wait3A_425 = arith.constant 0 : i32
      %dma_wait3A_426 = tpu.memref_slice %arg9[%dma_wait3A_424, %dma_wait3A_425] : memref<2560x16xf32, #tpu.memory_space<vmem>> -> memref<128x16xf32, #tpu.memory_space<vmem>>
      %dma_wait3A_427 = arith.constant 1408 : i32
      %dma_wait3A_428 = tpu.memref_slice %arg7[%dma_wait3A_427] : memref<2560xi32, #tpu.memory_space<vmem>> -> memref<128xi32, #tpu.memory_space<vmem>>
      %dma_wait3A_429 = arith.constant 0 : i32
      %dma_wait3A_430 = arith.constant 0 : i32
      %dma_wait3A_431 = tpu.memref_slice %arg2[%dma_wait3A_429, %dma_wait3A_430] : memref<100000x16xf32, #tpu.memory_space<hbm>> -> memref<100000x16xf32, #tpu.memory_space<hbm>>
      tpu.wait_indirect_dma semaphore(%arg11 : memref<!tpu.dma_semaphore, #tpu.memory_space<semaphore_mem>>) src(%dma_wait3A_431 : memref<100000x16xf32, #tpu.memory_space<hbm>>) dst(%dma_wait3A_426 : memref<128x16xf32, #tpu.memory_space<vmem>>)
      %dma_wait3A_432 = arith.constant 1536 : i32
      %dma_wait3A_433 = arith.constant 0 : i32
      %dma_wait3A_434 = tpu.memref_slice %arg9[%dma_wait3A_432, %dma_wait3A_433] : memref<2560x16xf32, #tpu.memory_space<vmem>> -> memref<128x16xf32, #tpu.memory_space<vmem>>
      %dma_wait3A_435 = arith.constant 1536 : i32
      %dma_wait3A_436 = tpu.memref_slice %arg7[%dma_wait3A_435] : memref<2560xi32, #tpu.memory_space<vmem>> -> memref<128xi32, #tpu.memory_space<vmem>>
      %dma_wait3A_437 = arith.constant 0 : i32
      %dma_wait3A_438 = arith.constant 0 : i32
      %dma_wait3A_439 = tpu.memref_slice %arg2[%dma_wait3A_437, %dma_wait3A_438] : memref<100000x16xf32, #tpu.memory_space<hbm>> -> memref<100000x16xf32, #tpu.memory_space<hbm>>
      tpu.wait_indirect_dma semaphore(%arg11 : memref<!tpu.dma_semaphore, #tpu.memory_space<semaphore_mem>>) src(%dma_wait3A_439 : memref<100000x16xf32, #tpu.memory_space<hbm>>) dst(%dma_wait3A_434 : memref<128x16xf32, #tpu.memory_space<vmem>>)
      %dma_wait3A_440 = arith.constant 1664 : i32
      %dma_wait3A_441 = arith.constant 0 : i32
      %dma_wait3A_442 = tpu.memref_slice %arg9[%dma_wait3A_440, %dma_wait3A_441] : memref<2560x16xf32, #tpu.memory_space<vmem>> -> memref<128x16xf32, #tpu.memory_space<vmem>>
      %dma_wait3A_443 = arith.constant 1664 : i32
      %dma_wait3A_444 = tpu.memref_slice %arg7[%dma_wait3A_443] : memref<2560xi32, #tpu.memory_space<vmem>> -> memref<128xi32, #tpu.memory_space<vmem>>
      %dma_wait3A_445 = arith.constant 0 : i32
      %dma_wait3A_446 = arith.constant 0 : i32
      %dma_wait3A_447 = tpu.memref_slice %arg2[%dma_wait3A_445, %dma_wait3A_446] : memref<100000x16xf32, #tpu.memory_space<hbm>> -> memref<100000x16xf32, #tpu.memory_space<hbm>>
      tpu.wait_indirect_dma semaphore(%arg11 : memref<!tpu.dma_semaphore, #tpu.memory_space<semaphore_mem>>) src(%dma_wait3A_447 : memref<100000x16xf32, #tpu.memory_space<hbm>>) dst(%dma_wait3A_442 : memref<128x16xf32, #tpu.memory_space<vmem>>)
      %dma_wait3A_448 = arith.constant 1792 : i32
      %dma_wait3A_449 = arith.constant 0 : i32
      %dma_wait3A_450 = tpu.memref_slice %arg9[%dma_wait3A_448, %dma_wait3A_449] : memref<2560x16xf32, #tpu.memory_space<vmem>> -> memref<128x16xf32, #tpu.memory_space<vmem>>
      %dma_wait3A_451 = arith.constant 1792 : i32
      %dma_wait3A_452 = tpu.memref_slice %arg7[%dma_wait3A_451] : memref<2560xi32, #tpu.memory_space<vmem>> -> memref<128xi32, #tpu.memory_space<vmem>>
      %dma_wait3A_453 = arith.constant 0 : i32
      %dma_wait3A_454 = arith.constant 0 : i32
      %dma_wait3A_455 = tpu.memref_slice %arg2[%dma_wait3A_453, %dma_wait3A_454] : memref<100000x16xf32, #tpu.memory_space<hbm>> -> memref<100000x16xf32, #tpu.memory_space<hbm>>
      tpu.wait_indirect_dma semaphore(%arg11 : memref<!tpu.dma_semaphore, #tpu.memory_space<semaphore_mem>>) src(%dma_wait3A_455 : memref<100000x16xf32, #tpu.memory_space<hbm>>) dst(%dma_wait3A_450 : memref<128x16xf32, #tpu.memory_space<vmem>>)
      %dma_wait3A_456 = arith.constant 1920 : i32
      %dma_wait3A_457 = arith.constant 0 : i32
      %dma_wait3A_458 = tpu.memref_slice %arg9[%dma_wait3A_456, %dma_wait3A_457] : memref<2560x16xf32, #tpu.memory_space<vmem>> -> memref<128x16xf32, #tpu.memory_space<vmem>>
      %dma_wait3A_459 = arith.constant 1920 : i32
      %dma_wait3A_460 = tpu.memref_slice %arg7[%dma_wait3A_459] : memref<2560xi32, #tpu.memory_space<vmem>> -> memref<128xi32, #tpu.memory_space<vmem>>
      %dma_wait3A_461 = arith.constant 0 : i32
      %dma_wait3A_462 = arith.constant 0 : i32
      %dma_wait3A_463 = tpu.memref_slice %arg2[%dma_wait3A_461, %dma_wait3A_462] : memref<100000x16xf32, #tpu.memory_space<hbm>> -> memref<100000x16xf32, #tpu.memory_space<hbm>>
      tpu.wait_indirect_dma semaphore(%arg11 : memref<!tpu.dma_semaphore, #tpu.memory_space<semaphore_mem>>) src(%dma_wait3A_463 : memref<100000x16xf32, #tpu.memory_space<hbm>>) dst(%dma_wait3A_458 : memref<128x16xf32, #tpu.memory_space<vmem>>)
      %dma_wait3A_464 = arith.constant 2048 : i32
      %dma_wait3A_465 = arith.constant 0 : i32
      %dma_wait3A_466 = tpu.memref_slice %arg9[%dma_wait3A_464, %dma_wait3A_465] : memref<2560x16xf32, #tpu.memory_space<vmem>> -> memref<128x16xf32, #tpu.memory_space<vmem>>
      %dma_wait3A_467 = arith.constant 2048 : i32
      %dma_wait3A_468 = tpu.memref_slice %arg7[%dma_wait3A_467] : memref<2560xi32, #tpu.memory_space<vmem>> -> memref<128xi32, #tpu.memory_space<vmem>>
      %dma_wait3A_469 = arith.constant 0 : i32
      %dma_wait3A_470 = arith.constant 0 : i32
      %dma_wait3A_471 = tpu.memref_slice %arg2[%dma_wait3A_469, %dma_wait3A_470] : memref<100000x16xf32, #tpu.memory_space<hbm>> -> memref<100000x16xf32, #tpu.memory_space<hbm>>
      tpu.wait_indirect_dma semaphore(%arg11 : memref<!tpu.dma_semaphore, #tpu.memory_space<semaphore_mem>>) src(%dma_wait3A_471 : memref<100000x16xf32, #tpu.memory_space<hbm>>) dst(%dma_wait3A_466 : memref<128x16xf32, #tpu.memory_space<vmem>>)
      %dma_wait3A_472 = arith.constant 2176 : i32
      %dma_wait3A_473 = arith.constant 0 : i32
      %dma_wait3A_474 = tpu.memref_slice %arg9[%dma_wait3A_472, %dma_wait3A_473] : memref<2560x16xf32, #tpu.memory_space<vmem>> -> memref<128x16xf32, #tpu.memory_space<vmem>>
      %dma_wait3A_475 = arith.constant 2176 : i32
      %dma_wait3A_476 = tpu.memref_slice %arg7[%dma_wait3A_475] : memref<2560xi32, #tpu.memory_space<vmem>> -> memref<128xi32, #tpu.memory_space<vmem>>
      %dma_wait3A_477 = arith.constant 0 : i32
      %dma_wait3A_478 = arith.constant 0 : i32
      %dma_wait3A_479 = tpu.memref_slice %arg2[%dma_wait3A_477, %dma_wait3A_478] : memref<100000x16xf32, #tpu.memory_space<hbm>> -> memref<100000x16xf32, #tpu.memory_space<hbm>>
      tpu.wait_indirect_dma semaphore(%arg11 : memref<!tpu.dma_semaphore, #tpu.memory_space<semaphore_mem>>) src(%dma_wait3A_479 : memref<100000x16xf32, #tpu.memory_space<hbm>>) dst(%dma_wait3A_474 : memref<128x16xf32, #tpu.memory_space<vmem>>)
      %dma_wait3A_480 = arith.constant 2304 : i32
      %dma_wait3A_481 = arith.constant 0 : i32
      %dma_wait3A_482 = tpu.memref_slice %arg9[%dma_wait3A_480, %dma_wait3A_481] : memref<2560x16xf32, #tpu.memory_space<vmem>> -> memref<128x16xf32, #tpu.memory_space<vmem>>
      %dma_wait3A_483 = arith.constant 2304 : i32
      %dma_wait3A_484 = tpu.memref_slice %arg7[%dma_wait3A_483] : memref<2560xi32, #tpu.memory_space<vmem>> -> memref<128xi32, #tpu.memory_space<vmem>>
      %dma_wait3A_485 = arith.constant 0 : i32
      %dma_wait3A_486 = arith.constant 0 : i32
      %dma_wait3A_487 = tpu.memref_slice %arg2[%dma_wait3A_485, %dma_wait3A_486] : memref<100000x16xf32, #tpu.memory_space<hbm>> -> memref<100000x16xf32, #tpu.memory_space<hbm>>
      tpu.wait_indirect_dma semaphore(%arg11 : memref<!tpu.dma_semaphore, #tpu.memory_space<semaphore_mem>>) src(%dma_wait3A_487 : memref<100000x16xf32, #tpu.memory_space<hbm>>) dst(%dma_wait3A_482 : memref<128x16xf32, #tpu.memory_space<vmem>>)
      %dma_wait3A_488 = arith.constant 2432 : i32
      %dma_wait3A_489 = arith.constant 0 : i32
      %dma_wait3A_490 = tpu.memref_slice %arg9[%dma_wait3A_488, %dma_wait3A_489] : memref<2560x16xf32, #tpu.memory_space<vmem>> -> memref<128x16xf32, #tpu.memory_space<vmem>>
      %dma_wait3A_491 = arith.constant 2432 : i32
      %dma_wait3A_492 = tpu.memref_slice %arg7[%dma_wait3A_491] : memref<2560xi32, #tpu.memory_space<vmem>> -> memref<128xi32, #tpu.memory_space<vmem>>
      %dma_wait3A_493 = arith.constant 0 : i32
      %dma_wait3A_494 = arith.constant 0 : i32
      %dma_wait3A_495 = tpu.memref_slice %arg2[%dma_wait3A_493, %dma_wait3A_494] : memref<100000x16xf32, #tpu.memory_space<hbm>> -> memref<100000x16xf32, #tpu.memory_space<hbm>>
      tpu.wait_indirect_dma semaphore(%arg11 : memref<!tpu.dma_semaphore, #tpu.memory_space<semaphore_mem>>) src(%dma_wait3A_495 : memref<100000x16xf32, #tpu.memory_space<hbm>>) dst(%dma_wait3A_490 : memref<128x16xf32, #tpu.memory_space<vmem>>)
      %dma_wait3A_496 = arith.constant 0 : i32
      %dma_wait3A_497 = arith.constant 0 : i32
      %dma_wait3A_498 = tpu.memref_slice %arg10[%dma_wait3A_496, %dma_wait3A_497] : memref<2560x16xf32, #tpu.memory_space<vmem>> -> memref<128x16xf32, #tpu.memory_space<vmem>>
      %dma_wait3A_499 = arith.constant 0 : i32
      %dma_wait3A_500 = tpu.memref_slice %arg8[%dma_wait3A_499] : memref<2560xi32, #tpu.memory_space<vmem>> -> memref<128xi32, #tpu.memory_space<vmem>>
      %dma_wait3A_501 = arith.constant 0 : i32
      %dma_wait3A_502 = arith.constant 0 : i32
      %dma_wait3A_503 = tpu.memref_slice %arg2[%dma_wait3A_501, %dma_wait3A_502] : memref<100000x16xf32, #tpu.memory_space<hbm>> -> memref<100000x16xf32, #tpu.memory_space<hbm>>
      tpu.wait_indirect_dma semaphore(%arg12 : memref<!tpu.dma_semaphore, #tpu.memory_space<semaphore_mem>>) src(%dma_wait3A_503 : memref<100000x16xf32, #tpu.memory_space<hbm>>) dst(%dma_wait3A_498 : memref<128x16xf32, #tpu.memory_space<vmem>>)
      %dma_wait3A_504 = arith.constant 128 : i32
      %dma_wait3A_505 = arith.constant 0 : i32
      %dma_wait3A_506 = tpu.memref_slice %arg10[%dma_wait3A_504, %dma_wait3A_505] : memref<2560x16xf32, #tpu.memory_space<vmem>> -> memref<128x16xf32, #tpu.memory_space<vmem>>
      %dma_wait3A_507 = arith.constant 128 : i32
      %dma_wait3A_508 = tpu.memref_slice %arg8[%dma_wait3A_507] : memref<2560xi32, #tpu.memory_space<vmem>> -> memref<128xi32, #tpu.memory_space<vmem>>
      %dma_wait3A_509 = arith.constant 0 : i32
      %dma_wait3A_510 = arith.constant 0 : i32
      %dma_wait3A_511 = tpu.memref_slice %arg2[%dma_wait3A_509, %dma_wait3A_510] : memref<100000x16xf32, #tpu.memory_space<hbm>> -> memref<100000x16xf32, #tpu.memory_space<hbm>>
      tpu.wait_indirect_dma semaphore(%arg12 : memref<!tpu.dma_semaphore, #tpu.memory_space<semaphore_mem>>) src(%dma_wait3A_511 : memref<100000x16xf32, #tpu.memory_space<hbm>>) dst(%dma_wait3A_506 : memref<128x16xf32, #tpu.memory_space<vmem>>)
      %dma_wait3A_512 = arith.constant 256 : i32
      %dma_wait3A_513 = arith.constant 0 : i32
      %dma_wait3A_514 = tpu.memref_slice %arg10[%dma_wait3A_512, %dma_wait3A_513] : memref<2560x16xf32, #tpu.memory_space<vmem>> -> memref<128x16xf32, #tpu.memory_space<vmem>>
      %dma_wait3A_515 = arith.constant 256 : i32
      %dma_wait3A_516 = tpu.memref_slice %arg8[%dma_wait3A_515] : memref<2560xi32, #tpu.memory_space<vmem>> -> memref<128xi32, #tpu.memory_space<vmem>>
      %dma_wait3A_517 = arith.constant 0 : i32
      %dma_wait3A_518 = arith.constant 0 : i32
      %dma_wait3A_519 = tpu.memref_slice %arg2[%dma_wait3A_517, %dma_wait3A_518] : memref<100000x16xf32, #tpu.memory_space<hbm>> -> memref<100000x16xf32, #tpu.memory_space<hbm>>
      tpu.wait_indirect_dma semaphore(%arg12 : memref<!tpu.dma_semaphore, #tpu.memory_space<semaphore_mem>>) src(%dma_wait3A_519 : memref<100000x16xf32, #tpu.memory_space<hbm>>) dst(%dma_wait3A_514 : memref<128x16xf32, #tpu.memory_space<vmem>>)
      %dma_wait3A_520 = arith.constant 384 : i32
      %dma_wait3A_521 = arith.constant 0 : i32
      %dma_wait3A_522 = tpu.memref_slice %arg10[%dma_wait3A_520, %dma_wait3A_521] : memref<2560x16xf32, #tpu.memory_space<vmem>> -> memref<128x16xf32, #tpu.memory_space<vmem>>
      %dma_wait3A_523 = arith.constant 384 : i32
      %dma_wait3A_524 = tpu.memref_slice %arg8[%dma_wait3A_523] : memref<2560xi32, #tpu.memory_space<vmem>> -> memref<128xi32, #tpu.memory_space<vmem>>
      %dma_wait3A_525 = arith.constant 0 : i32
      %dma_wait3A_526 = arith.constant 0 : i32
      %dma_wait3A_527 = tpu.memref_slice %arg2[%dma_wait3A_525, %dma_wait3A_526] : memref<100000x16xf32, #tpu.memory_space<hbm>> -> memref<100000x16xf32, #tpu.memory_space<hbm>>
      tpu.wait_indirect_dma semaphore(%arg12 : memref<!tpu.dma_semaphore, #tpu.memory_space<semaphore_mem>>) src(%dma_wait3A_527 : memref<100000x16xf32, #tpu.memory_space<hbm>>) dst(%dma_wait3A_522 : memref<128x16xf32, #tpu.memory_space<vmem>>)
      %dma_wait3A_528 = arith.constant 512 : i32
      %dma_wait3A_529 = arith.constant 0 : i32
      %dma_wait3A_530 = tpu.memref_slice %arg10[%dma_wait3A_528, %dma_wait3A_529] : memref<2560x16xf32, #tpu.memory_space<vmem>> -> memref<128x16xf32, #tpu.memory_space<vmem>>
      %dma_wait3A_531 = arith.constant 512 : i32
      %dma_wait3A_532 = tpu.memref_slice %arg8[%dma_wait3A_531] : memref<2560xi32, #tpu.memory_space<vmem>> -> memref<128xi32, #tpu.memory_space<vmem>>
      %dma_wait3A_533 = arith.constant 0 : i32
      %dma_wait3A_534 = arith.constant 0 : i32
      %dma_wait3A_535 = tpu.memref_slice %arg2[%dma_wait3A_533, %dma_wait3A_534] : memref<100000x16xf32, #tpu.memory_space<hbm>> -> memref<100000x16xf32, #tpu.memory_space<hbm>>
      tpu.wait_indirect_dma semaphore(%arg12 : memref<!tpu.dma_semaphore, #tpu.memory_space<semaphore_mem>>) src(%dma_wait3A_535 : memref<100000x16xf32, #tpu.memory_space<hbm>>) dst(%dma_wait3A_530 : memref<128x16xf32, #tpu.memory_space<vmem>>)
      %dma_wait3A_536 = arith.constant 640 : i32
      %dma_wait3A_537 = arith.constant 0 : i32
      %dma_wait3A_538 = tpu.memref_slice %arg10[%dma_wait3A_536, %dma_wait3A_537] : memref<2560x16xf32, #tpu.memory_space<vmem>> -> memref<128x16xf32, #tpu.memory_space<vmem>>
      %dma_wait3A_539 = arith.constant 640 : i32
      %dma_wait3A_540 = tpu.memref_slice %arg8[%dma_wait3A_539] : memref<2560xi32, #tpu.memory_space<vmem>> -> memref<128xi32, #tpu.memory_space<vmem>>
      %dma_wait3A_541 = arith.constant 0 : i32
      %dma_wait3A_542 = arith.constant 0 : i32
      %dma_wait3A_543 = tpu.memref_slice %arg2[%dma_wait3A_541, %dma_wait3A_542] : memref<100000x16xf32, #tpu.memory_space<hbm>> -> memref<100000x16xf32, #tpu.memory_space<hbm>>
      tpu.wait_indirect_dma semaphore(%arg12 : memref<!tpu.dma_semaphore, #tpu.memory_space<semaphore_mem>>) src(%dma_wait3A_543 : memref<100000x16xf32, #tpu.memory_space<hbm>>) dst(%dma_wait3A_538 : memref<128x16xf32, #tpu.memory_space<vmem>>)
      %dma_wait3A_544 = arith.constant 768 : i32
      %dma_wait3A_545 = arith.constant 0 : i32
      %dma_wait3A_546 = tpu.memref_slice %arg10[%dma_wait3A_544, %dma_wait3A_545] : memref<2560x16xf32, #tpu.memory_space<vmem>> -> memref<128x16xf32, #tpu.memory_space<vmem>>
      %dma_wait3A_547 = arith.constant 768 : i32
      %dma_wait3A_548 = tpu.memref_slice %arg8[%dma_wait3A_547] : memref<2560xi32, #tpu.memory_space<vmem>> -> memref<128xi32, #tpu.memory_space<vmem>>
      %dma_wait3A_549 = arith.constant 0 : i32
      %dma_wait3A_550 = arith.constant 0 : i32
      %dma_wait3A_551 = tpu.memref_slice %arg2[%dma_wait3A_549, %dma_wait3A_550] : memref<100000x16xf32, #tpu.memory_space<hbm>> -> memref<100000x16xf32, #tpu.memory_space<hbm>>
      tpu.wait_indirect_dma semaphore(%arg12 : memref<!tpu.dma_semaphore, #tpu.memory_space<semaphore_mem>>) src(%dma_wait3A_551 : memref<100000x16xf32, #tpu.memory_space<hbm>>) dst(%dma_wait3A_546 : memref<128x16xf32, #tpu.memory_space<vmem>>)
      %dma_wait3A_552 = arith.constant 896 : i32
      %dma_wait3A_553 = arith.constant 0 : i32
      %dma_wait3A_554 = tpu.memref_slice %arg10[%dma_wait3A_552, %dma_wait3A_553] : memref<2560x16xf32, #tpu.memory_space<vmem>> -> memref<128x16xf32, #tpu.memory_space<vmem>>
      %dma_wait3A_555 = arith.constant 896 : i32
      %dma_wait3A_556 = tpu.memref_slice %arg8[%dma_wait3A_555] : memref<2560xi32, #tpu.memory_space<vmem>> -> memref<128xi32, #tpu.memory_space<vmem>>
      %dma_wait3A_557 = arith.constant 0 : i32
      %dma_wait3A_558 = arith.constant 0 : i32
      %dma_wait3A_559 = tpu.memref_slice %arg2[%dma_wait3A_557, %dma_wait3A_558] : memref<100000x16xf32, #tpu.memory_space<hbm>> -> memref<100000x16xf32, #tpu.memory_space<hbm>>
      tpu.wait_indirect_dma semaphore(%arg12 : memref<!tpu.dma_semaphore, #tpu.memory_space<semaphore_mem>>) src(%dma_wait3A_559 : memref<100000x16xf32, #tpu.memory_space<hbm>>) dst(%dma_wait3A_554 : memref<128x16xf32, #tpu.memory_space<vmem>>)
      %dma_wait3A_560 = arith.constant 1024 : i32
      %dma_wait3A_561 = arith.constant 0 : i32
      %dma_wait3A_562 = tpu.memref_slice %arg10[%dma_wait3A_560, %dma_wait3A_561] : memref<2560x16xf32, #tpu.memory_space<vmem>> -> memref<128x16xf32, #tpu.memory_space<vmem>>
      %dma_wait3A_563 = arith.constant 1024 : i32
      %dma_wait3A_564 = tpu.memref_slice %arg8[%dma_wait3A_563] : memref<2560xi32, #tpu.memory_space<vmem>> -> memref<128xi32, #tpu.memory_space<vmem>>
      %dma_wait3A_565 = arith.constant 0 : i32
      %dma_wait3A_566 = arith.constant 0 : i32
      %dma_wait3A_567 = tpu.memref_slice %arg2[%dma_wait3A_565, %dma_wait3A_566] : memref<100000x16xf32, #tpu.memory_space<hbm>> -> memref<100000x16xf32, #tpu.memory_space<hbm>>
      tpu.wait_indirect_dma semaphore(%arg12 : memref<!tpu.dma_semaphore, #tpu.memory_space<semaphore_mem>>) src(%dma_wait3A_567 : memref<100000x16xf32, #tpu.memory_space<hbm>>) dst(%dma_wait3A_562 : memref<128x16xf32, #tpu.memory_space<vmem>>)
      %dma_wait3A_568 = arith.constant 1152 : i32
      %dma_wait3A_569 = arith.constant 0 : i32
      %dma_wait3A_570 = tpu.memref_slice %arg10[%dma_wait3A_568, %dma_wait3A_569] : memref<2560x16xf32, #tpu.memory_space<vmem>> -> memref<128x16xf32, #tpu.memory_space<vmem>>
      %dma_wait3A_571 = arith.constant 1152 : i32
      %dma_wait3A_572 = tpu.memref_slice %arg8[%dma_wait3A_571] : memref<2560xi32, #tpu.memory_space<vmem>> -> memref<128xi32, #tpu.memory_space<vmem>>
      %dma_wait3A_573 = arith.constant 0 : i32
      %dma_wait3A_574 = arith.constant 0 : i32
      %dma_wait3A_575 = tpu.memref_slice %arg2[%dma_wait3A_573, %dma_wait3A_574] : memref<100000x16xf32, #tpu.memory_space<hbm>> -> memref<100000x16xf32, #tpu.memory_space<hbm>>
      tpu.wait_indirect_dma semaphore(%arg12 : memref<!tpu.dma_semaphore, #tpu.memory_space<semaphore_mem>>) src(%dma_wait3A_575 : memref<100000x16xf32, #tpu.memory_space<hbm>>) dst(%dma_wait3A_570 : memref<128x16xf32, #tpu.memory_space<vmem>>)
      %dma_wait3A_576 = arith.constant 1280 : i32
      %dma_wait3A_577 = arith.constant 0 : i32
      %dma_wait3A_578 = tpu.memref_slice %arg10[%dma_wait3A_576, %dma_wait3A_577] : memref<2560x16xf32, #tpu.memory_space<vmem>> -> memref<128x16xf32, #tpu.memory_space<vmem>>
      %dma_wait3A_579 = arith.constant 1280 : i32
      %dma_wait3A_580 = tpu.memref_slice %arg8[%dma_wait3A_579] : memref<2560xi32, #tpu.memory_space<vmem>> -> memref<128xi32, #tpu.memory_space<vmem>>
      %dma_wait3A_581 = arith.constant 0 : i32
      %dma_wait3A_582 = arith.constant 0 : i32
      %dma_wait3A_583 = tpu.memref_slice %arg2[%dma_wait3A_581, %dma_wait3A_582] : memref<100000x16xf32, #tpu.memory_space<hbm>> -> memref<100000x16xf32, #tpu.memory_space<hbm>>
      tpu.wait_indirect_dma semaphore(%arg12 : memref<!tpu.dma_semaphore, #tpu.memory_space<semaphore_mem>>) src(%dma_wait3A_583 : memref<100000x16xf32, #tpu.memory_space<hbm>>) dst(%dma_wait3A_578 : memref<128x16xf32, #tpu.memory_space<vmem>>)
      %dma_wait3A_584 = arith.constant 1408 : i32
      %dma_wait3A_585 = arith.constant 0 : i32
      %dma_wait3A_586 = tpu.memref_slice %arg10[%dma_wait3A_584, %dma_wait3A_585] : memref<2560x16xf32, #tpu.memory_space<vmem>> -> memref<128x16xf32, #tpu.memory_space<vmem>>
      %dma_wait3A_587 = arith.constant 1408 : i32
      %dma_wait3A_588 = tpu.memref_slice %arg8[%dma_wait3A_587] : memref<2560xi32, #tpu.memory_space<vmem>> -> memref<128xi32, #tpu.memory_space<vmem>>
      %dma_wait3A_589 = arith.constant 0 : i32
      %dma_wait3A_590 = arith.constant 0 : i32
      %dma_wait3A_591 = tpu.memref_slice %arg2[%dma_wait3A_589, %dma_wait3A_590] : memref<100000x16xf32, #tpu.memory_space<hbm>> -> memref<100000x16xf32, #tpu.memory_space<hbm>>
      tpu.wait_indirect_dma semaphore(%arg12 : memref<!tpu.dma_semaphore, #tpu.memory_space<semaphore_mem>>) src(%dma_wait3A_591 : memref<100000x16xf32, #tpu.memory_space<hbm>>) dst(%dma_wait3A_586 : memref<128x16xf32, #tpu.memory_space<vmem>>)
      %dma_wait3A_592 = arith.constant 1536 : i32
      %dma_wait3A_593 = arith.constant 0 : i32
      %dma_wait3A_594 = tpu.memref_slice %arg10[%dma_wait3A_592, %dma_wait3A_593] : memref<2560x16xf32, #tpu.memory_space<vmem>> -> memref<128x16xf32, #tpu.memory_space<vmem>>
      %dma_wait3A_595 = arith.constant 1536 : i32
      %dma_wait3A_596 = tpu.memref_slice %arg8[%dma_wait3A_595] : memref<2560xi32, #tpu.memory_space<vmem>> -> memref<128xi32, #tpu.memory_space<vmem>>
      %dma_wait3A_597 = arith.constant 0 : i32
      %dma_wait3A_598 = arith.constant 0 : i32
      %dma_wait3A_599 = tpu.memref_slice %arg2[%dma_wait3A_597, %dma_wait3A_598] : memref<100000x16xf32, #tpu.memory_space<hbm>> -> memref<100000x16xf32, #tpu.memory_space<hbm>>
      tpu.wait_indirect_dma semaphore(%arg12 : memref<!tpu.dma_semaphore, #tpu.memory_space<semaphore_mem>>) src(%dma_wait3A_599 : memref<100000x16xf32, #tpu.memory_space<hbm>>) dst(%dma_wait3A_594 : memref<128x16xf32, #tpu.memory_space<vmem>>)
      %dma_wait3A_600 = arith.constant 1664 : i32
      %dma_wait3A_601 = arith.constant 0 : i32
      %dma_wait3A_602 = tpu.memref_slice %arg10[%dma_wait3A_600, %dma_wait3A_601] : memref<2560x16xf32, #tpu.memory_space<vmem>> -> memref<128x16xf32, #tpu.memory_space<vmem>>
      %dma_wait3A_603 = arith.constant 1664 : i32
      %dma_wait3A_604 = tpu.memref_slice %arg8[%dma_wait3A_603] : memref<2560xi32, #tpu.memory_space<vmem>> -> memref<128xi32, #tpu.memory_space<vmem>>
      %dma_wait3A_605 = arith.constant 0 : i32
      %dma_wait3A_606 = arith.constant 0 : i32
      %dma_wait3A_607 = tpu.memref_slice %arg2[%dma_wait3A_605, %dma_wait3A_606] : memref<100000x16xf32, #tpu.memory_space<hbm>> -> memref<100000x16xf32, #tpu.memory_space<hbm>>
      tpu.wait_indirect_dma semaphore(%arg12 : memref<!tpu.dma_semaphore, #tpu.memory_space<semaphore_mem>>) src(%dma_wait3A_607 : memref<100000x16xf32, #tpu.memory_space<hbm>>) dst(%dma_wait3A_602 : memref<128x16xf32, #tpu.memory_space<vmem>>)
      %dma_wait3A_608 = arith.constant 1792 : i32
      %dma_wait3A_609 = arith.constant 0 : i32
      %dma_wait3A_610 = tpu.memref_slice %arg10[%dma_wait3A_608, %dma_wait3A_609] : memref<2560x16xf32, #tpu.memory_space<vmem>> -> memref<128x16xf32, #tpu.memory_space<vmem>>
      %dma_wait3A_611 = arith.constant 1792 : i32
      %dma_wait3A_612 = tpu.memref_slice %arg8[%dma_wait3A_611] : memref<2560xi32, #tpu.memory_space<vmem>> -> memref<128xi32, #tpu.memory_space<vmem>>
      %dma_wait3A_613 = arith.constant 0 : i32
      %dma_wait3A_614 = arith.constant 0 : i32
      %dma_wait3A_615 = tpu.memref_slice %arg2[%dma_wait3A_613, %dma_wait3A_614] : memref<100000x16xf32, #tpu.memory_space<hbm>> -> memref<100000x16xf32, #tpu.memory_space<hbm>>
      tpu.wait_indirect_dma semaphore(%arg12 : memref<!tpu.dma_semaphore, #tpu.memory_space<semaphore_mem>>) src(%dma_wait3A_615 : memref<100000x16xf32, #tpu.memory_space<hbm>>) dst(%dma_wait3A_610 : memref<128x16xf32, #tpu.memory_space<vmem>>)
      %dma_wait3A_616 = arith.constant 1920 : i32
      %dma_wait3A_617 = arith.constant 0 : i32
      %dma_wait3A_618 = tpu.memref_slice %arg10[%dma_wait3A_616, %dma_wait3A_617] : memref<2560x16xf32, #tpu.memory_space<vmem>> -> memref<128x16xf32, #tpu.memory_space<vmem>>
      %dma_wait3A_619 = arith.constant 1920 : i32
      %dma_wait3A_620 = tpu.memref_slice %arg8[%dma_wait3A_619] : memref<2560xi32, #tpu.memory_space<vmem>> -> memref<128xi32, #tpu.memory_space<vmem>>
      %dma_wait3A_621 = arith.constant 0 : i32
      %dma_wait3A_622 = arith.constant 0 : i32
      %dma_wait3A_623 = tpu.memref_slice %arg2[%dma_wait3A_621, %dma_wait3A_622] : memref<100000x16xf32, #tpu.memory_space<hbm>> -> memref<100000x16xf32, #tpu.memory_space<hbm>>
      tpu.wait_indirect_dma semaphore(%arg12 : memref<!tpu.dma_semaphore, #tpu.memory_space<semaphore_mem>>) src(%dma_wait3A_623 : memref<100000x16xf32, #tpu.memory_space<hbm>>) dst(%dma_wait3A_618 : memref<128x16xf32, #tpu.memory_space<vmem>>)
      %dma_wait3A_624 = arith.constant 2048 : i32
      %dma_wait3A_625 = arith.constant 0 : i32
      %dma_wait3A_626 = tpu.memref_slice %arg10[%dma_wait3A_624, %dma_wait3A_625] : memref<2560x16xf32, #tpu.memory_space<vmem>> -> memref<128x16xf32, #tpu.memory_space<vmem>>
      %dma_wait3A_627 = arith.constant 2048 : i32
      %dma_wait3A_628 = tpu.memref_slice %arg8[%dma_wait3A_627] : memref<2560xi32, #tpu.memory_space<vmem>> -> memref<128xi32, #tpu.memory_space<vmem>>
      %dma_wait3A_629 = arith.constant 0 : i32
      %dma_wait3A_630 = arith.constant 0 : i32
      %dma_wait3A_631 = tpu.memref_slice %arg2[%dma_wait3A_629, %dma_wait3A_630] : memref<100000x16xf32, #tpu.memory_space<hbm>> -> memref<100000x16xf32, #tpu.memory_space<hbm>>
      tpu.wait_indirect_dma semaphore(%arg12 : memref<!tpu.dma_semaphore, #tpu.memory_space<semaphore_mem>>) src(%dma_wait3A_631 : memref<100000x16xf32, #tpu.memory_space<hbm>>) dst(%dma_wait3A_626 : memref<128x16xf32, #tpu.memory_space<vmem>>)
      %dma_wait3A_632 = arith.constant 2176 : i32
      %dma_wait3A_633 = arith.constant 0 : i32
      %dma_wait3A_634 = tpu.memref_slice %arg10[%dma_wait3A_632, %dma_wait3A_633] : memref<2560x16xf32, #tpu.memory_space<vmem>> -> memref<128x16xf32, #tpu.memory_space<vmem>>
      %dma_wait3A_635 = arith.constant 2176 : i32
      %dma_wait3A_636 = tpu.memref_slice %arg8[%dma_wait3A_635] : memref<2560xi32, #tpu.memory_space<vmem>> -> memref<128xi32, #tpu.memory_space<vmem>>
      %dma_wait3A_637 = arith.constant 0 : i32
      %dma_wait3A_638 = arith.constant 0 : i32
      %dma_wait3A_639 = tpu.memref_slice %arg2[%dma_wait3A_637, %dma_wait3A_638] : memref<100000x16xf32, #tpu.memory_space<hbm>> -> memref<100000x16xf32, #tpu.memory_space<hbm>>
      tpu.wait_indirect_dma semaphore(%arg12 : memref<!tpu.dma_semaphore, #tpu.memory_space<semaphore_mem>>) src(%dma_wait3A_639 : memref<100000x16xf32, #tpu.memory_space<hbm>>) dst(%dma_wait3A_634 : memref<128x16xf32, #tpu.memory_space<vmem>>)
      %dma_wait3A_640 = arith.constant 2304 : i32
      %dma_wait3A_641 = arith.constant 0 : i32
      %dma_wait3A_642 = tpu.memref_slice %arg10[%dma_wait3A_640, %dma_wait3A_641] : memref<2560x16xf32, #tpu.memory_space<vmem>> -> memref<128x16xf32, #tpu.memory_space<vmem>>
      %dma_wait3A_643 = arith.constant 2304 : i32
      %dma_wait3A_644 = tpu.memref_slice %arg8[%dma_wait3A_643] : memref<2560xi32, #tpu.memory_space<vmem>> -> memref<128xi32, #tpu.memory_space<vmem>>
      %dma_wait3A_645 = arith.constant 0 : i32
      %dma_wait3A_646 = arith.constant 0 : i32
      %dma_wait3A_647 = tpu.memref_slice %arg2[%dma_wait3A_645, %dma_wait3A_646] : memref<100000x16xf32, #tpu.memory_space<hbm>> -> memref<100000x16xf32, #tpu.memory_space<hbm>>
      tpu.wait_indirect_dma semaphore(%arg12 : memref<!tpu.dma_semaphore, #tpu.memory_space<semaphore_mem>>) src(%dma_wait3A_647 : memref<100000x16xf32, #tpu.memory_space<hbm>>) dst(%dma_wait3A_642 : memref<128x16xf32, #tpu.memory_space<vmem>>)
      %dma_wait3A_648 = arith.constant 2432 : i32
      %dma_wait3A_649 = arith.constant 0 : i32
      %dma_wait3A_650 = tpu.memref_slice %arg10[%dma_wait3A_648, %dma_wait3A_649] : memref<2560x16xf32, #tpu.memory_space<vmem>> -> memref<128x16xf32, #tpu.memory_space<vmem>>
      %dma_wait3A_651 = arith.constant 2432 : i32
      %dma_wait3A_652 = tpu.memref_slice %arg8[%dma_wait3A_651] : memref<2560xi32, #tpu.memory_space<vmem>> -> memref<128xi32, #tpu.memory_space<vmem>>
      %dma_wait3A_653 = arith.constant 0 : i32
      %dma_wait3A_654 = arith.constant 0 : i32
      %dma_wait3A_655 = tpu.memref_slice %arg2[%dma_wait3A_653, %dma_wait3A_654] : memref<100000x16xf32, #tpu.memory_space<hbm>> -> memref<100000x16xf32, #tpu.memory_space<hbm>>
      tpu.wait_indirect_dma semaphore(%arg12 : memref<!tpu.dma_semaphore, #tpu.memory_space<semaphore_mem>>) src(%dma_wait3A_655 : memref<100000x16xf32, #tpu.memory_space<hbm>>) dst(%dma_wait3A_650 : memref<128x16xf32, #tpu.memory_space<vmem>>)
      "tpu.region"() ({
        %run_scoped3A = tpu.sem_alloc : memref<!tpu.dma_semaphore, #tpu.memory_space<semaphore_mem>>
        %dma_start3A_656 = arith.constant 0 : i32
        %dma_start3A_657 = tpu.memref_slice %arg5[%mul3A_17, %dma_start3A_656] : memref<1600000x16xf32, #tpu.memory_space<hbm>> -> memref<2560x16xf32, #tpu.memory_space<hbm>>
        %dma_start3A_658 = arith.constant 0 : i32
        %dma_start3A_659 = tpu.memref_slice %arg5[%mul3A_17, %dma_start3A_658] : memref<1600000x16xf32, #tpu.memory_space<hbm>> -> memref<2560x16xf32, #tpu.memory_space<hbm>>
        tpu.enqueue_dma source(%arg9 : memref<2560x16xf32, #tpu.memory_space<vmem>>) target(%dma_start3A_659 : memref<2560x16xf32, #tpu.memory_space<hbm>>) target_semaphore(%run_scoped3A : memref<!tpu.dma_semaphore, #tpu.memory_space<semaphore_mem>>)
        %dma_wait3A_660 = arith.constant 0 : i32
        %dma_wait3A_661 = tpu.memref_slice %arg5[%mul3A_17, %dma_wait3A_660] : memref<1600000x16xf32, #tpu.memory_space<hbm>> -> memref<2560x16xf32, #tpu.memory_space<hbm>>
        %dma_wait3A_662 = arith.constant 0 : i32
        %dma_wait3A_663 = tpu.memref_slice %arg5[%mul3A_17, %dma_wait3A_662] : memref<1600000x16xf32, #tpu.memory_space<hbm>> -> memref<2560x16xf32, #tpu.memory_space<hbm>>
        tpu.wait_dma2 semaphore(%run_scoped3A : memref<!tpu.dma_semaphore, #tpu.memory_space<semaphore_mem>>) src(%arg9 : memref<2560x16xf32, #tpu.memory_space<vmem>>) dst(%dma_wait3A_663 : memref<2560x16xf32, #tpu.memory_space<hbm>>)
        tpu.yield
      }) : () -> ()
      "tpu.region"() ({
        %run_scoped3A = tpu.sem_alloc : memref<!tpu.dma_semaphore, #tpu.memory_space<semaphore_mem>>
        %dma_start3A_656 = arith.constant 0 : i32
        %dma_start3A_657 = tpu.memref_slice %arg6[%mul3A_17, %dma_start3A_656] : memref<1600000x16xf32, #tpu.memory_space<hbm>> -> memref<2560x16xf32, #tpu.memory_space<hbm>>
        %dma_start3A_658 = arith.constant 0 : i32
        %dma_start3A_659 = tpu.memref_slice %arg6[%mul3A_17, %dma_start3A_658] : memref<1600000x16xf32, #tpu.memory_space<hbm>> -> memref<2560x16xf32, #tpu.memory_space<hbm>>
        tpu.enqueue_dma source(%arg10 : memref<2560x16xf32, #tpu.memory_space<vmem>>) target(%dma_start3A_659 : memref<2560x16xf32, #tpu.memory_space<hbm>>) target_semaphore(%run_scoped3A : memref<!tpu.dma_semaphore, #tpu.memory_space<semaphore_mem>>)
        %dma_wait3A_660 = arith.constant 0 : i32
        %dma_wait3A_661 = tpu.memref_slice %arg6[%mul3A_17, %dma_wait3A_660] : memref<1600000x16xf32, #tpu.memory_space<hbm>> -> memref<2560x16xf32, #tpu.memory_space<hbm>>
        %dma_wait3A_662 = arith.constant 0 : i32
        %dma_wait3A_663 = tpu.memref_slice %arg6[%mul3A_17, %dma_wait3A_662] : memref<1600000x16xf32, #tpu.memory_space<hbm>> -> memref<2560x16xf32, #tpu.memory_space<hbm>>
        tpu.wait_dma2 semaphore(%run_scoped3A : memref<!tpu.dma_semaphore, #tpu.memory_space<semaphore_mem>>) src(%arg10 : memref<2560x16xf32, #tpu.memory_space<vmem>>) dst(%dma_wait3A_663 : memref<2560x16xf32, #tpu.memory_space<hbm>>)
        tpu.yield
      }) : () -> ()
    }
    return
  }
}

#map = affine_map<(d0, d1) -> (0)>
#map1 = affine_map<(d0, d1) -> (0, 0)>
module attributes {stable_mosaic.version = 14 : i64} {
  func.func @body(%arg0: i32, %arg1: i32, %arg2: memref<1600000xi32, #tpu.memory_space<hbm>>, %arg3: memref<1600000x32xf32, #tpu.memory_space<hbm>>, %arg4: memref<100000x32xf32, #tpu.memory_space<hbm>>, %arg5: memref<256xi32, #tpu.memory_space<vmem>>, %arg6: memref<256xi32, #tpu.memory_space<vmem>>, %arg7: memref<2x128xi32, #tpu.memory_space<vmem>>, %arg8: memref<2x128xi32, #tpu.memory_space<vmem>>, %arg9: memref<256x32xf32, #tpu.memory_space<vmem>>, %arg10: memref<256x32xf32, #tpu.memory_space<vmem>>, %arg11: memref<52096x32xf32, #tpu.memory_space<vmem_shared>>, %arg12: memref<!tpu.dma_semaphore, #tpu.memory_space<semaphore_mem>>, %arg13: memref<!tpu.dma_semaphore, #tpu.memory_space<semaphore_mem>>) attributes {dimension_semantics = [#tpu.dimension_semantics<core_parallel>, #tpu.dimension_semantics<subcore_parallel>], iteration_bounds = array<i64: 2, 16>, scalar_prefetch = 0 : i64, scratch_operands = 9 : i64, tpu.core_type = #tpu.core_type<sc_vector_subcore>, window_params = [{transform_indices = #map}, {transform_indices = #map1}, {transform_indices = #map1}]} {
    %mul3A = arith.constant 50000 : i32
    %mul3A_0 = arith.muli %arg0, %mul3A : i32
    %scan3A = arith.constant 0 : i32
    %scan3A_1 = arith.constant 0 : i32
    %scan3A_2 = arith.constant 256 : i32
    %scan3A_3 = arith.addi %scan3A_1, %scan3A_2 : i32
    %scan3A_4 = arith.constant 1 : i32
    scf.for %scan3A_96 = %scan3A_1 to %scan3A_3 step %scan3A_4  : i32 {
      %broadcast_in_dim3A = arith.constant 0.000000e+00 : f32
      %broadcast_in_dim3A_97 = vector.broadcast %broadcast_in_dim3A : f32 to vector<16xf32>
      %swap3A = arith.index_cast %scan3A_96 : i32 to index
      %swap3A_98 = arith.constant 0 : index
      %swap3A_99 = tpu.vector_load %arg9[%swap3A, %swap3A_98] {strides = array<i32>} : memref<256x32xf32, #tpu.memory_space<vmem>>, vector<1x16xf32>,
      %swap3A_100 = vector.shape_cast %swap3A_99 : vector<1x16xf32> to vector<16xf32>
      %swap3A_101 = vector.shape_cast %broadcast_in_dim3A_97 : vector<16xf32> to vector<1x16xf32>
      tpu.vector_store %arg9[%swap3A, %swap3A_98], %swap3A_101 {strides = array<i32>} : memref<256x32xf32, #tpu.memory_space<vmem>>, vector<1x16xf32>,
      %swap3A_102 = arith.index_cast %scan3A_96 : i32 to index
      %swap3A_103 = arith.constant 16 : index
      %swap3A_104 = tpu.vector_load %arg9[%swap3A_102, %swap3A_103] {strides = array<i32>} : memref<256x32xf32, #tpu.memory_space<vmem>>, vector<1x16xf32>,
      %swap3A_105 = vector.shape_cast %swap3A_104 : vector<1x16xf32> to vector<16xf32>
      %swap3A_106 = vector.shape_cast %broadcast_in_dim3A_97 : vector<16xf32> to vector<1x16xf32>
      tpu.vector_store %arg9[%swap3A_102, %swap3A_103], %swap3A_106 {strides = array<i32>} : memref<256x32xf32, #tpu.memory_space<vmem>>, vector<1x16xf32>,
    }
    %scan3A_5 = arith.constant 256 : i32
    %mul3A_6 = arith.constant 3128 : i32
    %mul3A_7 = arith.muli %arg1, %mul3A_6 : i32
    %add3A = arith.constant 0 : i32
    %add3A_8 = arith.addi %mul3A_7, %add3A : i32
    "tpu.region"() ({
      %run_scoped3A = tpu.sem_alloc : memref<!tpu.dma_semaphore, #tpu.memory_space<semaphore_mem>>
      %dma_start3A_96 = arith.constant 0 : i32
      %dma_start3A_97 = tpu.memref_slice %arg11[%add3A_8, %dma_start3A_96] : memref<52096x32xf32, #tpu.memory_space<vmem_shared>> -> memref<256x32xf32, #tpu.memory_space<vmem_shared>>
      %dma_start3A_98 = arith.constant 0 : i32
      %dma_start3A_99 = tpu.memref_slice %arg11[%add3A_8, %dma_start3A_98] : memref<52096x32xf32, #tpu.memory_space<vmem_shared>> -> memref<256x32xf32, #tpu.memory_space<vmem_shared>>
      tpu.enqueue_dma source(%arg9 : memref<256x32xf32, #tpu.memory_space<vmem>>) target(%dma_start3A_99 : memref<256x32xf32, #tpu.memory_space<vmem_shared>>) target_semaphore(%run_scoped3A : memref<!tpu.dma_semaphore, #tpu.memory_space<semaphore_mem>>)
      %dma_wait3A_100 = arith.constant 0 : i32
      %dma_wait3A_101 = tpu.memref_slice %arg11[%add3A_8, %dma_wait3A_100] : memref<52096x32xf32, #tpu.memory_space<vmem_shared>> -> memref<256x32xf32, #tpu.memory_space<vmem_shared>>
      %dma_wait3A_102 = arith.constant 0 : i32
      %dma_wait3A_103 = tpu.memref_slice %arg11[%add3A_8, %dma_wait3A_102] : memref<52096x32xf32, #tpu.memory_space<vmem_shared>> -> memref<256x32xf32, #tpu.memory_space<vmem_shared>>
      tpu.wait_dma2 semaphore(%run_scoped3A : memref<!tpu.dma_semaphore, #tpu.memory_space<semaphore_mem>>) src(%arg9 : memref<256x32xf32, #tpu.memory_space<vmem>>) dst(%dma_wait3A_103 : memref<256x32xf32, #tpu.memory_space<vmem_shared>>)
      tpu.yield
    }) : () -> ()
    %add3A_9 = arith.constant 256 : i32
    %add3A_10 = arith.addi %mul3A_7, %add3A_9 : i32
    "tpu.region"() ({
      %run_scoped3A = tpu.sem_alloc : memref<!tpu.dma_semaphore, #tpu.memory_space<semaphore_mem>>
      %dma_start3A_96 = arith.constant 0 : i32
      %dma_start3A_97 = tpu.memref_slice %arg11[%add3A_10, %dma_start3A_96] : memref<52096x32xf32, #tpu.memory_space<vmem_shared>> -> memref<256x32xf32, #tpu.memory_space<vmem_shared>>
      %dma_start3A_98 = arith.constant 0 : i32
      %dma_start3A_99 = tpu.memref_slice %arg11[%add3A_10, %dma_start3A_98] : memref<52096x32xf32, #tpu.memory_space<vmem_shared>> -> memref<256x32xf32, #tpu.memory_space<vmem_shared>>
      tpu.enqueue_dma source(%arg9 : memref<256x32xf32, #tpu.memory_space<vmem>>) target(%dma_start3A_99 : memref<256x32xf32, #tpu.memory_space<vmem_shared>>) target_semaphore(%run_scoped3A : memref<!tpu.dma_semaphore, #tpu.memory_space<semaphore_mem>>)
      %dma_wait3A_100 = arith.constant 0 : i32
      %dma_wait3A_101 = tpu.memref_slice %arg11[%add3A_10, %dma_wait3A_100] : memref<52096x32xf32, #tpu.memory_space<vmem_shared>> -> memref<256x32xf32, #tpu.memory_space<vmem_shared>>
      %dma_wait3A_102 = arith.constant 0 : i32
      %dma_wait3A_103 = tpu.memref_slice %arg11[%add3A_10, %dma_wait3A_102] : memref<52096x32xf32, #tpu.memory_space<vmem_shared>> -> memref<256x32xf32, #tpu.memory_space<vmem_shared>>
      tpu.wait_dma2 semaphore(%run_scoped3A : memref<!tpu.dma_semaphore, #tpu.memory_space<semaphore_mem>>) src(%arg9 : memref<256x32xf32, #tpu.memory_space<vmem>>) dst(%dma_wait3A_103 : memref<256x32xf32, #tpu.memory_space<vmem_shared>>)
      tpu.yield
    }) : () -> ()
    %add3A_11 = arith.constant 512 : i32
    %add3A_12 = arith.addi %mul3A_7, %add3A_11 : i32
    "tpu.region"() ({
      %run_scoped3A = tpu.sem_alloc : memref<!tpu.dma_semaphore, #tpu.memory_space<semaphore_mem>>
      %dma_start3A_96 = arith.constant 0 : i32
      %dma_start3A_97 = tpu.memref_slice %arg11[%add3A_12, %dma_start3A_96] : memref<52096x32xf32, #tpu.memory_space<vmem_shared>> -> memref<256x32xf32, #tpu.memory_space<vmem_shared>>
      %dma_start3A_98 = arith.constant 0 : i32
      %dma_start3A_99 = tpu.memref_slice %arg11[%add3A_12, %dma_start3A_98] : memref<52096x32xf32, #tpu.memory_space<vmem_shared>> -> memref<256x32xf32, #tpu.memory_space<vmem_shared>>
      tpu.enqueue_dma source(%arg9 : memref<256x32xf32, #tpu.memory_space<vmem>>) target(%dma_start3A_99 : memref<256x32xf32, #tpu.memory_space<vmem_shared>>) target_semaphore(%run_scoped3A : memref<!tpu.dma_semaphore, #tpu.memory_space<semaphore_mem>>)
      %dma_wait3A_100 = arith.constant 0 : i32
      %dma_wait3A_101 = tpu.memref_slice %arg11[%add3A_12, %dma_wait3A_100] : memref<52096x32xf32, #tpu.memory_space<vmem_shared>> -> memref<256x32xf32, #tpu.memory_space<vmem_shared>>
      %dma_wait3A_102 = arith.constant 0 : i32
      %dma_wait3A_103 = tpu.memref_slice %arg11[%add3A_12, %dma_wait3A_102] : memref<52096x32xf32, #tpu.memory_space<vmem_shared>> -> memref<256x32xf32, #tpu.memory_space<vmem_shared>>
      tpu.wait_dma2 semaphore(%run_scoped3A : memref<!tpu.dma_semaphore, #tpu.memory_space<semaphore_mem>>) src(%arg9 : memref<256x32xf32, #tpu.memory_space<vmem>>) dst(%dma_wait3A_103 : memref<256x32xf32, #tpu.memory_space<vmem_shared>>)
      tpu.yield
    }) : () -> ()
    %add3A_13 = arith.constant 768 : i32
    %add3A_14 = arith.addi %mul3A_7, %add3A_13 : i32
    "tpu.region"() ({
      %run_scoped3A = tpu.sem_alloc : memref<!tpu.dma_semaphore, #tpu.memory_space<semaphore_mem>>
      %dma_start3A_96 = arith.constant 0 : i32
      %dma_start3A_97 = tpu.memref_slice %arg11[%add3A_14, %dma_start3A_96] : memref<52096x32xf32, #tpu.memory_space<vmem_shared>> -> memref<256x32xf32, #tpu.memory_space<vmem_shared>>
      %dma_start3A_98 = arith.constant 0 : i32
      %dma_start3A_99 = tpu.memref_slice %arg11[%add3A_14, %dma_start3A_98] : memref<52096x32xf32, #tpu.memory_space<vmem_shared>> -> memref<256x32xf32, #tpu.memory_space<vmem_shared>>
      tpu.enqueue_dma source(%arg9 : memref<256x32xf32, #tpu.memory_space<vmem>>) target(%dma_start3A_99 : memref<256x32xf32, #tpu.memory_space<vmem_shared>>) target_semaphore(%run_scoped3A : memref<!tpu.dma_semaphore, #tpu.memory_space<semaphore_mem>>)
      %dma_wait3A_100 = arith.constant 0 : i32
      %dma_wait3A_101 = tpu.memref_slice %arg11[%add3A_14, %dma_wait3A_100] : memref<52096x32xf32, #tpu.memory_space<vmem_shared>> -> memref<256x32xf32, #tpu.memory_space<vmem_shared>>
      %dma_wait3A_102 = arith.constant 0 : i32
      %dma_wait3A_103 = tpu.memref_slice %arg11[%add3A_14, %dma_wait3A_102] : memref<52096x32xf32, #tpu.memory_space<vmem_shared>> -> memref<256x32xf32, #tpu.memory_space<vmem_shared>>
      tpu.wait_dma2 semaphore(%run_scoped3A : memref<!tpu.dma_semaphore, #tpu.memory_space<semaphore_mem>>) src(%arg9 : memref<256x32xf32, #tpu.memory_space<vmem>>) dst(%dma_wait3A_103 : memref<256x32xf32, #tpu.memory_space<vmem_shared>>)
      tpu.yield
    }) : () -> ()
    %add3A_15 = arith.constant 1024 : i32
    %add3A_16 = arith.addi %mul3A_7, %add3A_15 : i32
    "tpu.region"() ({
      %run_scoped3A = tpu.sem_alloc : memref<!tpu.dma_semaphore, #tpu.memory_space<semaphore_mem>>
      %dma_start3A_96 = arith.constant 0 : i32
      %dma_start3A_97 = tpu.memref_slice %arg11[%add3A_16, %dma_start3A_96] : memref<52096x32xf32, #tpu.memory_space<vmem_shared>> -> memref<256x32xf32, #tpu.memory_space<vmem_shared>>
      %dma_start3A_98 = arith.constant 0 : i32
      %dma_start3A_99 = tpu.memref_slice %arg11[%add3A_16, %dma_start3A_98] : memref<52096x32xf32, #tpu.memory_space<vmem_shared>> -> memref<256x32xf32, #tpu.memory_space<vmem_shared>>
      tpu.enqueue_dma source(%arg9 : memref<256x32xf32, #tpu.memory_space<vmem>>) target(%dma_start3A_99 : memref<256x32xf32, #tpu.memory_space<vmem_shared>>) target_semaphore(%run_scoped3A : memref<!tpu.dma_semaphore, #tpu.memory_space<semaphore_mem>>)
      %dma_wait3A_100 = arith.constant 0 : i32
      %dma_wait3A_101 = tpu.memref_slice %arg11[%add3A_16, %dma_wait3A_100] : memref<52096x32xf32, #tpu.memory_space<vmem_shared>> -> memref<256x32xf32, #tpu.memory_space<vmem_shared>>
      %dma_wait3A_102 = arith.constant 0 : i32
      %dma_wait3A_103 = tpu.memref_slice %arg11[%add3A_16, %dma_wait3A_102] : memref<52096x32xf32, #tpu.memory_space<vmem_shared>> -> memref<256x32xf32, #tpu.memory_space<vmem_shared>>
      tpu.wait_dma2 semaphore(%run_scoped3A : memref<!tpu.dma_semaphore, #tpu.memory_space<semaphore_mem>>) src(%arg9 : memref<256x32xf32, #tpu.memory_space<vmem>>) dst(%dma_wait3A_103 : memref<256x32xf32, #tpu.memory_space<vmem_shared>>)
      tpu.yield
    }) : () -> ()
    %add3A_17 = arith.constant 1280 : i32
    %add3A_18 = arith.addi %mul3A_7, %add3A_17 : i32
    "tpu.region"() ({
      %run_scoped3A = tpu.sem_alloc : memref<!tpu.dma_semaphore, #tpu.memory_space<semaphore_mem>>
      %dma_start3A_96 = arith.constant 0 : i32
      %dma_start3A_97 = tpu.memref_slice %arg11[%add3A_18, %dma_start3A_96] : memref<52096x32xf32, #tpu.memory_space<vmem_shared>> -> memref<256x32xf32, #tpu.memory_space<vmem_shared>>
      %dma_start3A_98 = arith.constant 0 : i32
      %dma_start3A_99 = tpu.memref_slice %arg11[%add3A_18, %dma_start3A_98] : memref<52096x32xf32, #tpu.memory_space<vmem_shared>> -> memref<256x32xf32, #tpu.memory_space<vmem_shared>>
      tpu.enqueue_dma source(%arg9 : memref<256x32xf32, #tpu.memory_space<vmem>>) target(%dma_start3A_99 : memref<256x32xf32, #tpu.memory_space<vmem_shared>>) target_semaphore(%run_scoped3A : memref<!tpu.dma_semaphore, #tpu.memory_space<semaphore_mem>>)
      %dma_wait3A_100 = arith.constant 0 : i32
      %dma_wait3A_101 = tpu.memref_slice %arg11[%add3A_18, %dma_wait3A_100] : memref<52096x32xf32, #tpu.memory_space<vmem_shared>> -> memref<256x32xf32, #tpu.memory_space<vmem_shared>>
      %dma_wait3A_102 = arith.constant 0 : i32
      %dma_wait3A_103 = tpu.memref_slice %arg11[%add3A_18, %dma_wait3A_102] : memref<52096x32xf32, #tpu.memory_space<vmem_shared>> -> memref<256x32xf32, #tpu.memory_space<vmem_shared>>
      tpu.wait_dma2 semaphore(%run_scoped3A : memref<!tpu.dma_semaphore, #tpu.memory_space<semaphore_mem>>) src(%arg9 : memref<256x32xf32, #tpu.memory_space<vmem>>) dst(%dma_wait3A_103 : memref<256x32xf32, #tpu.memory_space<vmem_shared>>)
      tpu.yield
    }) : () -> ()
    %add3A_19 = arith.constant 1536 : i32
    %add3A_20 = arith.addi %mul3A_7, %add3A_19 : i32
    "tpu.region"() ({
      %run_scoped3A = tpu.sem_alloc : memref<!tpu.dma_semaphore, #tpu.memory_space<semaphore_mem>>
      %dma_start3A_96 = arith.constant 0 : i32
      %dma_start3A_97 = tpu.memref_slice %arg11[%add3A_20, %dma_start3A_96] : memref<52096x32xf32, #tpu.memory_space<vmem_shared>> -> memref<256x32xf32, #tpu.memory_space<vmem_shared>>
      %dma_start3A_98 = arith.constant 0 : i32
      %dma_start3A_99 = tpu.memref_slice %arg11[%add3A_20, %dma_start3A_98] : memref<52096x32xf32, #tpu.memory_space<vmem_shared>> -> memref<256x32xf32, #tpu.memory_space<vmem_shared>>
      tpu.enqueue_dma source(%arg9 : memref<256x32xf32, #tpu.memory_space<vmem>>) target(%dma_start3A_99 : memref<256x32xf32, #tpu.memory_space<vmem_shared>>) target_semaphore(%run_scoped3A : memref<!tpu.dma_semaphore, #tpu.memory_space<semaphore_mem>>)
      %dma_wait3A_100 = arith.constant 0 : i32
      %dma_wait3A_101 = tpu.memref_slice %arg11[%add3A_20, %dma_wait3A_100] : memref<52096x32xf32, #tpu.memory_space<vmem_shared>> -> memref<256x32xf32, #tpu.memory_space<vmem_shared>>
      %dma_wait3A_102 = arith.constant 0 : i32
      %dma_wait3A_103 = tpu.memref_slice %arg11[%add3A_20, %dma_wait3A_102] : memref<52096x32xf32, #tpu.memory_space<vmem_shared>> -> memref<256x32xf32, #tpu.memory_space<vmem_shared>>
      tpu.wait_dma2 semaphore(%run_scoped3A : memref<!tpu.dma_semaphore, #tpu.memory_space<semaphore_mem>>) src(%arg9 : memref<256x32xf32, #tpu.memory_space<vmem>>) dst(%dma_wait3A_103 : memref<256x32xf32, #tpu.memory_space<vmem_shared>>)
      tpu.yield
    }) : () -> ()
    %add3A_21 = arith.constant 1792 : i32
    %add3A_22 = arith.addi %mul3A_7, %add3A_21 : i32
    "tpu.region"() ({
      %run_scoped3A = tpu.sem_alloc : memref<!tpu.dma_semaphore, #tpu.memory_space<semaphore_mem>>
      %dma_start3A_96 = arith.constant 0 : i32
      %dma_start3A_97 = tpu.memref_slice %arg11[%add3A_22, %dma_start3A_96] : memref<52096x32xf32, #tpu.memory_space<vmem_shared>> -> memref<256x32xf32, #tpu.memory_space<vmem_shared>>
      %dma_start3A_98 = arith.constant 0 : i32
      %dma_start3A_99 = tpu.memref_slice %arg11[%add3A_22, %dma_start3A_98] : memref<52096x32xf32, #tpu.memory_space<vmem_shared>> -> memref<256x32xf32, #tpu.memory_space<vmem_shared>>
      tpu.enqueue_dma source(%arg9 : memref<256x32xf32, #tpu.memory_space<vmem>>) target(%dma_start3A_99 : memref<256x32xf32, #tpu.memory_space<vmem_shared>>) target_semaphore(%run_scoped3A : memref<!tpu.dma_semaphore, #tpu.memory_space<semaphore_mem>>)
      %dma_wait3A_100 = arith.constant 0 : i32
      %dma_wait3A_101 = tpu.memref_slice %arg11[%add3A_22, %dma_wait3A_100] : memref<52096x32xf32, #tpu.memory_space<vmem_shared>> -> memref<256x32xf32, #tpu.memory_space<vmem_shared>>
      %dma_wait3A_102 = arith.constant 0 : i32
      %dma_wait3A_103 = tpu.memref_slice %arg11[%add3A_22, %dma_wait3A_102] : memref<52096x32xf32, #tpu.memory_space<vmem_shared>> -> memref<256x32xf32, #tpu.memory_space<vmem_shared>>
      tpu.wait_dma2 semaphore(%run_scoped3A : memref<!tpu.dma_semaphore, #tpu.memory_space<semaphore_mem>>) src(%arg9 : memref<256x32xf32, #tpu.memory_space<vmem>>) dst(%dma_wait3A_103 : memref<256x32xf32, #tpu.memory_space<vmem_shared>>)
      tpu.yield
    }) : () -> ()
    %add3A_23 = arith.constant 2048 : i32
    %add3A_24 = arith.addi %mul3A_7, %add3A_23 : i32
    "tpu.region"() ({
      %run_scoped3A = tpu.sem_alloc : memref<!tpu.dma_semaphore, #tpu.memory_space<semaphore_mem>>
      %dma_start3A_96 = arith.constant 0 : i32
      %dma_start3A_97 = tpu.memref_slice %arg11[%add3A_24, %dma_start3A_96] : memref<52096x32xf32, #tpu.memory_space<vmem_shared>> -> memref<256x32xf32, #tpu.memory_space<vmem_shared>>
      %dma_start3A_98 = arith.constant 0 : i32
      %dma_start3A_99 = tpu.memref_slice %arg11[%add3A_24, %dma_start3A_98] : memref<52096x32xf32, #tpu.memory_space<vmem_shared>> -> memref<256x32xf32, #tpu.memory_space<vmem_shared>>
      tpu.enqueue_dma source(%arg9 : memref<256x32xf32, #tpu.memory_space<vmem>>) target(%dma_start3A_99 : memref<256x32xf32, #tpu.memory_space<vmem_shared>>) target_semaphore(%run_scoped3A : memref<!tpu.dma_semaphore, #tpu.memory_space<semaphore_mem>>)
      %dma_wait3A_100 = arith.constant 0 : i32
      %dma_wait3A_101 = tpu.memref_slice %arg11[%add3A_24, %dma_wait3A_100] : memref<52096x32xf32, #tpu.memory_space<vmem_shared>> -> memref<256x32xf32, #tpu.memory_space<vmem_shared>>
      %dma_wait3A_102 = arith.constant 0 : i32
      %dma_wait3A_103 = tpu.memref_slice %arg11[%add3A_24, %dma_wait3A_102] : memref<52096x32xf32, #tpu.memory_space<vmem_shared>> -> memref<256x32xf32, #tpu.memory_space<vmem_shared>>
      tpu.wait_dma2 semaphore(%run_scoped3A : memref<!tpu.dma_semaphore, #tpu.memory_space<semaphore_mem>>) src(%arg9 : memref<256x32xf32, #tpu.memory_space<vmem>>) dst(%dma_wait3A_103 : memref<256x32xf32, #tpu.memory_space<vmem_shared>>)
      tpu.yield
    }) : () -> ()
    %add3A_25 = arith.constant 2304 : i32
    %add3A_26 = arith.addi %mul3A_7, %add3A_25 : i32
    "tpu.region"() ({
      %run_scoped3A = tpu.sem_alloc : memref<!tpu.dma_semaphore, #tpu.memory_space<semaphore_mem>>
      %dma_start3A_96 = arith.constant 0 : i32
      %dma_start3A_97 = tpu.memref_slice %arg11[%add3A_26, %dma_start3A_96] : memref<52096x32xf32, #tpu.memory_space<vmem_shared>> -> memref<256x32xf32, #tpu.memory_space<vmem_shared>>
      %dma_start3A_98 = arith.constant 0 : i32
      %dma_start3A_99 = tpu.memref_slice %arg11[%add3A_26, %dma_start3A_98] : memref<52096x32xf32, #tpu.memory_space<vmem_shared>> -> memref<256x32xf32, #tpu.memory_space<vmem_shared>>
      tpu.enqueue_dma source(%arg9 : memref<256x32xf32, #tpu.memory_space<vmem>>) target(%dma_start3A_99 : memref<256x32xf32, #tpu.memory_space<vmem_shared>>) target_semaphore(%run_scoped3A : memref<!tpu.dma_semaphore, #tpu.memory_space<semaphore_mem>>)
      %dma_wait3A_100 = arith.constant 0 : i32
      %dma_wait3A_101 = tpu.memref_slice %arg11[%add3A_26, %dma_wait3A_100] : memref<52096x32xf32, #tpu.memory_space<vmem_shared>> -> memref<256x32xf32, #tpu.memory_space<vmem_shared>>
      %dma_wait3A_102 = arith.constant 0 : i32
      %dma_wait3A_103 = tpu.memref_slice %arg11[%add3A_26, %dma_wait3A_102] : memref<52096x32xf32, #tpu.memory_space<vmem_shared>> -> memref<256x32xf32, #tpu.memory_space<vmem_shared>>
      tpu.wait_dma2 semaphore(%run_scoped3A : memref<!tpu.dma_semaphore, #tpu.memory_space<semaphore_mem>>) src(%arg9 : memref<256x32xf32, #tpu.memory_space<vmem>>) dst(%dma_wait3A_103 : memref<256x32xf32, #tpu.memory_space<vmem_shared>>)
      tpu.yield
    }) : () -> ()
    %add3A_27 = arith.constant 2560 : i32
    %add3A_28 = arith.addi %mul3A_7, %add3A_27 : i32
    "tpu.region"() ({
      %run_scoped3A = tpu.sem_alloc : memref<!tpu.dma_semaphore, #tpu.memory_space<semaphore_mem>>
      %dma_start3A_96 = arith.constant 0 : i32
      %dma_start3A_97 = tpu.memref_slice %arg11[%add3A_28, %dma_start3A_96] : memref<52096x32xf32, #tpu.memory_space<vmem_shared>> -> memref<256x32xf32, #tpu.memory_space<vmem_shared>>
      %dma_start3A_98 = arith.constant 0 : i32
      %dma_start3A_99 = tpu.memref_slice %arg11[%add3A_28, %dma_start3A_98] : memref<52096x32xf32, #tpu.memory_space<vmem_shared>> -> memref<256x32xf32, #tpu.memory_space<vmem_shared>>
      tpu.enqueue_dma source(%arg9 : memref<256x32xf32, #tpu.memory_space<vmem>>) target(%dma_start3A_99 : memref<256x32xf32, #tpu.memory_space<vmem_shared>>) target_semaphore(%run_scoped3A : memref<!tpu.dma_semaphore, #tpu.memory_space<semaphore_mem>>)
      %dma_wait3A_100 = arith.constant 0 : i32
      %dma_wait3A_101 = tpu.memref_slice %arg11[%add3A_28, %dma_wait3A_100] : memref<52096x32xf32, #tpu.memory_space<vmem_shared>> -> memref<256x32xf32, #tpu.memory_space<vmem_shared>>
      %dma_wait3A_102 = arith.constant 0 : i32
      %dma_wait3A_103 = tpu.memref_slice %arg11[%add3A_28, %dma_wait3A_102] : memref<52096x32xf32, #tpu.memory_space<vmem_shared>> -> memref<256x32xf32, #tpu.memory_space<vmem_shared>>
      tpu.wait_dma2 semaphore(%run_scoped3A : memref<!tpu.dma_semaphore, #tpu.memory_space<semaphore_mem>>) src(%arg9 : memref<256x32xf32, #tpu.memory_space<vmem>>) dst(%dma_wait3A_103 : memref<256x32xf32, #tpu.memory_space<vmem_shared>>)
      tpu.yield
    }) : () -> ()
    %add3A_29 = arith.constant 2816 : i32
    %add3A_30 = arith.addi %mul3A_7, %add3A_29 : i32
    "tpu.region"() ({
      %run_scoped3A = tpu.sem_alloc : memref<!tpu.dma_semaphore, #tpu.memory_space<semaphore_mem>>
      %dma_start3A_96 = arith.constant 0 : i32
      %dma_start3A_97 = tpu.memref_slice %arg11[%add3A_30, %dma_start3A_96] : memref<52096x32xf32, #tpu.memory_space<vmem_shared>> -> memref<256x32xf32, #tpu.memory_space<vmem_shared>>
      %dma_start3A_98 = arith.constant 0 : i32
      %dma_start3A_99 = tpu.memref_slice %arg11[%add3A_30, %dma_start3A_98] : memref<52096x32xf32, #tpu.memory_space<vmem_shared>> -> memref<256x32xf32, #tpu.memory_space<vmem_shared>>
      tpu.enqueue_dma source(%arg9 : memref<256x32xf32, #tpu.memory_space<vmem>>) target(%dma_start3A_99 : memref<256x32xf32, #tpu.memory_space<vmem_shared>>) target_semaphore(%run_scoped3A : memref<!tpu.dma_semaphore, #tpu.memory_space<semaphore_mem>>)
      %dma_wait3A_100 = arith.constant 0 : i32
      %dma_wait3A_101 = tpu.memref_slice %arg11[%add3A_30, %dma_wait3A_100] : memref<52096x32xf32, #tpu.memory_space<vmem_shared>> -> memref<256x32xf32, #tpu.memory_space<vmem_shared>>
      %dma_wait3A_102 = arith.constant 0 : i32
      %dma_wait3A_103 = tpu.memref_slice %arg11[%add3A_30, %dma_wait3A_102] : memref<52096x32xf32, #tpu.memory_space<vmem_shared>> -> memref<256x32xf32, #tpu.memory_space<vmem_shared>>
      tpu.wait_dma2 semaphore(%run_scoped3A : memref<!tpu.dma_semaphore, #tpu.memory_space<semaphore_mem>>) src(%arg9 : memref<256x32xf32, #tpu.memory_space<vmem>>) dst(%dma_wait3A_103 : memref<256x32xf32, #tpu.memory_space<vmem_shared>>)
      tpu.yield
    }) : () -> ()
    %add3A_31 = arith.constant 3072 : i32
    %add3A_32 = arith.addi %mul3A_7, %add3A_31 : i32
    "tpu.region"() ({
      %run_scoped3A = tpu.sem_alloc : memref<!tpu.dma_semaphore, #tpu.memory_space<semaphore_mem>>
      %dma_start3A_96 = arith.constant 0 : i32
      %dma_start3A_97 = arith.constant 0 : i32
      %dma_start3A_98 = tpu.memref_slice %arg9[%dma_start3A_96, %dma_start3A_97] : memref<256x32xf32, #tpu.memory_space<vmem>> -> memref<56x32xf32, #tpu.memory_space<vmem>>
      %dma_start3A_99 = arith.constant 0 : i32
      %dma_start3A_100 = tpu.memref_slice %arg11[%add3A_32, %dma_start3A_99] : memref<52096x32xf32, #tpu.memory_space<vmem_shared>> -> memref<56x32xf32, #tpu.memory_space<vmem_shared>>
      %dma_start3A_101 = arith.constant 0 : i32
      %dma_start3A_102 = tpu.memref_slice %arg11[%add3A_32, %dma_start3A_101] : memref<52096x32xf32, #tpu.memory_space<vmem_shared>> -> memref<56x32xf32, #tpu.memory_space<vmem_shared>>
      %dma_start3A_103 = arith.constant 0 : i32
      %dma_start3A_104 = arith.constant 0 : i32
      %dma_start3A_105 = tpu.memref_slice %arg9[%dma_start3A_103, %dma_start3A_104] : memref<256x32xf32, #tpu.memory_space<vmem>> -> memref<56x32xf32, #tpu.memory_space<vmem>>
      tpu.enqueue_dma source(%dma_start3A_105 : memref<56x32xf32, #tpu.memory_space<vmem>>) target(%dma_start3A_102 : memref<56x32xf32, #tpu.memory_space<vmem_shared>>) target_semaphore(%run_scoped3A : memref<!tpu.dma_semaphore, #tpu.memory_space<semaphore_mem>>)
      %dma_wait3A_106 = arith.constant 0 : i32
      %dma_wait3A_107 = arith.constant 0 : i32
      %dma_wait3A_108 = tpu.memref_slice %arg9[%dma_wait3A_106, %dma_wait3A_107] : memref<256x32xf32, #tpu.memory_space<vmem>> -> memref<56x32xf32, #tpu.memory_space<vmem>>
      %dma_wait3A_109 = arith.constant 0 : i32
      %dma_wait3A_110 = tpu.memref_slice %arg11[%add3A_32, %dma_wait3A_109] : memref<52096x32xf32, #tpu.memory_space<vmem_shared>> -> memref<56x32xf32, #tpu.memory_space<vmem_shared>>
      %dma_wait3A_111 = arith.constant 0 : i32
      %dma_wait3A_112 = tpu.memref_slice %arg11[%add3A_32, %dma_wait3A_111] : memref<52096x32xf32, #tpu.memory_space<vmem_shared>> -> memref<56x32xf32, #tpu.memory_space<vmem_shared>>
      %dma_wait3A_113 = arith.constant 0 : i32
      %dma_wait3A_114 = arith.constant 0 : i32
      %dma_wait3A_115 = tpu.memref_slice %arg9[%dma_wait3A_113, %dma_wait3A_114] : memref<256x32xf32, #tpu.memory_space<vmem>> -> memref<56x32xf32, #tpu.memory_space<vmem>>
      tpu.wait_dma2 semaphore(%run_scoped3A : memref<!tpu.dma_semaphore, #tpu.memory_space<semaphore_mem>>) src(%dma_wait3A_115 : memref<56x32xf32, #tpu.memory_space<vmem>>) dst(%dma_wait3A_112 : memref<56x32xf32, #tpu.memory_space<vmem_shared>>)
      tpu.yield
    }) : () -> ()
    %barrier3A = arith.constant 0 : index
    tpu.barrier barrier_id(%barrier3A)
    %min3A = arith.constant 0 : i32
    %min3A_33 = arith.constant 389 : i32
    %min3A_34 = arith.minsi %min3A, %min3A_33 : i32
    %mul3A_35 = arith.constant 16 : i32
    %mul3A_36 = arith.muli %min3A_34, %mul3A_35 : i32
    %add3A_37 = arith.addi %arg1, %mul3A_36 : i32
    %mul3A_38 = arith.constant 256 : i32
    %mul3A_39 = arith.muli %add3A_37, %mul3A_38 : i32
    %dma_start3A = tpu.memref_slice %arg2[%mul3A_39] : memref<1600000xi32, #tpu.memory_space<hbm>> -> memref<256xi32, #tpu.memory_space<hbm>>
    %dma_start3A_40 = tpu.memref_slice %arg2[%mul3A_39] : memref<1600000xi32, #tpu.memory_space<hbm>> -> memref<256xi32, #tpu.memory_space<hbm>>
    tpu.enqueue_dma source(%dma_start3A_40 : memref<256xi32, #tpu.memory_space<hbm>>) target(%arg5 : memref<256xi32, #tpu.memory_space<vmem>>) target_semaphore(%arg12 : memref<!tpu.dma_semaphore, #tpu.memory_space<semaphore_mem>>)
    %dma_start3A_41 = arith.constant 0 : i32
    %dma_start3A_42 = tpu.memref_slice %arg3[%mul3A_39, %dma_start3A_41] : memref<1600000x32xf32, #tpu.memory_space<hbm>> -> memref<256x32xf32, #tpu.memory_space<hbm>>
    %dma_start3A_43 = arith.constant 0 : i32
    %dma_start3A_44 = tpu.memref_slice %arg3[%mul3A_39, %dma_start3A_43] : memref<1600000x32xf32, #tpu.memory_space<hbm>> -> memref<256x32xf32, #tpu.memory_space<hbm>>
    tpu.enqueue_dma source(%dma_start3A_44 : memref<256x32xf32, #tpu.memory_space<hbm>>) target(%arg9 : memref<256x32xf32, #tpu.memory_space<vmem>>) target_semaphore(%arg12 : memref<!tpu.dma_semaphore, #tpu.memory_space<semaphore_mem>>)
    %min3A_45 = arith.constant 1 : i32
    %min3A_46 = arith.constant 389 : i32
    %min3A_47 = arith.minsi %min3A_45, %min3A_46 : i32
    %mul3A_48 = arith.constant 16 : i32
    %mul3A_49 = arith.muli %min3A_47, %mul3A_48 : i32
    %add3A_50 = arith.addi %arg1, %mul3A_49 : i32
    %mul3A_51 = arith.constant 256 : i32
    %mul3A_52 = arith.muli %add3A_50, %mul3A_51 : i32
    %dma_start3A_53 = tpu.memref_slice %arg2[%mul3A_52] : memref<1600000xi32, #tpu.memory_space<hbm>> -> memref<256xi32, #tpu.memory_space<hbm>>
    %dma_start3A_54 = tpu.memref_slice %arg2[%mul3A_52] : memref<1600000xi32, #tpu.memory_space<hbm>> -> memref<256xi32, #tpu.memory_space<hbm>>
    tpu.enqueue_dma source(%dma_start3A_54 : memref<256xi32, #tpu.memory_space<hbm>>) target(%arg6 : memref<256xi32, #tpu.memory_space<vmem>>) target_semaphore(%arg13 : memref<!tpu.dma_semaphore, #tpu.memory_space<semaphore_mem>>)
    %dma_start3A_55 = arith.constant 0 : i32
    %dma_start3A_56 = tpu.memref_slice %arg3[%mul3A_52, %dma_start3A_55] : memref<1600000x32xf32, #tpu.memory_space<hbm>> -> memref<256x32xf32, #tpu.memory_space<hbm>>
    %dma_start3A_57 = arith.constant 0 : i32
    %dma_start3A_58 = tpu.memref_slice %arg3[%mul3A_52, %dma_start3A_57] : memref<1600000x32xf32, #tpu.memory_space<hbm>> -> memref<256x32xf32, #tpu.memory_space<hbm>>
    tpu.enqueue_dma source(%dma_start3A_58 : memref<256x32xf32, #tpu.memory_space<hbm>>) target(%arg10 : memref<256x32xf32, #tpu.memory_space<vmem>>) target_semaphore(%arg13 : memref<!tpu.dma_semaphore, #tpu.memory_space<semaphore_mem>>)
    %scan3A_59 = arith.constant 0 : i32
    %scan3A_60 = arith.constant 0 : i32
    %scan3A_61 = arith.constant 195 : i32
    %scan3A_62 = arith.addi %scan3A_60, %scan3A_61 : i32
    %scan3A_63 = arith.constant 1 : i32
    scf.for %scan3A_96 = %scan3A_60 to %scan3A_62 step %scan3A_63  : i32 {
      %mul3A_97 = arith.constant 2 : i32
      %mul3A_98 = arith.muli %mul3A_97, %scan3A_96 : i32
      %add3A_99 = arith.constant 0 : i32
      %add3A_100 = arith.addi %mul3A_98, %add3A_99 : i32
      %dma_wait3A_101 = arith.constant 0 : i32
      %dma_wait3A_102 = tpu.memref_slice %arg2[%dma_wait3A_101] : memref<1600000xi32, #tpu.memory_space<hbm>> -> memref<256xi32, #tpu.memory_space<hbm>>
      %dma_wait3A_103 = arith.constant 0 : i32
      %dma_wait3A_104 = tpu.memref_slice %arg2[%dma_wait3A_103] : memref<1600000xi32, #tpu.memory_space<hbm>> -> memref<256xi32, #tpu.memory_space<hbm>>
      tpu.wait_dma2 semaphore(%arg12 : memref<!tpu.dma_semaphore, #tpu.memory_space<semaphore_mem>>) src(%dma_wait3A_104 : memref<256xi32, #tpu.memory_space<hbm>>) dst(%arg5 : memref<256xi32, #tpu.memory_space<vmem>>)
      %dma_wait3A_105 = arith.constant 0 : i32
      %dma_wait3A_106 = arith.constant 0 : i32
      %dma_wait3A_107 = tpu.memref_slice %arg3[%dma_wait3A_105, %dma_wait3A_106] : memref<1600000x32xf32, #tpu.memory_space<hbm>> -> memref<256x32xf32, #tpu.memory_space<hbm>>
      %dma_wait3A_108 = arith.constant 0 : i32
      %dma_wait3A_109 = arith.constant 0 : i32
      %dma_wait3A_110 = tpu.memref_slice %arg3[%dma_wait3A_108, %dma_wait3A_109] : memref<1600000x32xf32, #tpu.memory_space<hbm>> -> memref<256x32xf32, #tpu.memory_space<hbm>>
      tpu.wait_dma2 semaphore(%arg12 : memref<!tpu.dma_semaphore, #tpu.memory_space<semaphore_mem>>) src(%dma_wait3A_110 : memref<256x32xf32, #tpu.memory_space<hbm>>) dst(%arg9 : memref<256x32xf32, #tpu.memory_space<vmem>>)
      %scan3A_111 = arith.constant 0 : i32
      %scan3A_112 = arith.constant 0 : i32
      %scan3A_113 = arith.constant 16 : i32
      %scan3A_114 = arith.addi %scan3A_112, %scan3A_113 : i32
      %scan3A_115 = arith.constant 1 : i32
      scf.for %scan3A_170 = %scan3A_112 to %scan3A_114 step %scan3A_115  : i32 {
        %jit3A = arith.constant 8 : i32
        %div3A = arith.divsi %scan3A_170, %jit3A : i32
        %sign3A = arith.constant 0 : i32
        %sign3A_171 = arith.cmpi sgt, %scan3A_170, %sign3A : i32
        %sign3A_172 = arith.extui %sign3A_171 : i1 to i32
        %sign3A_173 = arith.constant 0 : i32
        %sign3A_174 = arith.cmpi slt, %scan3A_170, %sign3A_173 : i32
        %sign3A_175 = arith.extui %sign3A_174 : i1 to i32
        %sign3A_176 = arith.subi %sign3A_172, %sign3A_175 : i32
        %sign3A_177 = arith.constant 0 : i32
        %sign3A_178 = arith.cmpi sgt, %jit3A, %sign3A_177 : i32
        %sign3A_179 = arith.extui %sign3A_178 : i1 to i32
        %sign3A_180 = arith.constant 0 : i32
        %sign3A_181 = arith.cmpi slt, %jit3A, %sign3A_180 : i32
        %sign3A_182 = arith.extui %sign3A_181 : i1 to i32
        %sign3A_183 = arith.subi %sign3A_179, %sign3A_182 : i32
        %ne3A = arith.cmpi ne, %sign3A_176, %sign3A_183 : i32
        %rem3A = arith.remsi %scan3A_170, %jit3A : i32
        %ne3A_184 = arith.constant 0 : i32
        %ne3A_185 = arith.cmpi ne, %rem3A, %ne3A_184 : i32
        %and3A = arith.andi %ne3A, %ne3A_185 : i1
        %sub3A = arith.constant 1 : i32
        %sub3A_186 = arith.subi %div3A, %sub3A : i32
        %select_n3A = arith.select %and3A, %sub3A_186, %div3A : i32
        %jit3A_187 = arith.constant 8 : i32
        %eq3A_188 = arith.constant 0 : i32
        %eq3A_189 = arith.cmpi eq, %jit3A_187, %eq3A_188 : i32
        %jit3A_190 = arith.constant 1 : i32
        %select_n3A_191 = arith.select %eq3A_189, %jit3A_190, %jit3A_187 : i32
        %rem3A_192 = arith.remsi %scan3A_170, %select_n3A_191 : i32
        %ne3A_193 = arith.constant 0 : i32
        %ne3A_194 = arith.cmpi ne, %rem3A_192, %ne3A_193 : i32
        %lt3A_195 = arith.constant 0 : i32
        %lt3A_196 = arith.cmpi slt, %rem3A_192, %lt3A_195 : i32
        %lt3A_197 = arith.constant 0 : i32
        %lt3A_198 = arith.cmpi slt, %select_n3A_191, %lt3A_197 : i32
        %ne3A_199 = arith.xori %lt3A_196, %lt3A_198 : i1
        %and3A_200 = arith.andi %ne3A_199, %ne3A_194 : i1
        %add3A_201 = arith.addi %rem3A_192, %select_n3A_191 : i32
        %select_n3A_202 = arith.select %and3A_200, %add3A_201, %rem3A_192 : i32
        %mul3A_203 = arith.constant 16 : i32
        %mul3A_204 = arith.muli %select_n3A_202, %mul3A_203 : i32
        %mul3A_205 = arith.constant 16 : i32
        %mul3A_206 = arith.muli %scan3A_170, %mul3A_205 : i32
        %get3A = arith.index_cast %mul3A_206 : i32 to index
        %get3A_207 = tpu.vector_load %arg5[%get3A] {strides = array<i32>} : memref<256xi32, #tpu.memory_space<vmem>>, vector<16xi32>,
        %get3A_208 = vector.shape_cast %get3A_207 : vector<16xi32> to vector<16xi32>
        %sub3A_209 = vector.broadcast %mul3A_0 : i32 to vector<16xi32>
        %sub3A_210 = arith.subi %get3A_208, %sub3A_209 : vector<16xi32>
        %ge3A = arith.constant 0 : i32
        %ge3A_211 = vector.broadcast %ge3A : i32 to vector<16xi32>
        %ge3A_212 = arith.cmpi sge, %sub3A_210, %ge3A_211 : vector<16xi32>
        %lt3A_213 = arith.constant 50000 : i32
        %lt3A_214 = vector.broadcast %lt3A_213 : i32 to vector<16xi32>
        %lt3A_215 = arith.cmpi slt, %sub3A_210, %lt3A_214 : vector<16xi32>
        %and3A_216 = arith.andi %ge3A_212, %lt3A_215 : vector<16xi1>
        %and3A_217 = arith.constant 2047 : i32
        %and3A_218 = vector.broadcast %and3A_217 : i32 to vector<16xi32>
        %and3A_219 = arith.andi %get3A_208, %and3A_218 : vector<16xi32>
        %add3A_220 = arith.constant 50048 : i32
        %add3A_221 = vector.broadcast %add3A_220 : i32 to vector<16xi32>
        %add3A_222 = arith.addi %add3A_221, %and3A_219 : vector<16xi32>
        %select_n3A_223 = arith.select %and3A_216, %sub3A_210, %add3A_222 : vector<16xi1>, vector<16xi32>
        %swap3A = arith.index_cast %select_n3A : i32 to index
        %swap3A_224 = arith.index_cast %mul3A_204 : i32 to index
        %swap3A_225 = tpu.vector_load %arg7[%swap3A, %swap3A_224] {strides = array<i32>} : memref<2x128xi32, #tpu.memory_space<vmem>>, vector<1x16xi32>,
        %swap3A_226 = vector.shape_cast %swap3A_225 : vector<1x16xi32> to vector<16xi32>
        %swap3A_227 = vector.shape_cast %select_n3A_223 : vector<16xi32> to vector<1x16xi32>
        tpu.vector_store %arg7[%swap3A, %swap3A_224], %swap3A_227 {strides = array<i32>} : memref<2x128xi32, #tpu.memory_space<vmem>>, vector<1x16xi32>,
      }
      %scan3A_116 = arith.constant 16 : i32
      %run_scoped3A = arith.constant 0 : i32
      "tpu.region"() ({
        %run_scoped3A_170 = tpu.sem_alloc : memref<!tpu.dma_semaphore, #tpu.memory_space<semaphore_mem>>
        %dma_start3A_171 = arith.constant 0 : i32
        %dma_start3A_172 = arith.constant 0 : i32
        %dma_start3A_173 = tpu.memref_slice %arg9[%dma_start3A_171, %dma_start3A_172] : memref<256x32xf32, #tpu.memory_space<vmem>> -> memref<128x32xf32, #tpu.memory_space<vmem>>
        %dma_start3A_174 = arith.constant 0 : i32
        %dma_start3A_175 = tpu.memref_slice %arg7[%run_scoped3A, %dma_start3A_174] : memref<2x128xi32, #tpu.memory_space<vmem>> -> memref<1x128xi32, #tpu.memory_space<vmem>>
        %dma_start3A_176 = tpu.memref_squeeze %dma_start3A_175 : memref<1x128xi32, #tpu.memory_space<vmem>> -> memref<128xi32, #tpu.memory_space<vmem>>
        %dma_start3A_177 = arith.constant 0 : i32
        %dma_start3A_178 = arith.constant 0 : i32
        %dma_start3A_179 = tpu.memref_slice %arg11[%dma_start3A_177, %dma_start3A_178] : memref<52096x32xf32, #tpu.memory_space<vmem_shared>> -> memref<52096x32xf32, #tpu.memory_space<vmem_shared>>
        tpu.enqueue_indirect_dma source(%dma_start3A_173 : memref<128x32xf32, #tpu.memory_space<vmem>>) target(%dma_start3A_179 : memref<52096x32xf32, #tpu.memory_space<vmem_shared>>) offsets(%dma_start3A_176 : memref<128xi32, #tpu.memory_space<vmem>>) semaphore(%run_scoped3A_170 : memref<!tpu.dma_semaphore, #tpu.memory_space<semaphore_mem>>) {add = true}
        %dma_wait3A_180 = arith.constant 0 : i32
        %dma_wait3A_181 = arith.constant 0 : i32
        %dma_wait3A_182 = tpu.memref_slice %arg9[%dma_wait3A_180, %dma_wait3A_181] : memref<256x32xf32, #tpu.memory_space<vmem>> -> memref<128x32xf32, #tpu.memory_space<vmem>>
        %dma_wait3A_183 = arith.constant 0 : i32
        %dma_wait3A_184 = tpu.memref_slice %arg7[%run_scoped3A, %dma_wait3A_183] : memref<2x128xi32, #tpu.memory_space<vmem>> -> memref<1x128xi32, #tpu.memory_space<vmem>>
        %dma_wait3A_185 = tpu.memref_squeeze %dma_wait3A_184 : memref<1x128xi32, #tpu.memory_space<vmem>> -> memref<128xi32, #tpu.memory_space<vmem>>
        %dma_wait3A_186 = arith.constant 0 : i32
        %dma_wait3A_187 = arith.constant 0 : i32
        %dma_wait3A_188 = tpu.memref_slice %arg11[%dma_wait3A_186, %dma_wait3A_187] : memref<52096x32xf32, #tpu.memory_space<vmem_shared>> -> memref<52096x32xf32, #tpu.memory_space<vmem_shared>>
        tpu.wait_indirect_dma semaphore(%run_scoped3A_170 : memref<!tpu.dma_semaphore, #tpu.memory_space<semaphore_mem>>) src(%dma_wait3A_182 : memref<128x32xf32, #tpu.memory_space<vmem>>) dst(%dma_wait3A_188 : memref<52096x32xf32, #tpu.memory_space<vmem_shared>>)
        tpu.yield
      }) : () -> ()
      %run_scoped3A_117 = arith.constant 1 : i32
      "tpu.region"() ({
        %run_scoped3A_170 = tpu.sem_alloc : memref<!tpu.dma_semaphore, #tpu.memory_space<semaphore_mem>>
        %dma_start3A_171 = arith.constant 128 : i32
        %dma_start3A_172 = arith.constant 0 : i32
        %dma_start3A_173 = tpu.memref_slice %arg9[%dma_start3A_171, %dma_start3A_172] : memref<256x32xf32, #tpu.memory_space<vmem>> -> memref<128x32xf32, #tpu.memory_space<vmem>>
        %dma_start3A_174 = arith.constant 0 : i32
        %dma_start3A_175 = tpu.memref_slice %arg7[%run_scoped3A_117, %dma_start3A_174] : memref<2x128xi32, #tpu.memory_space<vmem>> -> memref<1x128xi32, #tpu.memory_space<vmem>>
        %dma_start3A_176 = tpu.memref_squeeze %dma_start3A_175 : memref<1x128xi32, #tpu.memory_space<vmem>> -> memref<128xi32, #tpu.memory_space<vmem>>
        %dma_start3A_177 = arith.constant 0 : i32
        %dma_start3A_178 = arith.constant 0 : i32
        %dma_start3A_179 = tpu.memref_slice %arg11[%dma_start3A_177, %dma_start3A_178] : memref<52096x32xf32, #tpu.memory_space<vmem_shared>> -> memref<52096x32xf32, #tpu.memory_space<vmem_shared>>
        tpu.enqueue_indirect_dma source(%dma_start3A_173 : memref<128x32xf32, #tpu.memory_space<vmem>>) target(%dma_start3A_179 : memref<52096x32xf32, #tpu.memory_space<vmem_shared>>) offsets(%dma_start3A_176 : memref<128xi32, #tpu.memory_space<vmem>>) semaphore(%run_scoped3A_170 : memref<!tpu.dma_semaphore, #tpu.memory_space<semaphore_mem>>) {add = true}
        %dma_wait3A_180 = arith.constant 128 : i32
        %dma_wait3A_181 = arith.constant 0 : i32
        %dma_wait3A_182 = tpu.memref_slice %arg9[%dma_wait3A_180, %dma_wait3A_181] : memref<256x32xf32, #tpu.memory_space<vmem>> -> memref<128x32xf32, #tpu.memory_space<vmem>>
        %dma_wait3A_183 = arith.constant 0 : i32
        %dma_wait3A_184 = tpu.memref_slice %arg7[%run_scoped3A_117, %dma_wait3A_183] : memref<2x128xi32, #tpu.memory_space<vmem>> -> memref<1x128xi32, #tpu.memory_space<vmem>>
        %dma_wait3A_185 = tpu.memref_squeeze %dma_wait3A_184 : memref<1x128xi32, #tpu.memory_space<vmem>> -> memref<128xi32, #tpu.memory_space<vmem>>
        %dma_wait3A_186 = arith.constant 0 : i32
        %dma_wait3A_187 = arith.constant 0 : i32
        %dma_wait3A_188 = tpu.memref_slice %arg11[%dma_wait3A_186, %dma_wait3A_187] : memref<52096x32xf32, #tpu.memory_space<vmem_shared>> -> memref<52096x32xf32, #tpu.memory_space<vmem_shared>>
        tpu.wait_indirect_dma semaphore(%run_scoped3A_170 : memref<!tpu.dma_semaphore, #tpu.memory_space<semaphore_mem>>) src(%dma_wait3A_182 : memref<128x32xf32, #tpu.memory_space<vmem>>) dst(%dma_wait3A_188 : memref<52096x32xf32, #tpu.memory_space<vmem_shared>>)
        tpu.yield
      }) : () -> ()
      %add3A_118 = arith.constant 2 : i32
      %add3A_119 = arith.addi %add3A_100, %add3A_118 : i32
      %min3A_120 = arith.constant 389 : i32
      %min3A_121 = arith.minsi %add3A_119, %min3A_120 : i32
      %mul3A_122 = arith.constant 16 : i32
      %mul3A_123 = arith.muli %min3A_121, %mul3A_122 : i32
      %add3A_124 = arith.addi %arg1, %mul3A_123 : i32
      %mul3A_125 = arith.constant 256 : i32
      %mul3A_126 = arith.muli %add3A_124, %mul3A_125 : i32
      %dma_start3A_127 = tpu.memref_slice %arg2[%mul3A_126] : memref<1600000xi32, #tpu.memory_space<hbm>> -> memref<256xi32, #tpu.memory_space<hbm>>
      %dma_start3A_128 = tpu.memref_slice %arg2[%mul3A_126] : memref<1600000xi32, #tpu.memory_space<hbm>> -> memref<256xi32, #tpu.memory_space<hbm>>
      tpu.enqueue_dma source(%dma_start3A_128 : memref<256xi32, #tpu.memory_space<hbm>>) target(%arg5 : memref<256xi32, #tpu.memory_space<vmem>>) target_semaphore(%arg12 : memref<!tpu.dma_semaphore, #tpu.memory_space<semaphore_mem>>)
      %dma_start3A_129 = arith.constant 0 : i32
      %dma_start3A_130 = tpu.memref_slice %arg3[%mul3A_126, %dma_start3A_129] : memref<1600000x32xf32, #tpu.memory_space<hbm>> -> memref<256x32xf32, #tpu.memory_space<hbm>>
      %dma_start3A_131 = arith.constant 0 : i32
      %dma_start3A_132 = tpu.memref_slice %arg3[%mul3A_126, %dma_start3A_131] : memref<1600000x32xf32, #tpu.memory_space<hbm>> -> memref<256x32xf32, #tpu.memory_space<hbm>>
      tpu.enqueue_dma source(%dma_start3A_132 : memref<256x32xf32, #tpu.memory_space<hbm>>) target(%arg9 : memref<256x32xf32, #tpu.memory_space<vmem>>) target_semaphore(%arg12 : memref<!tpu.dma_semaphore, #tpu.memory_space<semaphore_mem>>)
      %mul3A_133 = arith.constant 2 : i32
      %mul3A_134 = arith.muli %mul3A_133, %scan3A_96 : i32
      %add3A_135 = arith.constant 1 : i32
      %add3A_136 = arith.addi %mul3A_134, %add3A_135 : i32
      %dma_wait3A_137 = arith.constant 0 : i32
      %dma_wait3A_138 = tpu.memref_slice %arg2[%dma_wait3A_137] : memref<1600000xi32, #tpu.memory_space<hbm>> -> memref<256xi32, #tpu.memory_space<hbm>>
      %dma_wait3A_139 = arith.constant 0 : i32
      %dma_wait3A_140 = tpu.memref_slice %arg2[%dma_wait3A_139] : memref<1600000xi32, #tpu.memory_space<hbm>> -> memref<256xi32, #tpu.memory_space<hbm>>
      tpu.wait_dma2 semaphore(%arg13 : memref<!tpu.dma_semaphore, #tpu.memory_space<semaphore_mem>>) src(%dma_wait3A_140 : memref<256xi32, #tpu.memory_space<hbm>>) dst(%arg6 : memref<256xi32, #tpu.memory_space<vmem>>)
      %dma_wait3A_141 = arith.constant 0 : i32
      %dma_wait3A_142 = arith.constant 0 : i32
      %dma_wait3A_143 = tpu.memref_slice %arg3[%dma_wait3A_141, %dma_wait3A_142] : memref<1600000x32xf32, #tpu.memory_space<hbm>> -> memref<256x32xf32, #tpu.memory_space<hbm>>
      %dma_wait3A_144 = arith.constant 0 : i32
      %dma_wait3A_145 = arith.constant 0 : i32
      %dma_wait3A_146 = tpu.memref_slice %arg3[%dma_wait3A_144, %dma_wait3A_145] : memref<1600000x32xf32, #tpu.memory_space<hbm>> -> memref<256x32xf32, #tpu.memory_space<hbm>>
      tpu.wait_dma2 semaphore(%arg13 : memref<!tpu.dma_semaphore, #tpu.memory_space<semaphore_mem>>) src(%dma_wait3A_146 : memref<256x32xf32, #tpu.memory_space<hbm>>) dst(%arg10 : memref<256x32xf32, #tpu.memory_space<vmem>>)
      %scan3A_147 = arith.constant 0 : i32
      %scan3A_148 = arith.constant 0 : i32
      %scan3A_149 = arith.constant 16 : i32
      %scan3A_150 = arith.addi %scan3A_148, %scan3A_149 : i32
      %scan3A_151 = arith.constant 1 : i32
      scf.for %scan3A_170 = %scan3A_148 to %scan3A_150 step %scan3A_151  : i32 {
        %jit3A = arith.constant 8 : i32
        %div3A = arith.divsi %scan3A_170, %jit3A : i32
        %sign3A = arith.constant 0 : i32
        %sign3A_171 = arith.cmpi sgt, %scan3A_170, %sign3A : i32
        %sign3A_172 = arith.extui %sign3A_171 : i1 to i32
        %sign3A_173 = arith.constant 0 : i32
        %sign3A_174 = arith.cmpi slt, %scan3A_170, %sign3A_173 : i32
        %sign3A_175 = arith.extui %sign3A_174 : i1 to i32
        %sign3A_176 = arith.subi %sign3A_172, %sign3A_175 : i32
        %sign3A_177 = arith.constant 0 : i32
        %sign3A_178 = arith.cmpi sgt, %jit3A, %sign3A_177 : i32
        %sign3A_179 = arith.extui %sign3A_178 : i1 to i32
        %sign3A_180 = arith.constant 0 : i32
        %sign3A_181 = arith.cmpi slt, %jit3A, %sign3A_180 : i32
        %sign3A_182 = arith.extui %sign3A_181 : i1 to i32
        %sign3A_183 = arith.subi %sign3A_179, %sign3A_182 : i32
        %ne3A = arith.cmpi ne, %sign3A_176, %sign3A_183 : i32
        %rem3A = arith.remsi %scan3A_170, %jit3A : i32
        %ne3A_184 = arith.constant 0 : i32
        %ne3A_185 = arith.cmpi ne, %rem3A, %ne3A_184 : i32
        %and3A = arith.andi %ne3A, %ne3A_185 : i1
        %sub3A = arith.constant 1 : i32
        %sub3A_186 = arith.subi %div3A, %sub3A : i32
        %select_n3A = arith.select %and3A, %sub3A_186, %div3A : i32
        %jit3A_187 = arith.constant 8 : i32
        %eq3A_188 = arith.constant 0 : i32
        %eq3A_189 = arith.cmpi eq, %jit3A_187, %eq3A_188 : i32
        %jit3A_190 = arith.constant 1 : i32
        %select_n3A_191 = arith.select %eq3A_189, %jit3A_190, %jit3A_187 : i32
        %rem3A_192 = arith.remsi %scan3A_170, %select_n3A_191 : i32
        %ne3A_193 = arith.constant 0 : i32
        %ne3A_194 = arith.cmpi ne, %rem3A_192, %ne3A_193 : i32
        %lt3A_195 = arith.constant 0 : i32
        %lt3A_196 = arith.cmpi slt, %rem3A_192, %lt3A_195 : i32
        %lt3A_197 = arith.constant 0 : i32
        %lt3A_198 = arith.cmpi slt, %select_n3A_191, %lt3A_197 : i32
        %ne3A_199 = arith.xori %lt3A_196, %lt3A_198 : i1
        %and3A_200 = arith.andi %ne3A_199, %ne3A_194 : i1
        %add3A_201 = arith.addi %rem3A_192, %select_n3A_191 : i32
        %select_n3A_202 = arith.select %and3A_200, %add3A_201, %rem3A_192 : i32
        %mul3A_203 = arith.constant 16 : i32
        %mul3A_204 = arith.muli %select_n3A_202, %mul3A_203 : i32
        %mul3A_205 = arith.constant 16 : i32
        %mul3A_206 = arith.muli %scan3A_170, %mul3A_205 : i32
        %get3A = arith.index_cast %mul3A_206 : i32 to index
        %get3A_207 = tpu.vector_load %arg6[%get3A] {strides = array<i32>} : memref<256xi32, #tpu.memory_space<vmem>>, vector<16xi32>,
        %get3A_208 = vector.shape_cast %get3A_207 : vector<16xi32> to vector<16xi32>
        %sub3A_209 = vector.broadcast %mul3A_0 : i32 to vector<16xi32>
        %sub3A_210 = arith.subi %get3A_208, %sub3A_209 : vector<16xi32>
        %ge3A = arith.constant 0 : i32
        %ge3A_211 = vector.broadcast %ge3A : i32 to vector<16xi32>
        %ge3A_212 = arith.cmpi sge, %sub3A_210, %ge3A_211 : vector<16xi32>
        %lt3A_213 = arith.constant 50000 : i32
        %lt3A_214 = vector.broadcast %lt3A_213 : i32 to vector<16xi32>
        %lt3A_215 = arith.cmpi slt, %sub3A_210, %lt3A_214 : vector<16xi32>
        %and3A_216 = arith.andi %ge3A_212, %lt3A_215 : vector<16xi1>
        %and3A_217 = arith.constant 2047 : i32
        %and3A_218 = vector.broadcast %and3A_217 : i32 to vector<16xi32>
        %and3A_219 = arith.andi %get3A_208, %and3A_218 : vector<16xi32>
        %add3A_220 = arith.constant 50048 : i32
        %add3A_221 = vector.broadcast %add3A_220 : i32 to vector<16xi32>
        %add3A_222 = arith.addi %add3A_221, %and3A_219 : vector<16xi32>
        %select_n3A_223 = arith.select %and3A_216, %sub3A_210, %add3A_222 : vector<16xi1>, vector<16xi32>
        %swap3A = arith.index_cast %select_n3A : i32 to index
        %swap3A_224 = arith.index_cast %mul3A_204 : i32 to index
        %swap3A_225 = tpu.vector_load %arg8[%swap3A, %swap3A_224] {strides = array<i32>} : memref<2x128xi32, #tpu.memory_space<vmem>>, vector<1x16xi32>,
        %swap3A_226 = vector.shape_cast %swap3A_225 : vector<1x16xi32> to vector<16xi32>
        %swap3A_227 = vector.shape_cast %select_n3A_223 : vector<16xi32> to vector<1x16xi32>
        tpu.vector_store %arg8[%swap3A, %swap3A_224], %swap3A_227 {strides = array<i32>} : memref<2x128xi32, #tpu.memory_space<vmem>>, vector<1x16xi32>,
      }
      %scan3A_152 = arith.constant 16 : i32
      %run_scoped3A_153 = arith.constant 0 : i32
      "tpu.region"() ({
        %run_scoped3A_170 = tpu.sem_alloc : memref<!tpu.dma_semaphore, #tpu.memory_space<semaphore_mem>>
        %dma_start3A_171 = arith.constant 0 : i32
        %dma_start3A_172 = arith.constant 0 : i32
        %dma_start3A_173 = tpu.memref_slice %arg10[%dma_start3A_171, %dma_start3A_172] : memref<256x32xf32, #tpu.memory_space<vmem>> -> memref<128x32xf32, #tpu.memory_space<vmem>>
        %dma_start3A_174 = arith.constant 0 : i32
        %dma_start3A_175 = tpu.memref_slice %arg8[%run_scoped3A_153, %dma_start3A_174] : memref<2x128xi32, #tpu.memory_space<vmem>> -> memref<1x128xi32, #tpu.memory_space<vmem>>
        %dma_start3A_176 = tpu.memref_squeeze %dma_start3A_175 : memref<1x128xi32, #tpu.memory_space<vmem>> -> memref<128xi32, #tpu.memory_space<vmem>>
        %dma_start3A_177 = arith.constant 0 : i32
        %dma_start3A_178 = arith.constant 0 : i32
        %dma_start3A_179 = tpu.memref_slice %arg11[%dma_start3A_177, %dma_start3A_178] : memref<52096x32xf32, #tpu.memory_space<vmem_shared>> -> memref<52096x32xf32, #tpu.memory_space<vmem_shared>>
        tpu.enqueue_indirect_dma source(%dma_start3A_173 : memref<128x32xf32, #tpu.memory_space<vmem>>) target(%dma_start3A_179 : memref<52096x32xf32, #tpu.memory_space<vmem_shared>>) offsets(%dma_start3A_176 : memref<128xi32, #tpu.memory_space<vmem>>) semaphore(%run_scoped3A_170 : memref<!tpu.dma_semaphore, #tpu.memory_space<semaphore_mem>>) {add = true}
        %dma_wait3A_180 = arith.constant 0 : i32
        %dma_wait3A_181 = arith.constant 0 : i32
        %dma_wait3A_182 = tpu.memref_slice %arg10[%dma_wait3A_180, %dma_wait3A_181] : memref<256x32xf32, #tpu.memory_space<vmem>> -> memref<128x32xf32, #tpu.memory_space<vmem>>
        %dma_wait3A_183 = arith.constant 0 : i32
        %dma_wait3A_184 = tpu.memref_slice %arg8[%run_scoped3A_153, %dma_wait3A_183] : memref<2x128xi32, #tpu.memory_space<vmem>> -> memref<1x128xi32, #tpu.memory_space<vmem>>
        %dma_wait3A_185 = tpu.memref_squeeze %dma_wait3A_184 : memref<1x128xi32, #tpu.memory_space<vmem>> -> memref<128xi32, #tpu.memory_space<vmem>>
        %dma_wait3A_186 = arith.constant 0 : i32
        %dma_wait3A_187 = arith.constant 0 : i32
        %dma_wait3A_188 = tpu.memref_slice %arg11[%dma_wait3A_186, %dma_wait3A_187] : memref<52096x32xf32, #tpu.memory_space<vmem_shared>> -> memref<52096x32xf32, #tpu.memory_space<vmem_shared>>
        tpu.wait_indirect_dma semaphore(%run_scoped3A_170 : memref<!tpu.dma_semaphore, #tpu.memory_space<semaphore_mem>>) src(%dma_wait3A_182 : memref<128x32xf32, #tpu.memory_space<vmem>>) dst(%dma_wait3A_188 : memref<52096x32xf32, #tpu.memory_space<vmem_shared>>)
        tpu.yield
      }) : () -> ()
      %run_scoped3A_154 = arith.constant 1 : i32
      "tpu.region"() ({
        %run_scoped3A_170 = tpu.sem_alloc : memref<!tpu.dma_semaphore, #tpu.memory_space<semaphore_mem>>
        %dma_start3A_171 = arith.constant 128 : i32
        %dma_start3A_172 = arith.constant 0 : i32
        %dma_start3A_173 = tpu.memref_slice %arg10[%dma_start3A_171, %dma_start3A_172] : memref<256x32xf32, #tpu.memory_space<vmem>> -> memref<128x32xf32, #tpu.memory_space<vmem>>
        %dma_start3A_174 = arith.constant 0 : i32
        %dma_start3A_175 = tpu.memref_slice %arg8[%run_scoped3A_154, %dma_start3A_174] : memref<2x128xi32, #tpu.memory_space<vmem>> -> memref<1x128xi32, #tpu.memory_space<vmem>>
        %dma_start3A_176 = tpu.memref_squeeze %dma_start3A_175 : memref<1x128xi32, #tpu.memory_space<vmem>> -> memref<128xi32, #tpu.memory_space<vmem>>
        %dma_start3A_177 = arith.constant 0 : i32
        %dma_start3A_178 = arith.constant 0 : i32
        %dma_start3A_179 = tpu.memref_slice %arg11[%dma_start3A_177, %dma_start3A_178] : memref<52096x32xf32, #tpu.memory_space<vmem_shared>> -> memref<52096x32xf32, #tpu.memory_space<vmem_shared>>
        tpu.enqueue_indirect_dma source(%dma_start3A_173 : memref<128x32xf32, #tpu.memory_space<vmem>>) target(%dma_start3A_179 : memref<52096x32xf32, #tpu.memory_space<vmem_shared>>) offsets(%dma_start3A_176 : memref<128xi32, #tpu.memory_space<vmem>>) semaphore(%run_scoped3A_170 : memref<!tpu.dma_semaphore, #tpu.memory_space<semaphore_mem>>) {add = true}
        %dma_wait3A_180 = arith.constant 128 : i32
        %dma_wait3A_181 = arith.constant 0 : i32
        %dma_wait3A_182 = tpu.memref_slice %arg10[%dma_wait3A_180, %dma_wait3A_181] : memref<256x32xf32, #tpu.memory_space<vmem>> -> memref<128x32xf32, #tpu.memory_space<vmem>>
        %dma_wait3A_183 = arith.constant 0 : i32
        %dma_wait3A_184 = tpu.memref_slice %arg8[%run_scoped3A_154, %dma_wait3A_183] : memref<2x128xi32, #tpu.memory_space<vmem>> -> memref<1x128xi32, #tpu.memory_space<vmem>>
        %dma_wait3A_185 = tpu.memref_squeeze %dma_wait3A_184 : memref<1x128xi32, #tpu.memory_space<vmem>> -> memref<128xi32, #tpu.memory_space<vmem>>
        %dma_wait3A_186 = arith.constant 0 : i32
        %dma_wait3A_187 = arith.constant 0 : i32
        %dma_wait3A_188 = tpu.memref_slice %arg11[%dma_wait3A_186, %dma_wait3A_187] : memref<52096x32xf32, #tpu.memory_space<vmem_shared>> -> memref<52096x32xf32, #tpu.memory_space<vmem_shared>>
        tpu.wait_indirect_dma semaphore(%run_scoped3A_170 : memref<!tpu.dma_semaphore, #tpu.memory_space<semaphore_mem>>) src(%dma_wait3A_182 : memref<128x32xf32, #tpu.memory_space<vmem>>) dst(%dma_wait3A_188 : memref<52096x32xf32, #tpu.memory_space<vmem_shared>>)
        tpu.yield
      }) : () -> ()
      %add3A_155 = arith.constant 2 : i32
      %add3A_156 = arith.addi %add3A_136, %add3A_155 : i32
      %min3A_157 = arith.constant 389 : i32
      %min3A_158 = arith.minsi %add3A_156, %min3A_157 : i32
      %mul3A_159 = arith.constant 16 : i32
      %mul3A_160 = arith.muli %min3A_158, %mul3A_159 : i32
      %add3A_161 = arith.addi %arg1, %mul3A_160 : i32
      %mul3A_162 = arith.constant 256 : i32
      %mul3A_163 = arith.muli %add3A_161, %mul3A_162 : i32
      %dma_start3A_164 = tpu.memref_slice %arg2[%mul3A_163] : memref<1600000xi32, #tpu.memory_space<hbm>> -> memref<256xi32, #tpu.memory_space<hbm>>
      %dma_start3A_165 = tpu.memref_slice %arg2[%mul3A_163] : memref<1600000xi32, #tpu.memory_space<hbm>> -> memref<256xi32, #tpu.memory_space<hbm>>
      tpu.enqueue_dma source(%dma_start3A_165 : memref<256xi32, #tpu.memory_space<hbm>>) target(%arg6 : memref<256xi32, #tpu.memory_space<vmem>>) target_semaphore(%arg13 : memref<!tpu.dma_semaphore, #tpu.memory_space<semaphore_mem>>)
      %dma_start3A_166 = arith.constant 0 : i32
      %dma_start3A_167 = tpu.memref_slice %arg3[%mul3A_163, %dma_start3A_166] : memref<1600000x32xf32, #tpu.memory_space<hbm>> -> memref<256x32xf32, #tpu.memory_space<hbm>>
      %dma_start3A_168 = arith.constant 0 : i32
      %dma_start3A_169 = tpu.memref_slice %arg3[%mul3A_163, %dma_start3A_168] : memref<1600000x32xf32, #tpu.memory_space<hbm>> -> memref<256x32xf32, #tpu.memory_space<hbm>>
      tpu.enqueue_dma source(%dma_start3A_169 : memref<256x32xf32, #tpu.memory_space<hbm>>) target(%arg10 : memref<256x32xf32, #tpu.memory_space<vmem>>) target_semaphore(%arg13 : memref<!tpu.dma_semaphore, #tpu.memory_space<semaphore_mem>>)
    }
    %scan3A_64 = arith.constant 195 : i32
    %dma_wait3A = arith.constant 0 : i32
    %dma_wait3A_65 = tpu.memref_slice %arg2[%dma_wait3A] : memref<1600000xi32, #tpu.memory_space<hbm>> -> memref<256xi32, #tpu.memory_space<hbm>>
    %dma_wait3A_66 = arith.constant 0 : i32
    %dma_wait3A_67 = tpu.memref_slice %arg2[%dma_wait3A_66] : memref<1600000xi32, #tpu.memory_space<hbm>> -> memref<256xi32, #tpu.memory_space<hbm>>
    tpu.wait_dma2 semaphore(%arg12 : memref<!tpu.dma_semaphore, #tpu.memory_space<semaphore_mem>>) src(%dma_wait3A_67 : memref<256xi32, #tpu.memory_space<hbm>>) dst(%arg5 : memref<256xi32, #tpu.memory_space<vmem>>)
    %dma_wait3A_68 = arith.constant 0 : i32
    %dma_wait3A_69 = arith.constant 0 : i32
    %dma_wait3A_70 = tpu.memref_slice %arg3[%dma_wait3A_68, %dma_wait3A_69] : memref<1600000x32xf32, #tpu.memory_space<hbm>> -> memref<256x32xf32, #tpu.memory_space<hbm>>
    %dma_wait3A_71 = arith.constant 0 : i32
    %dma_wait3A_72 = arith.constant 0 : i32
    %dma_wait3A_73 = tpu.memref_slice %arg3[%dma_wait3A_71, %dma_wait3A_72] : memref<1600000x32xf32, #tpu.memory_space<hbm>> -> memref<256x32xf32, #tpu.memory_space<hbm>>
    tpu.wait_dma2 semaphore(%arg12 : memref<!tpu.dma_semaphore, #tpu.memory_space<semaphore_mem>>) src(%dma_wait3A_73 : memref<256x32xf32, #tpu.memory_space<hbm>>) dst(%arg9 : memref<256x32xf32, #tpu.memory_space<vmem>>)
    %dma_wait3A_74 = arith.constant 0 : i32
    %dma_wait3A_75 = tpu.memref_slice %arg2[%dma_wait3A_74] : memref<1600000xi32, #tpu.memory_space<hbm>> -> memref<256xi32, #tpu.memory_space<hbm>>
    %dma_wait3A_76 = arith.constant 0 : i32
    %dma_wait3A_77 = tpu.memref_slice %arg2[%dma_wait3A_76] : memref<1600000xi32, #tpu.memory_space<hbm>> -> memref<256xi32, #tpu.memory_space<hbm>>
    tpu.wait_dma2 semaphore(%arg13 : memref<!tpu.dma_semaphore, #tpu.memory_space<semaphore_mem>>) src(%dma_wait3A_77 : memref<256xi32, #tpu.memory_space<hbm>>) dst(%arg6 : memref<256xi32, #tpu.memory_space<vmem>>)
    %dma_wait3A_78 = arith.constant 0 : i32
    %dma_wait3A_79 = arith.constant 0 : i32
    %dma_wait3A_80 = tpu.memref_slice %arg3[%dma_wait3A_78, %dma_wait3A_79] : memref<1600000x32xf32, #tpu.memory_space<hbm>> -> memref<256x32xf32, #tpu.memory_space<hbm>>
    %dma_wait3A_81 = arith.constant 0 : i32
    %dma_wait3A_82 = arith.constant 0 : i32
    %dma_wait3A_83 = tpu.memref_slice %arg3[%dma_wait3A_81, %dma_wait3A_82] : memref<1600000x32xf32, #tpu.memory_space<hbm>> -> memref<256x32xf32, #tpu.memory_space<hbm>>
    tpu.wait_dma2 semaphore(%arg13 : memref<!tpu.dma_semaphore, #tpu.memory_space<semaphore_mem>>) src(%dma_wait3A_83 : memref<256x32xf32, #tpu.memory_space<hbm>>) dst(%arg10 : memref<256x32xf32, #tpu.memory_space<vmem>>)
    %lt3A = arith.constant 10 : i32
    %lt3A_84 = arith.cmpi slt, %arg1, %lt3A : i32
    %convert_element_type3A = arith.extui %lt3A_84 : i1 to i32
    %cond3A = arith.constant 0 : i32
    %cond3A_85 = arith.cmpi ne, %convert_element_type3A, %cond3A : i32
    scf.if %cond3A_85 {
      %add3A_96 = arith.constant 6240 : i32
      %add3A_97 = arith.addi %add3A_96, %arg1 : i32
      %mul3A_98 = arith.constant 256 : i32
      %mul3A_99 = arith.muli %add3A_97, %mul3A_98 : i32
      "tpu.region"() ({
        %run_scoped3A_107 = tpu.sem_alloc : memref<!tpu.dma_semaphore, #tpu.memory_space<semaphore_mem>>
        %dma_start3A_108 = tpu.memref_slice %arg2[%mul3A_99] : memref<1600000xi32, #tpu.memory_space<hbm>> -> memref<256xi32, #tpu.memory_space<hbm>>
        %dma_start3A_109 = tpu.memref_slice %arg2[%mul3A_99] : memref<1600000xi32, #tpu.memory_space<hbm>> -> memref<256xi32, #tpu.memory_space<hbm>>
        tpu.enqueue_dma source(%dma_start3A_109 : memref<256xi32, #tpu.memory_space<hbm>>) target(%arg5 : memref<256xi32, #tpu.memory_space<vmem>>) target_semaphore(%run_scoped3A_107 : memref<!tpu.dma_semaphore, #tpu.memory_space<semaphore_mem>>)
        %dma_wait3A_110 = tpu.memref_slice %arg2[%mul3A_99] : memref<1600000xi32, #tpu.memory_space<hbm>> -> memref<256xi32, #tpu.memory_space<hbm>>
        %dma_wait3A_111 = tpu.memref_slice %arg2[%mul3A_99] : memref<1600000xi32, #tpu.memory_space<hbm>> -> memref<256xi32, #tpu.memory_space<hbm>>
        tpu.wait_dma2 semaphore(%run_scoped3A_107 : memref<!tpu.dma_semaphore, #tpu.memory_space<semaphore_mem>>) src(%dma_wait3A_111 : memref<256xi32, #tpu.memory_space<hbm>>) dst(%arg5 : memref<256xi32, #tpu.memory_space<vmem>>)
        tpu.yield
      }) : () -> ()
      "tpu.region"() ({
        %run_scoped3A_107 = tpu.sem_alloc : memref<!tpu.dma_semaphore, #tpu.memory_space<semaphore_mem>>
        %dma_start3A_108 = arith.constant 0 : i32
        %dma_start3A_109 = tpu.memref_slice %arg3[%mul3A_99, %dma_start3A_108] : memref<1600000x32xf32, #tpu.memory_space<hbm>> -> memref<256x32xf32, #tpu.memory_space<hbm>>
        %dma_start3A_110 = arith.constant 0 : i32
        %dma_start3A_111 = tpu.memref_slice %arg3[%mul3A_99, %dma_start3A_110] : memref<1600000x32xf32, #tpu.memory_space<hbm>> -> memref<256x32xf32, #tpu.memory_space<hbm>>
        tpu.enqueue_dma source(%dma_start3A_111 : memref<256x32xf32, #tpu.memory_space<hbm>>) target(%arg9 : memref<256x32xf32, #tpu.memory_space<vmem>>) target_semaphore(%run_scoped3A_107 : memref<!tpu.dma_semaphore, #tpu.memory_space<semaphore_mem>>)
        %dma_wait3A_112 = arith.constant 0 : i32
        %dma_wait3A_113 = tpu.memref_slice %arg3[%mul3A_99, %dma_wait3A_112] : memref<1600000x32xf32, #tpu.memory_space<hbm>> -> memref<256x32xf32, #tpu.memory_space<hbm>>
        %dma_wait3A_114 = arith.constant 0 : i32
        %dma_wait3A_115 = tpu.memref_slice %arg3[%mul3A_99, %dma_wait3A_114] : memref<1600000x32xf32, #tpu.memory_space<hbm>> -> memref<256x32xf32, #tpu.memory_space<hbm>>
        tpu.wait_dma2 semaphore(%run_scoped3A_107 : memref<!tpu.dma_semaphore, #tpu.memory_space<semaphore_mem>>) src(%dma_wait3A_115 : memref<256x32xf32, #tpu.memory_space<hbm>>) dst(%arg9 : memref<256x32xf32, #tpu.memory_space<vmem>>)
        tpu.yield
      }) : () -> ()
      %scan3A_100 = arith.constant 0 : i32
      %scan3A_101 = arith.constant 0 : i32
      %scan3A_102 = arith.constant 16 : i32
      %scan3A_103 = arith.addi %scan3A_101, %scan3A_102 : i32
      %scan3A_104 = arith.constant 1 : i32
      scf.for %scan3A_107 = %scan3A_101 to %scan3A_103 step %scan3A_104  : i32 {
        %jit3A = arith.constant 8 : i32
        %div3A = arith.divsi %scan3A_107, %jit3A : i32
        %sign3A = arith.constant 0 : i32
        %sign3A_108 = arith.cmpi sgt, %scan3A_107, %sign3A : i32
        %sign3A_109 = arith.extui %sign3A_108 : i1 to i32
        %sign3A_110 = arith.constant 0 : i32
        %sign3A_111 = arith.cmpi slt, %scan3A_107, %sign3A_110 : i32
        %sign3A_112 = arith.extui %sign3A_111 : i1 to i32
        %sign3A_113 = arith.subi %sign3A_109, %sign3A_112 : i32
        %sign3A_114 = arith.constant 0 : i32
        %sign3A_115 = arith.cmpi sgt, %jit3A, %sign3A_114 : i32
        %sign3A_116 = arith.extui %sign3A_115 : i1 to i32
        %sign3A_117 = arith.constant 0 : i32
        %sign3A_118 = arith.cmpi slt, %jit3A, %sign3A_117 : i32
        %sign3A_119 = arith.extui %sign3A_118 : i1 to i32
        %sign3A_120 = arith.subi %sign3A_116, %sign3A_119 : i32
        %ne3A = arith.cmpi ne, %sign3A_113, %sign3A_120 : i32
        %rem3A = arith.remsi %scan3A_107, %jit3A : i32
        %ne3A_121 = arith.constant 0 : i32
        %ne3A_122 = arith.cmpi ne, %rem3A, %ne3A_121 : i32
        %and3A = arith.andi %ne3A, %ne3A_122 : i1
        %sub3A = arith.constant 1 : i32
        %sub3A_123 = arith.subi %div3A, %sub3A : i32
        %select_n3A = arith.select %and3A, %sub3A_123, %div3A : i32
        %jit3A_124 = arith.constant 8 : i32
        %eq3A_125 = arith.constant 0 : i32
        %eq3A_126 = arith.cmpi eq, %jit3A_124, %eq3A_125 : i32
        %jit3A_127 = arith.constant 1 : i32
        %select_n3A_128 = arith.select %eq3A_126, %jit3A_127, %jit3A_124 : i32
        %rem3A_129 = arith.remsi %scan3A_107, %select_n3A_128 : i32
        %ne3A_130 = arith.constant 0 : i32
        %ne3A_131 = arith.cmpi ne, %rem3A_129, %ne3A_130 : i32
        %lt3A_132 = arith.constant 0 : i32
        %lt3A_133 = arith.cmpi slt, %rem3A_129, %lt3A_132 : i32
        %lt3A_134 = arith.constant 0 : i32
        %lt3A_135 = arith.cmpi slt, %select_n3A_128, %lt3A_134 : i32
        %ne3A_136 = arith.xori %lt3A_133, %lt3A_135 : i1
        %and3A_137 = arith.andi %ne3A_136, %ne3A_131 : i1
        %add3A_138 = arith.addi %rem3A_129, %select_n3A_128 : i32
        %select_n3A_139 = arith.select %and3A_137, %add3A_138, %rem3A_129 : i32
        %mul3A_140 = arith.constant 16 : i32
        %mul3A_141 = arith.muli %select_n3A_139, %mul3A_140 : i32
        %mul3A_142 = arith.constant 16 : i32
        %mul3A_143 = arith.muli %scan3A_107, %mul3A_142 : i32
        %get3A = arith.index_cast %mul3A_143 : i32 to index
        %get3A_144 = tpu.vector_load %arg5[%get3A] {strides = array<i32>} : memref<256xi32, #tpu.memory_space<vmem>>, vector<16xi32>,
        %get3A_145 = vector.shape_cast %get3A_144 : vector<16xi32> to vector<16xi32>
        %sub3A_146 = vector.broadcast %mul3A_0 : i32 to vector<16xi32>
        %sub3A_147 = arith.subi %get3A_145, %sub3A_146 : vector<16xi32>
        %ge3A = arith.constant 0 : i32
        %ge3A_148 = vector.broadcast %ge3A : i32 to vector<16xi32>
        %ge3A_149 = arith.cmpi sge, %sub3A_147, %ge3A_148 : vector<16xi32>
        %lt3A_150 = arith.constant 50000 : i32
        %lt3A_151 = vector.broadcast %lt3A_150 : i32 to vector<16xi32>
        %lt3A_152 = arith.cmpi slt, %sub3A_147, %lt3A_151 : vector<16xi32>
        %and3A_153 = arith.andi %ge3A_149, %lt3A_152 : vector<16xi1>
        %and3A_154 = arith.constant 2047 : i32
        %and3A_155 = vector.broadcast %and3A_154 : i32 to vector<16xi32>
        %and3A_156 = arith.andi %get3A_145, %and3A_155 : vector<16xi32>
        %add3A_157 = arith.constant 50048 : i32
        %add3A_158 = vector.broadcast %add3A_157 : i32 to vector<16xi32>
        %add3A_159 = arith.addi %add3A_158, %and3A_156 : vector<16xi32>
        %select_n3A_160 = arith.select %and3A_153, %sub3A_147, %add3A_159 : vector<16xi1>, vector<16xi32>
        %swap3A = arith.index_cast %select_n3A : i32 to index
        %swap3A_161 = arith.index_cast %mul3A_141 : i32 to index
        %swap3A_162 = tpu.vector_load %arg7[%swap3A, %swap3A_161] {strides = array<i32>} : memref<2x128xi32, #tpu.memory_space<vmem>>, vector<1x16xi32>,
        %swap3A_163 = vector.shape_cast %swap3A_162 : vector<1x16xi32> to vector<16xi32>
        %swap3A_164 = vector.shape_cast %select_n3A_160 : vector<16xi32> to vector<1x16xi32>
        tpu.vector_store %arg7[%swap3A, %swap3A_161], %swap3A_164 {strides = array<i32>} : memref<2x128xi32, #tpu.memory_space<vmem>>, vector<1x16xi32>,
      }
      %scan3A_105 = arith.constant 16 : i32
      %run_scoped3A = arith.constant 0 : i32
      "tpu.region"() ({
        %run_scoped3A_107 = tpu.sem_alloc : memref<!tpu.dma_semaphore, #tpu.memory_space<semaphore_mem>>
        %dma_start3A_108 = arith.constant 0 : i32
        %dma_start3A_109 = arith.constant 0 : i32
        %dma_start3A_110 = tpu.memref_slice %arg9[%dma_start3A_108, %dma_start3A_109] : memref<256x32xf32, #tpu.memory_space<vmem>> -> memref<128x32xf32, #tpu.memory_space<vmem>>
        %dma_start3A_111 = arith.constant 0 : i32
        %dma_start3A_112 = tpu.memref_slice %arg7[%run_scoped3A, %dma_start3A_111] : memref<2x128xi32, #tpu.memory_space<vmem>> -> memref<1x128xi32, #tpu.memory_space<vmem>>
        %dma_start3A_113 = tpu.memref_squeeze %dma_start3A_112 : memref<1x128xi32, #tpu.memory_space<vmem>> -> memref<128xi32, #tpu.memory_space<vmem>>
        %dma_start3A_114 = arith.constant 0 : i32
        %dma_start3A_115 = arith.constant 0 : i32
        %dma_start3A_116 = tpu.memref_slice %arg11[%dma_start3A_114, %dma_start3A_115] : memref<52096x32xf32, #tpu.memory_space<vmem_shared>> -> memref<52096x32xf32, #tpu.memory_space<vmem_shared>>
        tpu.enqueue_indirect_dma source(%dma_start3A_110 : memref<128x32xf32, #tpu.memory_space<vmem>>) target(%dma_start3A_116 : memref<52096x32xf32, #tpu.memory_space<vmem_shared>>) offsets(%dma_start3A_113 : memref<128xi32, #tpu.memory_space<vmem>>) semaphore(%run_scoped3A_107 : memref<!tpu.dma_semaphore, #tpu.memory_space<semaphore_mem>>) {add = true}
        %dma_wait3A_117 = arith.constant 0 : i32
        %dma_wait3A_118 = arith.constant 0 : i32
        %dma_wait3A_119 = tpu.memref_slice %arg9[%dma_wait3A_117, %dma_wait3A_118] : memref<256x32xf32, #tpu.memory_space<vmem>> -> memref<128x32xf32, #tpu.memory_space<vmem>>
        %dma_wait3A_120 = arith.constant 0 : i32
        %dma_wait3A_121 = tpu.memref_slice %arg7[%run_scoped3A, %dma_wait3A_120] : memref<2x128xi32, #tpu.memory_space<vmem>> -> memref<1x128xi32, #tpu.memory_space<vmem>>
        %dma_wait3A_122 = tpu.memref_squeeze %dma_wait3A_121 : memref<1x128xi32, #tpu.memory_space<vmem>> -> memref<128xi32, #tpu.memory_space<vmem>>
        %dma_wait3A_123 = arith.constant 0 : i32
        %dma_wait3A_124 = arith.constant 0 : i32
        %dma_wait3A_125 = tpu.memref_slice %arg11[%dma_wait3A_123, %dma_wait3A_124] : memref<52096x32xf32, #tpu.memory_space<vmem_shared>> -> memref<52096x32xf32, #tpu.memory_space<vmem_shared>>
        tpu.wait_indirect_dma semaphore(%run_scoped3A_107 : memref<!tpu.dma_semaphore, #tpu.memory_space<semaphore_mem>>) src(%dma_wait3A_119 : memref<128x32xf32, #tpu.memory_space<vmem>>) dst(%dma_wait3A_125 : memref<52096x32xf32, #tpu.memory_space<vmem_shared>>)
        tpu.yield
      }) : () -> ()
      %run_scoped3A_106 = arith.constant 1 : i32
      "tpu.region"() ({
        %run_scoped3A_107 = tpu.sem_alloc : memref<!tpu.dma_semaphore, #tpu.memory_space<semaphore_mem>>
        %dma_start3A_108 = arith.constant 128 : i32
        %dma_start3A_109 = arith.constant 0 : i32
        %dma_start3A_110 = tpu.memref_slice %arg9[%dma_start3A_108, %dma_start3A_109] : memref<256x32xf32, #tpu.memory_space<vmem>> -> memref<128x32xf32, #tpu.memory_space<vmem>>
        %dma_start3A_111 = arith.constant 0 : i32
        %dma_start3A_112 = tpu.memref_slice %arg7[%run_scoped3A_106, %dma_start3A_111] : memref<2x128xi32, #tpu.memory_space<vmem>> -> memref<1x128xi32, #tpu.memory_space<vmem>>
        %dma_start3A_113 = tpu.memref_squeeze %dma_start3A_112 : memref<1x128xi32, #tpu.memory_space<vmem>> -> memref<128xi32, #tpu.memory_space<vmem>>
        %dma_start3A_114 = arith.constant 0 : i32
        %dma_start3A_115 = arith.constant 0 : i32
        %dma_start3A_116 = tpu.memref_slice %arg11[%dma_start3A_114, %dma_start3A_115] : memref<52096x32xf32, #tpu.memory_space<vmem_shared>> -> memref<52096x32xf32, #tpu.memory_space<vmem_shared>>
        tpu.enqueue_indirect_dma source(%dma_start3A_110 : memref<128x32xf32, #tpu.memory_space<vmem>>) target(%dma_start3A_116 : memref<52096x32xf32, #tpu.memory_space<vmem_shared>>) offsets(%dma_start3A_113 : memref<128xi32, #tpu.memory_space<vmem>>) semaphore(%run_scoped3A_107 : memref<!tpu.dma_semaphore, #tpu.memory_space<semaphore_mem>>) {add = true}
        %dma_wait3A_117 = arith.constant 128 : i32
        %dma_wait3A_118 = arith.constant 0 : i32
        %dma_wait3A_119 = tpu.memref_slice %arg9[%dma_wait3A_117, %dma_wait3A_118] : memref<256x32xf32, #tpu.memory_space<vmem>> -> memref<128x32xf32, #tpu.memory_space<vmem>>
        %dma_wait3A_120 = arith.constant 0 : i32
        %dma_wait3A_121 = tpu.memref_slice %arg7[%run_scoped3A_106, %dma_wait3A_120] : memref<2x128xi32, #tpu.memory_space<vmem>> -> memref<1x128xi32, #tpu.memory_space<vmem>>
        %dma_wait3A_122 = tpu.memref_squeeze %dma_wait3A_121 : memref<1x128xi32, #tpu.memory_space<vmem>> -> memref<128xi32, #tpu.memory_space<vmem>>
        %dma_wait3A_123 = arith.constant 0 : i32
        %dma_wait3A_124 = arith.constant 0 : i32
        %dma_wait3A_125 = tpu.memref_slice %arg11[%dma_wait3A_123, %dma_wait3A_124] : memref<52096x32xf32, #tpu.memory_space<vmem_shared>> -> memref<52096x32xf32, #tpu.memory_space<vmem_shared>>
        tpu.wait_indirect_dma semaphore(%run_scoped3A_107 : memref<!tpu.dma_semaphore, #tpu.memory_space<semaphore_mem>>) src(%dma_wait3A_119 : memref<128x32xf32, #tpu.memory_space<vmem>>) dst(%dma_wait3A_125 : memref<52096x32xf32, #tpu.memory_space<vmem_shared>>)
        tpu.yield
      }) : () -> ()
    } else {
    }
    %barrier3A_86 = arith.constant 0 : index
    tpu.barrier barrier_id(%barrier3A_86)
    %lt3A_87 = arith.constant 15 : i32
    %lt3A_88 = arith.cmpi slt, %arg1, %lt3A_87 : i32
    %convert_element_type3A_89 = arith.extui %lt3A_88 : i1 to i32
    %cond3A_90 = arith.constant 0 : i32
    %cond3A_91 = arith.cmpi ne, %convert_element_type3A_89, %cond3A_90 : i32
    scf.if %cond3A_91 {
      %add3A_96 = arith.addi %mul3A_0, %mul3A_7 : i32
      "tpu.region"() ({
        %run_scoped3A = tpu.sem_alloc : memref<!tpu.dma_semaphore, #tpu.memory_space<semaphore_mem>>
        %dma_start3A_97 = arith.constant 0 : i32
        %dma_start3A_98 = tpu.memref_slice %arg4[%add3A_96, %dma_start3A_97] : memref<100000x32xf32, #tpu.memory_space<hbm>> -> memref<3128x32xf32, #tpu.memory_space<hbm>>
        %dma_start3A_99 = arith.constant 0 : i32
        %dma_start3A_100 = tpu.memref_slice %arg11[%mul3A_7, %dma_start3A_99] : memref<52096x32xf32, #tpu.memory_space<vmem_shared>> -> memref<3128x32xf32, #tpu.memory_space<vmem_shared>>
        tpu.enqueue_dma source(%dma_start3A_100 : memref<3128x32xf32, #tpu.memory_space<vmem_shared>>) target(%dma_start3A_98 : memref<3128x32xf32, #tpu.memory_space<hbm>>) target_semaphore(%run_scoped3A : memref<!tpu.dma_semaphore, #tpu.memory_space<semaphore_mem>>)
        %dma_wait3A_101 = arith.constant 0 : i32
        %dma_wait3A_102 = tpu.memref_slice %arg4[%add3A_96, %dma_wait3A_101] : memref<100000x32xf32, #tpu.memory_space<hbm>> -> memref<3128x32xf32, #tpu.memory_space<hbm>>
        %dma_wait3A_103 = arith.constant 0 : i32
        %dma_wait3A_104 = tpu.memref_slice %arg11[%mul3A_7, %dma_wait3A_103] : memref<52096x32xf32, #tpu.memory_space<vmem_shared>> -> memref<3128x32xf32, #tpu.memory_space<vmem_shared>>
        tpu.wait_dma2 semaphore(%run_scoped3A : memref<!tpu.dma_semaphore, #tpu.memory_space<semaphore_mem>>) src(%dma_wait3A_104 : memref<3128x32xf32, #tpu.memory_space<vmem_shared>>) dst(%dma_wait3A_102 : memref<3128x32xf32, #tpu.memory_space<hbm>>)
        tpu.yield
      }) : () -> ()
    } else {
    }
    %eq3A = arith.constant 15 : i32
    %eq3A_92 = arith.cmpi eq, %arg1, %eq3A : i32
    %convert_element_type3A_93 = arith.extui %eq3A_92 : i1 to i32
    %cond3A_94 = arith.constant 0 : i32
    %cond3A_95 = arith.cmpi ne, %convert_element_type3A_93, %cond3A_94 : i32
    scf.if %cond3A_95 {
      %add3A_96 = arith.constant 46920 : i32
      %add3A_97 = arith.addi %mul3A_0, %add3A_96 : i32
      "tpu.region"() ({
        %run_scoped3A = tpu.sem_alloc : memref<!tpu.dma_semaphore, #tpu.memory_space<semaphore_mem>>
        %dma_start3A_98 = arith.constant 0 : i32
        %dma_start3A_99 = tpu.memref_slice %arg4[%add3A_97, %dma_start3A_98] : memref<100000x32xf32, #tpu.memory_space<hbm>> -> memref<3080x32xf32, #tpu.memory_space<hbm>>
        %dma_start3A_100 = arith.constant 46920 : i32
        %dma_start3A_101 = arith.constant 0 : i32
        %dma_start3A_102 = tpu.memref_slice %arg11[%dma_start3A_100, %dma_start3A_101] : memref<52096x32xf32, #tpu.memory_space<vmem_shared>> -> memref<3080x32xf32, #tpu.memory_space<vmem_shared>>
        tpu.enqueue_dma source(%dma_start3A_102 : memref<3080x32xf32, #tpu.memory_space<vmem_shared>>) target(%dma_start3A_99 : memref<3080x32xf32, #tpu.memory_space<hbm>>) target_semaphore(%run_scoped3A : memref<!tpu.dma_semaphore, #tpu.memory_space<semaphore_mem>>)
        %dma_wait3A_103 = arith.constant 0 : i32
        %dma_wait3A_104 = tpu.memref_slice %arg4[%add3A_97, %dma_wait3A_103] : memref<100000x32xf32, #tpu.memory_space<hbm>> -> memref<3080x32xf32, #tpu.memory_space<hbm>>
        %dma_wait3A_105 = arith.constant 46920 : i32
        %dma_wait3A_106 = arith.constant 0 : i32
        %dma_wait3A_107 = tpu.memref_slice %arg11[%dma_wait3A_105, %dma_wait3A_106] : memref<52096x32xf32, #tpu.memory_space<vmem_shared>> -> memref<3080x32xf32, #tpu.memory_space<vmem_shared>>
        tpu.wait_dma2 semaphore(%run_scoped3A : memref<!tpu.dma_semaphore, #tpu.memory_space<semaphore_mem>>) src(%dma_wait3A_107 : memref<3080x32xf32, #tpu.memory_space<vmem_shared>>) dst(%dma_wait3A_104 : memref<3080x32xf32, #tpu.memory_space<hbm>>)
        tpu.yield
      }) : () -> ()
    } else {
    }
    return
  }
}

module attributes {stable_mosaic.version = 14 : i64} {
  func.func @_edge_mlp_body(%arg0: i32, %arg1: memref<1600x128xf32, #tpu.memory_space<vmem>>, %arg2: memref<1600x128xf32, #tpu.memory_space<vmem>>, %arg3: memref<400x128xf32, #tpu.memory_space<vmem>>, %arg4: memref<128x256xf32, #tpu.memory_space<vmem>>, %arg5: memref<128x256xf32, #tpu.memory_space<vmem>>, %arg6: memref<128x1024xf32, #tpu.memory_space<vmem>>, %arg7: memref<1x128xf32, #tpu.memory_space<vmem>>, %arg8: memref<128x128xf32, #tpu.memory_space<vmem>>, %arg9: memref<1x128xf32, #tpu.memory_space<vmem>>, %arg10: memref<409600xf32, #tpu.memory_space<vmem>>) attributes {dimension_semantics = [#tpu.dimension_semantics<arbitrary>], iteration_bounds = array<i64: 125>, scalar_prefetch = 0 : i64, scratch_operands = 0 : i64, tpu.core_type = #tpu.core_type<tc>, window_params = [{transform_indices = @transform_0, window_bounds = array<i64: 1600, 128>}, {transform_indices = @transform_1, window_bounds = array<i64: 1600, 128>}, {transform_indices = @transform_2, window_bounds = array<i64: 400, 128>}, {pipeline_mode = #tpu.pipeline_mode<synchronous>, transform_indices = @transform_3, window_bounds = array<i64: 128, 256>}, {pipeline_mode = #tpu.pipeline_mode<synchronous>, transform_indices = @transform_4, window_bounds = array<i64: 128, 256>}, {pipeline_mode = #tpu.pipeline_mode<synchronous>, transform_indices = @transform_5, window_bounds = array<i64: 128, 1024>}, {pipeline_mode = #tpu.pipeline_mode<synchronous>, transform_indices = @transform_6, window_bounds = array<i64: 1, 128>}, {pipeline_mode = #tpu.pipeline_mode<synchronous>, transform_indices = @transform_7, window_bounds = array<i64: 128, 128>}, {pipeline_mode = #tpu.pipeline_mode<synchronous>, transform_indices = @transform_8, window_bounds = array<i64: 1, 128>}, {transform_indices = @transform_9, window_bounds = array<i64: 409600>}]} {
    %get3A = arith.constant 0 : index
    %get3A_0 = arith.constant 0 : index
    %get3A_1 = vector.load %arg1[%get3A, %get3A_0] : memref<1600x128xf32, #tpu.memory_space<vmem>>, vector<1600x128xf32>
    %get3A_2 = arith.constant 0 : index
    %get3A_3 = arith.constant 0 : index
    %get3A_4 = vector.load %arg4[%get3A_2, %get3A_3] : memref<128x256xf32, #tpu.memory_space<vmem>>, vector<128x256xf32>
    %dot_general3A = arith.constant dense<0.000000e+00> : vector<1600x256xf32>
    %dot_general3A_5 = tpu.matmul %get3A_1, %get3A_4, %dot_general3A {dimension_numbers = #tpu.dot_dimension_numbers<[1], [0], [0], [1], [0, 0, 1, 1], [], []>, transpose_lhs_hint = false} : vector<1600x128xf32>, vector<128x256xf32>, vector<1600x256xf32> -> vector<1600x256xf32>
    %reshape3A = vector.shape_cast %dot_general3A_5 : vector<1600x256xf32> to vector<1600x2x128xf32>
    %reshape3A_6 = vector.shape_cast %reshape3A : vector<1600x2x128xf32> to vector<3200x128xf32>
    %get3A_7 = arith.constant 0 : index
    %get3A_8 = arith.constant 0 : index
    %get3A_9 = vector.load %arg2[%get3A_7, %get3A_8] : memref<1600x128xf32, #tpu.memory_space<vmem>>, vector<1600x128xf32>
    %get3A_10 = arith.constant 0 : index
    %get3A_11 = arith.constant 0 : index
    %get3A_12 = vector.load %arg5[%get3A_10, %get3A_11] : memref<128x256xf32, #tpu.memory_space<vmem>>, vector<128x256xf32>
    %dot_general3A_13 = arith.constant dense<0.000000e+00> : vector<1600x256xf32>
    %dot_general3A_14 = tpu.matmul %get3A_9, %get3A_12, %dot_general3A_13 {dimension_numbers = #tpu.dot_dimension_numbers<[1], [0], [0], [1], [0, 0, 1, 1], [], []>, transpose_lhs_hint = false} : vector<1600x128xf32>, vector<128x256xf32>, vector<1600x256xf32> -> vector<1600x256xf32>
    %reshape3A_15 = vector.shape_cast %dot_general3A_14 : vector<1600x256xf32> to vector<1600x2x128xf32>
    %reshape3A_16 = vector.shape_cast %reshape3A_15 : vector<1600x2x128xf32> to vector<3200x128xf32>
    %get3A_17 = arith.constant 0 : index
    %get3A_18 = arith.constant 0 : index
    %get3A_19 = vector.load %arg3[%get3A_17, %get3A_18] : memref<400x128xf32, #tpu.memory_space<vmem>>, vector<400x128xf32>
    %get3A_20 = arith.constant 0 : index
    %get3A_21 = arith.constant 0 : index
    %get3A_22 = vector.load %arg6[%get3A_20, %get3A_21] : memref<128x1024xf32, #tpu.memory_space<vmem>>, vector<128x1024xf32>
    %dot_general3A_23 = arith.constant dense<0.000000e+00> : vector<400x1024xf32>
    %dot_general3A_24 = tpu.matmul %get3A_19, %get3A_22, %dot_general3A_23 {dimension_numbers = #tpu.dot_dimension_numbers<[1], [0], [0], [1], [0, 0, 1, 1], [], []>, transpose_lhs_hint = false} : vector<400x128xf32>, vector<128x1024xf32>, vector<400x1024xf32> -> vector<400x1024xf32>
    %reshape3A_25 = vector.shape_cast %dot_general3A_24 : vector<400x1024xf32> to vector<400x8x128xf32>
    %reshape3A_26 = vector.shape_cast %reshape3A_25 : vector<400x8x128xf32> to vector<3200x128xf32>
    %add3A = arith.addf %reshape3A_6, %reshape3A_16 : vector<3200x128xf32>
    %add3A_27 = arith.addf %add3A, %reshape3A_26 : vector<3200x128xf32>
    %get3A_28 = arith.constant 0 : index
    %get3A_29 = arith.constant 0 : index
    %get3A_30 = vector.load %arg7[%get3A_28, %get3A_29] : memref<1x128xf32, #tpu.memory_space<vmem>>, vector<1x128xf32>
    %add3A_31 = vector.broadcast %get3A_30 : vector<1x128xf32> to vector<3200x128xf32>
    %add3A_32 = arith.addf %add3A_27, %add3A_31 : vector<3200x128xf32>
    %max3A = arith.constant 0.000000e+00 : f32
    %max3A_33 = vector.broadcast %max3A : f32 to vector<3200x128xf32>
    %max3A_34 = arith.maximumf %add3A_32, %max3A_33 : vector<3200x128xf32>
    %get3A_35 = arith.constant 0 : index
    %get3A_36 = arith.constant 0 : index
    %get3A_37 = vector.load %arg8[%get3A_35, %get3A_36] : memref<128x128xf32, #tpu.memory_space<vmem>>, vector<128x128xf32>
    %dot_general3A_38 = arith.constant dense<0.000000e+00> : vector<3200x128xf32>
    %dot_general3A_39 = tpu.matmul %max3A_34, %get3A_37, %dot_general3A_38 {dimension_numbers = #tpu.dot_dimension_numbers<[1], [0], [0], [1], [0, 0, 1, 1], [], []>, transpose_lhs_hint = false} : vector<3200x128xf32>, vector<128x128xf32>, vector<3200x128xf32> -> vector<3200x128xf32>
    %get3A_40 = arith.constant 0 : index
    %get3A_41 = arith.constant 0 : index
    %get3A_42 = vector.load %arg9[%get3A_40, %get3A_41] : memref<1x128xf32, #tpu.memory_space<vmem>>, vector<1x128xf32>
    %add3A_43 = vector.broadcast %get3A_42 : vector<1x128xf32> to vector<3200x128xf32>
    %add3A_44 = arith.addf %dot_general3A_39, %add3A_43 : vector<3200x128xf32>
    %reshape3A_45 = vector.shape_cast %add3A_44 : vector<3200x128xf32> to vector<409600xf32>
    %swap3A = arith.constant 0 : index
    %swap3A_46 = vector.load %arg10[%swap3A] : memref<409600xf32, #tpu.memory_space<vmem>>, vector<409600xf32>
    tpu.vector_store %arg10[%swap3A], %reshape3A_45 {strides = array<i32>} : memref<409600xf32, #tpu.memory_space<vmem>>, vector<409600xf32>,
    return
  }
  func.func @transform_0(%arg0: i32) -> (i32, i32) {
    %c0_i32 = arith.constant 0 : i32
    %c0_i32_0 = arith.constant 0 : i32
    return %arg0, %c0_i32 : i32, i32
  }
  func.func @transform_1(%arg0: i32) -> (i32, i32) {
    %c0_i32 = arith.constant 0 : i32
    %c0_i32_0 = arith.constant 0 : i32
    return %arg0, %c0_i32 : i32, i32
  }
  func.func @transform_2(%arg0: i32) -> (i32, i32) {
    %c0_i32 = arith.constant 0 : i32
    %c0_i32_0 = arith.constant 0 : i32
    return %arg0, %c0_i32 : i32, i32
  }
  func.func @transform_3(%arg0: i32) -> (i32, i32) {
    %c0_i32 = arith.constant 0 : i32
    %c0_i32_0 = arith.constant 0 : i32
    %c0_i32_1 = arith.constant 0 : i32
    return %c0_i32, %c0_i32_0 : i32, i32
  }
  func.func @transform_4(%arg0: i32) -> (i32, i32) {
    %c0_i32 = arith.constant 0 : i32
    %c0_i32_0 = arith.constant 0 : i32
    %c0_i32_1 = arith.constant 0 : i32
    return %c0_i32, %c0_i32_0 : i32, i32
  }
  func.func @transform_5(%arg0: i32) -> (i32, i32) {
    %c0_i32 = arith.constant 0 : i32
    %c0_i32_0 = arith.constant 0 : i32
    %c0_i32_1 = arith.constant 0 : i32
    return %c0_i32, %c0_i32_0 : i32, i32
  }
  func.func @transform_6(%arg0: i32) -> (i32, i32) {
    %c0_i32 = arith.constant 0 : i32
    %c0_i32_0 = arith.constant 0 : i32
    %c0_i32_1 = arith.constant 0 : i32
    return %c0_i32, %c0_i32_0 : i32, i32
  }
  func.func @transform_7(%arg0: i32) -> (i32, i32) {
    %c0_i32 = arith.constant 0 : i32
    %c0_i32_0 = arith.constant 0 : i32
    %c0_i32_1 = arith.constant 0 : i32
    return %c0_i32, %c0_i32_0 : i32, i32
  }
  func.func @transform_8(%arg0: i32) -> (i32, i32) {
    %c0_i32 = arith.constant 0 : i32
    %c0_i32_0 = arith.constant 0 : i32
    %c0_i32_1 = arith.constant 0 : i32
    return %c0_i32, %c0_i32_0 : i32, i32
  }
  func.func @transform_9(%arg0: i32) -> i32 {
    %c0_i32 = arith.constant 0 : i32
    return %arg0 : i32
  }
}

module attributes {stable_mosaic.version = 14 : i64} {
  func.func @_head_body(%arg0: i32, %arg1: memref<2000x16xf32, #tpu.memory_space<vmem>>, %arg2: memref<2000x32xf32, #tpu.memory_space<vmem>>, %arg3: memref<2000x1xf32, #tpu.memory_space<vmem>>, %arg4: memref<2000x1xf32, #tpu.memory_space<vmem>>, %arg5: memref<97x32xf32, #tpu.memory_space<vmem>>, %arg6: memref<1x32xf32, #tpu.memory_space<vmem>>, %arg7: memref<32x1xf32, #tpu.memory_space<vmem>>, %arg8: memref<1x1xf32, #tpu.memory_space<vmem>>, %arg9: memref<40x1xf32, #tpu.memory_space<vmem>>) attributes {dimension_semantics = [#tpu.dimension_semantics<arbitrary>], iteration_bounds = array<i64: 50>, scalar_prefetch = 0 : i64, scratch_operands = 0 : i64, tpu.core_type = #tpu.core_type<tc>, window_params = [{transform_indices = @transform_0, window_bounds = array<i64: 2000, 16>}, {transform_indices = @transform_1, window_bounds = array<i64: 2000, 32>}, {transform_indices = @transform_2, window_bounds = array<i64: 2000, 1>}, {transform_indices = @transform_3, window_bounds = array<i64: 2000, 1>}, {pipeline_mode = #tpu.pipeline_mode<synchronous>, transform_indices = @transform_4, window_bounds = array<i64: 97, 32>}, {pipeline_mode = #tpu.pipeline_mode<synchronous>, transform_indices = @transform_5, window_bounds = array<i64: 1, 32>}, {pipeline_mode = #tpu.pipeline_mode<synchronous>, transform_indices = @transform_6, window_bounds = array<i64: 32, 1>}, {pipeline_mode = #tpu.pipeline_mode<synchronous>, transform_indices = @transform_7, window_bounds = array<i64: 1, 1>}, {transform_indices = @transform_8, window_bounds = array<i64: 40, 1>}]} {
    %get3A = arith.constant 0 : index
    %get3A_0 = arith.constant 0 : index
    %get3A_1 = vector.load %arg5[%get3A, %get3A_0] : memref<97x32xf32, #tpu.memory_space<vmem>>, vector<16x32xf32>
    %get3A_2 = arith.constant 16 : index
    %get3A_3 = arith.constant 0 : index
    %get3A_4 = vector.load %arg5[%get3A_2, %get3A_3] : memref<97x32xf32, #tpu.memory_space<vmem>>, vector<32x32xf32>
    %get3A_5 = arith.constant 48 : index
    %get3A_6 = arith.constant 0 : index
    %get3A_7 = vector.load %arg5[%get3A_5, %get3A_6] : memref<97x32xf32, #tpu.memory_space<vmem>>, vector<16x32xf32>
    %get3A_8 = arith.constant 64 : index
    %get3A_9 = arith.constant 0 : index
    %get3A_10 = vector.load %arg5[%get3A_8, %get3A_9] : memref<97x32xf32, #tpu.memory_space<vmem>>, vector<32x32xf32>
    %get3A_11 = arith.constant 96 : index
    %get3A_12 = arith.constant 0 : index
    %get3A_13 = vector.load %arg5[%get3A_11, %get3A_12] : memref<97x32xf32, #tpu.memory_space<vmem>>, vector<1x32xf32>
    %get3A_14 = arith.constant 0 : index
    %get3A_15 = arith.constant 0 : index
    %get3A_16 = vector.load %arg1[%get3A_14, %get3A_15] : memref<2000x16xf32, #tpu.memory_space<vmem>>, vector<2000x16xf32>
    %dot_general3A = arith.constant dense<0.000000e+00> : vector<2000x32xf32>
    %dot_general3A_17 = tpu.matmul %get3A_16, %get3A_1, %dot_general3A {dimension_numbers = #tpu.dot_dimension_numbers<[1], [0], [0], [1], [0, 0, 1, 1], [], []>, transpose_lhs_hint = false} : vector<2000x16xf32>, vector<16x32xf32>, vector<2000x32xf32> -> vector<2000x32xf32>
    %get3A_18 = arith.constant 0 : index
    %get3A_19 = arith.constant 0 : index
    %get3A_20 = vector.load %arg2[%get3A_18, %get3A_19] : memref<2000x32xf32, #tpu.memory_space<vmem>>, vector<2000x32xf32>
    %dot_general3A_21 = arith.constant dense<0.000000e+00> : vector<2000x32xf32>
    %dot_general3A_22 = tpu.matmul %get3A_20, %get3A_4, %dot_general3A_21 {dimension_numbers = #tpu.dot_dimension_numbers<[1], [0], [0], [1], [0, 0, 1, 1], [], []>, transpose_lhs_hint = false} : vector<2000x32xf32>, vector<32x32xf32>, vector<2000x32xf32> -> vector<2000x32xf32>
    %add3A = arith.addf %dot_general3A_17, %dot_general3A_22 : vector<2000x32xf32>
    %get3A_23 = arith.constant 0 : index
    %get3A_24 = arith.constant 0 : index
    %get3A_25 = vector.load %arg1[%get3A_23, %get3A_24] : memref<2000x16xf32, #tpu.memory_space<vmem>>, vector<2000x16xf32>
    %dot_general3A_26 = arith.constant dense<0.000000e+00> : vector<2000x32xf32>
    %dot_general3A_27 = tpu.matmul %get3A_25, %get3A_7, %dot_general3A_26 {dimension_numbers = #tpu.dot_dimension_numbers<[1], [0], [0], [1], [0, 0, 1, 1], [], []>, transpose_lhs_hint = false} : vector<2000x16xf32>, vector<16x32xf32>, vector<2000x32xf32> -> vector<2000x32xf32>
    %get3A_28 = arith.constant 0 : index
    %get3A_29 = arith.constant 0 : index
    %get3A_30 = vector.load %arg2[%get3A_28, %get3A_29] : memref<2000x32xf32, #tpu.memory_space<vmem>>, vector<2000x32xf32>
    %dot_general3A_31 = arith.constant dense<0.000000e+00> : vector<2000x32xf32>
    %dot_general3A_32 = tpu.matmul %get3A_30, %get3A_10, %dot_general3A_31 {dimension_numbers = #tpu.dot_dimension_numbers<[1], [0], [0], [1], [0, 0, 1, 1], [], []>, transpose_lhs_hint = false} : vector<2000x32xf32>, vector<32x32xf32>, vector<2000x32xf32> -> vector<2000x32xf32>
    %add3A_33 = arith.addf %dot_general3A_27, %dot_general3A_32 : vector<2000x32xf32>
    %iota3A = tpu.iota {dimensions = array<i32: 0>} : vector<2000x1xi32>
    %jit3A = arith.constant 50 : i32
    %eq3A = arith.constant 0 : i32
    %eq3A_34 = arith.cmpi eq, %jit3A, %eq3A : i32
    %jit3A_35 = arith.constant 1 : i32
    %select_n3A = arith.select %eq3A_34, %jit3A_35, %jit3A : i32
    %rem3A = vector.broadcast %select_n3A : i32 to vector<2000x1xi32>
    %rem3A_36 = arith.remsi %iota3A, %rem3A : vector<2000x1xi32>
    %ne3A = arith.constant 0 : i32
    %ne3A_37 = vector.broadcast %ne3A : i32 to vector<2000x1xi32>
    %ne3A_38 = arith.cmpi ne, %rem3A_36, %ne3A_37 : vector<2000x1xi32>
    %lt3A = arith.constant 0 : i32
    %lt3A_39 = vector.broadcast %lt3A : i32 to vector<2000x1xi32>
    %lt3A_40 = arith.cmpi slt, %rem3A_36, %lt3A_39 : vector<2000x1xi32>
    %lt3A_41 = arith.constant 0 : i32
    %lt3A_42 = arith.cmpi slt, %select_n3A, %lt3A_41 : i32
    %ne3A_43 = vector.broadcast %lt3A_42 : i1 to vector<2000x1xi1>
    %ne3A_44 = vector.broadcast %ne3A_43 : vector<2000x1xi1> to vector<2000x1xi1>
    %ne3A_45 = arith.xori %lt3A_40, %ne3A_44 : vector<2000x1xi1>
    %and3A = arith.andi %ne3A_45, %ne3A_38 : vector<2000x1xi1>
    %add3A_46 = vector.broadcast %select_n3A : i32 to vector<2000x1xi32>
    %add3A_47 = arith.addi %rem3A_36, %add3A_46 : vector<2000x1xi32>
    %select_n3A_48 = arith.select %and3A, %add3A_47, %rem3A_36 : vector<2000x1xi1>, vector<2000x1xi32>
    %eq3A_49 = arith.constant 49 : i32
    %eq3A_50 = vector.broadcast %eq3A_49 : i32 to vector<2000x1xi32>
    %eq3A_51 = arith.cmpi eq, %select_n3A_48, %eq3A_50 : vector<2000x1xi32>
    %slice3A = vector.extract_strided_slice %add3A_33 {offsets = [1951, 0], sizes = [49, 32], strides = [1, 1]} : vector<2000x32xf32> to vector<49x32xf32>
    %slice3A_52 = vector.extract_strided_slice %add3A_33 {offsets = [0, 0], sizes = [1951, 32], strides = [1, 1]} : vector<2000x32xf32> to vector<1951x32xf32>
    %concatenate3A = tpu.concatenate %slice3A, %slice3A_52 in 0 : vector<49x32xf32>, vector<1951x32xf32> -> vector<2000x32xf32>
    %slice3A_53 = vector.extract_strided_slice %add3A_33 {offsets = [1, 0], sizes = [1999, 32], strides = [1, 1]} : vector<2000x32xf32> to vector<1999x32xf32>
    %slice3A_54 = vector.extract_strided_slice %add3A_33 {offsets = [0, 0], sizes = [1, 32], strides = [1, 1]} : vector<2000x32xf32> to vector<1x32xf32>
    %concatenate3A_55 = tpu.concatenate %slice3A_53, %slice3A_54 in 0 : vector<1999x32xf32>, vector<1x32xf32> -> vector<2000x32xf32>
    %broadcast_in_dim3A = vector.shape_cast %eq3A_51 : vector<2000x1xi1> to vector<2000x1xi1>
    %broadcast_in_dim3A_56 = vector.broadcast %broadcast_in_dim3A : vector<2000x1xi1> to vector<2000x32xi1>
    %select_n3A_57 = arith.select %broadcast_in_dim3A_56, %concatenate3A, %concatenate3A_55 : vector<2000x32xi1>, vector<2000x32xf32>
    %add3A_58 = arith.addf %add3A, %select_n3A_57 : vector<2000x32xf32>
    %get3A_59 = arith.constant 0 : index
    %get3A_60 = arith.constant 0 : index
    %get3A_61 = vector.load %arg3[%get3A_59, %get3A_60] : memref<2000x1xf32, #tpu.memory_space<vmem>>, vector<2000x1xf32>
    %mul3A = vector.broadcast %get3A_61 : vector<2000x1xf32> to vector<2000x32xf32>
    %mul3A_62 = vector.broadcast %get3A_13 : vector<1x32xf32> to vector<2000x32xf32>
    %mul3A_63 = arith.mulf %mul3A, %mul3A_62 : vector<2000x32xf32>
    %add3A_64 = arith.addf %add3A_58, %mul3A_63 : vector<2000x32xf32>
    %get3A_65 = arith.constant 0 : index
    %get3A_66 = arith.constant 0 : index
    %get3A_67 = vector.load %arg6[%get3A_65, %get3A_66] : memref<1x32xf32, #tpu.memory_space<vmem>>, vector<1x32xf32>
    %add3A_68 = vector.broadcast %get3A_67 : vector<1x32xf32> to vector<2000x32xf32>
    %add3A_69 = arith.addf %add3A_64, %add3A_68 : vector<2000x32xf32>
    %max3A = arith.constant 0.000000e+00 : f32
    %max3A_70 = vector.broadcast %max3A : f32 to vector<2000x32xf32>
    %max3A_71 = arith.maximumf %add3A_69, %max3A_70 : vector<2000x32xf32>
    %get3A_72 = arith.constant 0 : index
    %get3A_73 = arith.constant 0 : index
    %get3A_74 = vector.load %arg7[%get3A_72, %get3A_73] : memref<32x1xf32, #tpu.memory_space<vmem>>, vector<32x1xf32>
    %dot_general3A_75 = arith.constant dense<0.000000e+00> : vector<2000x1xf32>
    %dot_general3A_76 = tpu.matmul %max3A_71, %get3A_74, %dot_general3A_75 {dimension_numbers = #tpu.dot_dimension_numbers<[1], [0], [0], [1], [0, 0, 1, 1], [], []>, transpose_lhs_hint = false} : vector<2000x32xf32>, vector<32x1xf32>, vector<2000x1xf32> -> vector<2000x1xf32>
    %iota3A_77 = tpu.iota {dimensions = array<i32: 0>} : vector<2000x1xi32>
    %jit3A_78 = arith.constant 50 : i32
    %eq3A_79 = arith.constant 0 : i32
    %eq3A_80 = arith.cmpi eq, %jit3A_78, %eq3A_79 : i32
    %jit3A_81 = arith.constant 1 : i32
    %select_n3A_82 = arith.select %eq3A_80, %jit3A_81, %jit3A_78 : i32
    %rem3A_83 = vector.broadcast %select_n3A_82 : i32 to vector<2000x1xi32>
    %rem3A_84 = arith.remsi %iota3A_77, %rem3A_83 : vector<2000x1xi32>
    %ne3A_85 = arith.constant 0 : i32
    %ne3A_86 = vector.broadcast %ne3A_85 : i32 to vector<2000x1xi32>
    %ne3A_87 = arith.cmpi ne, %rem3A_84, %ne3A_86 : vector<2000x1xi32>
    %lt3A_88 = arith.constant 0 : i32
    %lt3A_89 = vector.broadcast %lt3A_88 : i32 to vector<2000x1xi32>
    %lt3A_90 = arith.cmpi slt, %rem3A_84, %lt3A_89 : vector<2000x1xi32>
    %lt3A_91 = arith.constant 0 : i32
    %lt3A_92 = arith.cmpi slt, %select_n3A_82, %lt3A_91 : i32
    %ne3A_93 = vector.broadcast %lt3A_92 : i1 to vector<2000x1xi1>
    %ne3A_94 = vector.broadcast %ne3A_93 : vector<2000x1xi1> to vector<2000x1xi1>
    %ne3A_95 = arith.xori %lt3A_90, %ne3A_94 : vector<2000x1xi1>
    %and3A_96 = arith.andi %ne3A_95, %ne3A_87 : vector<2000x1xi1>
    %add3A_97 = vector.broadcast %select_n3A_82 : i32 to vector<2000x1xi32>
    %add3A_98 = arith.addi %rem3A_84, %add3A_97 : vector<2000x1xi32>
    %select_n3A_99 = arith.select %and3A_96, %add3A_98, %rem3A_84 : vector<2000x1xi1>, vector<2000x1xi32>
    %add3A_100 = arith.addf %add3A, %add3A_33 : vector<2000x32xf32>
    %get3A_101 = arith.constant 0 : index
    %get3A_102 = arith.constant 0 : index
    %get3A_103 = vector.load %arg4[%get3A_101, %get3A_102] : memref<2000x1xf32, #tpu.memory_space<vmem>>, vector<2000x1xf32>
    %mul3A_104 = vector.broadcast %get3A_103 : vector<2000x1xf32> to vector<2000x32xf32>
    %mul3A_105 = vector.broadcast %get3A_13 : vector<1x32xf32> to vector<2000x32xf32>
    %mul3A_106 = arith.mulf %mul3A_104, %mul3A_105 : vector<2000x32xf32>
    %add3A_107 = arith.addf %add3A_100, %mul3A_106 : vector<2000x32xf32>
    %get3A_108 = arith.constant 0 : index
    %get3A_109 = arith.constant 0 : index
    %get3A_110 = vector.load %arg6[%get3A_108, %get3A_109] : memref<1x32xf32, #tpu.memory_space<vmem>>, vector<1x32xf32>
    %add3A_111 = vector.broadcast %get3A_110 : vector<1x32xf32> to vector<2000x32xf32>
    %add3A_112 = arith.addf %add3A_107, %add3A_111 : vector<2000x32xf32>
    %max3A_113 = arith.constant 0.000000e+00 : f32
    %max3A_114 = vector.broadcast %max3A_113 : f32 to vector<2000x32xf32>
    %max3A_115 = arith.maximumf %add3A_112, %max3A_114 : vector<2000x32xf32>
    %get3A_116 = arith.constant 0 : index
    %get3A_117 = arith.constant 0 : index
    %get3A_118 = vector.load %arg7[%get3A_116, %get3A_117] : memref<32x1xf32, #tpu.memory_space<vmem>>, vector<32x1xf32>
    %dot_general3A_119 = arith.constant dense<0.000000e+00> : vector<2000x1xf32>
    %dot_general3A_120 = tpu.matmul %max3A_115, %get3A_118, %dot_general3A_119 {dimension_numbers = #tpu.dot_dimension_numbers<[1], [0], [0], [1], [0, 0, 1, 1], [], []>, transpose_lhs_hint = false} : vector<2000x32xf32>, vector<32x1xf32>, vector<2000x1xf32> -> vector<2000x1xf32>
    %ge3A = arith.constant 47 : i32
    %ge3A_121 = vector.broadcast %ge3A : i32 to vector<2000x1xi32>
    %ge3A_122 = arith.cmpi sge, %select_n3A_99, %ge3A_121 : vector<2000x1xi32>
    %jit3A_123 = arith.constant 0.000000e+00 : f32
    %broadcast_in_dim3A_124 = vector.broadcast %jit3A_123 : f32 to vector<2000x1xf32>
    %select_n3A_125 = arith.select %ge3A_122, %dot_general3A_120, %broadcast_in_dim3A_124 : vector<2000x1xi1>, vector<2000x1xf32>
    %add3A_126 = arith.addf %dot_general3A_76, %select_n3A_125 : vector<2000x1xf32>
    %iota3A_127 = tpu.iota {dimensions = array<i32: 0>} : vector<40x2000xi32>
    %iota3A_128 = tpu.iota {dimensions = array<i32: 1>} : vector<40x2000xi32>
    %jit3A_129 = arith.constant 50 : i32
    %div3A = vector.broadcast %jit3A_129 : i32 to vector<40x2000xi32>
    %div3A_130 = arith.divsi %iota3A_128, %div3A : vector<40x2000xi32>
    %sign3A = arith.constant 0 : i32
    %sign3A_131 = vector.broadcast %sign3A : i32 to vector<40x2000xi32>
    %sign3A_132 = arith.cmpi sgt, %iota3A_128, %sign3A_131 : vector<40x2000xi32>
    %sign3A_133 = arith.extui %sign3A_132 : vector<40x2000xi1> to vector<40x2000xi32>
    %sign3A_134 = arith.constant 0 : i32
    %sign3A_135 = vector.broadcast %sign3A_134 : i32 to vector<40x2000xi32>
    %sign3A_136 = arith.cmpi slt, %iota3A_128, %sign3A_135 : vector<40x2000xi32>
    %sign3A_137 = arith.extui %sign3A_136 : vector<40x2000xi1> to vector<40x2000xi32>
    %sign3A_138 = arith.subi %sign3A_133, %sign3A_137 : vector<40x2000xi32>
    %sign3A_139 = arith.constant 0 : i32
    %sign3A_140 = arith.cmpi sgt, %jit3A_129, %sign3A_139 : i32
    %sign3A_141 = arith.extui %sign3A_140 : i1 to i32
    %sign3A_142 = arith.constant 0 : i32
    %sign3A_143 = arith.cmpi slt, %jit3A_129, %sign3A_142 : i32
    %sign3A_144 = arith.extui %sign3A_143 : i1 to i32
    %sign3A_145 = arith.subi %sign3A_141, %sign3A_144 : i32
    %ne3A_146 = vector.broadcast %sign3A_145 : i32 to vector<40x2000xi32>
    %ne3A_147 = arith.cmpi ne, %sign3A_138, %ne3A_146 : vector<40x2000xi32>
    %rem3A_148 = vector.broadcast %jit3A_129 : i32 to vector<40x2000xi32>
    %rem3A_149 = arith.remsi %iota3A_128, %rem3A_148 : vector<40x2000xi32>
    %ne3A_150 = arith.constant 0 : i32
    %ne3A_151 = vector.broadcast %ne3A_150 : i32 to vector<40x2000xi32>
    %ne3A_152 = arith.cmpi ne, %rem3A_149, %ne3A_151 : vector<40x2000xi32>
    %and3A_153 = arith.andi %ne3A_147, %ne3A_152 : vector<40x2000xi1>
    %sub3A = arith.constant 1 : i32
    %sub3A_154 = vector.broadcast %sub3A : i32 to vector<40x2000xi32>
    %sub3A_155 = arith.subi %div3A_130, %sub3A_154 : vector<40x2000xi32>
    %select_n3A_156 = arith.select %and3A_153, %sub3A_155, %div3A_130 : vector<40x2000xi1>, vector<40x2000xi32>
    %eq3A_157 = arith.cmpi eq, %iota3A_127, %select_n3A_156 : vector<40x2000xi32>
    %convert_element_type3A = arith.extui %eq3A_157 : vector<40x2000xi1> to vector<40x2000xi32>
    %convert_element_type3A_158 = arith.sitofp %convert_element_type3A : vector<40x2000xi32> to vector<40x2000xf32>
    %dot_general3A_159 = arith.constant dense<0.000000e+00> : vector<40x1xf32>
    %dot_general3A_160 = tpu.matmul %convert_element_type3A_158, %add3A_126, %dot_general3A_159 {dimension_numbers = #tpu.dot_dimension_numbers<[1], [0], [0], [1], [0, 0, 1, 1], [], []>, transpose_lhs_hint = false} : vector<40x2000xf32>, vector<2000x1xf32>, vector<40x1xf32> -> vector<40x1xf32>
    %get3A_161 = arith.constant 0 : index
    %get3A_162 = arith.constant 0 : index
    %get3A_163 = vector.load %arg8[%get3A_161, %get3A_162] : memref<1x1xf32, #tpu.memory_space<vmem>>, vector<1x1xf32>
    %mul3A_164 = arith.constant 5.300000e+01 : f32
    %mul3A_165 = vector.broadcast %mul3A_164 : f32 to vector<1x1xf32>
    %mul3A_166 = arith.mulf %mul3A_165, %get3A_163 : vector<1x1xf32>
    %add3A_167 = vector.broadcast %mul3A_166 : vector<1x1xf32> to vector<40x1xf32>
    %add3A_168 = arith.addf %dot_general3A_160, %add3A_167 : vector<40x1xf32>
    %swap3A = arith.constant 0 : index
    %swap3A_169 = arith.constant 0 : index
    %swap3A_170 = vector.load %arg9[%swap3A, %swap3A_169] : memref<40x1xf32, #tpu.memory_space<vmem>>, vector<40x1xf32>
    tpu.vector_store %arg9[%swap3A, %swap3A_169], %add3A_168 {strides = array<i32>} : memref<40x1xf32, #tpu.memory_space<vmem>>, vector<40x1xf32>,
    return
  }
  func.func @transform_0(%arg0: i32) -> (i32, i32) {
    %c0_i32 = arith.constant 0 : i32
    %c0_i32_0 = arith.constant 0 : i32
    return %arg0, %c0_i32 : i32, i32
  }
  func.func @transform_1(%arg0: i32) -> (i32, i32) {
    %c0_i32 = arith.constant 0 : i32
    %c0_i32_0 = arith.constant 0 : i32
    return %arg0, %c0_i32 : i32, i32
  }
  func.func @transform_2(%arg0: i32) -> (i32, i32) {
    %c0_i32 = arith.constant 0 : i32
    %c0_i32_0 = arith.constant 0 : i32
    return %arg0, %c0_i32 : i32, i32
  }
  func.func @transform_3(%arg0: i32) -> (i32, i32) {
    %c0_i32 = arith.constant 0 : i32
    %c0_i32_0 = arith.constant 0 : i32
    return %arg0, %c0_i32 : i32, i32
  }
  func.func @transform_4(%arg0: i32) -> (i32, i32) {
    %c0_i32 = arith.constant 0 : i32
    %c0_i32_0 = arith.constant 0 : i32
    %c0_i32_1 = arith.constant 0 : i32
    return %c0_i32, %c0_i32_0 : i32, i32
  }
  func.func @transform_5(%arg0: i32) -> (i32, i32) {
    %c0_i32 = arith.constant 0 : i32
    %c0_i32_0 = arith.constant 0 : i32
    %c0_i32_1 = arith.constant 0 : i32
    return %c0_i32, %c0_i32_0 : i32, i32
  }
  func.func @transform_6(%arg0: i32) -> (i32, i32) {
    %c0_i32 = arith.constant 0 : i32
    %c0_i32_0 = arith.constant 0 : i32
    %c0_i32_1 = arith.constant 0 : i32
    return %c0_i32, %c0_i32_0 : i32, i32
  }
  func.func @transform_7(%arg0: i32) -> (i32, i32) {
    %c0_i32 = arith.constant 0 : i32
    %c0_i32_0 = arith.constant 0 : i32
    %c0_i32_1 = arith.constant 0 : i32
    return %c0_i32, %c0_i32_0 : i32, i32
  }
  func.func @transform_8(%arg0: i32) -> (i32, i32) {
    %c0_i32 = arith.constant 0 : i32
    %c0_i32_0 = arith.constant 0 : i32
    return %arg0, %c0_i32 : i32, i32
  }
}

</mosaic_0001>

<sc_bundles>
// kernel: kernel.6.cloned.1.call-start
scs
__scs_entry_jumppad:
0x0: {  	(pc) =	sbr.rel $0x88, $3  }
0x1: {  	(tag) =	ssettag $0x0;
	lr =	simm.s32 $0x1  }
0x2: {  	[smem:$0x3F95] =	sst lr;
	_ =	strace $0xD0000000  }
0x3: {  	_ = 	snop  }
0x4: {  	_ = 	snop  }
0x5: {  	_ = 	snop  }
0x6: {  	_ = 	snop  }
0x7: {  	_ = 	snop  }
__scs_overlays_trampoline_lowered:
0x8: {  	[smem:$0x3FA4] =	sst s0  }
0x9: {  	[smem:$0x3FA5] =	sst s1  }
0xa: {  	[smem:$0x3FA6] =	sst s2  }
0xb: {  	[smem:$0x3FA7] =	sst s3  }
0xc: {  	[smem:$0x3FA8] =	sst s4  }
0xd: {  	[smem:$0x3FA9] =	sst s5  }
0xe: {  	[smem:$0x3FAA] =	sst s6  }
0xf: {  	[smem:$0x3FAB] =	sst s7  }
0x10: {  	[smem:$0x3FAC] =	sst s8  }
0x11: {  	[smem:$0x3FAD] =	sst s9;
	s0 =	simm.s32 @!p0 $0x0  }
0x12: {  	s1 =	sld [smem:$0x3F93];
	s0 =	simm.s32 @p0 $0x1  }
0x13: {  	[smem:$0x3FAE] =	sst s0;
	s0 =	simm.s32 @!p1 $0x0  }
0x14: {  	s2 =	sld [smem:$0x3F92];
	s0 =	simm.s32 @p1 $0x1  }
0x15: {  	[smem:$0x3FAF] =	sst s0;
	s0 =	simm.s32 @!p2 $0x0  }
0x16: {  	s3 =	sld [smem:$0x3FDB];
	s0 =	simm.s32 @p2 $0x1  }
0x17: {  	s4 =	simm.s32 $0x1BF5;
	[smem:$0x3FB1] =	sst s0  }
0x18: {  	s0 =	sld [smem:$0x3F94];
	_ =	swait.ge [sflag:s4], $0x0  }
0x19: {  	s7 =	sld [smem:$0x3F95]  }
0x1a: {  	s8 =	sadd.s32 $0xFFFFE003, lr  }
0x1b: {  	s9 =	sadd.s32 $0xFFFFFEF7, lr;
	s5 =	simm.s32 $0xFFFFFFFF;
	p2 =	slt.u32 s8, $0xFFFFF086  }
0x1c: {  	p1 =	slt.u32 s9, $0xF7A;
	s5 =	simm.s32 @!p2 $0x0  }
0x1d: {  	s5 =	simm.s32 @p1 $0x1;
	p0 =	seq.s32 s7, s2  }
0x1e: {  	s7 =	smul.u32 @!p0 $0xF7A, s2;
	p2 =	seq.s32 @!p0 s5, $0x0  }
0x1f: {  	s9 =	smul.u32 $0xF7A, s1;
	s8 =	simm.s32 @!p0 $0x1BF5;
	p2 =	por !p2, p0  }
0x20: {  	[sflag:s8] =	ssyncset.s32 @!p0 $0xFFFFF086;
	s6 =	sadd.s32 @!p0 s3, s7;
	s7 =	simm.s32 @!p0 $0x108  }
0x21: {  	s3 =	sadd.s32 s3, s9;
	s6 =	sadd.s32 @!p0 $0x88, s6;
	s7 =	simm.s32 @p2 $0x1082  }
0x22: {  	[simem:s7], [sflag:s8] =	dma.local @!p0 [hbm:s6], $0xF7A  }
0x23: {  	s9 =	sor.u32 $0xD0000000, s2;
	s6 =	simm.s32 $0x108;
	_ =	swait.ge @!p0 [sflag:s8], $0x0  }
0x24: {  	s3 =	sadd.s32 $0x88, s3;
	s6 =	simm.s32 @!p1 $0x1082;
	[sflag:s4] =	ssyncset.s32 $0xFFFFF086  }
0x25: {  	[simem:s6], [sflag:s4] =	dma.local [hbm:s3], $0xF7A  }
0x26: {  	[smem:$0x3F95] =	sst s1;
	(tag) =	ssettag s2;
	_ =	strace s9  }
0x27: {  	s1 =	sld [smem:$0x3FA5]  }
0x28: {  	s2 =	sld [smem:$0x3FA6]  }
0x29: {  	s4 =	sld [smem:$0x3FA8]  }
0x2a: {  	p0 =	seq.s32 s5, $0x0;
	s5 =	sld [smem:$0x3FA9]  }
0x2b: {  	s6 =	sld [smem:$0x3FAA]  }
0x2c: {  	s7 =	sld [smem:$0x3FAB]  }
0x2d: {  	s3 =	simm.s32 $0x108;
	s8 =	sld [smem:$0x3FAC]  }
0x2e: {  	s3 =	simm.s32 @!p0 $0x1082;
	s9 =	sld [smem:$0x3FAD]  }
0x2f: {  	lr =	sadd.s32 s0, s3;
	s0 =	sld [smem:$0x3FA4]  }
0x30: {  	s3 =	sld [smem:$0x3FA7]  }
0x31: {  	[smem:$0x3FB0] =	sst s10  }
0x32: {  	s10 =	sld [smem:$0x3FAE];
	_ =	sdelay $0x3  }
0x33: {  	p0 =	seq.s32 s10, $0x1;
	s10 =	sld [smem:$0x3FB0];
	_ =	sdelay $0x3  }
0x34: {  	[smem:$0x3FB0] =	sst s10  }
0x35: {  	s10 =	sld [smem:$0x3FAF];
	_ =	sdelay $0x3  }
0x36: {  	p1 =	seq.s32 s10, $0x1;
	s10 =	sld [smem:$0x3FB0];
	_ =	sdelay $0x3  }
0x37: {  	[smem:$0x3FB0] =	sst s10  }
0x38: {  	s10 =	sld [smem:$0x3FB1]  }
0x39: {  	_ = 	snop;
	(pc) =	sbr.ind lr, $3  }
0x3a: {  	_ = 	snop  }
0x3b: {  	_ = 	snop  }
0x3c: {  	p2 =	seq.s32 s10, $0x1;
	s10 =	sld [smem:$0x3FB0]  }
0x3d: {  	_ =	shalt  }
0x3e: {  	_ =	shalt  }
0x3f: {  	_ =	shalt  }
0x40: {  	_ =	shalt  }
0x41: {  	_ =	shalt  }
0x42: {  	_ =	shalt  }
0x43: {  	_ =	shalt  }
0x44: {  	_ =	shalt  }
0x45: {  	_ =	shalt  }
0x46: {  	_ =	shalt  }
0x47: {  	_ =	shalt  }
0x48: {  	_ =	shalt  }
0x49: {  	_ =	shalt  }
0x4a: {  	_ =	shalt  }
0x4b: {  	_ =	shalt  }
0x4c: {  	_ =	shalt  }
0x4d: {  	_ =	shalt  }
0x4e: {  	_ =	shalt  }
0x4f: {  	_ =	shalt  }
0x50: {  	_ =	shalt  }
0x51: {  	_ =	shalt  }
0x52: {  	_ =	shalt  }
0x53: {  	_ =	shalt  }
0x54: {  	_ =	shalt  }
0x55: {  	_ =	shalt  }
0x56: {  	_ =	shalt  }
0x57: {  	_ =	shalt  }
0x58: {  	_ =	shalt  }
0x59: {  	_ =	shalt  }
0x5a: {  	_ =	shalt  }
0x5b: {  	_ =	shalt  }
0x5c: {  	_ =	shalt  }
0x5d: {  	_ =	shalt  }
0x5e: {  	_ =	shalt  }
0x5f: {  	_ =	shalt  }
0x60: {  	_ =	shalt  }
0x61: {  	_ =	shalt  }
0x62: {  	_ =	shalt  }
0x63: {  	_ =	shalt  }
0x64: {  	_ =	shalt  }
0x65: {  	_ =	shalt  }
0x66: {  	_ =	shalt  }
0x67: {  	_ =	shalt  }
0x68: {  	_ =	shalt  }
0x69: {  	_ =	shalt  }
0x6a: {  	_ =	shalt  }
0x6b: {  	_ =	shalt  }
0x6c: {  	_ =	shalt  }
0x6d: {  	_ =	shalt  }
0x6e: {  	_ =	shalt  }
0x6f: {  	_ =	shalt  }
0x70: {  	_ =	shalt  }
0x71: {  	_ =	shalt  }
0x72: {  	_ =	shalt  }
0x73: {  	_ =	shalt  }
0x74: {  	_ =	shalt  }
0x75: {  	_ =	shalt  }
0x76: {  	_ =	shalt  }
0x77: {  	_ =	shalt  }
0x78: {  	_ =	shalt  }
0x79: {  	_ =	shalt  }
0x7a: {  	_ =	shalt  }
0x7b: {  	_ =	shalt  }
0x7c: {  	_ =	shalt  }
0x7d: {  	_ =	shalt  }
0x7e: {  	_ =	shalt  }
0x7f: {  	_ =	shalt  }
0x80: {  	_ =	shalt  }
0x81: {  	_ =	shalt  }
0x82: {  	_ =	shalt  }
0x83: {  	_ =	shalt  }
0x84: {  	_ =	shalt  }
0x85: {  	_ =	shalt  }
0x86: {  	_ =	shalt  }
0x87: {  	_ =	shalt  }
.Lfunc_end0:
.L_simem_size_0:
called_computation_lowered:
.L_overlay_start_0:
0x88: {  	s2 =	sld [smem:$0x3FD9]  }
0x89: {  	s3 =	sld [smem:$0x3FFE];
	_ =	sdelay $0x1  }
0x8a: {  	s1 =	srdreg.scid  }
0x8b: {  	s0 =	sand.u32 $0x1, s1  }
0x8c: {  	s16 =	sshll.u32 s0, $0xA;
	s2 =	sadd.s32 s3, s2  }
0x8d: {  	s2 =	sadd.s32 s2, s16  }
0x8e: {  	[smem:$0x3FBC] =	sst s2  }
0x8f: {  	_ = 	snop  }
0x90: {  	(tm) =	ssettm $0x1  }
0x91: {  	s17 =	sld [smem:$0x3FFB];
	_ =	sdelay $0x3  }
0x92: {  	_ =	strace s17  }
0x93: {  	s2 =	sld [smem:$0x3FFC];
	_ =	sdelay $0x3  }
0x94: {  	_ =	strace s2  }
0x95: {  	s2 =	sld [smem:$0x3FFD];
	_ =	sdelay $0x3  }
0x96: {  	_ =	strace s2  }
0x97: {  	_ =	strace $0x8FFFFFFF  }
0x98: {  	s18 =	sld [smem:$0x3FDB];
	_ =	sdelay $0x1  }
0x99: {  	s19 =	simm.s32 $_scs_section_size  }
0x9a: {  	s4 =	simm.s32 $_size__tile_overlayer_lowered;
	s5 =	simm.s32 $_tile_overlayer_lowered  }
0x9b: {  	s22 =	simm.s32 $0x1BFF;
	s21 =	sshll.u32 s5, $0x1;
	s2 =	sadd.s32 s19, s18  }
0x9c: {  	s6 =	simm.s32 $0x0;
	s20 =	sshll.u32 s4, $0x1;
	s4 =	sadd.s32 s21, s2  }
0x9d: {  	[timem:s6], [sflag:s22] =	dma.local [hbm:s4], s20  }
0x9e: {  	_ =	swait.ge [sflag:s22], s20  }
0x9f: {  	s3 =	ssub.s32 $0x0, s20;
	[sflag:s22] =	ssyncset.done $0x0  }
0xa0: {  	[sflag:s22] =	ssyncadd.s32 s3;
	_ =	sdelay $0x1  }
0xa1: {  	s23 =	simm.s32 $0x1B8B  }
0xa2: {  	_ =	swait.ge [sflag:s23], $0x1  }
0xa3: {  	[sflag:s23] =	ssyncset.done $0x0  }
0xa4: {  	s25 =	simm.s32 $0x1B8E;
	s24 =	sld [smem:$0x3FFE];
	[sflag:s23] =	ssyncadd.s32 $0xFFFFFFFF  }
0xa5: {  	s26 =	simm.s32 $execute0_lowered;
	[smem:$0x3FD2] =	sst s25  }
0xa6: {  	s4 =	sshll.u32 s26, $0x1;
	_ =	strace $0x80000046;
	[dreg:$0x1] =	wrdreg $0xFFFFFFFF  }
0xa7: {  	s28 =	simm.s32 $_size_execute0_lowered;
	s2 =	sadd.s32 s2, s4;
	[dreg:$0x0] =	wrdreg $0x0  }
0xa8: {  	s4 =	sshll.u32 s28, $0x1;
	[dreg:$0x2] =	wrdreg s2  }
0xa9: {  	[dreg:$0x3] =	wrdreg s4  }
0xaa: {  	[dreg:$0x4] =	wrdreg $0xC0  }
0xab: {  	_ =	task [dreg:s6], $0x5FFFF  }
0xac: {  	[dreg:$0x1] =	wrdreg $0xFFFFFFFF  }
0xad: {  	[dreg:$0x0] =	wrdreg $0x60  }
0xae: {  	[dreg:$0x2] =	wrdreg s24  }
0xaf: {  	[dreg:$0x3] =	wrdreg $0x9  }
0xb0: {  	_ =	task.clear_ibuf [dreg:s6], $0x4FFFF;
	_ =	strace $0x90000046  }
0xb1: {  	s29 =	simm.s32 $0x9;
	_ =	strace $0x80000048  }
0xb2: {  	_ =	swait.ge [sflag:s29], $0x1  }
0xb3: {  	[sflag:s29] =	ssyncadd.s32 $0xFFFFFFFF  }
0xb4: {  	_ =	strace $0x90000048  }
0xb5: {  	_ =	sfence  }
0xb6: {  	s30 =	sld [smem:$0x0];
	_ =	sdelay $0x2  }
0xb7: {  	s31 =	sshll.u32 s1, $0xD;
	s1 =	sshrl.u32 s1, $0x2  }
0xb8: {  	s3 =	sand.u32 $0x4000, s31;
	s1 =	sadd.s32 s1, s30  }
0xb9: {  	s0 =	sor.u32 s3, s0;
	s1 =	sshll.u32 s1, $0x11  }
0xba: {  	s0 =	sor.u32 s1, s0  }
0xbb: {  	s0 =	sadd.s32 $0x8F2B, s0  }
0xbc: {  	[sflag:s0] =	ssyncadd.remote.s32 $0x1  }
0xbd: {  	_ =	sfence.sel $0xFFFF  }
0xbe: {  	[dreg:$0x0] =	wrdreg $0xFFFFFFFF;
	(pc) =	sbr.abs _section_cstart, $3  }
0xbf: {  	[dreg:$0x1] =	wrdreg $0xFFFFFFFF  }
0xc0: {  	_ =	task.clear_ibuf [dreg:s6], $0x2FFFF;
	_ =	strace $0x9FFFFFFF  }
0xc1: {  	(tm) =	ssettm $0x7FFFFFFF  }
tec
execute0_lowered:
.L_overlay_start_1:
0x0: {  	(tag) =	ssettag $0x1  }
0x1: {  	s0 =	rddreg [dreg:$0x0];
	s1 =	simm.s32 $0x0  }
0x2: {  	s2 =	simm.s32 $0x1C00;
	[smem:$0x7FF] =	sst s1  }
0x3: {  	s25 =	simm.s32 $0x100;
	_ =	strace $0x80000047;
	[dreg:$0x2] =	wrdreg s2  }
0x4: {  	s26 =	simm.s32 $0x2400;
	[dreg:$0x3] =	wrdreg s25  }
0x5: {  	s31 =	simm.s32 $0x180;
	[dreg:$0x4] =	wrdreg s26  }
0x6: {  	s3 =	simm.s32 $0x2C00;
	[dreg:$0x5] =	wrdreg s31  }
0x7: {  	s4 =	simm.s32 $0x200;
	[dreg:$0x6] =	wrdreg s3  }
0x8: {  	s5 =	simm.s32 $0x3400;
	[dreg:$0x7] =	wrdreg s4  }
0x9: {  	s6 =	simm.s32 $0x280;
	[dreg:$0x8] =	wrdreg s5  }
0xa: {  	s7 =	simm.s32 $0x3C00;
	[dreg:$0x9] =	wrdreg s6  }
0xb: {  	s8 =	simm.s32 $0x300;
	[dreg:$0xa] =	wrdreg s7  }
0xc: {  	s9 =	simm.s32 $0x4400;
	[dreg:$0xb] =	wrdreg s8  }
0xd: {  	s10 =	simm.s32 $0x380;
	[dreg:$0xc] =	wrdreg s9  }
0xe: {  	s11 =	simm.s32 $0x4C00;
	[dreg:$0xd] =	wrdreg s10  }
0xf: {  	s12 =	simm.s32 $0x400;
	[dreg:$0xe] =	wrdreg s11  }
0x10: {  	s13 =	simm.s32 $0x5400;
	[dreg:$0xf] =	wrdreg s12  }
0x11: {  	s14 =	simm.s32 $0x480;
	[dreg:$0x10] =	wrdreg s13  }
0x12: {  	s15 =	simm.s32 $0x5C00;
	[dreg:$0x11] =	wrdreg s14  }
0x13: {  	s16 =	simm.s32 $0x500;
	[dreg:$0x12] =	wrdreg s15  }
0x14: {  	s17 =	simm.s32 $0x6400;
	[dreg:$0x13] =	wrdreg s16  }
0x15: {  	s18 =	simm.s32 $0x580;
	[dreg:$0x14] =	wrdreg s17  }
0x16: {  	s19 =	simm.s32 $0x6C00;
	[dreg:$0x15] =	wrdreg s18  }
0x17: {  	s20 =	simm.s32 $0x600;
	[dreg:$0x16] =	wrdreg s19  }
0x18: {  	s21 =	simm.s32 $0x7400;
	[dreg:$0x17] =	wrdreg s20  }
0x19: {  	s22 =	simm.s32 $0x680;
	[dreg:$0x18] =	wrdreg s21  }
0x1a: {  	s23 =	simm.s32 $0x7C00;
	[dreg:$0x19] =	wrdreg s22  }
0x1b: {  	s24 =	simm.s32 $0x700;
	[dreg:$0x1a] =	wrdreg s23  }
0x1c: {  	[dreg:$0x1b] =	wrdreg s24;
	s25 =	simm.s32 $0x8400  }
0x1d: {  	s26 =	simm.s32 $0x780;
	[dreg:$0x1c] =	wrdreg s25  }
0x1e: {  	s31 =	simm.s32 $0x8C00;
	[dreg:$0x1d] =	wrdreg s26  }
0x1f: {  	s3 =	simm.s32 $0x800;
	[dreg:$0x1e] =	wrdreg s31  }
0x20: {  	s4 =	simm.s32 $0x9400;
	[dreg:$0x1f] =	wrdreg s3  }
0x21: {  	s5 =	simm.s32 $0x880;
	[smem:$0x7D7] =	sst s4  }
0x22: {  	s6 =	simm.s32 $0x9C00;
	[smem:$0x7D8] =	sst s5  }
0x23: {  	s7 =	simm.s32 $0x900;
	[smem:$0x7D9] =	sst s6  }
0x24: {  	s8 =	simm.s32 $0xA400;
	[smem:$0x7DA] =	sst s7  }
0x25: {  	s10 =	simm.s32 $0x980;
	[smem:$0x7DB] =	sst s8  }
0x26: {  	s11 =	simm.s32 $0xAC00;
	[smem:$0x7DC] =	sst s10  }
0x27: {  	s12 =	simm.s32 $0xA80;
	[smem:$0x7DD] =	sst s11  }
0x28: {  	s13 =	simm.s32 $0xBC00;
	[smem:$0x7DE] =	sst s12  }
0x29: {  	s14 =	simm.s32 $0xB00;
	[smem:$0x7DF] =	sst s13  }
0x2a: {  	s15 =	simm.s32 $0xC400;
	[smem:$0x7E0] =	sst s14  }
0x2b: {  	s17 =	simm.s32 $0xB80;
	[smem:$0x7E1] =	sst s15  }
0x2c: {  	s18 =	simm.s32 $0xCC00;
	[smem:$0x7E2] =	sst s17  }
0x2d: {  	s19 =	simm.s32 $0xC00;
	[smem:$0x7E3] =	sst s18  }
0x2e: {  	s21 =	simm.s32 $0xD400;
	[smem:$0x7E4] =	sst s19  }
0x2f: {  	s22 =	simm.s32 $0xC80;
	[smem:$0x7E5] =	sst s21  }
0x30: {  	s24 =	simm.s32 $0xDC00;
	[smem:$0x7E6] =	sst s22  }
0x31: {  	[smem:$0x7E7] =	sst s24;
	s26 =	simm.s32 $0xD00  }
0x32: {  	s28 =	simm.s32 $0x1;
	s10 =	simm.s32 $0xD80;
	[smem:$0x7E8] =	sst s26  }
0x33: {  	s29 =	simm.s32 $0x2;
	s11 =	simm.s32 $0xEC00;
	[smem:$0x7EA] =	sst s10  }
0x34: {  	s30 =	simm.s32 $0x0;
	s12 =	simm.s32 $0xE00;
	[smem:$0x7EB] =	sst s11  }
0x35: {  	s9 =	stileid.u32;
	s13 =	simm.s32 $0xF400;
	[smem:$0x7EC] =	sst s12  }
0x36: {  	s3 =	srdreg.scid;
	s14 =	simm.s32 $0xE80;
	[smem:$0x7ED] =	sst s13  }
0x37: {  	s6 =	smul.u32 $0xA00, s9;
	s15 =	simm.s32 $0xFC00;
	[smem:$0x7EF] =	sst s14  }
0x38: {  	s7 =	smul.u32 $0xA000, s9;
	s18 =	simm.s32 $0x10400;
	[smem:$0x7F1] =	sst s15  }
0x39: {  	s22 =	simm.s32 $0x10C00;
	s24 =	simm.s32 $0x1000;
	[smem:$0x7F5] =	sst s18  }
0x3a: {  	s4 =	sand.u32 $0x1, s3;
	s3 =	sadd.s32 $0x1E9C00, s0;
	[smem:$0x7F9] =	sst s22  }
0x3b: {  	s10 =	simm.s32 $0x3;
	[smem:$0x7FA] =	sst s24;
	s11 =	simm.s32 $0xA00  }
0x3c: {  	s26 =	simm.s32 $0x1080;
	s13 =	simm.s32 $0x1400;
	s14 =	simm.s32 $0xB400  }
0x3d: {  	s15 =	simm.s32 $0x1100;
	s18 =	simm.s32 $0x12C00;
	s5 =	smul.u32 $0xA000, s4  }
0x3e: {  	s22 =	simm.s32 $0x13C00;
	s24 =	simm.s32 $0x14400;
	s16 =	smul.u32 $0xA0000, s4  }
0x3f: {  	s25 =	ssub.s32 $0x2, s4;
	s4 =	sshll.u32 s4, $0x4;
	[smem:$0x7FC] =	sst s26  }
0x40: {  	s26 =	simm.s32 $0x14C00;
	s31 =	sshrl.u32 s25, $0x1;
	s4 =	sor.u32 s9, s4  }
0x41: {  	s5 =	sadd.s32 s6, s5;
	s20 =	sadd.s32 s7, s16;
	s7 =	simm.s32 $0xE400  }
0x42: {  	s2 =	ssub.s32 s25, s31;
	s16 =	simm.s32 $0xF00;
	[smem:$0x7E9] =	sst s7  }
0x43: {  	p0 =	slt.u32 s4, $0x11;
	s25 =	simm.s32 $0x11400;
	[smem:$0x7F3] =	sst s16  }
0x44: {  	s4 =	simm.s32 $0x14;
	s31 =	simm.s32 $0x11C00;
	[smem:$0x7FB] =	sst s25  }
0x45: {  	s5 =	sshrl.u32 s5, $0x3;
	s4 =	simm.s32 @!p0 $0x13;
	[smem:$0x7FD] =	sst s31  }
0x46: {  	s2 =	smax.u32 s2, $0x1;
	s8 =	sadd.s32 s5, s0;
	[smem:$0x7EE] =	sst s4  }
0x47: {  	s5 =	sshrl.u32 s20, $0x3;
	[smem:$0x7F0] =	sst s2;
	s20 =	simm.s32 $0xF80  }
0x48: {  	s16 =	simm.s32 $0x12400;
	s17 =	sadd.s32 $0x1600, s8;
	[smem:$0x7F7] =	sst s20  }
0x49: {  	s25 =	simm.s32 $0x1380;
	s19 =	sadd.s32 $0x32400, s8;
	[smem:$0x7F2] =	sst s17  }
0x4a: {  	s23 =	sadd.s32 s5, s0;
	s20 =	simm.s32 $0x13400;
	[smem:$0x7F4] =	sst s19  }
0x4b: {  	s12 =	simm.s32 $0x80;
	s21 =	sadd.s32 $0x527E00, s23;
	s23 =	sadd.s32 $0x21AA00, s23  }
0x4c: {  	s17 =	simm.s32 $0x1180;
	s19 =	simm.s32 $0x1200;
	[smem:$0x7F6] =	sst s21  }
0x4d: {  	[smem:$0x7F8] =	sst s23;
	s21 =	simm.s32 $0x1280;
	s23 =	simm.s32 $0x1300  }
.LBB2_1:
0x4e: {  	s31 =	sld [smem:$0x7F8]  }
0x4f: {  	s8 =	sld [smem:$0x7F6]  }
0x50: {  	s7 =	sld [smem:$0x7F4]  }
0x51: {  	s6 =	sld [smem:$0x7F2]  }
0x52: {  	s4 =	sld [smem:$0x7EE]  }
.LBB2_2:
0x53: {  	[tilespmem:s1], [sflag:$0x3] =	stream.linear.gather [hbm4b:s7+s1], $0xA00, $0x38;
	[tilespmem:$0x15400] =	vst v63  }
0x54: {  	_ =	swait.ge [sflag:s10], $0xA00  }
0x55: {  	[sflag:s10] =	ssyncset.done $0x0  }
0x56: {  	[sflag:s10] =	ssyncadd.s32 $0xFFFFF600  }
0x57: {  	[tilespmem:s11], [sflag:$0x3] =	stream.linear.gather [hbm4b:s6+s1], $0xA00, $0x38;
	[tilespmem:$0x15400] =	vst v63  }
0x58: {  	_ =	swait.ge [sflag:s10], $0xA00  }
0x59: {  	s2 =	rddreg [dreg:$0x2]  }
0x5a: {  	[sflag:s10] =	ssyncset.done $0x0;
	s0 =	rddreg [dreg:$0x4]  }
0x5b: {  	s9 =	rddreg [dreg:$0x5];
	[sflag:s10] =	ssyncadd.s32 $0xFFFFF600  }
0x5c: {  	[tilespmem:s13], [sflag:$0x1] =	stream.indirect.gather [hbm4b:s3+s12], $0x10, s1, s12, $0xb8;
	[tilespmem:$0x15400] =	vst v63  }
0x5d: {  	s5 =	rddreg [dreg:$0x6]  }
0x5e: {  	[tilespmem:s2], [sflag:$0x1] =	stream.indirect.gather [hbm4b:s3+s12], $0x10, s12, s12, $0xb8;
	[tilespmem:$0x15400] =	vst v63  }
0x5f: {  	s2 =	rddreg [dreg:$0x3]  }
0x60: {  	[tilespmem:s0], [sflag:$0x1] =	stream.indirect.gather [hbm4b:s3+s12], $0x10, s2, s12, $0xb8;
	[tilespmem:$0x15400] =	vst v63  }
0x61: {  	s0 =	rddreg [dreg:$0x7]  }
0x62: {  	s2 =	rddreg [dreg:$0x8]  }
0x63: {  	[tilespmem:s5], [sflag:$0x1] =	stream.indirect.gather [hbm4b:s3+s12], $0x10, s9, s12, $0xb8;
	[tilespmem:$0x15400] =	vst v63  }
0x64: {  	s5 =	rddreg [dreg:$0x9]  }
0x65: {  	s9 =	rddreg [dreg:$0xa]  }
0x66: {  	[tilespmem:s2], [sflag:$0x1] =	stream.indirect.gather [hbm4b:s3+s12], $0x10, s0, s12, $0xb8;
	[tilespmem:$0x15400] =	vst v63  }
0x67: {  	s0 =	rddreg [dreg:$0xb]  }
0x68: {  	s2 =	rddreg [dreg:$0xc]  }
0x69: {  	[tilespmem:s9], [sflag:$0x1] =	stream.indirect.gather [hbm4b:s3+s12], $0x10, s5, s12, $0xb8;
	[tilespmem:$0x15400] =	vst v63  }
0x6a: {  	s5 =	rddreg [dreg:$0xd]  }
0x6b: {  	s9 =	rddreg [dreg:$0xe]  }
0x6c: {  	[tilespmem:s2], [sflag:$0x1] =	stream.indirect.gather [hbm4b:s3+s12], $0x10, s0, s12, $0xb8;
	[tilespmem:$0x15400] =	vst v63  }
0x6d: {  	s0 =	rddreg [dreg:$0xf]  }
0x6e: {  	s2 =	rddreg [dreg:$0x10]  }
0x6f: {  	[tilespmem:s9], [sflag:$0x1] =	stream.indirect.gather [hbm4b:s3+s12], $0x10, s5, s12, $0xb8;
	[tilespmem:$0x15400] =	vst v63  }
0x70: {  	s5 =	rddreg [dreg:$0x11]  }
0x71: {  	s9 =	rddreg [dreg:$0x12]  }
0x72: {  	[tilespmem:s2], [sflag:$0x1] =	stream.indirect.gather [hbm4b:s3+s12], $0x10, s0, s12, $0xb8;
	[tilespmem:$0x15400] =	vst v63  }
0x73: {  	s0 =	rddreg [dreg:$0x13]  }
0x74: {  	s2 =	rddreg [dreg:$0x14]  }
0x75: {  	[tilespmem:s9], [sflag:$0x1] =	stream.indirect.gather [hbm4b:s3+s12], $0x10, s5, s12, $0xb8;
	[tilespmem:$0x15400] =	vst v63  }
0x76: {  	s5 =	rddreg [dreg:$0x15]  }
0x77: {  	s9 =	rddreg [dreg:$0x16]  }
0x78: {  	[tilespmem:s2], [sflag:$0x1] =	stream.indirect.gather [hbm4b:s3+s12], $0x10, s0, s12, $0xb8;
	[tilespmem:$0x15400] =	vst v63  }
0x79: {  	s0 =	rddreg [dreg:$0x17]  }
0x7a: {  	s2 =	rddreg [dreg:$0x18]  }
0x7b: {  	[tilespmem:s9], [sflag:$0x1] =	stream.indirect.gather [hbm4b:s3+s12], $0x10, s5, s12, $0xb8;
	[tilespmem:$0x15400] =	vst v63  }
0x7c: {  	s5 =	rddreg [dreg:$0x19]  }
0x7d: {  	s9 =	rddreg [dreg:$0x1a]  }
0x7e: {  	[tilespmem:s2], [sflag:$0x1] =	stream.indirect.gather [hbm4b:s3+s12], $0x10, s0, s12, $0xb8;
	[tilespmem:$0x15400] =	vst v63  }
0x7f: {  	s0 =	rddreg [dreg:$0x1b]  }
0x80: {  	s2 =	rddreg [dreg:$0x1c]  }
0x81: {  	[tilespmem:s9], [sflag:$0x1] =	stream.indirect.gather [hbm4b:s3+s12], $0x10, s5, s12, $0xb8;
	[tilespmem:$0x15400] =	vst v63  }
0x82: {  	s5 =	rddreg [dreg:$0x1d]  }
0x83: {  	s9 =	rddreg [dreg:$0x1e]  }
0x84: {  	[tilespmem:s2], [sflag:$0x1] =	stream.indirect.gather [hbm4b:s3+s12], $0x10, s0, s12, $0xb8;
	[tilespmem:$0x15400] =	vst v63  }
0x85: {  	s0 =	rddreg [dreg:$0x1f]  }
0x86: {  	s2 =	sld [smem:$0x7D7]  }
0x87: {  	[tilespmem:s9], [sflag:$0x1] =	stream.indirect.gather [hbm4b:s3+s12], $0x10, s5, s12, $0xb8;
	[tilespmem:$0x15400] =	vst v63  }
0x88: {  	s5 =	sld [smem:$0x7D8]  }
0x89: {  	s9 =	sld [smem:$0x7D9]  }
0x8a: {  	[tilespmem:s2], [sflag:$0x1] =	stream.indirect.gather [hbm4b:s3+s12], $0x10, s0, s12, $0xb8;
	[tilespmem:$0x15400] =	vst v63  }
0x8b: {  	s0 =	sld [smem:$0x7DA]  }
0x8c: {  	s2 =	sld [smem:$0x7DB]  }
0x8d: {  	[tilespmem:s9], [sflag:$0x1] =	stream.indirect.gather [hbm4b:s3+s12], $0x10, s5, s12, $0xb8;
	[tilespmem:$0x15400] =	vst v63  }
0x8e: {  	s5 =	sld [smem:$0x7DC]  }
0x8f: {  	s9 =	sld [smem:$0x7DD]  }
0x90: {  	[tilespmem:s2], [sflag:$0x1] =	stream.indirect.gather [hbm4b:s3+s12], $0x10, s0, s12, $0xb8;
	[tilespmem:$0x15400] =	vst v63  }
0x91: {  	s0 =	sld [smem:$0x7E0]  }
0x92: {  	[tilespmem:s9], [sflag:$0x1] =	stream.indirect.gather [hbm4b:s3+s12], $0x10, s5, s12, $0xb8;
	[tilespmem:$0x15400] =	vst v63  }
0x93: {  	s5 =	sld [smem:$0x7DE]  }
0x94: {  	s9 =	sld [smem:$0x7DF]  }
0x95: {  	[tilespmem:s14], [sflag:$0x2] =	stream.indirect.gather [hbm4b:s3+s12], $0x10, s11, s12, $0xb8;
	[tilespmem:$0x15400] =	vst v63  }
0x96: {  	s2 =	sld [smem:$0x7E1]  }
0x97: {  	[tilespmem:s9], [sflag:$0x2] =	stream.indirect.gather [hbm4b:s3+s12], $0x10, s5, s12, $0xb8;
	[tilespmem:$0x15400] =	vst v63  }
0x98: {  	s5 =	sld [smem:$0x7E2]  }
0x99: {  	s9 =	sld [smem:$0x7E3]  }
0x9a: {  	[tilespmem:s2], [sflag:$0x2] =	stream.indirect.gather [hbm4b:s3+s12], $0x10, s0, s12, $0xb8;
	[tilespmem:$0x15400] =	vst v63  }
0x9b: {  	s0 =	sld [smem:$0x7E4]  }
0x9c: {  	s2 =	sld [smem:$0x7E5]  }
0x9d: {  	[tilespmem:s9], [sflag:$0x2] =	stream.indirect.gather [hbm4b:s3+s12], $0x10, s5, s12, $0xb8;
	[tilespmem:$0x15400] =	vst v63  }
0x9e: {  	s5 =	sld [smem:$0x7E6]  }
0x9f: {  	s9 =	sld [smem:$0x7E7]  }
0xa0: {  	[tilespmem:s2], [sflag:$0x2] =	stream.indirect.gather [hbm4b:s3+s12], $0x10, s0, s12, $0xb8;
	[tilespmem:$0x15400] =	vst v63  }
0xa1: {  	s0 =	sld [smem:$0x7E8]  }
0xa2: {  	s2 =	sld [smem:$0x7E9]  }
0xa3: {  	[tilespmem:s9], [sflag:$0x2] =	stream.indirect.gather [hbm4b:s3+s12], $0x10, s5, s12, $0xb8;
	[tilespmem:$0x15400] =	vst v63  }
0xa4: {  	s5 =	sld [smem:$0x7EA]  }
0xa5: {  	s9 =	sld [smem:$0x7EB]  }
0xa6: {  	[tilespmem:s2], [sflag:$0x2] =	stream.indirect.gather [hbm4b:s3+s12], $0x10, s0, s12, $0xb8;
	[tilespmem:$0x15400] =	vst v63  }
0xa7: {  	s0 =	sld [smem:$0x7EC]  }
0xa8: {  	s2 =	sld [smem:$0x7ED]  }
0xa9: {  	[tilespmem:s9], [sflag:$0x2] =	stream.indirect.gather [hbm4b:s3+s12], $0x10, s5, s12, $0xb8;
	[tilespmem:$0x15400] =	vst v63  }
0xaa: {  	s5 =	sld [smem:$0x7EF]  }
0xab: {  	s9 =	sld [smem:$0x7F1]  }
0xac: {  	[tilespmem:s2], [sflag:$0x2] =	stream.indirect.gather [hbm4b:s3+s12], $0x10, s0, s12, $0xb8;
	[tilespmem:$0x15400] =	vst v63  }
0xad: {  	s0 =	sld [smem:$0x7F3]  }
0xae: {  	s2 =	sld [smem:$0x7F5]  }
0xaf: {  	[tilespmem:s9], [sflag:$0x2] =	stream.indirect.gather [hbm4b:s3+s12], $0x10, s5, s12, $0xb8;
	[tilespmem:$0x15400] =	vst v63  }
0xb0: {  	s5 =	sld [smem:$0x7F7]  }
0xb1: {  	s9 =	sld [smem:$0x7F9]  }
0xb2: {  	[tilespmem:s2], [sflag:$0x2] =	stream.indirect.gather [hbm4b:s3+s12], $0x10, s0, s12, $0xb8;
	[tilespmem:$0x15400] =	vst v63  }
0xb3: {  	s0 =	sld [smem:$0x7FA]  }
0xb4: {  	s2 =	sld [smem:$0x7FB]  }
0xb5: {  	[tilespmem:s9], [sflag:$0x2] =	stream.indirect.gather [hbm4b:s3+s12], $0x10, s5, s12, $0xb8;
	[tilespmem:$0x15400] =	vst v63  }
0xb6: {  	s5 =	sld [smem:$0x7FC]  }
0xb7: {  	s9 =	sld [smem:$0x7FD]  }
0xb8: {  	[tilespmem:s2], [sflag:$0x2] =	stream.indirect.gather [hbm4b:s3+s12], $0x10, s0, s12, $0xb8;
	[tilespmem:$0x15400] =	vst v63  }
0xb9: {  	_ = 	snop  }
0xba: {  	[tilespmem:s9], [sflag:$0x2] =	stream.indirect.gather [hbm4b:s3+s12], $0x10, s5, s12, $0xb8;
	[tilespmem:$0x15400] =	vst v63  }
0xbb: {  	_ = 	snop  }
0xbc: {  	[tilespmem:s16], [sflag:$0x2] =	stream.indirect.gather [hbm4b:s3+s12], $0x10, s15, s12, $0xb8;
	[tilespmem:$0x15400] =	vst v63  }
0xbd: {  	_ = 	snop  }
0xbe: {  	[tilespmem:s18], [sflag:$0x2] =	stream.indirect.gather [hbm4b:s3+s12], $0x10, s17, s12, $0xb8;
	[tilespmem:$0x15400] =	vst v63  }
0xbf: {  	_ = 	snop  }
0xc0: {  	[tilespmem:s20], [sflag:$0x2] =	stream.indirect.gather [hbm4b:s3+s12], $0x10, s19, s12, $0xb8;
	[tilespmem:$0x15400] =	vst v63  }
0xc1: {  	_ = 	snop  }
0xc2: {  	[tilespmem:s22], [sflag:$0x2] =	stream.indirect.gather [hbm4b:s3+s12], $0x10, s21, s12, $0xb8;
	[tilespmem:$0x15400] =	vst v63  }
0xc3: {  	_ = 	snop  }
0xc4: {  	[tilespmem:s24], [sflag:$0x2] =	stream.indirect.gather [hbm4b:s3+s12], $0x10, s23, s12, $0xb8;
	[tilespmem:$0x15400] =	vst v63  }
0xc5: {  	_ = 	snop  }
0xc6: {  	[tilespmem:s26], [sflag:$0x2] =	stream.indirect.gather [hbm4b:s3+s12], $0x10, s25, s12, $0xb8;
	[tilespmem:$0x15400] =	vst v63  }
0xc7: {  	_ =	swait.ge [sflag:s28], $0x800  }
0xc8: {  	[sflag:s28] =	ssyncset.done $0x0  }
0xc9: {  	[sflag:s28] =	ssyncadd.s32 $0xFFFFF800  }
0xca: {  	_ =	swait.ge [sflag:s28], $0x800  }
0xcb: {  	[sflag:s28] =	ssyncset.done $0x0  }
0xcc: {  	[sflag:s28] =	ssyncadd.s32 $0xFFFFF800  }
0xcd: {  	_ =	swait.ge [sflag:s28], $0x800  }
0xce: {  	[sflag:s28] =	ssyncset.done $0x0  }
0xcf: {  	[sflag:s28] =	ssyncadd.s32 $0xFFFFF800  }
0xd0: {  	_ =	swait.ge [sflag:s28], $0x800  }
0xd1: {  	[sflag:s28] =	ssyncset.done $0x0  }
0xd2: {  	[sflag:s28] =	ssyncadd.s32 $0xFFFFF800  }
0xd3: {  	_ =	swait.ge [sflag:s28], $0x800  }
0xd4: {  	[sflag:s28] =	ssyncset.done $0x0  }
0xd5: {  	[sflag:s28] =	ssyncadd.s32 $0xFFFFF800  }
0xd6: {  	_ =	swait.ge [sflag:s28], $0x800  }
0xd7: {  	[sflag:s28] =	ssyncset.done $0x0  }
0xd8: {  	[sflag:s28] =	ssyncadd.s32 $0xFFFFF800  }
0xd9: {  	_ =	swait.ge [sflag:s28], $0x800  }
0xda: {  	[sflag:s28] =	ssyncset.done $0x0  }
0xdb: {  	[sflag:s28] =	ssyncadd.s32 $0xFFFFF800  }
0xdc: {  	_ =	swait.ge [sflag:s28], $0x800  }
0xdd: {  	[sflag:s28] =	ssyncset.done $0x0  }
0xde: {  	[sflag:s28] =	ssyncadd.s32 $0xFFFFF800  }
0xdf: {  	_ =	swait.ge [sflag:s28], $0x800  }
0xe0: {  	[sflag:s28] =	ssyncset.done $0x0  }
0xe1: {  	[sflag:s28] =	ssyncadd.s32 $0xFFFFF800  }
0xe2: {  	_ =	swait.ge [sflag:s28], $0x800  }
0xe3: {  	[sflag:s28] =	ssyncset.done $0x0  }
0xe4: {  	[sflag:s28] =	ssyncadd.s32 $0xFFFFF800  }
0xe5: {  	_ =	swait.ge [sflag:s28], $0x800  }
0xe6: {  	[sflag:s28] =	ssyncset.done $0x0  }
0xe7: {  	[sflag:s28] =	ssyncadd.s32 $0xFFFFF800  }
0xe8: {  	_ =	swait.ge [sflag:s28], $0x800  }
0xe9: {  	[sflag:s28] =	ssyncset.done $0x0  }
0xea: {  	[sflag:s28] =	ssyncadd.s32 $0xFFFFF800  }
0xeb: {  	_ =	swait.ge [sflag:s28], $0x800  }
0xec: {  	[sflag:s28] =	ssyncset.done $0x0  }
0xed: {  	[sflag:s28] =	ssyncadd.s32 $0xFFFFF800  }
0xee: {  	_ =	swait.ge [sflag:s28], $0x800  }
0xef: {  	[sflag:s28] =	ssyncset.done $0x0  }
0xf0: {  	[sflag:s28] =	ssyncadd.s32 $0xFFFFF800  }
0xf1: {  	_ =	swait.ge [sflag:s28], $0x800  }
0xf2: {  	[sflag:s28] =	ssyncset.done $0x0  }
0xf3: {  	[sflag:s28] =	ssyncadd.s32 $0xFFFFF800  }
0xf4: {  	_ =	swait.ge [sflag:s28], $0x800  }
0xf5: {  	[sflag:s28] =	ssyncset.done $0x0  }
0xf6: {  	[sflag:s28] =	ssyncadd.s32 $0xFFFFF800  }
0xf7: {  	_ =	swait.ge [sflag:s28], $0x800  }
0xf8: {  	[sflag:s28] =	ssyncset.done $0x0  }
0xf9: {  	[sflag:s28] =	ssyncadd.s32 $0xFFFFF800  }
0xfa: {  	_ =	swait.ge [sflag:s28], $0x800  }
0xfb: {  	[sflag:s28] =	ssyncset.done $0x0  }
0xfc: {  	[sflag:s28] =	ssyncadd.s32 $0xFFFFF800  }
0xfd: {  	_ =	swait.ge [sflag:s28], $0x800  }
0xfe: {  	[sflag:s28] =	ssyncset.done $0x0  }
0xff: {  	[sflag:s28] =	ssyncadd.s32 $0xFFFFF800  }
0x100: {  	_ =	swait.ge [sflag:s28], $0x800  }
0x101: {  	[sflag:s28] =	ssyncset.done $0x0  }
0x102: {  	[sflag:s28] =	ssyncadd.s32 $0xFFFFF800  }
0x103: {  	_ =	swait.ge [sflag:s29], $0x800  }
0x104: {  	[sflag:s29] =	ssyncset.done $0x0  }
0x105: {  	[sflag:s29] =	ssyncadd.s32 $0xFFFFF800  }
0x106: {  	_ =	swait.ge [sflag:s29], $0x800  }
0x107: {  	[sflag:s29] =	ssyncset.done $0x0  }
0x108: {  	[sflag:s29] =	ssyncadd.s32 $0xFFFFF800  }
0x109: {  	_ =	swait.ge [sflag:s29], $0x800  }
0x10a: {  	[sflag:s29] =	ssyncset.done $0x0  }
0x10b: {  	[sflag:s29] =	ssyncadd.s32 $0xFFFFF800  }
0x10c: {  	_ =	swait.ge [sflag:s29], $0x800  }
0x10d: {  	[sflag:s29] =	ssyncset.done $0x0  }
0x10e: {  	[sflag:s29] =	ssyncadd.s32 $0xFFFFF800  }
0x10f: {  	_ =	swait.ge [sflag:s29], $0x800  }
0x110: {  	[sflag:s29] =	ssyncset.done $0x0  }
0x111: {  	[sflag:s29] =	ssyncadd.s32 $0xFFFFF800  }
0x112: {  	_ =	swait.ge [sflag:s29], $0x800  }
0x113: {  	[sflag:s29] =	ssyncset.done $0x0  }
0x114: {  	[sflag:s29] =	ssyncadd.s32 $0xFFFFF800  }
0x115: {  	_ =	swait.ge [sflag:s29], $0x800  }
0x116: {  	[sflag:s29] =	ssyncset.done $0x0  }
0x117: {  	[sflag:s29] =	ssyncadd.s32 $0xFFFFF800  }
0x118: {  	_ =	swait.ge [sflag:s29], $0x800  }
0x119: {  	[sflag:s29] =	ssyncset.done $0x0  }
0x11a: {  	[sflag:s29] =	ssyncadd.s32 $0xFFFFF800  }
0x11b: {  	_ =	swait.ge [sflag:s29], $0x800  }
0x11c: {  	[sflag:s29] =	ssyncset.done $0x0  }
0x11d: {  	[sflag:s29] =	ssyncadd.s32 $0xFFFFF800  }
0x11e: {  	_ =	swait.ge [sflag:s29], $0x800  }
0x11f: {  	[sflag:s29] =	ssyncset.done $0x0  }
0x120: {  	[sflag:s29] =	ssyncadd.s32 $0xFFFFF800  }
0x121: {  	_ =	swait.ge [sflag:s29], $0x800  }
0x122: {  	[sflag:s29] =	ssyncset.done $0x0  }
0x123: {  	[sflag:s29] =	ssyncadd.s32 $0xFFFFF800  }
0x124: {  	_ =	swait.ge [sflag:s29], $0x800  }
0x125: {  	[sflag:s29] =	ssyncset.done $0x0  }
0x126: {  	[sflag:s29] =	ssyncadd.s32 $0xFFFFF800  }
0x127: {  	_ =	swait.ge [sflag:s29], $0x800  }
0x128: {  	[sflag:s29] =	ssyncset.done $0x0  }
0x129: {  	[sflag:s29] =	ssyncadd.s32 $0xFFFFF800  }
0x12a: {  	_ =	swait.ge [sflag:s29], $0x800  }
0x12b: {  	[sflag:s29] =	ssyncset.done $0x0  }
0x12c: {  	[sflag:s29] =	ssyncadd.s32 $0xFFFFF800  }
0x12d: {  	_ =	swait.ge [sflag:s29], $0x800  }
0x12e: {  	[sflag:s29] =	ssyncset.done $0x0  }
0x12f: {  	[sflag:s29] =	ssyncadd.s32 $0xFFFFF800  }
0x130: {  	_ =	swait.ge [sflag:s29], $0x800  }
0x131: {  	[sflag:s29] =	ssyncset.done $0x0  }
0x132: {  	[sflag:s29] =	ssyncadd.s32 $0xFFFFF800  }
0x133: {  	_ =	swait.ge [sflag:s29], $0x800  }
0x134: {  	[sflag:s29] =	ssyncset.done $0x0  }
0x135: {  	[sflag:s29] =	ssyncadd.s32 $0xFFFFF800  }
0x136: {  	_ =	swait.ge [sflag:s29], $0x800  }
0x137: {  	[sflag:s29] =	ssyncset.done $0x0  }
0x138: {  	[sflag:s29] =	ssyncadd.s32 $0xFFFFF800  }
0x139: {  	_ =	swait.ge [sflag:s29], $0x800  }
0x13a: {  	[sflag:s29] =	ssyncset.done $0x0  }
0x13b: {  	[sflag:s29] =	ssyncadd.s32 $0xFFFFF800  }
0x13c: {  	_ =	swait.ge [sflag:s29], $0x800  }
0x13d: {  	[sflag:s29] =	ssyncset.done $0x0  }
0x13e: {  	[sflag:s29] =	ssyncadd.s32 $0xFFFFF800  }
0x13f: {  	[hbm4b:s31+s1] =	stream.linear.scatter [tilespmem:s13], [sflag:$0x3], $0xA000, $0x38;
	[tilespmem:$0x15400] =	vst v63  }
0x140: {  	_ =	swait.ge [sflag:s10], $0xA000  }
0x141: {  	p0 =	sne.s32 s4, $0x1;
	[sflag:s10] =	ssyncset.done $0x0  }
.Ltmp0:
0x142: {  	[sflag:s10] =	ssyncadd.s32 $0xFFFF6000;
	(pc) =	sbr.rel @p0 .LBB2_2-.Ltmp0, $4  }
0x143: {  	[hbm4b:s8+s1] =	stream.linear.scatter [tilespmem:s14], [sflag:$0x3], $0xA000, $0x38;
	[tilespmem:$0x15400] =	vst v63  }
0x144: {  	s7 =	sadd.s32 $0x2800, s7;
	_ =	swait.ge [sflag:s10], $0xA000  }
0x145: {  	s4 =	sadd.s32 $0xFFFFFFFF, s4;
	s6 =	sadd.s32 $0x2800, s6;
	[sflag:s10] =	ssyncset.done $0x0  }
0x146: {  	s31 =	sadd.s32 $0x28000, s31;
	s8 =	sadd.s32 $0x28000, s8;
	[sflag:s10] =	ssyncadd.s32 $0xFFFF6000  }
0x147: {  	s0 =	sld [smem:$0x7F0];
	_ =	sdelay $0x1  }
0x148: {  	s30 =	sadd.s32 $0x1, s30  }
0x149: {  	p0 =	sne.s32 s30, s0  }
.Ltmp1:
0x14a: {  	_ = 	snop;
	(pc) =	sbr.rel @p0 .LBB2_1-.Ltmp1, $1  }
0x14b: {  	_ =	sdelay $0x3  }
0x14c: {  	_ =	sfence.sel $0x180000  }
0x14d: {  	[bflag:$0x0] =	sbarrier.arrive $0xFFFF  }
0x14e: {  	_ =	strace $0x90000047  }
0x14f: {  	s0 =	stileid.u32;
	[bflag:$0x2] =	sbarrier.arrive $0xFFFF  }
0x150: {  	p0 =	sne.s32 s0, $0x0;
	s0 =	rddreg [dreg:$0x1]  }
0x151: {  	s0 =	sadd.s32 @!p0 $0x100000, s0  }
0x152: {  	[sflag:s0] =	ssyncadd.tile.s32 @!p0 $0x1;
	_ =	shalt  }
.Lfunc_end2:
_tile_overlayer_lowered:
.L_overlay_start_2:
0x153: {  	(tag) =	ssettag $0x2  }
0x154: {  	s0 =	rddreg [dreg:$0x0];
	s2 =	stileid.u32  }
0x155: {  	s1 =	rddreg [dreg:$0x1];
	p0 =	sne.s32 s2, $0x0  }
0x156: {  	s3 =	rddreg [dreg:$0x2];
	[bflag:$0x3] =	sbarrier.arrive $0xFFFF;
	s2 =	simm.s32 @!p0 $0x1C03  }
0x157: {  	[timem:s3], [sflag:s2] =	dma.local @!p0 [hbm:s0], s1  }
0x158: {  	s0 =	simm.s32 @!p0 $0x3  }
0x159: {  	_ =	swait.ge @!p0 [sflag:s0], s1  }
0x15a: {  	s1 =	ssub.s32 @!p0 $0x0, s1;
	[sflag:s0] =	ssyncset.done @!p0 $0x0  }
0x15b: {  	[sflag:s0] =	ssyncadd.s32 @!p0 s1  }
0x15c: {  	[bflag:$0x3] =	sbarrier.arrive $0xFFFF  }
0x15d: {  	_ =	shalt  }

// kernel: kernel.9.cloned.1.call-start
scs
__scs_entry_jumppad:
0x0: {  	(pc) =	sbr.rel $0x88, $3  }
0x1: {  	(tag) =	ssettag $0x0;
	lr =	simm.s32 $0x1  }
0x2: {  	[smem:$0x3F95] =	sst lr;
	_ =	strace $0xD0000000  }
0x3: {  	_ = 	snop  }
0x4: {  	_ = 	snop  }
0x5: {  	_ = 	snop  }
0x6: {  	_ = 	snop  }
0x7: {  	_ = 	snop  }
__scs_overlays_trampoline_lowered:
0x8: {  	[smem:$0x3FA4] =	sst s0  }
0x9: {  	[smem:$0x3FA5] =	sst s1  }
0xa: {  	[smem:$0x3FA6] =	sst s2  }
0xb: {  	[smem:$0x3FA7] =	sst s3  }
0xc: {  	[smem:$0x3FA8] =	sst s4  }
0xd: {  	[smem:$0x3FA9] =	sst s5  }
0xe: {  	[smem:$0x3FAA] =	sst s6  }
0xf: {  	[smem:$0x3FAB] =	sst s7  }
0x10: {  	[smem:$0x3FAC] =	sst s8  }
0x11: {  	[smem:$0x3FAD] =	sst s9;
	s0 =	simm.s32 @!p0 $0x0  }
0x12: {  	s1 =	sld [smem:$0x3F93];
	s0 =	simm.s32 @p0 $0x1  }
0x13: {  	[smem:$0x3FAE] =	sst s0;
	s0 =	simm.s32 @!p1 $0x0  }
0x14: {  	s2 =	sld [smem:$0x3F92];
	s0 =	simm.s32 @p1 $0x1  }
0x15: {  	[smem:$0x3FAF] =	sst s0;
	s0 =	simm.s32 @!p2 $0x0  }
0x16: {  	s3 =	sld [smem:$0x3FDB];
	s0 =	simm.s32 @p2 $0x1  }
0x17: {  	s4 =	simm.s32 $0x1BF5;
	[smem:$0x3FB1] =	sst s0  }
0x18: {  	s0 =	sld [smem:$0x3F94];
	_ =	swait.ge [sflag:s4], $0x0  }
0x19: {  	s7 =	sld [smem:$0x3F95]  }
0x1a: {  	s8 =	sadd.s32 $0xFFFFE003, lr  }
0x1b: {  	s9 =	sadd.s32 $0xFFFFFEF7, lr;
	s5 =	simm.s32 $0xFFFFFFFF;
	p2 =	slt.u32 s8, $0xFFFFF086  }
0x1c: {  	p1 =	slt.u32 s9, $0xF7A;
	s5 =	simm.s32 @!p2 $0x0  }
0x1d: {  	s5 =	simm.s32 @p1 $0x1;
	p0 =	seq.s32 s7, s2  }
0x1e: {  	s7 =	smul.u32 @!p0 $0xF7A, s2;
	p2 =	seq.s32 @!p0 s5, $0x0  }
0x1f: {  	s9 =	smul.u32 $0xF7A, s1;
	s8 =	simm.s32 @!p0 $0x1BF5;
	p2 =	por !p2, p0  }
0x20: {  	[sflag:s8] =	ssyncset.s32 @!p0 $0xFFFFF086;
	s6 =	sadd.s32 @!p0 s3, s7;
	s7 =	simm.s32 @!p0 $0x108  }
0x21: {  	s3 =	sadd.s32 s3, s9;
	s6 =	sadd.s32 @!p0 $0x88, s6;
	s7 =	simm.s32 @p2 $0x1082  }
0x22: {  	[simem:s7], [sflag:s8] =	dma.local @!p0 [hbm:s6], $0xF7A  }
0x23: {  	s9 =	sor.u32 $0xD0000000, s2;
	s6 =	simm.s32 $0x108;
	_ =	swait.ge @!p0 [sflag:s8], $0x0  }
0x24: {  	s3 =	sadd.s32 $0x88, s3;
	s6 =	simm.s32 @!p1 $0x1082;
	[sflag:s4] =	ssyncset.s32 $0xFFFFF086  }
0x25: {  	[simem:s6], [sflag:s4] =	dma.local [hbm:s3], $0xF7A  }
0x26: {  	[smem:$0x3F95] =	sst s1;
	(tag) =	ssettag s2;
	_ =	strace s9  }
0x27: {  	s1 =	sld [smem:$0x3FA5]  }
0x28: {  	s2 =	sld [smem:$0x3FA6]  }
0x29: {  	s4 =	sld [smem:$0x3FA8]  }
0x2a: {  	p0 =	seq.s32 s5, $0x0;
	s5 =	sld [smem:$0x3FA9]  }
0x2b: {  	s6 =	sld [smem:$0x3FAA]  }
0x2c: {  	s7 =	sld [smem:$0x3FAB]  }
0x2d: {  	s3 =	simm.s32 $0x108;
	s8 =	sld [smem:$0x3FAC]  }
0x2e: {  	s3 =	simm.s32 @!p0 $0x1082;
	s9 =	sld [smem:$0x3FAD]  }
0x2f: {  	lr =	sadd.s32 s0, s3;
	s0 =	sld [smem:$0x3FA4]  }
0x30: {  	s3 =	sld [smem:$0x3FA7]  }
0x31: {  	[smem:$0x3FB0] =	sst s10  }
0x32: {  	s10 =	sld [smem:$0x3FAE];
	_ =	sdelay $0x3  }
0x33: {  	p0 =	seq.s32 s10, $0x1;
	s10 =	sld [smem:$0x3FB0];
	_ =	sdelay $0x3  }
0x34: {  	[smem:$0x3FB0] =	sst s10  }
0x35: {  	s10 =	sld [smem:$0x3FAF];
	_ =	sdelay $0x3  }
0x36: {  	p1 =	seq.s32 s10, $0x1;
	s10 =	sld [smem:$0x3FB0];
	_ =	sdelay $0x3  }
0x37: {  	[smem:$0x3FB0] =	sst s10  }
0x38: {  	s10 =	sld [smem:$0x3FB1]  }
0x39: {  	_ = 	snop;
	(pc) =	sbr.ind lr, $3  }
0x3a: {  	_ = 	snop  }
0x3b: {  	_ = 	snop  }
0x3c: {  	p2 =	seq.s32 s10, $0x1;
	s10 =	sld [smem:$0x3FB0]  }
0x3d: {  	_ =	shalt  }
0x3e: {  	_ =	shalt  }
0x3f: {  	_ =	shalt  }
0x40: {  	_ =	shalt  }
0x41: {  	_ =	shalt  }
0x42: {  	_ =	shalt  }
0x43: {  	_ =	shalt  }
0x44: {  	_ =	shalt  }
0x45: {  	_ =	shalt  }
0x46: {  	_ =	shalt  }
0x47: {  	_ =	shalt  }
0x48: {  	_ =	shalt  }
0x49: {  	_ =	shalt  }
0x4a: {  	_ =	shalt  }
0x4b: {  	_ =	shalt  }
0x4c: {  	_ =	shalt  }
0x4d: {  	_ =	shalt  }
0x4e: {  	_ =	shalt  }
0x4f: {  	_ =	shalt  }
0x50: {  	_ =	shalt  }
0x51: {  	_ =	shalt  }
0x52: {  	_ =	shalt  }
0x53: {  	_ =	shalt  }
0x54: {  	_ =	shalt  }
0x55: {  	_ =	shalt  }
0x56: {  	_ =	shalt  }
0x57: {  	_ =	shalt  }
0x58: {  	_ =	shalt  }
0x59: {  	_ =	shalt  }
0x5a: {  	_ =	shalt  }
0x5b: {  	_ =	shalt  }
0x5c: {  	_ =	shalt  }
0x5d: {  	_ =	shalt  }
0x5e: {  	_ =	shalt  }
0x5f: {  	_ =	shalt  }
0x60: {  	_ =	shalt  }
0x61: {  	_ =	shalt  }
0x62: {  	_ =	shalt  }
0x63: {  	_ =	shalt  }
0x64: {  	_ =	shalt  }
0x65: {  	_ =	shalt  }
0x66: {  	_ =	shalt  }
0x67: {  	_ =	shalt  }
0x68: {  	_ =	shalt  }
0x69: {  	_ =	shalt  }
0x6a: {  	_ =	shalt  }
0x6b: {  	_ =	shalt  }
0x6c: {  	_ =	shalt  }
0x6d: {  	_ =	shalt  }
0x6e: {  	_ =	shalt  }
0x6f: {  	_ =	shalt  }
0x70: {  	_ =	shalt  }
0x71: {  	_ =	shalt  }
0x72: {  	_ =	shalt  }
0x73: {  	_ =	shalt  }
0x74: {  	_ =	shalt  }
0x75: {  	_ =	shalt  }
0x76: {  	_ =	shalt  }
0x77: {  	_ =	shalt  }
0x78: {  	_ =	shalt  }
0x79: {  	_ =	shalt  }
0x7a: {  	_ =	shalt  }
0x7b: {  	_ =	shalt  }
0x7c: {  	_ =	shalt  }
0x7d: {  	_ =	shalt  }
0x7e: {  	_ =	shalt  }
0x7f: {  	_ =	shalt  }
0x80: {  	_ =	shalt  }
0x81: {  	_ =	shalt  }
0x82: {  	_ =	shalt  }
0x83: {  	_ =	shalt  }
0x84: {  	_ =	shalt  }
0x85: {  	_ =	shalt  }
0x86: {  	_ =	shalt  }
0x87: {  	_ =	shalt  }
.Lfunc_end0:
.L_simem_size_0:
called_computation.1_lowered:
.L_overlay_start_0:
0x88: {  	s2 =	sld [smem:$0x3FD9]  }
0x89: {  	s3 =	sld [smem:$0x3FFE];
	_ =	sdelay $0x1  }
0x8a: {  	s1 =	srdreg.scid  }
0x8b: {  	s0 =	sand.u32 $0x1, s1  }
0x8c: {  	s16 =	sshll.u32 s0, $0xA;
	s2 =	sadd.s32 s3, s2  }
0x8d: {  	s2 =	sadd.s32 s2, s16  }
0x8e: {  	[smem:$0x3FBC] =	sst s2  }
0x8f: {  	_ = 	snop  }
0x90: {  	(tm) =	ssettm $0x1  }
0x91: {  	s17 =	sld [smem:$0x3FFB];
	_ =	sdelay $0x3  }
0x92: {  	_ =	strace s17  }
0x93: {  	s2 =	sld [smem:$0x3FFC];
	_ =	sdelay $0x3  }
0x94: {  	_ =	strace s2  }
0x95: {  	s2 =	sld [smem:$0x3FFD];
	_ =	sdelay $0x3  }
0x96: {  	_ =	strace s2  }
0x97: {  	_ =	strace $0x8FFFFFFF  }
0x98: {  	s18 =	sld [smem:$0x3FDB];
	_ =	sdelay $0x1  }
0x99: {  	s19 =	simm.s32 $_scs_section_size  }
0x9a: {  	s4 =	simm.s32 $_size__tile_overlayer_lowered;
	s5 =	simm.s32 $_tile_overlayer_lowered  }
0x9b: {  	s22 =	simm.s32 $0x1BFF;
	s21 =	sshll.u32 s5, $0x1;
	s2 =	sadd.s32 s19, s18  }
0x9c: {  	s6 =	simm.s32 $0x0;
	s20 =	sshll.u32 s4, $0x1;
	s4 =	sadd.s32 s21, s2  }
0x9d: {  	[timem:s6], [sflag:s22] =	dma.local [hbm:s4], s20  }
0x9e: {  	_ =	swait.ge [sflag:s22], s20  }
0x9f: {  	s3 =	ssub.s32 $0x0, s20;
	[sflag:s22] =	ssyncset.done $0x0  }
0xa0: {  	[sflag:s22] =	ssyncadd.s32 s3;
	_ =	sdelay $0x1  }
0xa1: {  	s23 =	simm.s32 $0x1B8B  }
0xa2: {  	_ =	swait.ge [sflag:s23], $0x1  }
0xa3: {  	[sflag:s23] =	ssyncset.done $0x0  }
0xa4: {  	s25 =	simm.s32 $0x1B8E;
	s24 =	sld [smem:$0x3FFE];
	[sflag:s23] =	ssyncadd.s32 $0xFFFFFFFF  }
0xa5: {  	s26 =	simm.s32 $execute0_lowered;
	[smem:$0x3FD2] =	sst s25  }
0xa6: {  	s4 =	sshll.u32 s26, $0x1;
	_ =	strace $0x80000049;
	[dreg:$0x1] =	wrdreg $0xFFFFFFFF  }
0xa7: {  	s28 =	simm.s32 $_size_execute0_lowered;
	s2 =	sadd.s32 s2, s4;
	[dreg:$0x0] =	wrdreg $0x0  }
0xa8: {  	s4 =	sshll.u32 s28, $0x1;
	[dreg:$0x2] =	wrdreg s2  }
0xa9: {  	[dreg:$0x3] =	wrdreg s4  }
0xaa: {  	[dreg:$0x4] =	wrdreg $0xC0  }
0xab: {  	_ =	task [dreg:s6], $0x5FFFF  }
0xac: {  	[dreg:$0x1] =	wrdreg $0xFFFFFFFF  }
0xad: {  	[dreg:$0x0] =	wrdreg $0x60  }
0xae: {  	[dreg:$0x2] =	wrdreg s24  }
0xaf: {  	[dreg:$0x3] =	wrdreg $0x44000  }
0xb0: {  	[dreg:$0x4] =	wrdreg $0x9  }
0xb1: {  	_ =	task.clear_ibuf [dreg:s6], $0x5FFFF;
	_ =	strace $0x90000049  }
0xb2: {  	s29 =	simm.s32 $0x9;
	_ =	strace $0x8000004B  }
0xb3: {  	_ =	swait.ge [sflag:s29], $0x1  }
0xb4: {  	[sflag:s29] =	ssyncadd.s32 $0xFFFFFFFF  }
0xb5: {  	_ =	strace $0x9000004B  }
0xb6: {  	_ =	sfence  }
0xb7: {  	s30 =	sld [smem:$0x0];
	_ =	sdelay $0x2  }
0xb8: {  	s31 =	sshll.u32 s1, $0xD;
	s1 =	sshrl.u32 s1, $0x2  }
0xb9: {  	s3 =	sand.u32 $0x4000, s31;
	s1 =	sadd.s32 s1, s30  }
0xba: {  	s0 =	sor.u32 s3, s0;
	s1 =	sshll.u32 s1, $0x11  }
0xbb: {  	s0 =	sor.u32 s1, s0  }
0xbc: {  	s0 =	sadd.s32 $0x8F2B, s0  }
0xbd: {  	[sflag:s0] =	ssyncadd.remote.s32 $0x1  }
0xbe: {  	_ =	sfence.sel $0xFFFF  }
0xbf: {  	[dreg:$0x0] =	wrdreg $0xFFFFFFFF;
	(pc) =	sbr.abs _section_cstart, $3  }
0xc0: {  	[dreg:$0x1] =	wrdreg $0xFFFFFFFF  }
0xc1: {  	_ =	task.clear_ibuf [dreg:s6], $0x2FFFF;
	_ =	strace $0x9FFFFFFF  }
0xc2: {  	(tm) =	ssettm $0x7FFFFFFF  }
0xc3: {  	_ =	shalt  }
tec
execute0_lowered:
.L_overlay_start_1:
0x0: {  	(tag) =	ssettag $0x1  }
0x1: {  	s0 =	rddreg [dreg:$0x0]  }
0x2: {  	s1 =	rddreg [dreg:$0x1];
	s3 =	simm.s32 $0x0;
	s2 =	srdreg.scid  }
0x3: {  	s13 =	stileid.u32;
	[smem:$0x7FF] =	sst s3;
	s2 =	sand.u32 $0x1, s2  }
0x4: {  	s6 =	smul.u32 $0x61C00, s13;
	s4 =	sadd.s32 $0x32400, s0;
	s5 =	sadd.s32 $0x9BC000, s0  }
0x5: {  	s0 =	sadd.s32 $0x1E9C00, s0;
	s26 =	smul.u32 $0xC38, s13;
	s16 =	sshll.u32 s13, $0x5  }
0x6: {  	s17 =	sshll.u32 s13, $0xA;
	s23 =	sadd.s32 $0x16E900, s1;
	p0 =	sgt.u32 s13, $0x9  }
0x7: {  	p1 =	seq.s32 s13, $0xF;
	s7 =	ssub.s32 $0x2, s2;
	s12 =	smul.u32 $0xC350, s2  }
0x8: {  	s2 =	smul.u32 $0x186A00, s2;
	s8 =	sshrl.u32 s7, $0x1;
	s6 =	sshrl.u32 s6, $0x2  }
0x9: {  	_ =	strace $0x8000004A;
	s7 =	ssub.s32 s7, s8;
	s6 =	sadd.s32 s6, s1  }
0xa: {  	s8 =	sadd.s32 s26, s12;
	s2 =	sshrl.u32 s2, $0x3;
	s9 =	sadd.s32 $0x2000, s6  }
0xb: {  	v0 =	vmov s12;
	s12 =	simm.s32 $0x3400;
	s28 =	sadd.s32 $0x4000, s6;
	[dreg:$0x3] =	wrdreg s9  }
0xc: {  	s10 =	sadd.s32 $0x6000, s6;
	s11 =	sadd.s32 $0x8000, s6;
	[dreg:$0x4] =	wrdreg s28  }
0xd: {  	s14 =	sadd.s32 $0xA000, s6;
	s15 =	sadd.s32 $0xC000, s6;
	[dreg:$0x5] =	wrdreg s10  }
0xe: {  	s8 =	sshll.u32 s8, $0x2;
	s24 =	smax.u32 s7, $0x1;
	[dreg:$0x6] =	wrdreg s11  }
0xf: {  	s25 =	sadd.s32 $0xE000, s6;
	s26 =	sadd.s32 $0x10000, s6;
	[dreg:$0x7] =	wrdreg s14  }
0x10: {  	s29 =	sadd.s32 $0x14000, s6;
	s30 =	sadd.s32 $0x16000, s6;
	[dreg:$0x8] =	wrdreg s15  }
0x11: {  	s31 =	sadd.s32 $0x18000, s6;
	s7 =	simm.s32 $0x280;
	[dreg:$0x11] =	wrdreg s24  }
0x12: {  	s10 =	sshll.u32 s13, $0x8;
	s9 =	sadd.s32 s4, s16;
	[dreg:$0x13] =	wrdreg s25  }
0x13: {  	s8 =	sadd.s32 s0, s8;
	s0 =	sadd.s32 s0, s2;
	[dreg:$0x14] =	wrdreg s26  }
0x14: {  	s28 =	sadd.s32 $0x12000, s6;
	s24 =	simm.s32 $0x100;
	s2 =	simm.s32 $0x2400  }
0x15: {  	s13 =	simm.s32 $0x0;
	[dreg:$0x9] =	wrdreg s9;
	s11 =	sor.u32 $0x1000, s10  }
0x16: {  	s9 =	sadd.s32 s5, s17;
	s20 =	sor.u32 $0x186000, s10;
	[dreg:$0xf] =	wrdreg s8  }
0x17: {  	s17 =	sor.u32 $0x2000, s10;
	s0 =	sadd.s32 $0x2DD20, s0;
	[dreg:$0x15] =	wrdreg s28  }
0x18: {  	s8 =	simm.s32 $0x1400;
	[dreg:$0xa] =	wrdreg s9;
	s18 =	sshrl.u32 s11, $0x3  }
0x19: {  	s11 =	sshll.u32 s11, $0x2;
	s21 =	sshrl.u32 s20, $0x3;
	[dreg:$0x10] =	wrdreg s0  }
0x1a: {  	s0 =	sshrl.u32 s23, $0x3;
	s9 =	sadd.s32 s4, s18;
	s19 =	sadd.s32 s5, s11  }
0x1b: {  	s18 =	sor.u32 $0x3000, s10;
	s22 =	sadd.s32 s4, s21;
	[dreg:$0x12] =	wrdreg s0  }
.Ltmp0:
0x1c: {  	s0 =	simm.s32 $0x400;
	[dreg:$0xb] =	wrdreg s9;
	(pc) =	sbr.rel .LBB2_1-.Ltmp0, $4  }
0x1d: {  	s21 =	simm.s32 $0x200;
	s10 =	simm.s32 $0x300;
	[dreg:$0xc] =	wrdreg s19  }
0x1e: {  	s11 =	simm.s32 $0x380;
	[dreg:$0xd] =	wrdreg s22;
	s9 =	sshll.u32 s20, $0x2  }
0x1f: {  	s22 =	simm.s32 $0x3;
	s19 =	simm.s32 $0x1;
	s9 =	sadd.s32 s5, s9  }
0x20: {  	v1 =	vimm.f32 $0.0e+00;
	s20 =	simm.s32 $0x80;
	[dreg:$0xe] =	wrdreg s9;
	s9 =	simm.s32 $0x2  }
.LBB2_15:
0x21: {  	s14 =	rddreg [dreg:$0x10]  }
0x22: {  	s15 =	rddreg [dreg:$0x12];
	s16 =	simm.s32 $0x1FC3  }
0x23: {  	[hbm:s14], [sflag:s16] =	dma.local [spmem:s15], $0x3020  }
0x24: {  	_ =	swait.ge [sflag:s22], $0x3020  }
0x25: {  	[sflag:s22] =	ssyncset.done $0x0  }
0x26: {  	[sflag:s22] =	ssyncadd.s32 $0xFFFFCFE0  }
.LBB2_16:
0x27: {  	s13 =	sadd.s32 $0x1, s13;
	s14 =	rddreg [dreg:$0x11]  }
0x28: {  	p2 =	sne.s32 s13, s14  }
.Ltmp1:
0x29: {  	_ = 	snop;
	(pc) =	sbr.rel @!p2 .LBB2_17-.Ltmp1, $1  }
0x2a: {  	_ =	sdelay $0x3  }
.LBB2_1:
0x2b: {  	s14 =	simm.s32 $0x80;
	s15 =	simm.s32 $0x0  }
.LBB2_2:
0x2c: {  	p2 =	sne.s32 s14, $0x7F80;
	[tilespmem:s15+$0x400] =	vst v1;
	s16 =	smov.u32 s14;
	s14 =	sadd.s32 $0x80, s14  }
.Ltmp2:
0x2d: {  	[tilespmem:s15+$0x410] =	vst v1;
	(pc) =	sbr.rel @p2 .LBB2_2-.Ltmp2, $2  }
0x2e: {  	_ =	sdelay $0x2  }
0x2f: {  	s15 =	sshra.s32 s16, $0x2  }
0x30: {  	[tilespmem:s15+$0x400] =	vst v1  }
0x31: {  	[tilespmem:s15+$0x410] =	vst v1  }
0x32: {  	[spmem:s6] =	stream.linear.scatter [tilespmem:s0], [sflag:$0x3], $0x2000, $0x38;
	[tilespmem:$0x1DB00] =	vst v63  }
0x33: {  	_ =	swait.ge [sflag:s22], $0x2000  }
0x34: {  	[sflag:s22] =	ssyncset.done $0x0  }
0x35: {  	s14 =	rddreg [dreg:$0x3];
	[sflag:s22] =	ssyncadd.s32 $0xFFFFE000  }
0x36: {  	[spmem:s14] =	stream.linear.scatter [tilespmem:s0], [sflag:$0x3], $0x2000, $0x38;
	[tilespmem:$0x1DB00] =	vst v63  }
0x37: {  	_ =	swait.ge [sflag:s22], $0x2000  }
0x38: {  	[sflag:s22] =	ssyncset.done $0x0  }
0x39: {  	s15 =	rddreg [dreg:$0x4];
	[sflag:s22] =	ssyncadd.s32 $0xFFFFE000  }
0x3a: {  	[spmem:s15] =	stream.linear.scatter [tilespmem:s0], [sflag:$0x3], $0x2000, $0x38;
	[tilespmem:$0x1DB00] =	vst v63  }
0x3b: {  	_ =	swait.ge [sflag:s22], $0x2000  }
0x3c: {  	[sflag:s22] =	ssyncset.done $0x0  }
0x3d: {  	s16 =	rddreg [dreg:$0x5];
	[sflag:s22] =	ssyncadd.s32 $0xFFFFE000  }
0x3e: {  	[spmem:s16] =	stream.linear.scatter [tilespmem:s0], [sflag:$0x3], $0x2000, $0x38;
	[tilespmem:$0x1DB00] =	vst v63  }
0x3f: {  	_ =	swait.ge [sflag:s22], $0x2000  }
0x40: {  	[sflag:s22] =	ssyncset.done $0x0  }
0x41: {  	s23 =	rddreg [dreg:$0x6];
	[sflag:s22] =	ssyncadd.s32 $0xFFFFE000  }
0x42: {  	[spmem:s23] =	stream.linear.scatter [tilespmem:s0], [sflag:$0x3], $0x2000, $0x38;
	[tilespmem:$0x1DB00] =	vst v63  }
0x43: {  	_ =	swait.ge [sflag:s22], $0x2000  }
0x44: {  	[sflag:s22] =	ssyncset.done $0x0  }
0x45: {  	s25 =	rddreg [dreg:$0x7];
	[sflag:s22] =	ssyncadd.s32 $0xFFFFE000  }
0x46: {  	[spmem:s25] =	stream.linear.scatter [tilespmem:s0], [sflag:$0x3], $0x2000, $0x38;
	[tilespmem:$0x1DB00] =	vst v63  }
0x47: {  	_ =	swait.ge [sflag:s22], $0x2000  }
0x48: {  	[sflag:s22] =	ssyncset.done $0x0  }
0x49: {  	s26 =	rddreg [dreg:$0x8];
	[sflag:s22] =	ssyncadd.s32 $0xFFFFE000  }
0x4a: {  	[spmem:s26] =	stream.linear.scatter [tilespmem:s0], [sflag:$0x3], $0x2000, $0x38;
	[tilespmem:$0x1DB00] =	vst v63  }
0x4b: {  	_ =	swait.ge [sflag:s22], $0x2000  }
0x4c: {  	[sflag:s22] =	ssyncset.done $0x0  }
0x4d: {  	s28 =	rddreg [dreg:$0x13];
	[sflag:s22] =	ssyncadd.s32 $0xFFFFE000  }
0x4e: {  	[spmem:s28] =	stream.linear.scatter [tilespmem:s0], [sflag:$0x3], $0x2000, $0x38;
	[tilespmem:$0x1DB00] =	vst v63  }
0x4f: {  	_ =	swait.ge [sflag:s22], $0x2000  }
0x50: {  	[sflag:s22] =	ssyncset.done $0x0  }
0x51: {  	s15 =	rddreg [dreg:$0x14];
	[sflag:s22] =	ssyncadd.s32 $0xFFFFE000  }
0x52: {  	[spmem:s15] =	stream.linear.scatter [tilespmem:s0], [sflag:$0x3], $0x2000, $0x38;
	[tilespmem:$0x1DB00] =	vst v63  }
0x53: {  	_ =	swait.ge [sflag:s22], $0x2000  }
0x54: {  	[sflag:s22] =	ssyncset.done $0x0  }
0x55: {  	s16 =	rddreg [dreg:$0x15];
	[sflag:s22] =	ssyncadd.s32 $0xFFFFE000  }
0x56: {  	[spmem:s16] =	stream.linear.scatter [tilespmem:s0], [sflag:$0x3], $0x2000, $0x38;
	[tilespmem:$0x1DB00] =	vst v63  }
0x57: {  	_ =	swait.ge [sflag:s22], $0x2000  }
0x58: {  	[sflag:s22] =	ssyncset.done $0x0  }
0x59: {  	[sflag:s22] =	ssyncadd.s32 $0xFFFFE000  }
0x5a: {  	[spmem:s29] =	stream.linear.scatter [tilespmem:s0], [sflag:$0x3], $0x2000, $0x38;
	[tilespmem:$0x1DB00] =	vst v63  }
0x5b: {  	_ =	swait.ge [sflag:s22], $0x2000  }
0x5c: {  	[sflag:s22] =	ssyncset.done $0x0  }
0x5d: {  	[sflag:s22] =	ssyncadd.s32 $0xFFFFE000  }
0x5e: {  	[spmem:s30] =	stream.linear.scatter [tilespmem:s0], [sflag:$0x3], $0x2000, $0x38;
	[tilespmem:$0x1DB00] =	vst v63  }
0x5f: {  	_ =	swait.ge [sflag:s22], $0x2000  }
0x60: {  	[sflag:s22] =	ssyncset.done $0x0  }
0x61: {  	[sflag:s22] =	ssyncadd.s32 $0xFFFFE000  }
0x62: {  	[spmem:s31] =	stream.linear.scatter [tilespmem:s0], [sflag:$0x3], $0x700, $0x38;
	[tilespmem:$0x1DB00] =	vst v63  }
0x63: {  	_ =	swait.ge [sflag:s22], $0x700  }
0x64: {  	[sflag:s22] =	ssyncset.done $0x0  }
0x65: {  	[sflag:s22] =	ssyncadd.s32 $0xFFFFF900  }
0x66: {  	[bflag:$0x0] =	sbarrier.arrive $0xFFFF  }
0x67: {  	s14 =	simm.s32 $0x0;
	s23 =	rddreg [dreg:$0x9]  }
0x68: {  	[tilespmem:s14], [sflag:$0x1] =	stream.linear.gather [hbm4b:s23+s14], $0x100, $0x38;
	[tilespmem:$0x1DB00] =	vst v63  }
0x69: {  	s25 =	rddreg [dreg:$0xa]  }
0x6a: {  	[tilespmem:s0], [sflag:$0x1] =	stream.linear.gather [hbm4b:s25+s14], $0x2000, $0x38;
	[tilespmem:$0x1DB00] =	vst v63  }
0x6b: {  	s26 =	rddreg [dreg:$0xb]  }
0x6c: {  	[tilespmem:s24], [sflag:$0x2] =	stream.linear.gather [hbm4b:s26+s14], $0x100, $0x38;
	[tilespmem:$0x1DB00] =	vst v63  }
0x6d: {  	s28 =	rddreg [dreg:$0xc]  }
0x6e: {  	[tilespmem:s2], [sflag:$0x2] =	stream.linear.gather [hbm4b:s28+s14], $0x2000, $0x38;
	[tilespmem:$0x1DB00] =	vst v63  }
.LBB2_4:
0x6f: {  	_ =	swait.ge [sflag:s19], $0x100  }
0x70: {  	[sflag:s19] =	ssyncset.done $0x0  }
0x71: {  	[sflag:s19] =	ssyncadd.s32 $0xFFFFFF00  }
0x72: {  	_ =	swait.ge [sflag:s19], $0x2000  }
0x73: {  	s25 =	simm.s32 $0x0;
	s23 =	simm.s32 $0x10;
	[sflag:s19] =	ssyncset.done $0x0  }
0x74: {  	s16 =	simm.s32 $0x0;
	s15 =	simm.s32 $0x0;
	[sflag:s19] =	ssyncadd.s32 $0xFFFFE000  }
.LBB2_5:
0x75: {  	p2 =	sne.s32 s23, $0xF0;
	v2 =	vld [tilespmem:s25+$0x0];
	_ =	sdelay $0x3  }
.Ltmp3:
0x76: {  	(pc) =	sbr.rel @p2 .LBB2_5-.Ltmp3, $4  }
0x77: {  	s25 =	sand.u32 $0x200, s16;
	v3 =	vsub.s32 v2, v0;
	v2 =	vand.u32 $0x7FF, v2  }
0x78: {  	s26 =	sand.u32 $0x70, s15;
	s15 =	smov.u32 s23;
	s25 =	sshrl.u32 s25, $0x2;
	vm0 =	vlt.u32 v3, $0xC350;
	v2 =	vadd.s32 $0xC380, v2  }
0x79: {  	s16 =	sadd.s32 $0x40, s16;
	s26 =	sor.u32 s26, s25;
	v2 =	vsel vm0, v3, v2  }
0x7a: {  	s23 =	sadd.s32 $0x10, s23;
	s25 =	sshra.s32 s16, $0x2;
	[tilespmem:s26+$0x200] =	vst v2  }
0x7b: {  	v2 =	vld [tilespmem:s25+$0x0];
	_ =	sdelay $0x4  }
0x7c: {  	s16 =	sand.u32 $0x200, s16;
	v3 =	vsub.s32 v2, v0;
	v2 =	vand.u32 $0x7FF, v2  }
0x7d: {  	s15 =	sand.u32 $0x70, s15;
	s16 =	sshrl.u32 s16, $0x2;
	vm0 =	vlt.u32 v3, $0xC350;
	v2 =	vadd.s32 $0xC380, v2  }
0x7e: {  	s15 =	sor.u32 s15, s16;
	v2 =	vsel vm0, v3, v2  }
0x7f: {  	[tilespmem:s15+$0x200] =	vst v2  }
0x80: {  	[spmem:s1] =	stream.indirect.scatter.add.f32 [tilespmem:s0], [sflag:$0x3], $0x20, s21, s20, $0xb8;
	[tilespmem:$0x1DB00] =	vst v63  }
0x81: {  	s15 =	sshll.u32 s14, $0x1;
	_ =	swait.ge [sflag:s22], $0x1000  }
0x82: {  	s26 =	smin.u32 s15, $0x183;
	[sflag:s22] =	ssyncset.done $0x0  }
0x83: {  	s16 =	sshll.u32 s26, $0xC;
	[sflag:s22] =	ssyncadd.s32 $0xFFFFF000  }
0x84: {  	[spmem:s1] =	stream.indirect.scatter.add.f32 [tilespmem:s8], [sflag:$0x3], $0x20, s7, s20, $0xb8;
	[tilespmem:$0x1DB00] =	vst v63  }
0x85: {  	s23 =	sadd.s32 s17, s16;
	_ =	swait.ge [sflag:s22], $0x1000  }
0x86: {  	s16 =	sshrl.u32 s23, $0x3;
	s23 =	sshll.u32 s23, $0x2;
	[sflag:s22] =	ssyncset.done $0x0  }
0x87: {  	s28 =	sadd.s32 s4, s16;
	s16 =	simm.s32 $0x0;
	[sflag:s22] =	ssyncadd.s32 $0xFFFFF000  }
0x88: {  	[tilespmem:s16], [sflag:$0x1] =	stream.linear.gather [hbm4b:s28+s16], $0x100, $0x38;
	[tilespmem:$0x1DB00] =	vst v63  }
0x89: {  	s23 =	sadd.s32 s5, s23  }
0x8a: {  	[tilespmem:s0], [sflag:$0x1] =	stream.linear.gather [hbm4b:s23+s16], $0x2000, $0x38;
	[tilespmem:$0x1DB00] =	vst v63  }
0x8b: {  	_ =	swait.ge [sflag:s9], $0x100  }
0x8c: {  	[sflag:s9] =	ssyncset.done $0x0  }
0x8d: {  	[sflag:s9] =	ssyncadd.s32 $0xFFFFFF00  }
0x8e: {  	_ =	swait.ge [sflag:s9], $0x2000  }
0x8f: {  	s25 =	simm.s32 $0x10;
	[sflag:s9] =	ssyncset.done $0x0  }
0x90: {  	s26 =	simm.s32 $0x0;
	s23 =	simm.s32 $0x0;
	[sflag:s9] =	ssyncadd.s32 $0xFFFFE000  }
.LBB2_7:
0x91: {  	p2 =	sne.s32 s25, $0xF0;
	v2 =	vld [tilespmem:s26+$0x100];
	_ =	sdelay $0x3  }
.Ltmp4:
0x92: {  	(pc) =	sbr.rel @p2 .LBB2_7-.Ltmp4, $4  }
0x93: {  	s26 =	sand.u32 $0x200, s16;
	v3 =	vsub.s32 v2, v0;
	v2 =	vand.u32 $0x7FF, v2  }
0x94: {  	s28 =	sand.u32 $0x70, s23;
	s23 =	smov.u32 s25;
	s26 =	sshrl.u32 s26, $0x2;
	vm0 =	vlt.u32 v3, $0xC350;
	v2 =	vadd.s32 $0xC380, v2  }
0x95: {  	s16 =	sadd.s32 $0x40, s16;
	s28 =	sor.u32 s28, s26;
	v2 =	vsel vm0, v3, v2  }
0x96: {  	s25 =	sadd.s32 $0x10, s25;
	s26 =	sshra.s32 s16, $0x2;
	[tilespmem:s28+$0x300] =	vst v2  }
0x97: {  	v2 =	vld [tilespmem:s26+$0x100];
	_ =	sdelay $0x4  }
0x98: {  	s16 =	sand.u32 $0x200, s16;
	v3 =	vsub.s32 v2, v0;
	v2 =	vand.u32 $0x7FF, v2  }
0x99: {  	s23 =	sand.u32 $0x70, s23;
	s16 =	sshrl.u32 s16, $0x2;
	vm0 =	vlt.u32 v3, $0xC350;
	v2 =	vadd.s32 $0xC380, v2  }
0x9a: {  	s16 =	sor.u32 s23, s16;
	v2 =	vsel vm0, v3, v2  }
0x9b: {  	[tilespmem:s16+$0x300] =	vst v2  }
0x9c: {  	[spmem:s1] =	stream.indirect.scatter.add.f32 [tilespmem:s2], [sflag:$0x3], $0x20, s10, s20, $0xb8;
	[tilespmem:$0x1DB00] =	vst v63  }
0x9d: {  	_ =	swait.ge [sflag:s22], $0x1000  }
0x9e: {  	s15 =	smin.u32 s15, $0x182;
	[sflag:s22] =	ssyncset.done $0x0  }
0x9f: {  	s14 =	sadd.s32 $0x1, s14;
	s15 =	sshll.u32 s15, $0xC;
	[sflag:s22] =	ssyncadd.s32 $0xFFFFF000  }
0xa0: {  	[spmem:s1] =	stream.indirect.scatter.add.f32 [tilespmem:s12], [sflag:$0x3], $0x20, s11, s20, $0xb8;
	[tilespmem:$0x1DB00] =	vst v63  }
0xa1: {  	p2 =	sne.s32 s14, $0xC3;
	s15 =	sadd.s32 s18, s15;
	_ =	swait.ge [sflag:s22], $0x1000  }
.Ltmp5:
0xa2: {  	s28 =	sshrl.u32 s15, $0x3;
	[sflag:s22] =	ssyncset.done $0x0;
	(pc) =	sbr.rel @p2 .LBB2_4-.Ltmp5, $4  }
0xa3: {  	s15 =	sshll.u32 s15, $0x2;
	s16 =	sadd.s32 s4, s28;
	[sflag:s22] =	ssyncadd.s32 $0xFFFFF000  }
0xa4: {  	[tilespmem:s24], [sflag:$0x2] =	stream.linear.gather [hbm4b:s16+s3], $0x100, $0x38;
	[tilespmem:$0x1DB00] =	vst v63  }
0xa5: {  	s15 =	sadd.s32 s5, s15  }
0xa6: {  	[tilespmem:s2], [sflag:$0x2] =	stream.linear.gather [hbm4b:s15+s3], $0x2000, $0x38;
	[tilespmem:$0x1DB00] =	vst v63  }
0xa7: {  	_ =	swait.ge [sflag:s19], $0x100  }
0xa8: {  	[sflag:s19] =	ssyncset.done $0x0  }
0xa9: {  	[sflag:s19] =	ssyncadd.s32 $0xFFFFFF00  }
0xaa: {  	_ =	swait.ge [sflag:s19], $0x2000  }
0xab: {  	[sflag:s19] =	ssyncset.done $0x0  }
0xac: {  	[sflag:s19] =	ssyncadd.s32 $0xFFFFE000  }
0xad: {  	_ =	swait.ge [sflag:s9], $0x100  }
.Ltmp6:
0xae: {  	[sflag:s9] =	ssyncset.done $0x0;
	(pc) =	sbr.rel @p0 .LBB2_13-.Ltmp6, $4  }
0xaf: {  	[sflag:s9] =	ssyncadd.s32 $0xFFFFFF00  }
0xb0: {  	_ =	swait.ge [sflag:s9], $0x2000  }
0xb1: {  	[sflag:s9] =	ssyncset.done $0x0  }
0xb2: {  	[sflag:s9] =	ssyncadd.s32 $0xFFFFE000  }
0xb3: {  	s14 =	simm.s32 $0x0;
	s15 =	rddreg [dreg:$0xd]  }
0xb4: {  	[tilespmem:s14], [sflag:$0x3] =	stream.linear.gather [hbm4b:s15+s14], $0x100, $0x38;
	[tilespmem:$0x1DB00] =	vst v63  }
0xb5: {  	_ =	swait.ge [sflag:s22], $0x100  }
0xb6: {  	[sflag:s22] =	ssyncset.done $0x0  }
0xb7: {  	s28 =	rddreg [dreg:$0xe];
	[sflag:s22] =	ssyncadd.s32 $0xFFFFFF00  }
0xb8: {  	[tilespmem:s0], [sflag:$0x3] =	stream.linear.gather [hbm4b:s28+s14], $0x2000, $0x38;
	[tilespmem:$0x1DB00] =	vst v63  }
0xb9: {  	_ =	swait.ge [sflag:s22], $0x2000  }
0xba: {  	s23 =	simm.s32 $0x0;
	[sflag:s22] =	ssyncset.done $0x0  }
0xbb: {  	s16 =	simm.s32 $0x10;
	s15 =	simm.s32 $0x0;
	[sflag:s22] =	ssyncadd.s32 $0xFFFFE000  }
.LBB2_11:
0xbc: {  	p2 =	sne.s32 s16, $0xF0;
	v2 =	vld [tilespmem:s23+$0x0];
	_ =	sdelay $0x3  }
.Ltmp7:
0xbd: {  	(pc) =	sbr.rel @p2 .LBB2_11-.Ltmp7, $4  }
0xbe: {  	s23 =	sand.u32 $0x200, s14;
	v3 =	vsub.s32 v2, v0;
	v2 =	vand.u32 $0x7FF, v2  }
0xbf: {  	s25 =	sand.u32 $0x70, s15;
	s15 =	smov.u32 s16;
	s23 =	sshrl.u32 s23, $0x2;
	vm0 =	vlt.u32 v3, $0xC350;
	v2 =	vadd.s32 $0xC380, v2  }
0xc0: {  	s14 =	sadd.s32 $0x40, s14;
	s25 =	sor.u32 s25, s23;
	v2 =	vsel vm0, v3, v2  }
0xc1: {  	s16 =	sadd.s32 $0x10, s16;
	s23 =	sshra.s32 s14, $0x2;
	[tilespmem:s25+$0x200] =	vst v2  }
0xc2: {  	v2 =	vld [tilespmem:s23+$0x0];
	_ =	sdelay $0x4  }
0xc3: {  	s14 =	sand.u32 $0x200, s14;
	v3 =	vsub.s32 v2, v0;
	v2 =	vand.u32 $0x7FF, v2  }
0xc4: {  	s15 =	sand.u32 $0x70, s15;
	s14 =	sshrl.u32 s14, $0x2;
	vm0 =	vlt.u32 v3, $0xC350;
	v2 =	vadd.s32 $0xC380, v2  }
0xc5: {  	s14 =	sor.u32 s15, s14;
	v2 =	vsel vm0, v3, v2  }
0xc6: {  	[tilespmem:s14+$0x200] =	vst v2  }
0xc7: {  	[spmem:s1] =	stream.indirect.scatter.add.f32 [tilespmem:s0], [sflag:$0x3], $0x20, s21, s20, $0xb8;
	[tilespmem:$0x1DB00] =	vst v63  }
0xc8: {  	_ =	swait.ge [sflag:s22], $0x1000  }
0xc9: {  	[sflag:s22] =	ssyncset.done $0x0  }
0xca: {  	[sflag:s22] =	ssyncadd.s32 $0xFFFFF000  }
0xcb: {  	[spmem:s1] =	stream.indirect.scatter.add.f32 [tilespmem:s8], [sflag:$0x3], $0x20, s7, s20, $0xb8;
	[tilespmem:$0x1DB00] =	vst v63  }
.Ltmp8:
0xcc: {  	_ =	swait.ge [sflag:s22], $0x1000;
	(pc) =	sbr.rel .LBB2_14-.Ltmp8, $3  }
0xcd: {  	[sflag:s22] =	ssyncset.done $0x0  }
0xce: {  	[sflag:s22] =	ssyncadd.s32 $0xFFFFF000  }
0xcf: {  	[bflag:$0x0] =	sbarrier.arrive $0xFFFF;
	_ =	sdelay $0x1  }
.LBB2_13:
.Ltmp9:
0xd0: {  	(pc) =	sbr.rel @p1 .LBB2_15-.Ltmp9, $2  }
0xd1: {  	_ =	sdelay $0x1  }
0xd2: {  	[bflag:$0x0] =	sbarrier.arrive $0xFFFF;
	_ =	sdelay $0x1  }
.LBB2_14:
0xd3: {  	s14 =	stileid.u32  }
0xd4: {  	s15 =	sshrl.u32 s6, $0x3;
	s14 =	sshll.u32 s14, $0x6  }
.Ltmp10:
0xd5: {  	s16 =	rddreg [dreg:$0xf];
	s14 =	sor.u32 $0x1C03, s14;
	(pc) =	sbr.rel .LBB2_16-.Ltmp10, $4  }
0xd6: {  	[hbm:s16], [sflag:s14] =	dma.local [spmem:s15], $0x30E0  }
0xd7: {  	_ =	swait.ge [sflag:s22], $0x30E0  }
0xd8: {  	[sflag:s22] =	ssyncset.done $0x0  }
0xd9: {  	[sflag:s22] =	ssyncadd.s32 $0xFFFFCF20  }
.LBB2_17:
0xda: {  	_ =	sfence.sel $0x180000  }
0xdb: {  	[bflag:$0x0] =	sbarrier.arrive $0xFFFF  }
0xdc: {  	_ =	strace $0x9000004A  }
0xdd: {  	s0 =	stileid.u32;
	[bflag:$0x2] =	sbarrier.arrive $0xFFFF  }
0xde: {  	p0 =	sne.s32 s0, $0x0;
	s0 =	rddreg [dreg:$0x2]  }
0xdf: {  	s0 =	sadd.s32 @!p0 $0x100000, s0  }
0xe0: {  	[sflag:s0] =	ssyncadd.tile.s32 @!p0 $0x1;
	_ =	shalt  }
.Lfunc_end2:
_tile_overlayer_lowered:
.L_overlay_start_2:
0xe1: {  	(tag) =	ssettag $0x2  }
0xe2: {  	s0 =	rddreg [dreg:$0x0];
	s2 =	stileid.u32  }
0xe3: {  	s1 =	rddreg [dreg:$0x1];
	p0 =	sne.s32 s2, $0x0  }
0xe4: {  	s3 =	rddreg [dreg:$0x2];
	[bflag:$0x3] =	sbarrier.arrive $0xFFFF;
	s2 =	simm.s32 @!p0 $0x1C03  }
0xe5: {  	[timem:s3], [sflag:s2] =	dma.local @!p0 [hbm:s0], s1  }
0xe6: {  	s0 =	simm.s32 @!p0 $0x3  }
0xe7: {  	_ =	swait.ge @!p0 [sflag:s0], s1  }
0xe8: {  	s1 =	ssub.s32 @!p0 $0x0, s1;
	[sflag:s0] =	ssyncset.done @!p0 $0x0  }
0xe9: {  	[sflag:s0] =	ssyncadd.s32 @!p0 s1  }
0xea: {  	[bflag:$0x3] =	sbarrier.arrive $0xFFFF  }
0xeb: {  	_ =	shalt  }

</sc_bundles>
